<compile_context>
chip_gen: v7x
topology: tpu7x:2x2x1
jax: 0.10.2.dev20260603
libtpu: 0.0.44.dev20260713+nightly
codegen_flags: <defaults>
</compile_context>

<pallas_src>
import functools

import jax
import jax.numpy as jnp
from jax import lax
from jax.experimental import pallas as pl
from jax.experimental.pallas import tpu as pltpu
from jax.experimental.pallas import tpu_sc as plsc

NUM_NODES = 1000000
NP = NUM_NODES // 2
B = 16384
D = 64
NT = 16
G = 128
CH = B // NT
NG = CH // G
BI = 1024
BJ = 1024
NBI = B // BI
NBJ = B // BJ


def _sc_body(ns2, pidx1, val128, out, *rest):
    pidx_g = rest[0:NG]
    big1, big2, sem_g = rest[NG:]

    c = lax.axis_index("c")
    s = lax.axis_index("s")

    for j in range(NG):
        pltpu.sync_copy(pidx1.at[pl.ds(s * CH + j * G, G)], pidx_g[j])

    for j in range(NG):
        base = s * CH + j * G
        pltpu.async_copy(ns2.at[pidx_g[j]], big1, sem_g).wait()
        pltpu.sync_copy(val128.at[pl.ds(base, G)], big2)

        def addrow(row, carry):
            for k in range(G // 16):
                d = pl.ds(k * 16, 16)
                big1[row, d] = big1[row, d] + big2[row, d]
            return carry
        lax.fori_loop(0, G, addrow, 0)

        @pl.when((base // (B // 2)) == c)
        def _(base=base):
            pltpu.sync_copy(big1, out.at[pl.ds(base, G)])


def _tc_body(idxi, idxjc, valj, vali, sc, o):
    ii = idxi[...]
    vj = valj[...].astype(jnp.bfloat16)
    upd = jnp.zeros((BI, D), jnp.float32)
    for t in range(B // 128):
        m = (ii == idxjc[t:t + 1, :]).astype(jnp.bfloat16)
        upd += lax.dot_general(
            m, vj[t * 128:(t + 1) * 128, :],
            (((1,), (0,)), ((), ())),
            preferred_element_type=jnp.float32)
    vb = vali[...].astype(jnp.bfloat16).astype(jnp.float32)
    o[...] = sc[...] + upd - vb


def kernel(node_states, idx, val):
    idx32 = idx.astype(jnp.int32)
    pidx1 = idx32 >> 1
    ns2 = node_states.reshape(NP, G)
    odd = (idx32 & 1).astype(jnp.bool_)
    zero = jnp.zeros_like(val)
    val128 = jnp.where(odd[:, None],
                       jnp.concatenate([zero, val], axis=1),
                       jnp.concatenate([val, zero], axis=1))

    sc_run = pl.kernel(
        _sc_body,
        out_type=jax.ShapeDtypeStruct((B, G), jnp.float32),
        mesh=plsc.VectorSubcoreMesh(core_axis_name="c", subcore_axis_name="s"),
        scratch_types=(
            [pltpu.VMEM((G,), jnp.int32)] * NG
            + [pltpu.VMEM((G, G), jnp.float32),
               pltpu.VMEM((G, G), jnp.float32),
               pltpu.SemaphoreType.DMA]
        ),
    )
    sc128 = sc_run(ns2, pidx1, val128)
    sc_sel = jnp.where(odd[:, None], sc128[:, D:], sc128[:, :D])

    idxf = idx32.astype(jnp.float32)
    idxi = jnp.broadcast_to(idxf[:, None], (B, 128))
    idxjc = idxf.reshape(B // 128, 128)

    tc_run = pl.pallas_call(
        _tc_body,
        grid=(NBI,),
        in_specs=[
            pl.BlockSpec((BI, 128), lambda i: (i, 0)),
            pl.BlockSpec((B // 128, 128), lambda i: (0, 0)),
            pl.BlockSpec((B, D), lambda i: (0, 0)),
            pl.BlockSpec((BI, D), lambda i: (i, 0)),
            pl.BlockSpec((BI, D), lambda i: (i, 0)),
        ],
        out_specs=pl.BlockSpec((BI, D), lambda i: (i, 0)),
        out_shape=jax.ShapeDtypeStruct((B, D), jnp.float32),
        compiler_params=pltpu.CompilerParams(
            dimension_semantics=("arbitrary",)),
    )
    return tc_run(idxi, idxjc, val, val, sc_sel)

# --- scband reference (transcript-rebuilt; emitter-appended) ---
"""Pipeline reference for scband-dynamic-graph-7610682049047 (READ-ONLY COPY).

The authoritative reference and input builder live on the scoring server;
editing this copy changes nothing except your own understanding.
"""

import jax, jax.numpy as jnp
import numpy as np

NUM_NODES = 1000000
HIDDEN_DIM = 64
BATCH = 16384

def setup_inputs(seed: int = 0) -> dict:
    key = jax.random.key(seed)
    k1, k2, k3 = jax.random.split(key, 3)
    # learned parameter: node_states, initialized as randn * 0.1 per the torch module
    node_states = jax.random.normal(k1, (NUM_NODES, HIDDEN_DIM), dtype=jnp.float32) * 0.1
    idx = jax.random.randint(k2, (BATCH,), 0, NUM_NODES, dtype=jnp.int64)
    val = jax.random.normal(k3, (BATCH, HIDDEN_DIM), dtype=jnp.float32)
    return {"node_states": node_states, "idx": idx, "val": val}

def reference(node_states, idx, val):
    # Faithful core op of DynamicGraph's activation/update path:
    # scatter-add activation values into the node-state memory (duplicate
    # indices accumulate, matching .at[idx].add semantics), then gather the
    # updated states for the activated nodes (as activate_nodes /
    # get_node_states consumers would read them back).
    updated_mem = node_states.at[idx].add(val)
    out = jnp.take(updated_mem, idx, axis=0)
    return out

if __name__ == "__main__":
    import jax
    _d = setup_inputs()
    print(jax.jit(kernel)(*tuple(_d.values())))

</pallas_src>

<mosaic_0001>
#map = affine_map<(d0, d1) -> (0, 0)>
#map1 = affine_map<(d0, d1) -> (0)>
module attributes {stable_mosaic.version = 14 : i64} {
  func.func @_sc_body(%arg0: i32, %arg1: i32, %arg2: memref<500000x128xf32, #tpu.memory_space<hbm>>, %arg3: memref<16384xi32, #tpu.memory_space<hbm>>, %arg4: memref<16384x128xf32, #tpu.memory_space<hbm>>, %arg5: memref<16384x128xf32, #tpu.memory_space<hbm>>, %arg6: memref<128xi32, #tpu.memory_space<vmem>>, %arg7: memref<128xi32, #tpu.memory_space<vmem>>, %arg8: memref<128xi32, #tpu.memory_space<vmem>>, %arg9: memref<128xi32, #tpu.memory_space<vmem>>, %arg10: memref<128xi32, #tpu.memory_space<vmem>>, %arg11: memref<128xi32, #tpu.memory_space<vmem>>, %arg12: memref<128xi32, #tpu.memory_space<vmem>>, %arg13: memref<128xi32, #tpu.memory_space<vmem>>, %arg14: memref<128x128xf32, #tpu.memory_space<vmem>>, %arg15: memref<128x128xf32, #tpu.memory_space<vmem>>, %arg16: memref<!tpu.dma_semaphore, #tpu.memory_space<semaphore_mem>>) attributes {dimension_semantics = [#tpu.dimension_semantics<core_parallel>, #tpu.dimension_semantics<subcore_parallel>], iteration_bounds = array<i64: 2, 16>, scalar_prefetch = 0 : i64, scratch_operands = 11 : i64, tpu.core_type = #tpu.core_type<sc_vector_subcore>, window_params = [{transform_indices = #map}, {transform_indices = #map1}, {transform_indices = #map}, {transform_indices = #map}]} {
    %mul3A = arith.constant 1024 : i32
    %mul3A_0 = arith.muli %arg1, %mul3A : i32
    %add3A = arith.constant 0 : i32
    %add3A_1 = arith.addi %mul3A_0, %add3A : i32
    "tpu.region"() ({
      %run_scoped3A = tpu.sem_alloc : memref<!tpu.dma_semaphore, #tpu.memory_space<semaphore_mem>>
      %dma_start3A_368 = tpu.memref_slice %arg3[%add3A_1] : memref<16384xi32, #tpu.memory_space<hbm>> -> memref<128xi32, #tpu.memory_space<hbm>>
      %dma_start3A_369 = tpu.memref_slice %arg3[%add3A_1] : memref<16384xi32, #tpu.memory_space<hbm>> -> memref<128xi32, #tpu.memory_space<hbm>>
      tpu.enqueue_dma source(%dma_start3A_369 : memref<128xi32, #tpu.memory_space<hbm>>) target(%arg6 : memref<128xi32, #tpu.memory_space<vmem>>) target_semaphore(%run_scoped3A : memref<!tpu.dma_semaphore, #tpu.memory_space<semaphore_mem>>)
      %dma_wait3A_370 = tpu.memref_slice %arg3[%add3A_1] : memref<16384xi32, #tpu.memory_space<hbm>> -> memref<128xi32, #tpu.memory_space<hbm>>
      %dma_wait3A_371 = tpu.memref_slice %arg3[%add3A_1] : memref<16384xi32, #tpu.memory_space<hbm>> -> memref<128xi32, #tpu.memory_space<hbm>>
      tpu.wait_dma2 semaphore(%run_scoped3A : memref<!tpu.dma_semaphore, #tpu.memory_space<semaphore_mem>>) src(%dma_wait3A_371 : memref<128xi32, #tpu.memory_space<hbm>>) dst(%arg6 : memref<128xi32, #tpu.memory_space<vmem>>)
      tpu.yield
    }) : () -> ()
    %mul3A_2 = arith.constant 1024 : i32
    %mul3A_3 = arith.muli %arg1, %mul3A_2 : i32
    %add3A_4 = arith.constant 128 : i32
    %add3A_5 = arith.addi %mul3A_3, %add3A_4 : i32
    "tpu.region"() ({
      %run_scoped3A = tpu.sem_alloc : memref<!tpu.dma_semaphore, #tpu.memory_space<semaphore_mem>>
      %dma_start3A_368 = tpu.memref_slice %arg3[%add3A_5] : memref<16384xi32, #tpu.memory_space<hbm>> -> memref<128xi32, #tpu.memory_space<hbm>>
      %dma_start3A_369 = tpu.memref_slice %arg3[%add3A_5] : memref<16384xi32, #tpu.memory_space<hbm>> -> memref<128xi32, #tpu.memory_space<hbm>>
      tpu.enqueue_dma source(%dma_start3A_369 : memref<128xi32, #tpu.memory_space<hbm>>) target(%arg7 : memref<128xi32, #tpu.memory_space<vmem>>) target_semaphore(%run_scoped3A : memref<!tpu.dma_semaphore, #tpu.memory_space<semaphore_mem>>)
      %dma_wait3A_370 = tpu.memref_slice %arg3[%add3A_5] : memref<16384xi32, #tpu.memory_space<hbm>> -> memref<128xi32, #tpu.memory_space<hbm>>
      %dma_wait3A_371 = tpu.memref_slice %arg3[%add3A_5] : memref<16384xi32, #tpu.memory_space<hbm>> -> memref<128xi32, #tpu.memory_space<hbm>>
      tpu.wait_dma2 semaphore(%run_scoped3A : memref<!tpu.dma_semaphore, #tpu.memory_space<semaphore_mem>>) src(%dma_wait3A_371 : memref<128xi32, #tpu.memory_space<hbm>>) dst(%arg7 : memref<128xi32, #tpu.memory_space<vmem>>)
      tpu.yield
    }) : () -> ()
    %mul3A_6 = arith.constant 1024 : i32
    %mul3A_7 = arith.muli %arg1, %mul3A_6 : i32
    %add3A_8 = arith.constant 256 : i32
    %add3A_9 = arith.addi %mul3A_7, %add3A_8 : i32
    "tpu.region"() ({
      %run_scoped3A = tpu.sem_alloc : memref<!tpu.dma_semaphore, #tpu.memory_space<semaphore_mem>>
      %dma_start3A_368 = tpu.memref_slice %arg3[%add3A_9] : memref<16384xi32, #tpu.memory_space<hbm>> -> memref<128xi32, #tpu.memory_space<hbm>>
      %dma_start3A_369 = tpu.memref_slice %arg3[%add3A_9] : memref<16384xi32, #tpu.memory_space<hbm>> -> memref<128xi32, #tpu.memory_space<hbm>>
      tpu.enqueue_dma source(%dma_start3A_369 : memref<128xi32, #tpu.memory_space<hbm>>) target(%arg8 : memref<128xi32, #tpu.memory_space<vmem>>) target_semaphore(%run_scoped3A : memref<!tpu.dma_semaphore, #tpu.memory_space<semaphore_mem>>)
      %dma_wait3A_370 = tpu.memref_slice %arg3[%add3A_9] : memref<16384xi32, #tpu.memory_space<hbm>> -> memref<128xi32, #tpu.memory_space<hbm>>
      %dma_wait3A_371 = tpu.memref_slice %arg3[%add3A_9] : memref<16384xi32, #tpu.memory_space<hbm>> -> memref<128xi32, #tpu.memory_space<hbm>>
      tpu.wait_dma2 semaphore(%run_scoped3A : memref<!tpu.dma_semaphore, #tpu.memory_space<semaphore_mem>>) src(%dma_wait3A_371 : memref<128xi32, #tpu.memory_space<hbm>>) dst(%arg8 : memref<128xi32, #tpu.memory_space<vmem>>)
      tpu.yield
    }) : () -> ()
    %mul3A_10 = arith.constant 1024 : i32
    %mul3A_11 = arith.muli %arg1, %mul3A_10 : i32
    %add3A_12 = arith.constant 384 : i32
    %add3A_13 = arith.addi %mul3A_11, %add3A_12 : i32
    "tpu.region"() ({
      %run_scoped3A = tpu.sem_alloc : memref<!tpu.dma_semaphore, #tpu.memory_space<semaphore_mem>>
      %dma_start3A_368 = tpu.memref_slice %arg3[%add3A_13] : memref<16384xi32, #tpu.memory_space<hbm>> -> memref<128xi32, #tpu.memory_space<hbm>>
      %dma_start3A_369 = tpu.memref_slice %arg3[%add3A_13] : memref<16384xi32, #tpu.memory_space<hbm>> -> memref<128xi32, #tpu.memory_space<hbm>>
      tpu.enqueue_dma source(%dma_start3A_369 : memref<128xi32, #tpu.memory_space<hbm>>) target(%arg9 : memref<128xi32, #tpu.memory_space<vmem>>) target_semaphore(%run_scoped3A : memref<!tpu.dma_semaphore, #tpu.memory_space<semaphore_mem>>)
      %dma_wait3A_370 = tpu.memref_slice %arg3[%add3A_13] : memref<16384xi32, #tpu.memory_space<hbm>> -> memref<128xi32, #tpu.memory_space<hbm>>
      %dma_wait3A_371 = tpu.memref_slice %arg3[%add3A_13] : memref<16384xi32, #tpu.memory_space<hbm>> -> memref<128xi32, #tpu.memory_space<hbm>>
      tpu.wait_dma2 semaphore(%run_scoped3A : memref<!tpu.dma_semaphore, #tpu.memory_space<semaphore_mem>>) src(%dma_wait3A_371 : memref<128xi32, #tpu.memory_space<hbm>>) dst(%arg9 : memref<128xi32, #tpu.memory_space<vmem>>)
      tpu.yield
    }) : () -> ()
    %mul3A_14 = arith.constant 1024 : i32
    %mul3A_15 = arith.muli %arg1, %mul3A_14 : i32
    %add3A_16 = arith.constant 512 : i32
    %add3A_17 = arith.addi %mul3A_15, %add3A_16 : i32
    "tpu.region"() ({
      %run_scoped3A = tpu.sem_alloc : memref<!tpu.dma_semaphore, #tpu.memory_space<semaphore_mem>>
      %dma_start3A_368 = tpu.memref_slice %arg3[%add3A_17] : memref<16384xi32, #tpu.memory_space<hbm>> -> memref<128xi32, #tpu.memory_space<hbm>>
      %dma_start3A_369 = tpu.memref_slice %arg3[%add3A_17] : memref<16384xi32, #tpu.memory_space<hbm>> -> memref<128xi32, #tpu.memory_space<hbm>>
      tpu.enqueue_dma source(%dma_start3A_369 : memref<128xi32, #tpu.memory_space<hbm>>) target(%arg10 : memref<128xi32, #tpu.memory_space<vmem>>) target_semaphore(%run_scoped3A : memref<!tpu.dma_semaphore, #tpu.memory_space<semaphore_mem>>)
      %dma_wait3A_370 = tpu.memref_slice %arg3[%add3A_17] : memref<16384xi32, #tpu.memory_space<hbm>> -> memref<128xi32, #tpu.memory_space<hbm>>
      %dma_wait3A_371 = tpu.memref_slice %arg3[%add3A_17] : memref<16384xi32, #tpu.memory_space<hbm>> -> memref<128xi32, #tpu.memory_space<hbm>>
      tpu.wait_dma2 semaphore(%run_scoped3A : memref<!tpu.dma_semaphore, #tpu.memory_space<semaphore_mem>>) src(%dma_wait3A_371 : memref<128xi32, #tpu.memory_space<hbm>>) dst(%arg10 : memref<128xi32, #tpu.memory_space<vmem>>)
      tpu.yield
    }) : () -> ()
    %mul3A_18 = arith.constant 1024 : i32
    %mul3A_19 = arith.muli %arg1, %mul3A_18 : i32
    %add3A_20 = arith.constant 640 : i32
    %add3A_21 = arith.addi %mul3A_19, %add3A_20 : i32
    "tpu.region"() ({
      %run_scoped3A = tpu.sem_alloc : memref<!tpu.dma_semaphore, #tpu.memory_space<semaphore_mem>>
      %dma_start3A_368 = tpu.memref_slice %arg3[%add3A_21] : memref<16384xi32, #tpu.memory_space<hbm>> -> memref<128xi32, #tpu.memory_space<hbm>>
      %dma_start3A_369 = tpu.memref_slice %arg3[%add3A_21] : memref<16384xi32, #tpu.memory_space<hbm>> -> memref<128xi32, #tpu.memory_space<hbm>>
      tpu.enqueue_dma source(%dma_start3A_369 : memref<128xi32, #tpu.memory_space<hbm>>) target(%arg11 : memref<128xi32, #tpu.memory_space<vmem>>) target_semaphore(%run_scoped3A : memref<!tpu.dma_semaphore, #tpu.memory_space<semaphore_mem>>)
      %dma_wait3A_370 = tpu.memref_slice %arg3[%add3A_21] : memref<16384xi32, #tpu.memory_space<hbm>> -> memref<128xi32, #tpu.memory_space<hbm>>
      %dma_wait3A_371 = tpu.memref_slice %arg3[%add3A_21] : memref<16384xi32, #tpu.memory_space<hbm>> -> memref<128xi32, #tpu.memory_space<hbm>>
      tpu.wait_dma2 semaphore(%run_scoped3A : memref<!tpu.dma_semaphore, #tpu.memory_space<semaphore_mem>>) src(%dma_wait3A_371 : memref<128xi32, #tpu.memory_space<hbm>>) dst(%arg11 : memref<128xi32, #tpu.memory_space<vmem>>)
      tpu.yield
    }) : () -> ()
    %mul3A_22 = arith.constant 1024 : i32
    %mul3A_23 = arith.muli %arg1, %mul3A_22 : i32
    %add3A_24 = arith.constant 768 : i32
    %add3A_25 = arith.addi %mul3A_23, %add3A_24 : i32
    "tpu.region"() ({
      %run_scoped3A = tpu.sem_alloc : memref<!tpu.dma_semaphore, #tpu.memory_space<semaphore_mem>>
      %dma_start3A_368 = tpu.memref_slice %arg3[%add3A_25] : memref<16384xi32, #tpu.memory_space<hbm>> -> memref<128xi32, #tpu.memory_space<hbm>>
      %dma_start3A_369 = tpu.memref_slice %arg3[%add3A_25] : memref<16384xi32, #tpu.memory_space<hbm>> -> memref<128xi32, #tpu.memory_space<hbm>>
      tpu.enqueue_dma source(%dma_start3A_369 : memref<128xi32, #tpu.memory_space<hbm>>) target(%arg12 : memref<128xi32, #tpu.memory_space<vmem>>) target_semaphore(%run_scoped3A : memref<!tpu.dma_semaphore, #tpu.memory_space<semaphore_mem>>)
      %dma_wait3A_370 = tpu.memref_slice %arg3[%add3A_25] : memref<16384xi32, #tpu.memory_space<hbm>> -> memref<128xi32, #tpu.memory_space<hbm>>
      %dma_wait3A_371 = tpu.memref_slice %arg3[%add3A_25] : memref<16384xi32, #tpu.memory_space<hbm>> -> memref<128xi32, #tpu.memory_space<hbm>>
      tpu.wait_dma2 semaphore(%run_scoped3A : memref<!tpu.dma_semaphore, #tpu.memory_space<semaphore_mem>>) src(%dma_wait3A_371 : memref<128xi32, #tpu.memory_space<hbm>>) dst(%arg12 : memref<128xi32, #tpu.memory_space<vmem>>)
      tpu.yield
    }) : () -> ()
    %mul3A_26 = arith.constant 1024 : i32
    %mul3A_27 = arith.muli %arg1, %mul3A_26 : i32
    %add3A_28 = arith.constant 896 : i32
    %add3A_29 = arith.addi %mul3A_27, %add3A_28 : i32
    "tpu.region"() ({
      %run_scoped3A = tpu.sem_alloc : memref<!tpu.dma_semaphore, #tpu.memory_space<semaphore_mem>>
      %dma_start3A_368 = tpu.memref_slice %arg3[%add3A_29] : memref<16384xi32, #tpu.memory_space<hbm>> -> memref<128xi32, #tpu.memory_space<hbm>>
      %dma_start3A_369 = tpu.memref_slice %arg3[%add3A_29] : memref<16384xi32, #tpu.memory_space<hbm>> -> memref<128xi32, #tpu.memory_space<hbm>>
      tpu.enqueue_dma source(%dma_start3A_369 : memref<128xi32, #tpu.memory_space<hbm>>) target(%arg13 : memref<128xi32, #tpu.memory_space<vmem>>) target_semaphore(%run_scoped3A : memref<!tpu.dma_semaphore, #tpu.memory_space<semaphore_mem>>)
      %dma_wait3A_370 = tpu.memref_slice %arg3[%add3A_29] : memref<16384xi32, #tpu.memory_space<hbm>> -> memref<128xi32, #tpu.memory_space<hbm>>
      %dma_wait3A_371 = tpu.memref_slice %arg3[%add3A_29] : memref<16384xi32, #tpu.memory_space<hbm>> -> memref<128xi32, #tpu.memory_space<hbm>>
      tpu.wait_dma2 semaphore(%run_scoped3A : memref<!tpu.dma_semaphore, #tpu.memory_space<semaphore_mem>>) src(%dma_wait3A_371 : memref<128xi32, #tpu.memory_space<hbm>>) dst(%arg13 : memref<128xi32, #tpu.memory_space<vmem>>)
      tpu.yield
    }) : () -> ()
    %mul3A_30 = arith.constant 1024 : i32
    %mul3A_31 = arith.muli %arg1, %mul3A_30 : i32
    %add3A_32 = arith.constant 0 : i32
    %add3A_33 = arith.addi %mul3A_31, %add3A_32 : i32
    %dma_start3A = arith.constant 0 : i32
    %dma_start3A_34 = arith.constant 0 : i32
    %dma_start3A_35 = tpu.memref_slice %arg2[%dma_start3A, %dma_start3A_34] : memref<500000x128xf32, #tpu.memory_space<hbm>> -> memref<500000x128xf32, #tpu.memory_space<hbm>>
    tpu.enqueue_indirect_dma source(%dma_start3A_35 : memref<500000x128xf32, #tpu.memory_space<hbm>>) target(%arg14 : memref<128x128xf32, #tpu.memory_space<vmem>>) offsets(%arg6 : memref<128xi32, #tpu.memory_space<vmem>>) semaphore(%arg16 : memref<!tpu.dma_semaphore, #tpu.memory_space<semaphore_mem>>)
    %dma_wait3A = arith.constant 0 : i32
    %dma_wait3A_36 = arith.constant 0 : i32
    %dma_wait3A_37 = tpu.memref_slice %arg2[%dma_wait3A, %dma_wait3A_36] : memref<500000x128xf32, #tpu.memory_space<hbm>> -> memref<500000x128xf32, #tpu.memory_space<hbm>>
    tpu.wait_indirect_dma semaphore(%arg16 : memref<!tpu.dma_semaphore, #tpu.memory_space<semaphore_mem>>) src(%dma_wait3A_37 : memref<500000x128xf32, #tpu.memory_space<hbm>>) dst(%arg14 : memref<128x128xf32, #tpu.memory_space<vmem>>)
    "tpu.region"() ({
      %run_scoped3A = tpu.sem_alloc : memref<!tpu.dma_semaphore, #tpu.memory_space<semaphore_mem>>
      %dma_start3A_368 = arith.constant 0 : i32
      %dma_start3A_369 = tpu.memref_slice %arg4[%add3A_33, %dma_start3A_368] : memref<16384x128xf32, #tpu.memory_space<hbm>> -> memref<128x128xf32, #tpu.memory_space<hbm>>
      %dma_start3A_370 = arith.constant 0 : i32
      %dma_start3A_371 = tpu.memref_slice %arg4[%add3A_33, %dma_start3A_370] : memref<16384x128xf32, #tpu.memory_space<hbm>> -> memref<128x128xf32, #tpu.memory_space<hbm>>
      tpu.enqueue_dma source(%dma_start3A_371 : memref<128x128xf32, #tpu.memory_space<hbm>>) target(%arg15 : memref<128x128xf32, #tpu.memory_space<vmem>>) target_semaphore(%run_scoped3A : memref<!tpu.dma_semaphore, #tpu.memory_space<semaphore_mem>>)
      %dma_wait3A_372 = arith.constant 0 : i32
      %dma_wait3A_373 = tpu.memref_slice %arg4[%add3A_33, %dma_wait3A_372] : memref<16384x128xf32, #tpu.memory_space<hbm>> -> memref<128x128xf32, #tpu.memory_space<hbm>>
      %dma_wait3A_374 = arith.constant 0 : i32
      %dma_wait3A_375 = tpu.memref_slice %arg4[%add3A_33, %dma_wait3A_374] : memref<16384x128xf32, #tpu.memory_space<hbm>> -> memref<128x128xf32, #tpu.memory_space<hbm>>
      tpu.wait_dma2 semaphore(%run_scoped3A : memref<!tpu.dma_semaphore, #tpu.memory_space<semaphore_mem>>) src(%dma_wait3A_375 : memref<128x128xf32, #tpu.memory_space<hbm>>) dst(%arg15 : memref<128x128xf32, #tpu.memory_space<vmem>>)
      tpu.yield
    }) : () -> ()
    %scan3A = arith.constant 0 : i32
    %scan3A_38 = arith.constant 0 : i32
    %scan3A_39 = arith.constant 128 : i32
    %scan3A_40 = arith.addi %scan3A_38, %scan3A_39 : i32
    %scan3A_41 = arith.constant 1 : i32
    scf.for %scan3A_368 = %scan3A_38 to %scan3A_40 step %scan3A_41  : i32 {
      %get3A = arith.index_cast %scan3A_368 : i32 to index
      %get3A_369 = arith.constant 0 : index
      %get3A_370 = tpu.vector_load %arg14[%get3A, %get3A_369] {strides = array<i32>} : memref<128x128xf32, #tpu.memory_space<vmem>>, vector<1x16xf32>,
      %get3A_371 = vector.shape_cast %get3A_370 : vector<1x16xf32> to vector<16xf32>
      %get3A_372 = arith.index_cast %scan3A_368 : i32 to index
      %get3A_373 = arith.constant 0 : index
      %get3A_374 = tpu.vector_load %arg15[%get3A_372, %get3A_373] {strides = array<i32>} : memref<128x128xf32, #tpu.memory_space<vmem>>, vector<1x16xf32>,
      %get3A_375 = vector.shape_cast %get3A_374 : vector<1x16xf32> to vector<16xf32>
      %add3A_376 = arith.addf %get3A_371, %get3A_375 : vector<16xf32>
      %swap3A = arith.index_cast %scan3A_368 : i32 to index
      %swap3A_377 = arith.constant 0 : index
      %swap3A_378 = tpu.vector_load %arg14[%swap3A, %swap3A_377] {strides = array<i32>} : memref<128x128xf32, #tpu.memory_space<vmem>>, vector<1x16xf32>,
      %swap3A_379 = vector.shape_cast %swap3A_378 : vector<1x16xf32> to vector<16xf32>
      %swap3A_380 = vector.shape_cast %add3A_376 : vector<16xf32> to vector<1x16xf32>
      tpu.vector_store %arg14[%swap3A, %swap3A_377], %swap3A_380 {strides = array<i32>} : memref<128x128xf32, #tpu.memory_space<vmem>>, vector<1x16xf32>,
      %get3A_381 = arith.index_cast %scan3A_368 : i32 to index
      %get3A_382 = arith.constant 16 : index
      %get3A_383 = tpu.vector_load %arg14[%get3A_381, %get3A_382] {strides = array<i32>} : memref<128x128xf32, #tpu.memory_space<vmem>>, vector<1x16xf32>,
      %get3A_384 = vector.shape_cast %get3A_383 : vector<1x16xf32> to vector<16xf32>
      %get3A_385 = arith.index_cast %scan3A_368 : i32 to index
      %get3A_386 = arith.constant 16 : index
      %get3A_387 = tpu.vector_load %arg15[%get3A_385, %get3A_386] {strides = array<i32>} : memref<128x128xf32, #tpu.memory_space<vmem>>, vector<1x16xf32>,
      %get3A_388 = vector.shape_cast %get3A_387 : vector<1x16xf32> to vector<16xf32>
      %add3A_389 = arith.addf %get3A_384, %get3A_388 : vector<16xf32>
      %swap3A_390 = arith.index_cast %scan3A_368 : i32 to index
      %swap3A_391 = arith.constant 16 : index
      %swap3A_392 = tpu.vector_load %arg14[%swap3A_390, %swap3A_391] {strides = array<i32>} : memref<128x128xf32, #tpu.memory_space<vmem>>, vector<1x16xf32>,
      %swap3A_393 = vector.shape_cast %swap3A_392 : vector<1x16xf32> to vector<16xf32>
      %swap3A_394 = vector.shape_cast %add3A_389 : vector<16xf32> to vector<1x16xf32>
      tpu.vector_store %arg14[%swap3A_390, %swap3A_391], %swap3A_394 {strides = array<i32>} : memref<128x128xf32, #tpu.memory_space<vmem>>, vector<1x16xf32>,
      %get3A_395 = arith.index_cast %scan3A_368 : i32 to index
      %get3A_396 = arith.constant 32 : index
      %get3A_397 = tpu.vector_load %arg14[%get3A_395, %get3A_396] {strides = array<i32>} : memref<128x128xf32, #tpu.memory_space<vmem>>, vector<1x16xf32>,
      %get3A_398 = vector.shape_cast %get3A_397 : vector<1x16xf32> to vector<16xf32>
      %get3A_399 = arith.index_cast %scan3A_368 : i32 to index
      %get3A_400 = arith.constant 32 : index
      %get3A_401 = tpu.vector_load %arg15[%get3A_399, %get3A_400] {strides = array<i32>} : memref<128x128xf32, #tpu.memory_space<vmem>>, vector<1x16xf32>,
      %get3A_402 = vector.shape_cast %get3A_401 : vector<1x16xf32> to vector<16xf32>
      %add3A_403 = arith.addf %get3A_398, %get3A_402 : vector<16xf32>
      %swap3A_404 = arith.index_cast %scan3A_368 : i32 to index
      %swap3A_405 = arith.constant 32 : index
      %swap3A_406 = tpu.vector_load %arg14[%swap3A_404, %swap3A_405] {strides = array<i32>} : memref<128x128xf32, #tpu.memory_space<vmem>>, vector<1x16xf32>,
      %swap3A_407 = vector.shape_cast %swap3A_406 : vector<1x16xf32> to vector<16xf32>
      %swap3A_408 = vector.shape_cast %add3A_403 : vector<16xf32> to vector<1x16xf32>
      tpu.vector_store %arg14[%swap3A_404, %swap3A_405], %swap3A_408 {strides = array<i32>} : memref<128x128xf32, #tpu.memory_space<vmem>>, vector<1x16xf32>,
      %get3A_409 = arith.index_cast %scan3A_368 : i32 to index
      %get3A_410 = arith.constant 48 : index
      %get3A_411 = tpu.vector_load %arg14[%get3A_409, %get3A_410] {strides = array<i32>} : memref<128x128xf32, #tpu.memory_space<vmem>>, vector<1x16xf32>,
      %get3A_412 = vector.shape_cast %get3A_411 : vector<1x16xf32> to vector<16xf32>
      %get3A_413 = arith.index_cast %scan3A_368 : i32 to index
      %get3A_414 = arith.constant 48 : index
      %get3A_415 = tpu.vector_load %arg15[%get3A_413, %get3A_414] {strides = array<i32>} : memref<128x128xf32, #tpu.memory_space<vmem>>, vector<1x16xf32>,
      %get3A_416 = vector.shape_cast %get3A_415 : vector<1x16xf32> to vector<16xf32>
      %add3A_417 = arith.addf %get3A_412, %get3A_416 : vector<16xf32>
      %swap3A_418 = arith.index_cast %scan3A_368 : i32 to index
      %swap3A_419 = arith.constant 48 : index
      %swap3A_420 = tpu.vector_load %arg14[%swap3A_418, %swap3A_419] {strides = array<i32>} : memref<128x128xf32, #tpu.memory_space<vmem>>, vector<1x16xf32>,
      %swap3A_421 = vector.shape_cast %swap3A_420 : vector<1x16xf32> to vector<16xf32>
      %swap3A_422 = vector.shape_cast %add3A_417 : vector<16xf32> to vector<1x16xf32>
      tpu.vector_store %arg14[%swap3A_418, %swap3A_419], %swap3A_422 {strides = array<i32>} : memref<128x128xf32, #tpu.memory_space<vmem>>, vector<1x16xf32>,
      %get3A_423 = arith.index_cast %scan3A_368 : i32 to index
      %get3A_424 = arith.constant 64 : index
      %get3A_425 = tpu.vector_load %arg14[%get3A_423, %get3A_424] {strides = array<i32>} : memref<128x128xf32, #tpu.memory_space<vmem>>, vector<1x16xf32>,
      %get3A_426 = vector.shape_cast %get3A_425 : vector<1x16xf32> to vector<16xf32>
      %get3A_427 = arith.index_cast %scan3A_368 : i32 to index
      %get3A_428 = arith.constant 64 : index
      %get3A_429 = tpu.vector_load %arg15[%get3A_427, %get3A_428] {strides = array<i32>} : memref<128x128xf32, #tpu.memory_space<vmem>>, vector<1x16xf32>,
      %get3A_430 = vector.shape_cast %get3A_429 : vector<1x16xf32> to vector<16xf32>
      %add3A_431 = arith.addf %get3A_426, %get3A_430 : vector<16xf32>
      %swap3A_432 = arith.index_cast %scan3A_368 : i32 to index
      %swap3A_433 = arith.constant 64 : index
      %swap3A_434 = tpu.vector_load %arg14[%swap3A_432, %swap3A_433] {strides = array<i32>} : memref<128x128xf32, #tpu.memory_space<vmem>>, vector<1x16xf32>,
      %swap3A_435 = vector.shape_cast %swap3A_434 : vector<1x16xf32> to vector<16xf32>
      %swap3A_436 = vector.shape_cast %add3A_431 : vector<16xf32> to vector<1x16xf32>
      tpu.vector_store %arg14[%swap3A_432, %swap3A_433], %swap3A_436 {strides = array<i32>} : memref<128x128xf32, #tpu.memory_space<vmem>>, vector<1x16xf32>,
      %get3A_437 = arith.index_cast %scan3A_368 : i32 to index
      %get3A_438 = arith.constant 80 : index
      %get3A_439 = tpu.vector_load %arg14[%get3A_437, %get3A_438] {strides = array<i32>} : memref<128x128xf32, #tpu.memory_space<vmem>>, vector<1x16xf32>,
      %get3A_440 = vector.shape_cast %get3A_439 : vector<1x16xf32> to vector<16xf32>
      %get3A_441 = arith.index_cast %scan3A_368 : i32 to index
      %get3A_442 = arith.constant 80 : index
      %get3A_443 = tpu.vector_load %arg15[%get3A_441, %get3A_442] {strides = array<i32>} : memref<128x128xf32, #tpu.memory_space<vmem>>, vector<1x16xf32>,
      %get3A_444 = vector.shape_cast %get3A_443 : vector<1x16xf32> to vector<16xf32>
      %add3A_445 = arith.addf %get3A_440, %get3A_444 : vector<16xf32>
      %swap3A_446 = arith.index_cast %scan3A_368 : i32 to index
      %swap3A_447 = arith.constant 80 : index
      %swap3A_448 = tpu.vector_load %arg14[%swap3A_446, %swap3A_447] {strides = array<i32>} : memref<128x128xf32, #tpu.memory_space<vmem>>, vector<1x16xf32>,
      %swap3A_449 = vector.shape_cast %swap3A_448 : vector<1x16xf32> to vector<16xf32>
      %swap3A_450 = vector.shape_cast %add3A_445 : vector<16xf32> to vector<1x16xf32>
      tpu.vector_store %arg14[%swap3A_446, %swap3A_447], %swap3A_450 {strides = array<i32>} : memref<128x128xf32, #tpu.memory_space<vmem>>, vector<1x16xf32>,
      %get3A_451 = arith.index_cast %scan3A_368 : i32 to index
      %get3A_452 = arith.constant 96 : index
      %get3A_453 = tpu.vector_load %arg14[%get3A_451, %get3A_452] {strides = array<i32>} : memref<128x128xf32, #tpu.memory_space<vmem>>, vector<1x16xf32>,
      %get3A_454 = vector.shape_cast %get3A_453 : vector<1x16xf32> to vector<16xf32>
      %get3A_455 = arith.index_cast %scan3A_368 : i32 to index
      %get3A_456 = arith.constant 96 : index
      %get3A_457 = tpu.vector_load %arg15[%get3A_455, %get3A_456] {strides = array<i32>} : memref<128x128xf32, #tpu.memory_space<vmem>>, vector<1x16xf32>,
      %get3A_458 = vector.shape_cast %get3A_457 : vector<1x16xf32> to vector<16xf32>
      %add3A_459 = arith.addf %get3A_454, %get3A_458 : vector<16xf32>
      %swap3A_460 = arith.index_cast %scan3A_368 : i32 to index
      %swap3A_461 = arith.constant 96 : index
      %swap3A_462 = tpu.vector_load %arg14[%swap3A_460, %swap3A_461] {strides = array<i32>} : memref<128x128xf32, #tpu.memory_space<vmem>>, vector<1x16xf32>,
      %swap3A_463 = vector.shape_cast %swap3A_462 : vector<1x16xf32> to vector<16xf32>
      %swap3A_464 = vector.shape_cast %add3A_459 : vector<16xf32> to vector<1x16xf32>
      tpu.vector_store %arg14[%swap3A_460, %swap3A_461], %swap3A_464 {strides = array<i32>} : memref<128x128xf32, #tpu.memory_space<vmem>>, vector<1x16xf32>,
      %get3A_465 = arith.index_cast %scan3A_368 : i32 to index
      %get3A_466 = arith.constant 112 : index
      %get3A_467 = tpu.vector_load %arg14[%get3A_465, %get3A_466] {strides = array<i32>} : memref<128x128xf32, #tpu.memory_space<vmem>>, vector<1x16xf32>,
      %get3A_468 = vector.shape_cast %get3A_467 : vector<1x16xf32> to vector<16xf32>
      %get3A_469 = arith.index_cast %scan3A_368 : i32 to index
      %get3A_470 = arith.constant 112 : index
      %get3A_471 = tpu.vector_load %arg15[%get3A_469, %get3A_470] {strides = array<i32>} : memref<128x128xf32, #tpu.memory_space<vmem>>, vector<1x16xf32>,
      %get3A_472 = vector.shape_cast %get3A_471 : vector<1x16xf32> to vector<16xf32>
      %add3A_473 = arith.addf %get3A_468, %get3A_472 : vector<16xf32>
      %swap3A_474 = arith.index_cast %scan3A_368 : i32 to index
      %swap3A_475 = arith.constant 112 : index
      %swap3A_476 = tpu.vector_load %arg14[%swap3A_474, %swap3A_475] {strides = array<i32>} : memref<128x128xf32, #tpu.memory_space<vmem>>, vector<1x16xf32>,
      %swap3A_477 = vector.shape_cast %swap3A_476 : vector<1x16xf32> to vector<16xf32>
      %swap3A_478 = vector.shape_cast %add3A_473 : vector<16xf32> to vector<1x16xf32>
      tpu.vector_store %arg14[%swap3A_474, %swap3A_475], %swap3A_478 {strides = array<i32>} : memref<128x128xf32, #tpu.memory_space<vmem>>, vector<1x16xf32>,
    }
    %scan3A_42 = arith.constant 128 : i32
    %jit3A = arith.constant 8192 : i32
    %div3A = arith.divsi %add3A_33, %jit3A : i32
    %sign3A = arith.constant 0 : i32
    %sign3A_43 = arith.cmpi sgt, %add3A_33, %sign3A : i32
    %sign3A_44 = arith.extui %sign3A_43 : i1 to i32
    %sign3A_45 = arith.constant 0 : i32
    %sign3A_46 = arith.cmpi slt, %add3A_33, %sign3A_45 : i32
    %sign3A_47 = arith.extui %sign3A_46 : i1 to i32
    %sign3A_48 = arith.subi %sign3A_44, %sign3A_47 : i32
    %sign3A_49 = arith.constant 0 : i32
    %sign3A_50 = arith.cmpi sgt, %jit3A, %sign3A_49 : i32
    %sign3A_51 = arith.extui %sign3A_50 : i1 to i32
    %sign3A_52 = arith.constant 0 : i32
    %sign3A_53 = arith.cmpi slt, %jit3A, %sign3A_52 : i32
    %sign3A_54 = arith.extui %sign3A_53 : i1 to i32
    %sign3A_55 = arith.subi %sign3A_51, %sign3A_54 : i32
    %ne3A = arith.cmpi ne, %sign3A_48, %sign3A_55 : i32
    %rem3A = arith.remsi %add3A_33, %jit3A : i32
    %ne3A_56 = arith.constant 0 : i32
    %ne3A_57 = arith.cmpi ne, %rem3A, %ne3A_56 : i32
    %and3A = arith.andi %ne3A, %ne3A_57 : i1
    %sub3A = arith.constant 1 : i32
    %sub3A_58 = arith.subi %div3A, %sub3A : i32
    %select_n3A = arith.select %and3A, %sub3A_58, %div3A : i32
    %eq3A = arith.cmpi eq, %select_n3A, %arg0 : i32
    %convert_element_type3A = arith.extui %eq3A : i1 to i32
    %cond3A = arith.constant 0 : i32
    %cond3A_59 = arith.cmpi ne, %convert_element_type3A, %cond3A : i32
    scf.if %cond3A_59 {
      "tpu.region"() ({
        %run_scoped3A = tpu.sem_alloc : memref<!tpu.dma_semaphore, #tpu.memory_space<semaphore_mem>>
        %dma_start3A_368 = arith.constant 0 : i32
        %dma_start3A_369 = tpu.memref_slice %arg5[%add3A_33, %dma_start3A_368] : memref<16384x128xf32, #tpu.memory_space<hbm>> -> memref<128x128xf32, #tpu.memory_space<hbm>>
        %dma_start3A_370 = arith.constant 0 : i32
        %dma_start3A_371 = tpu.memref_slice %arg5[%add3A_33, %dma_start3A_370] : memref<16384x128xf32, #tpu.memory_space<hbm>> -> memref<128x128xf32, #tpu.memory_space<hbm>>
        tpu.enqueue_dma source(%arg14 : memref<128x128xf32, #tpu.memory_space<vmem>>) target(%dma_start3A_371 : memref<128x128xf32, #tpu.memory_space<hbm>>) target_semaphore(%run_scoped3A : memref<!tpu.dma_semaphore, #tpu.memory_space<semaphore_mem>>)
        %dma_wait3A_372 = arith.constant 0 : i32
        %dma_wait3A_373 = tpu.memref_slice %arg5[%add3A_33, %dma_wait3A_372] : memref<16384x128xf32, #tpu.memory_space<hbm>> -> memref<128x128xf32, #tpu.memory_space<hbm>>
        %dma_wait3A_374 = arith.constant 0 : i32
        %dma_wait3A_375 = tpu.memref_slice %arg5[%add3A_33, %dma_wait3A_374] : memref<16384x128xf32, #tpu.memory_space<hbm>> -> memref<128x128xf32, #tpu.memory_space<hbm>>
        tpu.wait_dma2 semaphore(%run_scoped3A : memref<!tpu.dma_semaphore, #tpu.memory_space<semaphore_mem>>) src(%arg14 : memref<128x128xf32, #tpu.memory_space<vmem>>) dst(%dma_wait3A_375 : memref<128x128xf32, #tpu.memory_space<hbm>>)
        tpu.yield
      }) : () -> ()
    } else {
    }
    %mul3A_60 = arith.constant 1024 : i32
    %mul3A_61 = arith.muli %arg1, %mul3A_60 : i32
    %add3A_62 = arith.constant 128 : i32
    %add3A_63 = arith.addi %mul3A_61, %add3A_62 : i32
    %dma_start3A_64 = arith.constant 0 : i32
    %dma_start3A_65 = arith.constant 0 : i32
    %dma_start3A_66 = tpu.memref_slice %arg2[%dma_start3A_64, %dma_start3A_65] : memref<500000x128xf32, #tpu.memory_space<hbm>> -> memref<500000x128xf32, #tpu.memory_space<hbm>>
    tpu.enqueue_indirect_dma source(%dma_start3A_66 : memref<500000x128xf32, #tpu.memory_space<hbm>>) target(%arg14 : memref<128x128xf32, #tpu.memory_space<vmem>>) offsets(%arg7 : memref<128xi32, #tpu.memory_space<vmem>>) semaphore(%arg16 : memref<!tpu.dma_semaphore, #tpu.memory_space<semaphore_mem>>)
    %dma_wait3A_67 = arith.constant 0 : i32
    %dma_wait3A_68 = arith.constant 0 : i32
    %dma_wait3A_69 = tpu.memref_slice %arg2[%dma_wait3A_67, %dma_wait3A_68] : memref<500000x128xf32, #tpu.memory_space<hbm>> -> memref<500000x128xf32, #tpu.memory_space<hbm>>
    tpu.wait_indirect_dma semaphore(%arg16 : memref<!tpu.dma_semaphore, #tpu.memory_space<semaphore_mem>>) src(%dma_wait3A_69 : memref<500000x128xf32, #tpu.memory_space<hbm>>) dst(%arg14 : memref<128x128xf32, #tpu.memory_space<vmem>>)
    "tpu.region"() ({
      %run_scoped3A = tpu.sem_alloc : memref<!tpu.dma_semaphore, #tpu.memory_space<semaphore_mem>>
      %dma_start3A_368 = arith.constant 0 : i32
      %dma_start3A_369 = tpu.memref_slice %arg4[%add3A_63, %dma_start3A_368] : memref<16384x128xf32, #tpu.memory_space<hbm>> -> memref<128x128xf32, #tpu.memory_space<hbm>>
      %dma_start3A_370 = arith.constant 0 : i32
      %dma_start3A_371 = tpu.memref_slice %arg4[%add3A_63, %dma_start3A_370] : memref<16384x128xf32, #tpu.memory_space<hbm>> -> memref<128x128xf32, #tpu.memory_space<hbm>>
      tpu.enqueue_dma source(%dma_start3A_371 : memref<128x128xf32, #tpu.memory_space<hbm>>) target(%arg15 : memref<128x128xf32, #tpu.memory_space<vmem>>) target_semaphore(%run_scoped3A : memref<!tpu.dma_semaphore, #tpu.memory_space<semaphore_mem>>)
      %dma_wait3A_372 = arith.constant 0 : i32
      %dma_wait3A_373 = tpu.memref_slice %arg4[%add3A_63, %dma_wait3A_372] : memref<16384x128xf32, #tpu.memory_space<hbm>> -> memref<128x128xf32, #tpu.memory_space<hbm>>
      %dma_wait3A_374 = arith.constant 0 : i32
      %dma_wait3A_375 = tpu.memref_slice %arg4[%add3A_63, %dma_wait3A_374] : memref<16384x128xf32, #tpu.memory_space<hbm>> -> memref<128x128xf32, #tpu.memory_space<hbm>>
      tpu.wait_dma2 semaphore(%run_scoped3A : memref<!tpu.dma_semaphore, #tpu.memory_space<semaphore_mem>>) src(%dma_wait3A_375 : memref<128x128xf32, #tpu.memory_space<hbm>>) dst(%arg15 : memref<128x128xf32, #tpu.memory_space<vmem>>)
      tpu.yield
    }) : () -> ()
    %scan3A_70 = arith.constant 0 : i32
    %scan3A_71 = arith.constant 0 : i32
    %scan3A_72 = arith.constant 128 : i32
    %scan3A_73 = arith.addi %scan3A_71, %scan3A_72 : i32
    %scan3A_74 = arith.constant 1 : i32
    scf.for %scan3A_368 = %scan3A_71 to %scan3A_73 step %scan3A_74  : i32 {
      %get3A = arith.index_cast %scan3A_368 : i32 to index
      %get3A_369 = arith.constant 0 : index
      %get3A_370 = tpu.vector_load %arg14[%get3A, %get3A_369] {strides = array<i32>} : memref<128x128xf32, #tpu.memory_space<vmem>>, vector<1x16xf32>,
      %get3A_371 = vector.shape_cast %get3A_370 : vector<1x16xf32> to vector<16xf32>
      %get3A_372 = arith.index_cast %scan3A_368 : i32 to index
      %get3A_373 = arith.constant 0 : index
      %get3A_374 = tpu.vector_load %arg15[%get3A_372, %get3A_373] {strides = array<i32>} : memref<128x128xf32, #tpu.memory_space<vmem>>, vector<1x16xf32>,
      %get3A_375 = vector.shape_cast %get3A_374 : vector<1x16xf32> to vector<16xf32>
      %add3A_376 = arith.addf %get3A_371, %get3A_375 : vector<16xf32>
      %swap3A = arith.index_cast %scan3A_368 : i32 to index
      %swap3A_377 = arith.constant 0 : index
      %swap3A_378 = tpu.vector_load %arg14[%swap3A, %swap3A_377] {strides = array<i32>} : memref<128x128xf32, #tpu.memory_space<vmem>>, vector<1x16xf32>,
      %swap3A_379 = vector.shape_cast %swap3A_378 : vector<1x16xf32> to vector<16xf32>
      %swap3A_380 = vector.shape_cast %add3A_376 : vector<16xf32> to vector<1x16xf32>
      tpu.vector_store %arg14[%swap3A, %swap3A_377], %swap3A_380 {strides = array<i32>} : memref<128x128xf32, #tpu.memory_space<vmem>>, vector<1x16xf32>,
      %get3A_381 = arith.index_cast %scan3A_368 : i32 to index
      %get3A_382 = arith.constant 16 : index
      %get3A_383 = tpu.vector_load %arg14[%get3A_381, %get3A_382] {strides = array<i32>} : memref<128x128xf32, #tpu.memory_space<vmem>>, vector<1x16xf32>,
      %get3A_384 = vector.shape_cast %get3A_383 : vector<1x16xf32> to vector<16xf32>
      %get3A_385 = arith.index_cast %scan3A_368 : i32 to index
      %get3A_386 = arith.constant 16 : index
      %get3A_387 = tpu.vector_load %arg15[%get3A_385, %get3A_386] {strides = array<i32>} : memref<128x128xf32, #tpu.memory_space<vmem>>, vector<1x16xf32>,
      %get3A_388 = vector.shape_cast %get3A_387 : vector<1x16xf32> to vector<16xf32>
      %add3A_389 = arith.addf %get3A_384, %get3A_388 : vector<16xf32>
      %swap3A_390 = arith.index_cast %scan3A_368 : i32 to index
      %swap3A_391 = arith.constant 16 : index
      %swap3A_392 = tpu.vector_load %arg14[%swap3A_390, %swap3A_391] {strides = array<i32>} : memref<128x128xf32, #tpu.memory_space<vmem>>, vector<1x16xf32>,
      %swap3A_393 = vector.shape_cast %swap3A_392 : vector<1x16xf32> to vector<16xf32>
      %swap3A_394 = vector.shape_cast %add3A_389 : vector<16xf32> to vector<1x16xf32>
      tpu.vector_store %arg14[%swap3A_390, %swap3A_391], %swap3A_394 {strides = array<i32>} : memref<128x128xf32, #tpu.memory_space<vmem>>, vector<1x16xf32>,
      %get3A_395 = arith.index_cast %scan3A_368 : i32 to index
      %get3A_396 = arith.constant 32 : index
      %get3A_397 = tpu.vector_load %arg14[%get3A_395, %get3A_396] {strides = array<i32>} : memref<128x128xf32, #tpu.memory_space<vmem>>, vector<1x16xf32>,
      %get3A_398 = vector.shape_cast %get3A_397 : vector<1x16xf32> to vector<16xf32>
      %get3A_399 = arith.index_cast %scan3A_368 : i32 to index
      %get3A_400 = arith.constant 32 : index
      %get3A_401 = tpu.vector_load %arg15[%get3A_399, %get3A_400] {strides = array<i32>} : memref<128x128xf32, #tpu.memory_space<vmem>>, vector<1x16xf32>,
      %get3A_402 = vector.shape_cast %get3A_401 : vector<1x16xf32> to vector<16xf32>
      %add3A_403 = arith.addf %get3A_398, %get3A_402 : vector<16xf32>
      %swap3A_404 = arith.index_cast %scan3A_368 : i32 to index
      %swap3A_405 = arith.constant 32 : index
      %swap3A_406 = tpu.vector_load %arg14[%swap3A_404, %swap3A_405] {strides = array<i32>} : memref<128x128xf32, #tpu.memory_space<vmem>>, vector<1x16xf32>,
      %swap3A_407 = vector.shape_cast %swap3A_406 : vector<1x16xf32> to vector<16xf32>
      %swap3A_408 = vector.shape_cast %add3A_403 : vector<16xf32> to vector<1x16xf32>
      tpu.vector_store %arg14[%swap3A_404, %swap3A_405], %swap3A_408 {strides = array<i32>} : memref<128x128xf32, #tpu.memory_space<vmem>>, vector<1x16xf32>,
      %get3A_409 = arith.index_cast %scan3A_368 : i32 to index
      %get3A_410 = arith.constant 48 : index
      %get3A_411 = tpu.vector_load %arg14[%get3A_409, %get3A_410] {strides = array<i32>} : memref<128x128xf32, #tpu.memory_space<vmem>>, vector<1x16xf32>,
      %get3A_412 = vector.shape_cast %get3A_411 : vector<1x16xf32> to vector<16xf32>
      %get3A_413 = arith.index_cast %scan3A_368 : i32 to index
      %get3A_414 = arith.constant 48 : index
      %get3A_415 = tpu.vector_load %arg15[%get3A_413, %get3A_414] {strides = array<i32>} : memref<128x128xf32, #tpu.memory_space<vmem>>, vector<1x16xf32>,
      %get3A_416 = vector.shape_cast %get3A_415 : vector<1x16xf32> to vector<16xf32>
      %add3A_417 = arith.addf %get3A_412, %get3A_416 : vector<16xf32>
      %swap3A_418 = arith.index_cast %scan3A_368 : i32 to index
      %swap3A_419 = arith.constant 48 : index
      %swap3A_420 = tpu.vector_load %arg14[%swap3A_418, %swap3A_419] {strides = array<i32>} : memref<128x128xf32, #tpu.memory_space<vmem>>, vector<1x16xf32>,
      %swap3A_421 = vector.shape_cast %swap3A_420 : vector<1x16xf32> to vector<16xf32>
      %swap3A_422 = vector.shape_cast %add3A_417 : vector<16xf32> to vector<1x16xf32>
      tpu.vector_store %arg14[%swap3A_418, %swap3A_419], %swap3A_422 {strides = array<i32>} : memref<128x128xf32, #tpu.memory_space<vmem>>, vector<1x16xf32>,
      %get3A_423 = arith.index_cast %scan3A_368 : i32 to index
      %get3A_424 = arith.constant 64 : index
      %get3A_425 = tpu.vector_load %arg14[%get3A_423, %get3A_424] {strides = array<i32>} : memref<128x128xf32, #tpu.memory_space<vmem>>, vector<1x16xf32>,
      %get3A_426 = vector.shape_cast %get3A_425 : vector<1x16xf32> to vector<16xf32>
      %get3A_427 = arith.index_cast %scan3A_368 : i32 to index
      %get3A_428 = arith.constant 64 : index
      %get3A_429 = tpu.vector_load %arg15[%get3A_427, %get3A_428] {strides = array<i32>} : memref<128x128xf32, #tpu.memory_space<vmem>>, vector<1x16xf32>,
      %get3A_430 = vector.shape_cast %get3A_429 : vector<1x16xf32> to vector<16xf32>
      %add3A_431 = arith.addf %get3A_426, %get3A_430 : vector<16xf32>
      %swap3A_432 = arith.index_cast %scan3A_368 : i32 to index
      %swap3A_433 = arith.constant 64 : index
      %swap3A_434 = tpu.vector_load %arg14[%swap3A_432, %swap3A_433] {strides = array<i32>} : memref<128x128xf32, #tpu.memory_space<vmem>>, vector<1x16xf32>,
      %swap3A_435 = vector.shape_cast %swap3A_434 : vector<1x16xf32> to vector<16xf32>
      %swap3A_436 = vector.shape_cast %add3A_431 : vector<16xf32> to vector<1x16xf32>
      tpu.vector_store %arg14[%swap3A_432, %swap3A_433], %swap3A_436 {strides = array<i32>} : memref<128x128xf32, #tpu.memory_space<vmem>>, vector<1x16xf32>,
      %get3A_437 = arith.index_cast %scan3A_368 : i32 to index
      %get3A_438 = arith.constant 80 : index
      %get3A_439 = tpu.vector_load %arg14[%get3A_437, %get3A_438] {strides = array<i32>} : memref<128x128xf32, #tpu.memory_space<vmem>>, vector<1x16xf32>,
      %get3A_440 = vector.shape_cast %get3A_439 : vector<1x16xf32> to vector<16xf32>
      %get3A_441 = arith.index_cast %scan3A_368 : i32 to index
      %get3A_442 = arith.constant 80 : index
      %get3A_443 = tpu.vector_load %arg15[%get3A_441, %get3A_442] {strides = array<i32>} : memref<128x128xf32, #tpu.memory_space<vmem>>, vector<1x16xf32>,
      %get3A_444 = vector.shape_cast %get3A_443 : vector<1x16xf32> to vector<16xf32>
      %add3A_445 = arith.addf %get3A_440, %get3A_444 : vector<16xf32>
      %swap3A_446 = arith.index_cast %scan3A_368 : i32 to index
      %swap3A_447 = arith.constant 80 : index
      %swap3A_448 = tpu.vector_load %arg14[%swap3A_446, %swap3A_447] {strides = array<i32>} : memref<128x128xf32, #tpu.memory_space<vmem>>, vector<1x16xf32>,
      %swap3A_449 = vector.shape_cast %swap3A_448 : vector<1x16xf32> to vector<16xf32>
      %swap3A_450 = vector.shape_cast %add3A_445 : vector<16xf32> to vector<1x16xf32>
      tpu.vector_store %arg14[%swap3A_446, %swap3A_447], %swap3A_450 {strides = array<i32>} : memref<128x128xf32, #tpu.memory_space<vmem>>, vector<1x16xf32>,
      %get3A_451 = arith.index_cast %scan3A_368 : i32 to index
      %get3A_452 = arith.constant 96 : index
      %get3A_453 = tpu.vector_load %arg14[%get3A_451, %get3A_452] {strides = array<i32>} : memref<128x128xf32, #tpu.memory_space<vmem>>, vector<1x16xf32>,
      %get3A_454 = vector.shape_cast %get3A_453 : vector<1x16xf32> to vector<16xf32>
      %get3A_455 = arith.index_cast %scan3A_368 : i32 to index
      %get3A_456 = arith.constant 96 : index
      %get3A_457 = tpu.vector_load %arg15[%get3A_455, %get3A_456] {strides = array<i32>} : memref<128x128xf32, #tpu.memory_space<vmem>>, vector<1x16xf32>,
      %get3A_458 = vector.shape_cast %get3A_457 : vector<1x16xf32> to vector<16xf32>
      %add3A_459 = arith.addf %get3A_454, %get3A_458 : vector<16xf32>
      %swap3A_460 = arith.index_cast %scan3A_368 : i32 to index
      %swap3A_461 = arith.constant 96 : index
      %swap3A_462 = tpu.vector_load %arg14[%swap3A_460, %swap3A_461] {strides = array<i32>} : memref<128x128xf32, #tpu.memory_space<vmem>>, vector<1x16xf32>,
      %swap3A_463 = vector.shape_cast %swap3A_462 : vector<1x16xf32> to vector<16xf32>
      %swap3A_464 = vector.shape_cast %add3A_459 : vector<16xf32> to vector<1x16xf32>
      tpu.vector_store %arg14[%swap3A_460, %swap3A_461], %swap3A_464 {strides = array<i32>} : memref<128x128xf32, #tpu.memory_space<vmem>>, vector<1x16xf32>,
      %get3A_465 = arith.index_cast %scan3A_368 : i32 to index
      %get3A_466 = arith.constant 112 : index
      %get3A_467 = tpu.vector_load %arg14[%get3A_465, %get3A_466] {strides = array<i32>} : memref<128x128xf32, #tpu.memory_space<vmem>>, vector<1x16xf32>,
      %get3A_468 = vector.shape_cast %get3A_467 : vector<1x16xf32> to vector<16xf32>
      %get3A_469 = arith.index_cast %scan3A_368 : i32 to index
      %get3A_470 = arith.constant 112 : index
      %get3A_471 = tpu.vector_load %arg15[%get3A_469, %get3A_470] {strides = array<i32>} : memref<128x128xf32, #tpu.memory_space<vmem>>, vector<1x16xf32>,
      %get3A_472 = vector.shape_cast %get3A_471 : vector<1x16xf32> to vector<16xf32>
      %add3A_473 = arith.addf %get3A_468, %get3A_472 : vector<16xf32>
      %swap3A_474 = arith.index_cast %scan3A_368 : i32 to index
      %swap3A_475 = arith.constant 112 : index
      %swap3A_476 = tpu.vector_load %arg14[%swap3A_474, %swap3A_475] {strides = array<i32>} : memref<128x128xf32, #tpu.memory_space<vmem>>, vector<1x16xf32>,
      %swap3A_477 = vector.shape_cast %swap3A_476 : vector<1x16xf32> to vector<16xf32>
      %swap3A_478 = vector.shape_cast %add3A_473 : vector<16xf32> to vector<1x16xf32>
      tpu.vector_store %arg14[%swap3A_474, %swap3A_475], %swap3A_478 {strides = array<i32>} : memref<128x128xf32, #tpu.memory_space<vmem>>, vector<1x16xf32>,
    }
    %scan3A_75 = arith.constant 128 : i32
    %jit3A_76 = arith.constant 8192 : i32
    %div3A_77 = arith.divsi %add3A_63, %jit3A_76 : i32
    %sign3A_78 = arith.constant 0 : i32
    %sign3A_79 = arith.cmpi sgt, %add3A_63, %sign3A_78 : i32
    %sign3A_80 = arith.extui %sign3A_79 : i1 to i32
    %sign3A_81 = arith.constant 0 : i32
    %sign3A_82 = arith.cmpi slt, %add3A_63, %sign3A_81 : i32
    %sign3A_83 = arith.extui %sign3A_82 : i1 to i32
    %sign3A_84 = arith.subi %sign3A_80, %sign3A_83 : i32
    %sign3A_85 = arith.constant 0 : i32
    %sign3A_86 = arith.cmpi sgt, %jit3A_76, %sign3A_85 : i32
    %sign3A_87 = arith.extui %sign3A_86 : i1 to i32
    %sign3A_88 = arith.constant 0 : i32
    %sign3A_89 = arith.cmpi slt, %jit3A_76, %sign3A_88 : i32
    %sign3A_90 = arith.extui %sign3A_89 : i1 to i32
    %sign3A_91 = arith.subi %sign3A_87, %sign3A_90 : i32
    %ne3A_92 = arith.cmpi ne, %sign3A_84, %sign3A_91 : i32
    %rem3A_93 = arith.remsi %add3A_63, %jit3A_76 : i32
    %ne3A_94 = arith.constant 0 : i32
    %ne3A_95 = arith.cmpi ne, %rem3A_93, %ne3A_94 : i32
    %and3A_96 = arith.andi %ne3A_92, %ne3A_95 : i1
    %sub3A_97 = arith.constant 1 : i32
    %sub3A_98 = arith.subi %div3A_77, %sub3A_97 : i32
    %select_n3A_99 = arith.select %and3A_96, %sub3A_98, %div3A_77 : i32
    %eq3A_100 = arith.cmpi eq, %select_n3A_99, %arg0 : i32
    %convert_element_type3A_101 = arith.extui %eq3A_100 : i1 to i32
    %cond3A_102 = arith.constant 0 : i32
    %cond3A_103 = arith.cmpi ne, %convert_element_type3A_101, %cond3A_102 : i32
    scf.if %cond3A_103 {
      "tpu.region"() ({
        %run_scoped3A = tpu.sem_alloc : memref<!tpu.dma_semaphore, #tpu.memory_space<semaphore_mem>>
        %dma_start3A_368 = arith.constant 0 : i32
        %dma_start3A_369 = tpu.memref_slice %arg5[%add3A_63, %dma_start3A_368] : memref<16384x128xf32, #tpu.memory_space<hbm>> -> memref<128x128xf32, #tpu.memory_space<hbm>>
        %dma_start3A_370 = arith.constant 0 : i32
        %dma_start3A_371 = tpu.memref_slice %arg5[%add3A_63, %dma_start3A_370] : memref<16384x128xf32, #tpu.memory_space<hbm>> -> memref<128x128xf32, #tpu.memory_space<hbm>>
        tpu.enqueue_dma source(%arg14 : memref<128x128xf32, #tpu.memory_space<vmem>>) target(%dma_start3A_371 : memref<128x128xf32, #tpu.memory_space<hbm>>) target_semaphore(%run_scoped3A : memref<!tpu.dma_semaphore, #tpu.memory_space<semaphore_mem>>)
        %dma_wait3A_372 = arith.constant 0 : i32
        %dma_wait3A_373 = tpu.memref_slice %arg5[%add3A_63, %dma_wait3A_372] : memref<16384x128xf32, #tpu.memory_space<hbm>> -> memref<128x128xf32, #tpu.memory_space<hbm>>
        %dma_wait3A_374 = arith.constant 0 : i32
        %dma_wait3A_375 = tpu.memref_slice %arg5[%add3A_63, %dma_wait3A_374] : memref<16384x128xf32, #tpu.memory_space<hbm>> -> memref<128x128xf32, #tpu.memory_space<hbm>>
        tpu.wait_dma2 semaphore(%run_scoped3A : memref<!tpu.dma_semaphore, #tpu.memory_space<semaphore_mem>>) src(%arg14 : memref<128x128xf32, #tpu.memory_space<vmem>>) dst(%dma_wait3A_375 : memref<128x128xf32, #tpu.memory_space<hbm>>)
        tpu.yield
      }) : () -> ()
    } else {
    }
    %mul3A_104 = arith.constant 1024 : i32
    %mul3A_105 = arith.muli %arg1, %mul3A_104 : i32
    %add3A_106 = arith.constant 256 : i32
    %add3A_107 = arith.addi %mul3A_105, %add3A_106 : i32
    %dma_start3A_108 = arith.constant 0 : i32
    %dma_start3A_109 = arith.constant 0 : i32
    %dma_start3A_110 = tpu.memref_slice %arg2[%dma_start3A_108, %dma_start3A_109] : memref<500000x128xf32, #tpu.memory_space<hbm>> -> memref<500000x128xf32, #tpu.memory_space<hbm>>
    tpu.enqueue_indirect_dma source(%dma_start3A_110 : memref<500000x128xf32, #tpu.memory_space<hbm>>) target(%arg14 : memref<128x128xf32, #tpu.memory_space<vmem>>) offsets(%arg8 : memref<128xi32, #tpu.memory_space<vmem>>) semaphore(%arg16 : memref<!tpu.dma_semaphore, #tpu.memory_space<semaphore_mem>>)
    %dma_wait3A_111 = arith.constant 0 : i32
    %dma_wait3A_112 = arith.constant 0 : i32
    %dma_wait3A_113 = tpu.memref_slice %arg2[%dma_wait3A_111, %dma_wait3A_112] : memref<500000x128xf32, #tpu.memory_space<hbm>> -> memref<500000x128xf32, #tpu.memory_space<hbm>>
    tpu.wait_indirect_dma semaphore(%arg16 : memref<!tpu.dma_semaphore, #tpu.memory_space<semaphore_mem>>) src(%dma_wait3A_113 : memref<500000x128xf32, #tpu.memory_space<hbm>>) dst(%arg14 : memref<128x128xf32, #tpu.memory_space<vmem>>)
    "tpu.region"() ({
      %run_scoped3A = tpu.sem_alloc : memref<!tpu.dma_semaphore, #tpu.memory_space<semaphore_mem>>
      %dma_start3A_368 = arith.constant 0 : i32
      %dma_start3A_369 = tpu.memref_slice %arg4[%add3A_107, %dma_start3A_368] : memref<16384x128xf32, #tpu.memory_space<hbm>> -> memref<128x128xf32, #tpu.memory_space<hbm>>
      %dma_start3A_370 = arith.constant 0 : i32
      %dma_start3A_371 = tpu.memref_slice %arg4[%add3A_107, %dma_start3A_370] : memref<16384x128xf32, #tpu.memory_space<hbm>> -> memref<128x128xf32, #tpu.memory_space<hbm>>
      tpu.enqueue_dma source(%dma_start3A_371 : memref<128x128xf32, #tpu.memory_space<hbm>>) target(%arg15 : memref<128x128xf32, #tpu.memory_space<vmem>>) target_semaphore(%run_scoped3A : memref<!tpu.dma_semaphore, #tpu.memory_space<semaphore_mem>>)
      %dma_wait3A_372 = arith.constant 0 : i32
      %dma_wait3A_373 = tpu.memref_slice %arg4[%add3A_107, %dma_wait3A_372] : memref<16384x128xf32, #tpu.memory_space<hbm>> -> memref<128x128xf32, #tpu.memory_space<hbm>>
      %dma_wait3A_374 = arith.constant 0 : i32
      %dma_wait3A_375 = tpu.memref_slice %arg4[%add3A_107, %dma_wait3A_374] : memref<16384x128xf32, #tpu.memory_space<hbm>> -> memref<128x128xf32, #tpu.memory_space<hbm>>
      tpu.wait_dma2 semaphore(%run_scoped3A : memref<!tpu.dma_semaphore, #tpu.memory_space<semaphore_mem>>) src(%dma_wait3A_375 : memref<128x128xf32, #tpu.memory_space<hbm>>) dst(%arg15 : memref<128x128xf32, #tpu.memory_space<vmem>>)
      tpu.yield
    }) : () -> ()
    %scan3A_114 = arith.constant 0 : i32
    %scan3A_115 = arith.constant 0 : i32
    %scan3A_116 = arith.constant 128 : i32
    %scan3A_117 = arith.addi %scan3A_115, %scan3A_116 : i32
    %scan3A_118 = arith.constant 1 : i32
    scf.for %scan3A_368 = %scan3A_115 to %scan3A_117 step %scan3A_118  : i32 {
      %get3A = arith.index_cast %scan3A_368 : i32 to index
      %get3A_369 = arith.constant 0 : index
      %get3A_370 = tpu.vector_load %arg14[%get3A, %get3A_369] {strides = array<i32>} : memref<128x128xf32, #tpu.memory_space<vmem>>, vector<1x16xf32>,
      %get3A_371 = vector.shape_cast %get3A_370 : vector<1x16xf32> to vector<16xf32>
      %get3A_372 = arith.index_cast %scan3A_368 : i32 to index
      %get3A_373 = arith.constant 0 : index
      %get3A_374 = tpu.vector_load %arg15[%get3A_372, %get3A_373] {strides = array<i32>} : memref<128x128xf32, #tpu.memory_space<vmem>>, vector<1x16xf32>,
      %get3A_375 = vector.shape_cast %get3A_374 : vector<1x16xf32> to vector<16xf32>
      %add3A_376 = arith.addf %get3A_371, %get3A_375 : vector<16xf32>
      %swap3A = arith.index_cast %scan3A_368 : i32 to index
      %swap3A_377 = arith.constant 0 : index
      %swap3A_378 = tpu.vector_load %arg14[%swap3A, %swap3A_377] {strides = array<i32>} : memref<128x128xf32, #tpu.memory_space<vmem>>, vector<1x16xf32>,
      %swap3A_379 = vector.shape_cast %swap3A_378 : vector<1x16xf32> to vector<16xf32>
      %swap3A_380 = vector.shape_cast %add3A_376 : vector<16xf32> to vector<1x16xf32>
      tpu.vector_store %arg14[%swap3A, %swap3A_377], %swap3A_380 {strides = array<i32>} : memref<128x128xf32, #tpu.memory_space<vmem>>, vector<1x16xf32>,
      %get3A_381 = arith.index_cast %scan3A_368 : i32 to index
      %get3A_382 = arith.constant 16 : index
      %get3A_383 = tpu.vector_load %arg14[%get3A_381, %get3A_382] {strides = array<i32>} : memref<128x128xf32, #tpu.memory_space<vmem>>, vector<1x16xf32>,
      %get3A_384 = vector.shape_cast %get3A_383 : vector<1x16xf32> to vector<16xf32>
      %get3A_385 = arith.index_cast %scan3A_368 : i32 to index
      %get3A_386 = arith.constant 16 : index
      %get3A_387 = tpu.vector_load %arg15[%get3A_385, %get3A_386] {strides = array<i32>} : memref<128x128xf32, #tpu.memory_space<vmem>>, vector<1x16xf32>,
      %get3A_388 = vector.shape_cast %get3A_387 : vector<1x16xf32> to vector<16xf32>
      %add3A_389 = arith.addf %get3A_384, %get3A_388 : vector<16xf32>
      %swap3A_390 = arith.index_cast %scan3A_368 : i32 to index
      %swap3A_391 = arith.constant 16 : index
      %swap3A_392 = tpu.vector_load %arg14[%swap3A_390, %swap3A_391] {strides = array<i32>} : memref<128x128xf32, #tpu.memory_space<vmem>>, vector<1x16xf32>,
      %swap3A_393 = vector.shape_cast %swap3A_392 : vector<1x16xf32> to vector<16xf32>
      %swap3A_394 = vector.shape_cast %add3A_389 : vector<16xf32> to vector<1x16xf32>
      tpu.vector_store %arg14[%swap3A_390, %swap3A_391], %swap3A_394 {strides = array<i32>} : memref<128x128xf32, #tpu.memory_space<vmem>>, vector<1x16xf32>,
      %get3A_395 = arith.index_cast %scan3A_368 : i32 to index
      %get3A_396 = arith.constant 32 : index
      %get3A_397 = tpu.vector_load %arg14[%get3A_395, %get3A_396] {strides = array<i32>} : memref<128x128xf32, #tpu.memory_space<vmem>>, vector<1x16xf32>,
      %get3A_398 = vector.shape_cast %get3A_397 : vector<1x16xf32> to vector<16xf32>
      %get3A_399 = arith.index_cast %scan3A_368 : i32 to index
      %get3A_400 = arith.constant 32 : index
      %get3A_401 = tpu.vector_load %arg15[%get3A_399, %get3A_400] {strides = array<i32>} : memref<128x128xf32, #tpu.memory_space<vmem>>, vector<1x16xf32>,
      %get3A_402 = vector.shape_cast %get3A_401 : vector<1x16xf32> to vector<16xf32>
      %add3A_403 = arith.addf %get3A_398, %get3A_402 : vector<16xf32>
      %swap3A_404 = arith.index_cast %scan3A_368 : i32 to index
      %swap3A_405 = arith.constant 32 : index
      %swap3A_406 = tpu.vector_load %arg14[%swap3A_404, %swap3A_405] {strides = array<i32>} : memref<128x128xf32, #tpu.memory_space<vmem>>, vector<1x16xf32>,
      %swap3A_407 = vector.shape_cast %swap3A_406 : vector<1x16xf32> to vector<16xf32>
      %swap3A_408 = vector.shape_cast %add3A_403 : vector<16xf32> to vector<1x16xf32>
      tpu.vector_store %arg14[%swap3A_404, %swap3A_405], %swap3A_408 {strides = array<i32>} : memref<128x128xf32, #tpu.memory_space<vmem>>, vector<1x16xf32>,
      %get3A_409 = arith.index_cast %scan3A_368 : i32 to index
      %get3A_410 = arith.constant 48 : index
      %get3A_411 = tpu.vector_load %arg14[%get3A_409, %get3A_410] {strides = array<i32>} : memref<128x128xf32, #tpu.memory_space<vmem>>, vector<1x16xf32>,
      %get3A_412 = vector.shape_cast %get3A_411 : vector<1x16xf32> to vector<16xf32>
      %get3A_413 = arith.index_cast %scan3A_368 : i32 to index
      %get3A_414 = arith.constant 48 : index
      %get3A_415 = tpu.vector_load %arg15[%get3A_413, %get3A_414] {strides = array<i32>} : memref<128x128xf32, #tpu.memory_space<vmem>>, vector<1x16xf32>,
      %get3A_416 = vector.shape_cast %get3A_415 : vector<1x16xf32> to vector<16xf32>
      %add3A_417 = arith.addf %get3A_412, %get3A_416 : vector<16xf32>
      %swap3A_418 = arith.index_cast %scan3A_368 : i32 to index
      %swap3A_419 = arith.constant 48 : index
      %swap3A_420 = tpu.vector_load %arg14[%swap3A_418, %swap3A_419] {strides = array<i32>} : memref<128x128xf32, #tpu.memory_space<vmem>>, vector<1x16xf32>,
      %swap3A_421 = vector.shape_cast %swap3A_420 : vector<1x16xf32> to vector<16xf32>
      %swap3A_422 = vector.shape_cast %add3A_417 : vector<16xf32> to vector<1x16xf32>
      tpu.vector_store %arg14[%swap3A_418, %swap3A_419], %swap3A_422 {strides = array<i32>} : memref<128x128xf32, #tpu.memory_space<vmem>>, vector<1x16xf32>,
      %get3A_423 = arith.index_cast %scan3A_368 : i32 to index
      %get3A_424 = arith.constant 64 : index
      %get3A_425 = tpu.vector_load %arg14[%get3A_423, %get3A_424] {strides = array<i32>} : memref<128x128xf32, #tpu.memory_space<vmem>>, vector<1x16xf32>,
      %get3A_426 = vector.shape_cast %get3A_425 : vector<1x16xf32> to vector<16xf32>
      %get3A_427 = arith.index_cast %scan3A_368 : i32 to index
      %get3A_428 = arith.constant 64 : index
      %get3A_429 = tpu.vector_load %arg15[%get3A_427, %get3A_428] {strides = array<i32>} : memref<128x128xf32, #tpu.memory_space<vmem>>, vector<1x16xf32>,
      %get3A_430 = vector.shape_cast %get3A_429 : vector<1x16xf32> to vector<16xf32>
      %add3A_431 = arith.addf %get3A_426, %get3A_430 : vector<16xf32>
      %swap3A_432 = arith.index_cast %scan3A_368 : i32 to index
      %swap3A_433 = arith.constant 64 : index
      %swap3A_434 = tpu.vector_load %arg14[%swap3A_432, %swap3A_433] {strides = array<i32>} : memref<128x128xf32, #tpu.memory_space<vmem>>, vector<1x16xf32>,
      %swap3A_435 = vector.shape_cast %swap3A_434 : vector<1x16xf32> to vector<16xf32>
      %swap3A_436 = vector.shape_cast %add3A_431 : vector<16xf32> to vector<1x16xf32>
      tpu.vector_store %arg14[%swap3A_432, %swap3A_433], %swap3A_436 {strides = array<i32>} : memref<128x128xf32, #tpu.memory_space<vmem>>, vector<1x16xf32>,
      %get3A_437 = arith.index_cast %scan3A_368 : i32 to index
      %get3A_438 = arith.constant 80 : index
      %get3A_439 = tpu.vector_load %arg14[%get3A_437, %get3A_438] {strides = array<i32>} : memref<128x128xf32, #tpu.memory_space<vmem>>, vector<1x16xf32>,
      %get3A_440 = vector.shape_cast %get3A_439 : vector<1x16xf32> to vector<16xf32>
      %get3A_441 = arith.index_cast %scan3A_368 : i32 to index
      %get3A_442 = arith.constant 80 : index
      %get3A_443 = tpu.vector_load %arg15[%get3A_441, %get3A_442] {strides = array<i32>} : memref<128x128xf32, #tpu.memory_space<vmem>>, vector<1x16xf32>,
      %get3A_444 = vector.shape_cast %get3A_443 : vector<1x16xf32> to vector<16xf32>
      %add3A_445 = arith.addf %get3A_440, %get3A_444 : vector<16xf32>
      %swap3A_446 = arith.index_cast %scan3A_368 : i32 to index
      %swap3A_447 = arith.constant 80 : index
      %swap3A_448 = tpu.vector_load %arg14[%swap3A_446, %swap3A_447] {strides = array<i32>} : memref<128x128xf32, #tpu.memory_space<vmem>>, vector<1x16xf32>,
      %swap3A_449 = vector.shape_cast %swap3A_448 : vector<1x16xf32> to vector<16xf32>
      %swap3A_450 = vector.shape_cast %add3A_445 : vector<16xf32> to vector<1x16xf32>
      tpu.vector_store %arg14[%swap3A_446, %swap3A_447], %swap3A_450 {strides = array<i32>} : memref<128x128xf32, #tpu.memory_space<vmem>>, vector<1x16xf32>,
      %get3A_451 = arith.index_cast %scan3A_368 : i32 to index
      %get3A_452 = arith.constant 96 : index
      %get3A_453 = tpu.vector_load %arg14[%get3A_451, %get3A_452] {strides = array<i32>} : memref<128x128xf32, #tpu.memory_space<vmem>>, vector<1x16xf32>,
      %get3A_454 = vector.shape_cast %get3A_453 : vector<1x16xf32> to vector<16xf32>
      %get3A_455 = arith.index_cast %scan3A_368 : i32 to index
      %get3A_456 = arith.constant 96 : index
      %get3A_457 = tpu.vector_load %arg15[%get3A_455, %get3A_456] {strides = array<i32>} : memref<128x128xf32, #tpu.memory_space<vmem>>, vector<1x16xf32>,
      %get3A_458 = vector.shape_cast %get3A_457 : vector<1x16xf32> to vector<16xf32>
      %add3A_459 = arith.addf %get3A_454, %get3A_458 : vector<16xf32>
      %swap3A_460 = arith.index_cast %scan3A_368 : i32 to index
      %swap3A_461 = arith.constant 96 : index
      %swap3A_462 = tpu.vector_load %arg14[%swap3A_460, %swap3A_461] {strides = array<i32>} : memref<128x128xf32, #tpu.memory_space<vmem>>, vector<1x16xf32>,
      %swap3A_463 = vector.shape_cast %swap3A_462 : vector<1x16xf32> to vector<16xf32>
      %swap3A_464 = vector.shape_cast %add3A_459 : vector<16xf32> to vector<1x16xf32>
      tpu.vector_store %arg14[%swap3A_460, %swap3A_461], %swap3A_464 {strides = array<i32>} : memref<128x128xf32, #tpu.memory_space<vmem>>, vector<1x16xf32>,
      %get3A_465 = arith.index_cast %scan3A_368 : i32 to index
      %get3A_466 = arith.constant 112 : index
      %get3A_467 = tpu.vector_load %arg14[%get3A_465, %get3A_466] {strides = array<i32>} : memref<128x128xf32, #tpu.memory_space<vmem>>, vector<1x16xf32>,
      %get3A_468 = vector.shape_cast %get3A_467 : vector<1x16xf32> to vector<16xf32>
      %get3A_469 = arith.index_cast %scan3A_368 : i32 to index
      %get3A_470 = arith.constant 112 : index
      %get3A_471 = tpu.vector_load %arg15[%get3A_469, %get3A_470] {strides = array<i32>} : memref<128x128xf32, #tpu.memory_space<vmem>>, vector<1x16xf32>,
      %get3A_472 = vector.shape_cast %get3A_471 : vector<1x16xf32> to vector<16xf32>
      %add3A_473 = arith.addf %get3A_468, %get3A_472 : vector<16xf32>
      %swap3A_474 = arith.index_cast %scan3A_368 : i32 to index
      %swap3A_475 = arith.constant 112 : index
      %swap3A_476 = tpu.vector_load %arg14[%swap3A_474, %swap3A_475] {strides = array<i32>} : memref<128x128xf32, #tpu.memory_space<vmem>>, vector<1x16xf32>,
      %swap3A_477 = vector.shape_cast %swap3A_476 : vector<1x16xf32> to vector<16xf32>
      %swap3A_478 = vector.shape_cast %add3A_473 : vector<16xf32> to vector<1x16xf32>
      tpu.vector_store %arg14[%swap3A_474, %swap3A_475], %swap3A_478 {strides = array<i32>} : memref<128x128xf32, #tpu.memory_space<vmem>>, vector<1x16xf32>,
    }
    %scan3A_119 = arith.constant 128 : i32
    %jit3A_120 = arith.constant 8192 : i32
    %div3A_121 = arith.divsi %add3A_107, %jit3A_120 : i32
    %sign3A_122 = arith.constant 0 : i32
    %sign3A_123 = arith.cmpi sgt, %add3A_107, %sign3A_122 : i32
    %sign3A_124 = arith.extui %sign3A_123 : i1 to i32
    %sign3A_125 = arith.constant 0 : i32
    %sign3A_126 = arith.cmpi slt, %add3A_107, %sign3A_125 : i32
    %sign3A_127 = arith.extui %sign3A_126 : i1 to i32
    %sign3A_128 = arith.subi %sign3A_124, %sign3A_127 : i32
    %sign3A_129 = arith.constant 0 : i32
    %sign3A_130 = arith.cmpi sgt, %jit3A_120, %sign3A_129 : i32
    %sign3A_131 = arith.extui %sign3A_130 : i1 to i32
    %sign3A_132 = arith.constant 0 : i32
    %sign3A_133 = arith.cmpi slt, %jit3A_120, %sign3A_132 : i32
    %sign3A_134 = arith.extui %sign3A_133 : i1 to i32
    %sign3A_135 = arith.subi %sign3A_131, %sign3A_134 : i32
    %ne3A_136 = arith.cmpi ne, %sign3A_128, %sign3A_135 : i32
    %rem3A_137 = arith.remsi %add3A_107, %jit3A_120 : i32
    %ne3A_138 = arith.constant 0 : i32
    %ne3A_139 = arith.cmpi ne, %rem3A_137, %ne3A_138 : i32
    %and3A_140 = arith.andi %ne3A_136, %ne3A_139 : i1
    %sub3A_141 = arith.constant 1 : i32
    %sub3A_142 = arith.subi %div3A_121, %sub3A_141 : i32
    %select_n3A_143 = arith.select %and3A_140, %sub3A_142, %div3A_121 : i32
    %eq3A_144 = arith.cmpi eq, %select_n3A_143, %arg0 : i32
    %convert_element_type3A_145 = arith.extui %eq3A_144 : i1 to i32
    %cond3A_146 = arith.constant 0 : i32
    %cond3A_147 = arith.cmpi ne, %convert_element_type3A_145, %cond3A_146 : i32
    scf.if %cond3A_147 {
      "tpu.region"() ({
        %run_scoped3A = tpu.sem_alloc : memref<!tpu.dma_semaphore, #tpu.memory_space<semaphore_mem>>
        %dma_start3A_368 = arith.constant 0 : i32
        %dma_start3A_369 = tpu.memref_slice %arg5[%add3A_107, %dma_start3A_368] : memref<16384x128xf32, #tpu.memory_space<hbm>> -> memref<128x128xf32, #tpu.memory_space<hbm>>
        %dma_start3A_370 = arith.constant 0 : i32
        %dma_start3A_371 = tpu.memref_slice %arg5[%add3A_107, %dma_start3A_370] : memref<16384x128xf32, #tpu.memory_space<hbm>> -> memref<128x128xf32, #tpu.memory_space<hbm>>
        tpu.enqueue_dma source(%arg14 : memref<128x128xf32, #tpu.memory_space<vmem>>) target(%dma_start3A_371 : memref<128x128xf32, #tpu.memory_space<hbm>>) target_semaphore(%run_scoped3A : memref<!tpu.dma_semaphore, #tpu.memory_space<semaphore_mem>>)
        %dma_wait3A_372 = arith.constant 0 : i32
        %dma_wait3A_373 = tpu.memref_slice %arg5[%add3A_107, %dma_wait3A_372] : memref<16384x128xf32, #tpu.memory_space<hbm>> -> memref<128x128xf32, #tpu.memory_space<hbm>>
        %dma_wait3A_374 = arith.constant 0 : i32
        %dma_wait3A_375 = tpu.memref_slice %arg5[%add3A_107, %dma_wait3A_374] : memref<16384x128xf32, #tpu.memory_space<hbm>> -> memref<128x128xf32, #tpu.memory_space<hbm>>
        tpu.wait_dma2 semaphore(%run_scoped3A : memref<!tpu.dma_semaphore, #tpu.memory_space<semaphore_mem>>) src(%arg14 : memref<128x128xf32, #tpu.memory_space<vmem>>) dst(%dma_wait3A_375 : memref<128x128xf32, #tpu.memory_space<hbm>>)
        tpu.yield
      }) : () -> ()
    } else {
    }
    %mul3A_148 = arith.constant 1024 : i32
    %mul3A_149 = arith.muli %arg1, %mul3A_148 : i32
    %add3A_150 = arith.constant 384 : i32
    %add3A_151 = arith.addi %mul3A_149, %add3A_150 : i32
    %dma_start3A_152 = arith.constant 0 : i32
    %dma_start3A_153 = arith.constant 0 : i32
    %dma_start3A_154 = tpu.memref_slice %arg2[%dma_start3A_152, %dma_start3A_153] : memref<500000x128xf32, #tpu.memory_space<hbm>> -> memref<500000x128xf32, #tpu.memory_space<hbm>>
    tpu.enqueue_indirect_dma source(%dma_start3A_154 : memref<500000x128xf32, #tpu.memory_space<hbm>>) target(%arg14 : memref<128x128xf32, #tpu.memory_space<vmem>>) offsets(%arg9 : memref<128xi32, #tpu.memory_space<vmem>>) semaphore(%arg16 : memref<!tpu.dma_semaphore, #tpu.memory_space<semaphore_mem>>)
    %dma_wait3A_155 = arith.constant 0 : i32
    %dma_wait3A_156 = arith.constant 0 : i32
    %dma_wait3A_157 = tpu.memref_slice %arg2[%dma_wait3A_155, %dma_wait3A_156] : memref<500000x128xf32, #tpu.memory_space<hbm>> -> memref<500000x128xf32, #tpu.memory_space<hbm>>
    tpu.wait_indirect_dma semaphore(%arg16 : memref<!tpu.dma_semaphore, #tpu.memory_space<semaphore_mem>>) src(%dma_wait3A_157 : memref<500000x128xf32, #tpu.memory_space<hbm>>) dst(%arg14 : memref<128x128xf32, #tpu.memory_space<vmem>>)
    "tpu.region"() ({
      %run_scoped3A = tpu.sem_alloc : memref<!tpu.dma_semaphore, #tpu.memory_space<semaphore_mem>>
      %dma_start3A_368 = arith.constant 0 : i32
      %dma_start3A_369 = tpu.memref_slice %arg4[%add3A_151, %dma_start3A_368] : memref<16384x128xf32, #tpu.memory_space<hbm>> -> memref<128x128xf32, #tpu.memory_space<hbm>>
      %dma_start3A_370 = arith.constant 0 : i32
      %dma_start3A_371 = tpu.memref_slice %arg4[%add3A_151, %dma_start3A_370] : memref<16384x128xf32, #tpu.memory_space<hbm>> -> memref<128x128xf32, #tpu.memory_space<hbm>>
      tpu.enqueue_dma source(%dma_start3A_371 : memref<128x128xf32, #tpu.memory_space<hbm>>) target(%arg15 : memref<128x128xf32, #tpu.memory_space<vmem>>) target_semaphore(%run_scoped3A : memref<!tpu.dma_semaphore, #tpu.memory_space<semaphore_mem>>)
      %dma_wait3A_372 = arith.constant 0 : i32
      %dma_wait3A_373 = tpu.memref_slice %arg4[%add3A_151, %dma_wait3A_372] : memref<16384x128xf32, #tpu.memory_space<hbm>> -> memref<128x128xf32, #tpu.memory_space<hbm>>
      %dma_wait3A_374 = arith.constant 0 : i32
      %dma_wait3A_375 = tpu.memref_slice %arg4[%add3A_151, %dma_wait3A_374] : memref<16384x128xf32, #tpu.memory_space<hbm>> -> memref<128x128xf32, #tpu.memory_space<hbm>>
      tpu.wait_dma2 semaphore(%run_scoped3A : memref<!tpu.dma_semaphore, #tpu.memory_space<semaphore_mem>>) src(%dma_wait3A_375 : memref<128x128xf32, #tpu.memory_space<hbm>>) dst(%arg15 : memref<128x128xf32, #tpu.memory_space<vmem>>)
      tpu.yield
    }) : () -> ()
    %scan3A_158 = arith.constant 0 : i32
    %scan3A_159 = arith.constant 0 : i32
    %scan3A_160 = arith.constant 128 : i32
    %scan3A_161 = arith.addi %scan3A_159, %scan3A_160 : i32
    %scan3A_162 = arith.constant 1 : i32
    scf.for %scan3A_368 = %scan3A_159 to %scan3A_161 step %scan3A_162  : i32 {
      %get3A = arith.index_cast %scan3A_368 : i32 to index
      %get3A_369 = arith.constant 0 : index
      %get3A_370 = tpu.vector_load %arg14[%get3A, %get3A_369] {strides = array<i32>} : memref<128x128xf32, #tpu.memory_space<vmem>>, vector<1x16xf32>,
      %get3A_371 = vector.shape_cast %get3A_370 : vector<1x16xf32> to vector<16xf32>
      %get3A_372 = arith.index_cast %scan3A_368 : i32 to index
      %get3A_373 = arith.constant 0 : index
      %get3A_374 = tpu.vector_load %arg15[%get3A_372, %get3A_373] {strides = array<i32>} : memref<128x128xf32, #tpu.memory_space<vmem>>, vector<1x16xf32>,
      %get3A_375 = vector.shape_cast %get3A_374 : vector<1x16xf32> to vector<16xf32>
      %add3A_376 = arith.addf %get3A_371, %get3A_375 : vector<16xf32>
      %swap3A = arith.index_cast %scan3A_368 : i32 to index
      %swap3A_377 = arith.constant 0 : index
      %swap3A_378 = tpu.vector_load %arg14[%swap3A, %swap3A_377] {strides = array<i32>} : memref<128x128xf32, #tpu.memory_space<vmem>>, vector<1x16xf32>,
      %swap3A_379 = vector.shape_cast %swap3A_378 : vector<1x16xf32> to vector<16xf32>
      %swap3A_380 = vector.shape_cast %add3A_376 : vector<16xf32> to vector<1x16xf32>
      tpu.vector_store %arg14[%swap3A, %swap3A_377], %swap3A_380 {strides = array<i32>} : memref<128x128xf32, #tpu.memory_space<vmem>>, vector<1x16xf32>,
      %get3A_381 = arith.index_cast %scan3A_368 : i32 to index
      %get3A_382 = arith.constant 16 : index
      %get3A_383 = tpu.vector_load %arg14[%get3A_381, %get3A_382] {strides = array<i32>} : memref<128x128xf32, #tpu.memory_space<vmem>>, vector<1x16xf32>,
      %get3A_384 = vector.shape_cast %get3A_383 : vector<1x16xf32> to vector<16xf32>
      %get3A_385 = arith.index_cast %scan3A_368 : i32 to index
      %get3A_386 = arith.constant 16 : index
      %get3A_387 = tpu.vector_load %arg15[%get3A_385, %get3A_386] {strides = array<i32>} : memref<128x128xf32, #tpu.memory_space<vmem>>, vector<1x16xf32>,
      %get3A_388 = vector.shape_cast %get3A_387 : vector<1x16xf32> to vector<16xf32>
      %add3A_389 = arith.addf %get3A_384, %get3A_388 : vector<16xf32>
      %swap3A_390 = arith.index_cast %scan3A_368 : i32 to index
      %swap3A_391 = arith.constant 16 : index
      %swap3A_392 = tpu.vector_load %arg14[%swap3A_390, %swap3A_391] {strides = array<i32>} : memref<128x128xf32, #tpu.memory_space<vmem>>, vector<1x16xf32>,
      %swap3A_393 = vector.shape_cast %swap3A_392 : vector<1x16xf32> to vector<16xf32>
      %swap3A_394 = vector.shape_cast %add3A_389 : vector<16xf32> to vector<1x16xf32>
      tpu.vector_store %arg14[%swap3A_390, %swap3A_391], %swap3A_394 {strides = array<i32>} : memref<128x128xf32, #tpu.memory_space<vmem>>, vector<1x16xf32>,
      %get3A_395 = arith.index_cast %scan3A_368 : i32 to index
      %get3A_396 = arith.constant 32 : index
      %get3A_397 = tpu.vector_load %arg14[%get3A_395, %get3A_396] {strides = array<i32>} : memref<128x128xf32, #tpu.memory_space<vmem>>, vector<1x16xf32>,
      %get3A_398 = vector.shape_cast %get3A_397 : vector<1x16xf32> to vector<16xf32>
      %get3A_399 = arith.index_cast %scan3A_368 : i32 to index
      %get3A_400 = arith.constant 32 : index
      %get3A_401 = tpu.vector_load %arg15[%get3A_399, %get3A_400] {strides = array<i32>} : memref<128x128xf32, #tpu.memory_space<vmem>>, vector<1x16xf32>,
      %get3A_402 = vector.shape_cast %get3A_401 : vector<1x16xf32> to vector<16xf32>
      %add3A_403 = arith.addf %get3A_398, %get3A_402 : vector<16xf32>
      %swap3A_404 = arith.index_cast %scan3A_368 : i32 to index
      %swap3A_405 = arith.constant 32 : index
      %swap3A_406 = tpu.vector_load %arg14[%swap3A_404, %swap3A_405] {strides = array<i32>} : memref<128x128xf32, #tpu.memory_space<vmem>>, vector<1x16xf32>,
      %swap3A_407 = vector.shape_cast %swap3A_406 : vector<1x16xf32> to vector<16xf32>
      %swap3A_408 = vector.shape_cast %add3A_403 : vector<16xf32> to vector<1x16xf32>
      tpu.vector_store %arg14[%swap3A_404, %swap3A_405], %swap3A_408 {strides = array<i32>} : memref<128x128xf32, #tpu.memory_space<vmem>>, vector<1x16xf32>,
      %get3A_409 = arith.index_cast %scan3A_368 : i32 to index
      %get3A_410 = arith.constant 48 : index
      %get3A_411 = tpu.vector_load %arg14[%get3A_409, %get3A_410] {strides = array<i32>} : memref<128x128xf32, #tpu.memory_space<vmem>>, vector<1x16xf32>,
      %get3A_412 = vector.shape_cast %get3A_411 : vector<1x16xf32> to vector<16xf32>
      %get3A_413 = arith.index_cast %scan3A_368 : i32 to index
      %get3A_414 = arith.constant 48 : index
      %get3A_415 = tpu.vector_load %arg15[%get3A_413, %get3A_414] {strides = array<i32>} : memref<128x128xf32, #tpu.memory_space<vmem>>, vector<1x16xf32>,
      %get3A_416 = vector.shape_cast %get3A_415 : vector<1x16xf32> to vector<16xf32>
      %add3A_417 = arith.addf %get3A_412, %get3A_416 : vector<16xf32>
      %swap3A_418 = arith.index_cast %scan3A_368 : i32 to index
      %swap3A_419 = arith.constant 48 : index
      %swap3A_420 = tpu.vector_load %arg14[%swap3A_418, %swap3A_419] {strides = array<i32>} : memref<128x128xf32, #tpu.memory_space<vmem>>, vector<1x16xf32>,
      %swap3A_421 = vector.shape_cast %swap3A_420 : vector<1x16xf32> to vector<16xf32>
      %swap3A_422 = vector.shape_cast %add3A_417 : vector<16xf32> to vector<1x16xf32>
      tpu.vector_store %arg14[%swap3A_418, %swap3A_419], %swap3A_422 {strides = array<i32>} : memref<128x128xf32, #tpu.memory_space<vmem>>, vector<1x16xf32>,
      %get3A_423 = arith.index_cast %scan3A_368 : i32 to index
      %get3A_424 = arith.constant 64 : index
      %get3A_425 = tpu.vector_load %arg14[%get3A_423, %get3A_424] {strides = array<i32>} : memref<128x128xf32, #tpu.memory_space<vmem>>, vector<1x16xf32>,
      %get3A_426 = vector.shape_cast %get3A_425 : vector<1x16xf32> to vector<16xf32>
      %get3A_427 = arith.index_cast %scan3A_368 : i32 to index
      %get3A_428 = arith.constant 64 : index
      %get3A_429 = tpu.vector_load %arg15[%get3A_427, %get3A_428] {strides = array<i32>} : memref<128x128xf32, #tpu.memory_space<vmem>>, vector<1x16xf32>,
      %get3A_430 = vector.shape_cast %get3A_429 : vector<1x16xf32> to vector<16xf32>
      %add3A_431 = arith.addf %get3A_426, %get3A_430 : vector<16xf32>
      %swap3A_432 = arith.index_cast %scan3A_368 : i32 to index
      %swap3A_433 = arith.constant 64 : index
      %swap3A_434 = tpu.vector_load %arg14[%swap3A_432, %swap3A_433] {strides = array<i32>} : memref<128x128xf32, #tpu.memory_space<vmem>>, vector<1x16xf32>,
      %swap3A_435 = vector.shape_cast %swap3A_434 : vector<1x16xf32> to vector<16xf32>
      %swap3A_436 = vector.shape_cast %add3A_431 : vector<16xf32> to vector<1x16xf32>
      tpu.vector_store %arg14[%swap3A_432, %swap3A_433], %swap3A_436 {strides = array<i32>} : memref<128x128xf32, #tpu.memory_space<vmem>>, vector<1x16xf32>,
      %get3A_437 = arith.index_cast %scan3A_368 : i32 to index
      %get3A_438 = arith.constant 80 : index
      %get3A_439 = tpu.vector_load %arg14[%get3A_437, %get3A_438] {strides = array<i32>} : memref<128x128xf32, #tpu.memory_space<vmem>>, vector<1x16xf32>,
      %get3A_440 = vector.shape_cast %get3A_439 : vector<1x16xf32> to vector<16xf32>
      %get3A_441 = arith.index_cast %scan3A_368 : i32 to index
      %get3A_442 = arith.constant 80 : index
      %get3A_443 = tpu.vector_load %arg15[%get3A_441, %get3A_442] {strides = array<i32>} : memref<128x128xf32, #tpu.memory_space<vmem>>, vector<1x16xf32>,
      %get3A_444 = vector.shape_cast %get3A_443 : vector<1x16xf32> to vector<16xf32>
      %add3A_445 = arith.addf %get3A_440, %get3A_444 : vector<16xf32>
      %swap3A_446 = arith.index_cast %scan3A_368 : i32 to index
      %swap3A_447 = arith.constant 80 : index
      %swap3A_448 = tpu.vector_load %arg14[%swap3A_446, %swap3A_447] {strides = array<i32>} : memref<128x128xf32, #tpu.memory_space<vmem>>, vector<1x16xf32>,
      %swap3A_449 = vector.shape_cast %swap3A_448 : vector<1x16xf32> to vector<16xf32>
      %swap3A_450 = vector.shape_cast %add3A_445 : vector<16xf32> to vector<1x16xf32>
      tpu.vector_store %arg14[%swap3A_446, %swap3A_447], %swap3A_450 {strides = array<i32>} : memref<128x128xf32, #tpu.memory_space<vmem>>, vector<1x16xf32>,
      %get3A_451 = arith.index_cast %scan3A_368 : i32 to index
      %get3A_452 = arith.constant 96 : index
      %get3A_453 = tpu.vector_load %arg14[%get3A_451, %get3A_452] {strides = array<i32>} : memref<128x128xf32, #tpu.memory_space<vmem>>, vector<1x16xf32>,
      %get3A_454 = vector.shape_cast %get3A_453 : vector<1x16xf32> to vector<16xf32>
      %get3A_455 = arith.index_cast %scan3A_368 : i32 to index
      %get3A_456 = arith.constant 96 : index
      %get3A_457 = tpu.vector_load %arg15[%get3A_455, %get3A_456] {strides = array<i32>} : memref<128x128xf32, #tpu.memory_space<vmem>>, vector<1x16xf32>,
      %get3A_458 = vector.shape_cast %get3A_457 : vector<1x16xf32> to vector<16xf32>
      %add3A_459 = arith.addf %get3A_454, %get3A_458 : vector<16xf32>
      %swap3A_460 = arith.index_cast %scan3A_368 : i32 to index
      %swap3A_461 = arith.constant 96 : index
      %swap3A_462 = tpu.vector_load %arg14[%swap3A_460, %swap3A_461] {strides = array<i32>} : memref<128x128xf32, #tpu.memory_space<vmem>>, vector<1x16xf32>,
      %swap3A_463 = vector.shape_cast %swap3A_462 : vector<1x16xf32> to vector<16xf32>
      %swap3A_464 = vector.shape_cast %add3A_459 : vector<16xf32> to vector<1x16xf32>
      tpu.vector_store %arg14[%swap3A_460, %swap3A_461], %swap3A_464 {strides = array<i32>} : memref<128x128xf32, #tpu.memory_space<vmem>>, vector<1x16xf32>,
      %get3A_465 = arith.index_cast %scan3A_368 : i32 to index
      %get3A_466 = arith.constant 112 : index
      %get3A_467 = tpu.vector_load %arg14[%get3A_465, %get3A_466] {strides = array<i32>} : memref<128x128xf32, #tpu.memory_space<vmem>>, vector<1x16xf32>,
      %get3A_468 = vector.shape_cast %get3A_467 : vector<1x16xf32> to vector<16xf32>
      %get3A_469 = arith.index_cast %scan3A_368 : i32 to index
      %get3A_470 = arith.constant 112 : index
      %get3A_471 = tpu.vector_load %arg15[%get3A_469, %get3A_470] {strides = array<i32>} : memref<128x128xf32, #tpu.memory_space<vmem>>, vector<1x16xf32>,
      %get3A_472 = vector.shape_cast %get3A_471 : vector<1x16xf32> to vector<16xf32>
      %add3A_473 = arith.addf %get3A_468, %get3A_472 : vector<16xf32>
      %swap3A_474 = arith.index_cast %scan3A_368 : i32 to index
      %swap3A_475 = arith.constant 112 : index
      %swap3A_476 = tpu.vector_load %arg14[%swap3A_474, %swap3A_475] {strides = array<i32>} : memref<128x128xf32, #tpu.memory_space<vmem>>, vector<1x16xf32>,
      %swap3A_477 = vector.shape_cast %swap3A_476 : vector<1x16xf32> to vector<16xf32>
      %swap3A_478 = vector.shape_cast %add3A_473 : vector<16xf32> to vector<1x16xf32>
      tpu.vector_store %arg14[%swap3A_474, %swap3A_475], %swap3A_478 {strides = array<i32>} : memref<128x128xf32, #tpu.memory_space<vmem>>, vector<1x16xf32>,
    }
    %scan3A_163 = arith.constant 128 : i32
    %jit3A_164 = arith.constant 8192 : i32
    %div3A_165 = arith.divsi %add3A_151, %jit3A_164 : i32
    %sign3A_166 = arith.constant 0 : i32
    %sign3A_167 = arith.cmpi sgt, %add3A_151, %sign3A_166 : i32
    %sign3A_168 = arith.extui %sign3A_167 : i1 to i32
    %sign3A_169 = arith.constant 0 : i32
    %sign3A_170 = arith.cmpi slt, %add3A_151, %sign3A_169 : i32
    %sign3A_171 = arith.extui %sign3A_170 : i1 to i32
    %sign3A_172 = arith.subi %sign3A_168, %sign3A_171 : i32
    %sign3A_173 = arith.constant 0 : i32
    %sign3A_174 = arith.cmpi sgt, %jit3A_164, %sign3A_173 : i32
    %sign3A_175 = arith.extui %sign3A_174 : i1 to i32
    %sign3A_176 = arith.constant 0 : i32
    %sign3A_177 = arith.cmpi slt, %jit3A_164, %sign3A_176 : i32
    %sign3A_178 = arith.extui %sign3A_177 : i1 to i32
    %sign3A_179 = arith.subi %sign3A_175, %sign3A_178 : i32
    %ne3A_180 = arith.cmpi ne, %sign3A_172, %sign3A_179 : i32
    %rem3A_181 = arith.remsi %add3A_151, %jit3A_164 : i32
    %ne3A_182 = arith.constant 0 : i32
    %ne3A_183 = arith.cmpi ne, %rem3A_181, %ne3A_182 : i32
    %and3A_184 = arith.andi %ne3A_180, %ne3A_183 : i1
    %sub3A_185 = arith.constant 1 : i32
    %sub3A_186 = arith.subi %div3A_165, %sub3A_185 : i32
    %select_n3A_187 = arith.select %and3A_184, %sub3A_186, %div3A_165 : i32
    %eq3A_188 = arith.cmpi eq, %select_n3A_187, %arg0 : i32
    %convert_element_type3A_189 = arith.extui %eq3A_188 : i1 to i32
    %cond3A_190 = arith.constant 0 : i32
    %cond3A_191 = arith.cmpi ne, %convert_element_type3A_189, %cond3A_190 : i32
    scf.if %cond3A_191 {
      "tpu.region"() ({
        %run_scoped3A = tpu.sem_alloc : memref<!tpu.dma_semaphore, #tpu.memory_space<semaphore_mem>>
        %dma_start3A_368 = arith.constant 0 : i32
        %dma_start3A_369 = tpu.memref_slice %arg5[%add3A_151, %dma_start3A_368] : memref<16384x128xf32, #tpu.memory_space<hbm>> -> memref<128x128xf32, #tpu.memory_space<hbm>>
        %dma_start3A_370 = arith.constant 0 : i32
        %dma_start3A_371 = tpu.memref_slice %arg5[%add3A_151, %dma_start3A_370] : memref<16384x128xf32, #tpu.memory_space<hbm>> -> memref<128x128xf32, #tpu.memory_space<hbm>>
        tpu.enqueue_dma source(%arg14 : memref<128x128xf32, #tpu.memory_space<vmem>>) target(%dma_start3A_371 : memref<128x128xf32, #tpu.memory_space<hbm>>) target_semaphore(%run_scoped3A : memref<!tpu.dma_semaphore, #tpu.memory_space<semaphore_mem>>)
        %dma_wait3A_372 = arith.constant 0 : i32
        %dma_wait3A_373 = tpu.memref_slice %arg5[%add3A_151, %dma_wait3A_372] : memref<16384x128xf32, #tpu.memory_space<hbm>> -> memref<128x128xf32, #tpu.memory_space<hbm>>
        %dma_wait3A_374 = arith.constant 0 : i32
        %dma_wait3A_375 = tpu.memref_slice %arg5[%add3A_151, %dma_wait3A_374] : memref<16384x128xf32, #tpu.memory_space<hbm>> -> memref<128x128xf32, #tpu.memory_space<hbm>>
        tpu.wait_dma2 semaphore(%run_scoped3A : memref<!tpu.dma_semaphore, #tpu.memory_space<semaphore_mem>>) src(%arg14 : memref<128x128xf32, #tpu.memory_space<vmem>>) dst(%dma_wait3A_375 : memref<128x128xf32, #tpu.memory_space<hbm>>)
        tpu.yield
      }) : () -> ()
    } else {
    }
    %mul3A_192 = arith.constant 1024 : i32
    %mul3A_193 = arith.muli %arg1, %mul3A_192 : i32
    %add3A_194 = arith.constant 512 : i32
    %add3A_195 = arith.addi %mul3A_193, %add3A_194 : i32
    %dma_start3A_196 = arith.constant 0 : i32
    %dma_start3A_197 = arith.constant 0 : i32
    %dma_start3A_198 = tpu.memref_slice %arg2[%dma_start3A_196, %dma_start3A_197] : memref<500000x128xf32, #tpu.memory_space<hbm>> -> memref<500000x128xf32, #tpu.memory_space<hbm>>
    tpu.enqueue_indirect_dma source(%dma_start3A_198 : memref<500000x128xf32, #tpu.memory_space<hbm>>) target(%arg14 : memref<128x128xf32, #tpu.memory_space<vmem>>) offsets(%arg10 : memref<128xi32, #tpu.memory_space<vmem>>) semaphore(%arg16 : memref<!tpu.dma_semaphore, #tpu.memory_space<semaphore_mem>>)
    %dma_wait3A_199 = arith.constant 0 : i32
    %dma_wait3A_200 = arith.constant 0 : i32
    %dma_wait3A_201 = tpu.memref_slice %arg2[%dma_wait3A_199, %dma_wait3A_200] : memref<500000x128xf32, #tpu.memory_space<hbm>> -> memref<500000x128xf32, #tpu.memory_space<hbm>>
    tpu.wait_indirect_dma semaphore(%arg16 : memref<!tpu.dma_semaphore, #tpu.memory_space<semaphore_mem>>) src(%dma_wait3A_201 : memref<500000x128xf32, #tpu.memory_space<hbm>>) dst(%arg14 : memref<128x128xf32, #tpu.memory_space<vmem>>)
    "tpu.region"() ({
      %run_scoped3A = tpu.sem_alloc : memref<!tpu.dma_semaphore, #tpu.memory_space<semaphore_mem>>
      %dma_start3A_368 = arith.constant 0 : i32
      %dma_start3A_369 = tpu.memref_slice %arg4[%add3A_195, %dma_start3A_368] : memref<16384x128xf32, #tpu.memory_space<hbm>> -> memref<128x128xf32, #tpu.memory_space<hbm>>
      %dma_start3A_370 = arith.constant 0 : i32
      %dma_start3A_371 = tpu.memref_slice %arg4[%add3A_195, %dma_start3A_370] : memref<16384x128xf32, #tpu.memory_space<hbm>> -> memref<128x128xf32, #tpu.memory_space<hbm>>
      tpu.enqueue_dma source(%dma_start3A_371 : memref<128x128xf32, #tpu.memory_space<hbm>>) target(%arg15 : memref<128x128xf32, #tpu.memory_space<vmem>>) target_semaphore(%run_scoped3A : memref<!tpu.dma_semaphore, #tpu.memory_space<semaphore_mem>>)
      %dma_wait3A_372 = arith.constant 0 : i32
      %dma_wait3A_373 = tpu.memref_slice %arg4[%add3A_195, %dma_wait3A_372] : memref<16384x128xf32, #tpu.memory_space<hbm>> -> memref<128x128xf32, #tpu.memory_space<hbm>>
      %dma_wait3A_374 = arith.constant 0 : i32
      %dma_wait3A_375 = tpu.memref_slice %arg4[%add3A_195, %dma_wait3A_374] : memref<16384x128xf32, #tpu.memory_space<hbm>> -> memref<128x128xf32, #tpu.memory_space<hbm>>
      tpu.wait_dma2 semaphore(%run_scoped3A : memref<!tpu.dma_semaphore, #tpu.memory_space<semaphore_mem>>) src(%dma_wait3A_375 : memref<128x128xf32, #tpu.memory_space<hbm>>) dst(%arg15 : memref<128x128xf32, #tpu.memory_space<vmem>>)
      tpu.yield
    }) : () -> ()
    %scan3A_202 = arith.constant 0 : i32
    %scan3A_203 = arith.constant 0 : i32
    %scan3A_204 = arith.constant 128 : i32
    %scan3A_205 = arith.addi %scan3A_203, %scan3A_204 : i32
    %scan3A_206 = arith.constant 1 : i32
    scf.for %scan3A_368 = %scan3A_203 to %scan3A_205 step %scan3A_206  : i32 {
      %get3A = arith.index_cast %scan3A_368 : i32 to index
      %get3A_369 = arith.constant 0 : index
      %get3A_370 = tpu.vector_load %arg14[%get3A, %get3A_369] {strides = array<i32>} : memref<128x128xf32, #tpu.memory_space<vmem>>, vector<1x16xf32>,
      %get3A_371 = vector.shape_cast %get3A_370 : vector<1x16xf32> to vector<16xf32>
      %get3A_372 = arith.index_cast %scan3A_368 : i32 to index
      %get3A_373 = arith.constant 0 : index
      %get3A_374 = tpu.vector_load %arg15[%get3A_372, %get3A_373] {strides = array<i32>} : memref<128x128xf32, #tpu.memory_space<vmem>>, vector<1x16xf32>,
      %get3A_375 = vector.shape_cast %get3A_374 : vector<1x16xf32> to vector<16xf32>
      %add3A_376 = arith.addf %get3A_371, %get3A_375 : vector<16xf32>
      %swap3A = arith.index_cast %scan3A_368 : i32 to index
      %swap3A_377 = arith.constant 0 : index
      %swap3A_378 = tpu.vector_load %arg14[%swap3A, %swap3A_377] {strides = array<i32>} : memref<128x128xf32, #tpu.memory_space<vmem>>, vector<1x16xf32>,
      %swap3A_379 = vector.shape_cast %swap3A_378 : vector<1x16xf32> to vector<16xf32>
      %swap3A_380 = vector.shape_cast %add3A_376 : vector<16xf32> to vector<1x16xf32>
      tpu.vector_store %arg14[%swap3A, %swap3A_377], %swap3A_380 {strides = array<i32>} : memref<128x128xf32, #tpu.memory_space<vmem>>, vector<1x16xf32>,
      %get3A_381 = arith.index_cast %scan3A_368 : i32 to index
      %get3A_382 = arith.constant 16 : index
      %get3A_383 = tpu.vector_load %arg14[%get3A_381, %get3A_382] {strides = array<i32>} : memref<128x128xf32, #tpu.memory_space<vmem>>, vector<1x16xf32>,
      %get3A_384 = vector.shape_cast %get3A_383 : vector<1x16xf32> to vector<16xf32>
      %get3A_385 = arith.index_cast %scan3A_368 : i32 to index
      %get3A_386 = arith.constant 16 : index
      %get3A_387 = tpu.vector_load %arg15[%get3A_385, %get3A_386] {strides = array<i32>} : memref<128x128xf32, #tpu.memory_space<vmem>>, vector<1x16xf32>,
      %get3A_388 = vector.shape_cast %get3A_387 : vector<1x16xf32> to vector<16xf32>
      %add3A_389 = arith.addf %get3A_384, %get3A_388 : vector<16xf32>
      %swap3A_390 = arith.index_cast %scan3A_368 : i32 to index
      %swap3A_391 = arith.constant 16 : index
      %swap3A_392 = tpu.vector_load %arg14[%swap3A_390, %swap3A_391] {strides = array<i32>} : memref<128x128xf32, #tpu.memory_space<vmem>>, vector<1x16xf32>,
      %swap3A_393 = vector.shape_cast %swap3A_392 : vector<1x16xf32> to vector<16xf32>
      %swap3A_394 = vector.shape_cast %add3A_389 : vector<16xf32> to vector<1x16xf32>
      tpu.vector_store %arg14[%swap3A_390, %swap3A_391], %swap3A_394 {strides = array<i32>} : memref<128x128xf32, #tpu.memory_space<vmem>>, vector<1x16xf32>,
      %get3A_395 = arith.index_cast %scan3A_368 : i32 to index
      %get3A_396 = arith.constant 32 : index
      %get3A_397 = tpu.vector_load %arg14[%get3A_395, %get3A_396] {strides = array<i32>} : memref<128x128xf32, #tpu.memory_space<vmem>>, vector<1x16xf32>,
      %get3A_398 = vector.shape_cast %get3A_397 : vector<1x16xf32> to vector<16xf32>
      %get3A_399 = arith.index_cast %scan3A_368 : i32 to index
      %get3A_400 = arith.constant 32 : index
      %get3A_401 = tpu.vector_load %arg15[%get3A_399, %get3A_400] {strides = array<i32>} : memref<128x128xf32, #tpu.memory_space<vmem>>, vector<1x16xf32>,
      %get3A_402 = vector.shape_cast %get3A_401 : vector<1x16xf32> to vector<16xf32>
      %add3A_403 = arith.addf %get3A_398, %get3A_402 : vector<16xf32>
      %swap3A_404 = arith.index_cast %scan3A_368 : i32 to index
      %swap3A_405 = arith.constant 32 : index
      %swap3A_406 = tpu.vector_load %arg14[%swap3A_404, %swap3A_405] {strides = array<i32>} : memref<128x128xf32, #tpu.memory_space<vmem>>, vector<1x16xf32>,
      %swap3A_407 = vector.shape_cast %swap3A_406 : vector<1x16xf32> to vector<16xf32>
      %swap3A_408 = vector.shape_cast %add3A_403 : vector<16xf32> to vector<1x16xf32>
      tpu.vector_store %arg14[%swap3A_404, %swap3A_405], %swap3A_408 {strides = array<i32>} : memref<128x128xf32, #tpu.memory_space<vmem>>, vector<1x16xf32>,
      %get3A_409 = arith.index_cast %scan3A_368 : i32 to index
      %get3A_410 = arith.constant 48 : index
      %get3A_411 = tpu.vector_load %arg14[%get3A_409, %get3A_410] {strides = array<i32>} : memref<128x128xf32, #tpu.memory_space<vmem>>, vector<1x16xf32>,
      %get3A_412 = vector.shape_cast %get3A_411 : vector<1x16xf32> to vector<16xf32>
      %get3A_413 = arith.index_cast %scan3A_368 : i32 to index
      %get3A_414 = arith.constant 48 : index
      %get3A_415 = tpu.vector_load %arg15[%get3A_413, %get3A_414] {strides = array<i32>} : memref<128x128xf32, #tpu.memory_space<vmem>>, vector<1x16xf32>,
      %get3A_416 = vector.shape_cast %get3A_415 : vector<1x16xf32> to vector<16xf32>
      %add3A_417 = arith.addf %get3A_412, %get3A_416 : vector<16xf32>
      %swap3A_418 = arith.index_cast %scan3A_368 : i32 to index
      %swap3A_419 = arith.constant 48 : index
      %swap3A_420 = tpu.vector_load %arg14[%swap3A_418, %swap3A_419] {strides = array<i32>} : memref<128x128xf32, #tpu.memory_space<vmem>>, vector<1x16xf32>,
      %swap3A_421 = vector.shape_cast %swap3A_420 : vector<1x16xf32> to vector<16xf32>
      %swap3A_422 = vector.shape_cast %add3A_417 : vector<16xf32> to vector<1x16xf32>
      tpu.vector_store %arg14[%swap3A_418, %swap3A_419], %swap3A_422 {strides = array<i32>} : memref<128x128xf32, #tpu.memory_space<vmem>>, vector<1x16xf32>,
      %get3A_423 = arith.index_cast %scan3A_368 : i32 to index
      %get3A_424 = arith.constant 64 : index
      %get3A_425 = tpu.vector_load %arg14[%get3A_423, %get3A_424] {strides = array<i32>} : memref<128x128xf32, #tpu.memory_space<vmem>>, vector<1x16xf32>,
      %get3A_426 = vector.shape_cast %get3A_425 : vector<1x16xf32> to vector<16xf32>
      %get3A_427 = arith.index_cast %scan3A_368 : i32 to index
      %get3A_428 = arith.constant 64 : index
      %get3A_429 = tpu.vector_load %arg15[%get3A_427, %get3A_428] {strides = array<i32>} : memref<128x128xf32, #tpu.memory_space<vmem>>, vector<1x16xf32>,
      %get3A_430 = vector.shape_cast %get3A_429 : vector<1x16xf32> to vector<16xf32>
      %add3A_431 = arith.addf %get3A_426, %get3A_430 : vector<16xf32>
      %swap3A_432 = arith.index_cast %scan3A_368 : i32 to index
      %swap3A_433 = arith.constant 64 : index
      %swap3A_434 = tpu.vector_load %arg14[%swap3A_432, %swap3A_433] {strides = array<i32>} : memref<128x128xf32, #tpu.memory_space<vmem>>, vector<1x16xf32>,
      %swap3A_435 = vector.shape_cast %swap3A_434 : vector<1x16xf32> to vector<16xf32>
      %swap3A_436 = vector.shape_cast %add3A_431 : vector<16xf32> to vector<1x16xf32>
      tpu.vector_store %arg14[%swap3A_432, %swap3A_433], %swap3A_436 {strides = array<i32>} : memref<128x128xf32, #tpu.memory_space<vmem>>, vector<1x16xf32>,
      %get3A_437 = arith.index_cast %scan3A_368 : i32 to index
      %get3A_438 = arith.constant 80 : index
      %get3A_439 = tpu.vector_load %arg14[%get3A_437, %get3A_438] {strides = array<i32>} : memref<128x128xf32, #tpu.memory_space<vmem>>, vector<1x16xf32>,
      %get3A_440 = vector.shape_cast %get3A_439 : vector<1x16xf32> to vector<16xf32>
      %get3A_441 = arith.index_cast %scan3A_368 : i32 to index
      %get3A_442 = arith.constant 80 : index
      %get3A_443 = tpu.vector_load %arg15[%get3A_441, %get3A_442] {strides = array<i32>} : memref<128x128xf32, #tpu.memory_space<vmem>>, vector<1x16xf32>,
      %get3A_444 = vector.shape_cast %get3A_443 : vector<1x16xf32> to vector<16xf32>
      %add3A_445 = arith.addf %get3A_440, %get3A_444 : vector<16xf32>
      %swap3A_446 = arith.index_cast %scan3A_368 : i32 to index
      %swap3A_447 = arith.constant 80 : index
      %swap3A_448 = tpu.vector_load %arg14[%swap3A_446, %swap3A_447] {strides = array<i32>} : memref<128x128xf32, #tpu.memory_space<vmem>>, vector<1x16xf32>,
      %swap3A_449 = vector.shape_cast %swap3A_448 : vector<1x16xf32> to vector<16xf32>
      %swap3A_450 = vector.shape_cast %add3A_445 : vector<16xf32> to vector<1x16xf32>
      tpu.vector_store %arg14[%swap3A_446, %swap3A_447], %swap3A_450 {strides = array<i32>} : memref<128x128xf32, #tpu.memory_space<vmem>>, vector<1x16xf32>,
      %get3A_451 = arith.index_cast %scan3A_368 : i32 to index
      %get3A_452 = arith.constant 96 : index
      %get3A_453 = tpu.vector_load %arg14[%get3A_451, %get3A_452] {strides = array<i32>} : memref<128x128xf32, #tpu.memory_space<vmem>>, vector<1x16xf32>,
      %get3A_454 = vector.shape_cast %get3A_453 : vector<1x16xf32> to vector<16xf32>
      %get3A_455 = arith.index_cast %scan3A_368 : i32 to index
      %get3A_456 = arith.constant 96 : index
      %get3A_457 = tpu.vector_load %arg15[%get3A_455, %get3A_456] {strides = array<i32>} : memref<128x128xf32, #tpu.memory_space<vmem>>, vector<1x16xf32>,
      %get3A_458 = vector.shape_cast %get3A_457 : vector<1x16xf32> to vector<16xf32>
      %add3A_459 = arith.addf %get3A_454, %get3A_458 : vector<16xf32>
      %swap3A_460 = arith.index_cast %scan3A_368 : i32 to index
      %swap3A_461 = arith.constant 96 : index
      %swap3A_462 = tpu.vector_load %arg14[%swap3A_460, %swap3A_461] {strides = array<i32>} : memref<128x128xf32, #tpu.memory_space<vmem>>, vector<1x16xf32>,
      %swap3A_463 = vector.shape_cast %swap3A_462 : vector<1x16xf32> to vector<16xf32>
      %swap3A_464 = vector.shape_cast %add3A_459 : vector<16xf32> to vector<1x16xf32>
      tpu.vector_store %arg14[%swap3A_460, %swap3A_461], %swap3A_464 {strides = array<i32>} : memref<128x128xf32, #tpu.memory_space<vmem>>, vector<1x16xf32>,
      %get3A_465 = arith.index_cast %scan3A_368 : i32 to index
      %get3A_466 = arith.constant 112 : index
      %get3A_467 = tpu.vector_load %arg14[%get3A_465, %get3A_466] {strides = array<i32>} : memref<128x128xf32, #tpu.memory_space<vmem>>, vector<1x16xf32>,
      %get3A_468 = vector.shape_cast %get3A_467 : vector<1x16xf32> to vector<16xf32>
      %get3A_469 = arith.index_cast %scan3A_368 : i32 to index
      %get3A_470 = arith.constant 112 : index
      %get3A_471 = tpu.vector_load %arg15[%get3A_469, %get3A_470] {strides = array<i32>} : memref<128x128xf32, #tpu.memory_space<vmem>>, vector<1x16xf32>,
      %get3A_472 = vector.shape_cast %get3A_471 : vector<1x16xf32> to vector<16xf32>
      %add3A_473 = arith.addf %get3A_468, %get3A_472 : vector<16xf32>
      %swap3A_474 = arith.index_cast %scan3A_368 : i32 to index
      %swap3A_475 = arith.constant 112 : index
      %swap3A_476 = tpu.vector_load %arg14[%swap3A_474, %swap3A_475] {strides = array<i32>} : memref<128x128xf32, #tpu.memory_space<vmem>>, vector<1x16xf32>,
      %swap3A_477 = vector.shape_cast %swap3A_476 : vector<1x16xf32> to vector<16xf32>
      %swap3A_478 = vector.shape_cast %add3A_473 : vector<16xf32> to vector<1x16xf32>
      tpu.vector_store %arg14[%swap3A_474, %swap3A_475], %swap3A_478 {strides = array<i32>} : memref<128x128xf32, #tpu.memory_space<vmem>>, vector<1x16xf32>,
    }
    %scan3A_207 = arith.constant 128 : i32
    %jit3A_208 = arith.constant 8192 : i32
    %div3A_209 = arith.divsi %add3A_195, %jit3A_208 : i32
    %sign3A_210 = arith.constant 0 : i32
    %sign3A_211 = arith.cmpi sgt, %add3A_195, %sign3A_210 : i32
    %sign3A_212 = arith.extui %sign3A_211 : i1 to i32
    %sign3A_213 = arith.constant 0 : i32
    %sign3A_214 = arith.cmpi slt, %add3A_195, %sign3A_213 : i32
    %sign3A_215 = arith.extui %sign3A_214 : i1 to i32
    %sign3A_216 = arith.subi %sign3A_212, %sign3A_215 : i32
    %sign3A_217 = arith.constant 0 : i32
    %sign3A_218 = arith.cmpi sgt, %jit3A_208, %sign3A_217 : i32
    %sign3A_219 = arith.extui %sign3A_218 : i1 to i32
    %sign3A_220 = arith.constant 0 : i32
    %sign3A_221 = arith.cmpi slt, %jit3A_208, %sign3A_220 : i32
    %sign3A_222 = arith.extui %sign3A_221 : i1 to i32
    %sign3A_223 = arith.subi %sign3A_219, %sign3A_222 : i32
    %ne3A_224 = arith.cmpi ne, %sign3A_216, %sign3A_223 : i32
    %rem3A_225 = arith.remsi %add3A_195, %jit3A_208 : i32
    %ne3A_226 = arith.constant 0 : i32
    %ne3A_227 = arith.cmpi ne, %rem3A_225, %ne3A_226 : i32
    %and3A_228 = arith.andi %ne3A_224, %ne3A_227 : i1
    %sub3A_229 = arith.constant 1 : i32
    %sub3A_230 = arith.subi %div3A_209, %sub3A_229 : i32
    %select_n3A_231 = arith.select %and3A_228, %sub3A_230, %div3A_209 : i32
    %eq3A_232 = arith.cmpi eq, %select_n3A_231, %arg0 : i32
    %convert_element_type3A_233 = arith.extui %eq3A_232 : i1 to i32
    %cond3A_234 = arith.constant 0 : i32
    %cond3A_235 = arith.cmpi ne, %convert_element_type3A_233, %cond3A_234 : i32
    scf.if %cond3A_235 {
      "tpu.region"() ({
        %run_scoped3A = tpu.sem_alloc : memref<!tpu.dma_semaphore, #tpu.memory_space<semaphore_mem>>
        %dma_start3A_368 = arith.constant 0 : i32
        %dma_start3A_369 = tpu.memref_slice %arg5[%add3A_195, %dma_start3A_368] : memref<16384x128xf32, #tpu.memory_space<hbm>> -> memref<128x128xf32, #tpu.memory_space<hbm>>
        %dma_start3A_370 = arith.constant 0 : i32
        %dma_start3A_371 = tpu.memref_slice %arg5[%add3A_195, %dma_start3A_370] : memref<16384x128xf32, #tpu.memory_space<hbm>> -> memref<128x128xf32, #tpu.memory_space<hbm>>
        tpu.enqueue_dma source(%arg14 : memref<128x128xf32, #tpu.memory_space<vmem>>) target(%dma_start3A_371 : memref<128x128xf32, #tpu.memory_space<hbm>>) target_semaphore(%run_scoped3A : memref<!tpu.dma_semaphore, #tpu.memory_space<semaphore_mem>>)
        %dma_wait3A_372 = arith.constant 0 : i32
        %dma_wait3A_373 = tpu.memref_slice %arg5[%add3A_195, %dma_wait3A_372] : memref<16384x128xf32, #tpu.memory_space<hbm>> -> memref<128x128xf32, #tpu.memory_space<hbm>>
        %dma_wait3A_374 = arith.constant 0 : i32
        %dma_wait3A_375 = tpu.memref_slice %arg5[%add3A_195, %dma_wait3A_374] : memref<16384x128xf32, #tpu.memory_space<hbm>> -> memref<128x128xf32, #tpu.memory_space<hbm>>
        tpu.wait_dma2 semaphore(%run_scoped3A : memref<!tpu.dma_semaphore, #tpu.memory_space<semaphore_mem>>) src(%arg14 : memref<128x128xf32, #tpu.memory_space<vmem>>) dst(%dma_wait3A_375 : memref<128x128xf32, #tpu.memory_space<hbm>>)
        tpu.yield
      }) : () -> ()
    } else {
    }
    %mul3A_236 = arith.constant 1024 : i32
    %mul3A_237 = arith.muli %arg1, %mul3A_236 : i32
    %add3A_238 = arith.constant 640 : i32
    %add3A_239 = arith.addi %mul3A_237, %add3A_238 : i32
    %dma_start3A_240 = arith.constant 0 : i32
    %dma_start3A_241 = arith.constant 0 : i32
    %dma_start3A_242 = tpu.memref_slice %arg2[%dma_start3A_240, %dma_start3A_241] : memref<500000x128xf32, #tpu.memory_space<hbm>> -> memref<500000x128xf32, #tpu.memory_space<hbm>>
    tpu.enqueue_indirect_dma source(%dma_start3A_242 : memref<500000x128xf32, #tpu.memory_space<hbm>>) target(%arg14 : memref<128x128xf32, #tpu.memory_space<vmem>>) offsets(%arg11 : memref<128xi32, #tpu.memory_space<vmem>>) semaphore(%arg16 : memref<!tpu.dma_semaphore, #tpu.memory_space<semaphore_mem>>)
    %dma_wait3A_243 = arith.constant 0 : i32
    %dma_wait3A_244 = arith.constant 0 : i32
    %dma_wait3A_245 = tpu.memref_slice %arg2[%dma_wait3A_243, %dma_wait3A_244] : memref<500000x128xf32, #tpu.memory_space<hbm>> -> memref<500000x128xf32, #tpu.memory_space<hbm>>
    tpu.wait_indirect_dma semaphore(%arg16 : memref<!tpu.dma_semaphore, #tpu.memory_space<semaphore_mem>>) src(%dma_wait3A_245 : memref<500000x128xf32, #tpu.memory_space<hbm>>) dst(%arg14 : memref<128x128xf32, #tpu.memory_space<vmem>>)
    "tpu.region"() ({
      %run_scoped3A = tpu.sem_alloc : memref<!tpu.dma_semaphore, #tpu.memory_space<semaphore_mem>>
      %dma_start3A_368 = arith.constant 0 : i32
      %dma_start3A_369 = tpu.memref_slice %arg4[%add3A_239, %dma_start3A_368] : memref<16384x128xf32, #tpu.memory_space<hbm>> -> memref<128x128xf32, #tpu.memory_space<hbm>>
      %dma_start3A_370 = arith.constant 0 : i32
      %dma_start3A_371 = tpu.memref_slice %arg4[%add3A_239, %dma_start3A_370] : memref<16384x128xf32, #tpu.memory_space<hbm>> -> memref<128x128xf32, #tpu.memory_space<hbm>>
      tpu.enqueue_dma source(%dma_start3A_371 : memref<128x128xf32, #tpu.memory_space<hbm>>) target(%arg15 : memref<128x128xf32, #tpu.memory_space<vmem>>) target_semaphore(%run_scoped3A : memref<!tpu.dma_semaphore, #tpu.memory_space<semaphore_mem>>)
      %dma_wait3A_372 = arith.constant 0 : i32
      %dma_wait3A_373 = tpu.memref_slice %arg4[%add3A_239, %dma_wait3A_372] : memref<16384x128xf32, #tpu.memory_space<hbm>> -> memref<128x128xf32, #tpu.memory_space<hbm>>
      %dma_wait3A_374 = arith.constant 0 : i32
      %dma_wait3A_375 = tpu.memref_slice %arg4[%add3A_239, %dma_wait3A_374] : memref<16384x128xf32, #tpu.memory_space<hbm>> -> memref<128x128xf32, #tpu.memory_space<hbm>>
      tpu.wait_dma2 semaphore(%run_scoped3A : memref<!tpu.dma_semaphore, #tpu.memory_space<semaphore_mem>>) src(%dma_wait3A_375 : memref<128x128xf32, #tpu.memory_space<hbm>>) dst(%arg15 : memref<128x128xf32, #tpu.memory_space<vmem>>)
      tpu.yield
    }) : () -> ()
    %scan3A_246 = arith.constant 0 : i32
    %scan3A_247 = arith.constant 0 : i32
    %scan3A_248 = arith.constant 128 : i32
    %scan3A_249 = arith.addi %scan3A_247, %scan3A_248 : i32
    %scan3A_250 = arith.constant 1 : i32
    scf.for %scan3A_368 = %scan3A_247 to %scan3A_249 step %scan3A_250  : i32 {
      %get3A = arith.index_cast %scan3A_368 : i32 to index
      %get3A_369 = arith.constant 0 : index
      %get3A_370 = tpu.vector_load %arg14[%get3A, %get3A_369] {strides = array<i32>} : memref<128x128xf32, #tpu.memory_space<vmem>>, vector<1x16xf32>,
      %get3A_371 = vector.shape_cast %get3A_370 : vector<1x16xf32> to vector<16xf32>
      %get3A_372 = arith.index_cast %scan3A_368 : i32 to index
      %get3A_373 = arith.constant 0 : index
      %get3A_374 = tpu.vector_load %arg15[%get3A_372, %get3A_373] {strides = array<i32>} : memref<128x128xf32, #tpu.memory_space<vmem>>, vector<1x16xf32>,
      %get3A_375 = vector.shape_cast %get3A_374 : vector<1x16xf32> to vector<16xf32>
      %add3A_376 = arith.addf %get3A_371, %get3A_375 : vector<16xf32>
      %swap3A = arith.index_cast %scan3A_368 : i32 to index
      %swap3A_377 = arith.constant 0 : index
      %swap3A_378 = tpu.vector_load %arg14[%swap3A, %swap3A_377] {strides = array<i32>} : memref<128x128xf32, #tpu.memory_space<vmem>>, vector<1x16xf32>,
      %swap3A_379 = vector.shape_cast %swap3A_378 : vector<1x16xf32> to vector<16xf32>
      %swap3A_380 = vector.shape_cast %add3A_376 : vector<16xf32> to vector<1x16xf32>
      tpu.vector_store %arg14[%swap3A, %swap3A_377], %swap3A_380 {strides = array<i32>} : memref<128x128xf32, #tpu.memory_space<vmem>>, vector<1x16xf32>,
      %get3A_381 = arith.index_cast %scan3A_368 : i32 to index
      %get3A_382 = arith.constant 16 : index
      %get3A_383 = tpu.vector_load %arg14[%get3A_381, %get3A_382] {strides = array<i32>} : memref<128x128xf32, #tpu.memory_space<vmem>>, vector<1x16xf32>,
      %get3A_384 = vector.shape_cast %get3A_383 : vector<1x16xf32> to vector<16xf32>
      %get3A_385 = arith.index_cast %scan3A_368 : i32 to index
      %get3A_386 = arith.constant 16 : index
      %get3A_387 = tpu.vector_load %arg15[%get3A_385, %get3A_386] {strides = array<i32>} : memref<128x128xf32, #tpu.memory_space<vmem>>, vector<1x16xf32>,
      %get3A_388 = vector.shape_cast %get3A_387 : vector<1x16xf32> to vector<16xf32>
      %add3A_389 = arith.addf %get3A_384, %get3A_388 : vector<16xf32>
      %swap3A_390 = arith.index_cast %scan3A_368 : i32 to index
      %swap3A_391 = arith.constant 16 : index
      %swap3A_392 = tpu.vector_load %arg14[%swap3A_390, %swap3A_391] {strides = array<i32>} : memref<128x128xf32, #tpu.memory_space<vmem>>, vector<1x16xf32>,
      %swap3A_393 = vector.shape_cast %swap3A_392 : vector<1x16xf32> to vector<16xf32>
      %swap3A_394 = vector.shape_cast %add3A_389 : vector<16xf32> to vector<1x16xf32>
      tpu.vector_store %arg14[%swap3A_390, %swap3A_391], %swap3A_394 {strides = array<i32>} : memref<128x128xf32, #tpu.memory_space<vmem>>, vector<1x16xf32>,
      %get3A_395 = arith.index_cast %scan3A_368 : i32 to index
      %get3A_396 = arith.constant 32 : index
      %get3A_397 = tpu.vector_load %arg14[%get3A_395, %get3A_396] {strides = array<i32>} : memref<128x128xf32, #tpu.memory_space<vmem>>, vector<1x16xf32>,
      %get3A_398 = vector.shape_cast %get3A_397 : vector<1x16xf32> to vector<16xf32>
      %get3A_399 = arith.index_cast %scan3A_368 : i32 to index
      %get3A_400 = arith.constant 32 : index
      %get3A_401 = tpu.vector_load %arg15[%get3A_399, %get3A_400] {strides = array<i32>} : memref<128x128xf32, #tpu.memory_space<vmem>>, vector<1x16xf32>,
      %get3A_402 = vector.shape_cast %get3A_401 : vector<1x16xf32> to vector<16xf32>
      %add3A_403 = arith.addf %get3A_398, %get3A_402 : vector<16xf32>
      %swap3A_404 = arith.index_cast %scan3A_368 : i32 to index
      %swap3A_405 = arith.constant 32 : index
      %swap3A_406 = tpu.vector_load %arg14[%swap3A_404, %swap3A_405] {strides = array<i32>} : memref<128x128xf32, #tpu.memory_space<vmem>>, vector<1x16xf32>,
      %swap3A_407 = vector.shape_cast %swap3A_406 : vector<1x16xf32> to vector<16xf32>
      %swap3A_408 = vector.shape_cast %add3A_403 : vector<16xf32> to vector<1x16xf32>
      tpu.vector_store %arg14[%swap3A_404, %swap3A_405], %swap3A_408 {strides = array<i32>} : memref<128x128xf32, #tpu.memory_space<vmem>>, vector<1x16xf32>,
      %get3A_409 = arith.index_cast %scan3A_368 : i32 to index
      %get3A_410 = arith.constant 48 : index
      %get3A_411 = tpu.vector_load %arg14[%get3A_409, %get3A_410] {strides = array<i32>} : memref<128x128xf32, #tpu.memory_space<vmem>>, vector<1x16xf32>,
      %get3A_412 = vector.shape_cast %get3A_411 : vector<1x16xf32> to vector<16xf32>
      %get3A_413 = arith.index_cast %scan3A_368 : i32 to index
      %get3A_414 = arith.constant 48 : index
      %get3A_415 = tpu.vector_load %arg15[%get3A_413, %get3A_414] {strides = array<i32>} : memref<128x128xf32, #tpu.memory_space<vmem>>, vector<1x16xf32>,
      %get3A_416 = vector.shape_cast %get3A_415 : vector<1x16xf32> to vector<16xf32>
      %add3A_417 = arith.addf %get3A_412, %get3A_416 : vector<16xf32>
      %swap3A_418 = arith.index_cast %scan3A_368 : i32 to index
      %swap3A_419 = arith.constant 48 : index
      %swap3A_420 = tpu.vector_load %arg14[%swap3A_418, %swap3A_419] {strides = array<i32>} : memref<128x128xf32, #tpu.memory_space<vmem>>, vector<1x16xf32>,
      %swap3A_421 = vector.shape_cast %swap3A_420 : vector<1x16xf32> to vector<16xf32>
      %swap3A_422 = vector.shape_cast %add3A_417 : vector<16xf32> to vector<1x16xf32>
      tpu.vector_store %arg14[%swap3A_418, %swap3A_419], %swap3A_422 {strides = array<i32>} : memref<128x128xf32, #tpu.memory_space<vmem>>, vector<1x16xf32>,
      %get3A_423 = arith.index_cast %scan3A_368 : i32 to index
      %get3A_424 = arith.constant 64 : index
      %get3A_425 = tpu.vector_load %arg14[%get3A_423, %get3A_424] {strides = array<i32>} : memref<128x128xf32, #tpu.memory_space<vmem>>, vector<1x16xf32>,
      %get3A_426 = vector.shape_cast %get3A_425 : vector<1x16xf32> to vector<16xf32>
      %get3A_427 = arith.index_cast %scan3A_368 : i32 to index
      %get3A_428 = arith.constant 64 : index
      %get3A_429 = tpu.vector_load %arg15[%get3A_427, %get3A_428] {strides = array<i32>} : memref<128x128xf32, #tpu.memory_space<vmem>>, vector<1x16xf32>,
      %get3A_430 = vector.shape_cast %get3A_429 : vector<1x16xf32> to vector<16xf32>
      %add3A_431 = arith.addf %get3A_426, %get3A_430 : vector<16xf32>
      %swap3A_432 = arith.index_cast %scan3A_368 : i32 to index
      %swap3A_433 = arith.constant 64 : index
      %swap3A_434 = tpu.vector_load %arg14[%swap3A_432, %swap3A_433] {strides = array<i32>} : memref<128x128xf32, #tpu.memory_space<vmem>>, vector<1x16xf32>,
      %swap3A_435 = vector.shape_cast %swap3A_434 : vector<1x16xf32> to vector<16xf32>
      %swap3A_436 = vector.shape_cast %add3A_431 : vector<16xf32> to vector<1x16xf32>
      tpu.vector_store %arg14[%swap3A_432, %swap3A_433], %swap3A_436 {strides = array<i32>} : memref<128x128xf32, #tpu.memory_space<vmem>>, vector<1x16xf32>,
      %get3A_437 = arith.index_cast %scan3A_368 : i32 to index
      %get3A_438 = arith.constant 80 : index
      %get3A_439 = tpu.vector_load %arg14[%get3A_437, %get3A_438] {strides = array<i32>} : memref<128x128xf32, #tpu.memory_space<vmem>>, vector<1x16xf32>,
      %get3A_440 = vector.shape_cast %get3A_439 : vector<1x16xf32> to vector<16xf32>
      %get3A_441 = arith.index_cast %scan3A_368 : i32 to index
      %get3A_442 = arith.constant 80 : index
      %get3A_443 = tpu.vector_load %arg15[%get3A_441, %get3A_442] {strides = array<i32>} : memref<128x128xf32, #tpu.memory_space<vmem>>, vector<1x16xf32>,
      %get3A_444 = vector.shape_cast %get3A_443 : vector<1x16xf32> to vector<16xf32>
      %add3A_445 = arith.addf %get3A_440, %get3A_444 : vector<16xf32>
      %swap3A_446 = arith.index_cast %scan3A_368 : i32 to index
      %swap3A_447 = arith.constant 80 : index
      %swap3A_448 = tpu.vector_load %arg14[%swap3A_446, %swap3A_447] {strides = array<i32>} : memref<128x128xf32, #tpu.memory_space<vmem>>, vector<1x16xf32>,
      %swap3A_449 = vector.shape_cast %swap3A_448 : vector<1x16xf32> to vector<16xf32>
      %swap3A_450 = vector.shape_cast %add3A_445 : vector<16xf32> to vector<1x16xf32>
      tpu.vector_store %arg14[%swap3A_446, %swap3A_447], %swap3A_450 {strides = array<i32>} : memref<128x128xf32, #tpu.memory_space<vmem>>, vector<1x16xf32>,
      %get3A_451 = arith.index_cast %scan3A_368 : i32 to index
      %get3A_452 = arith.constant 96 : index
      %get3A_453 = tpu.vector_load %arg14[%get3A_451, %get3A_452] {strides = array<i32>} : memref<128x128xf32, #tpu.memory_space<vmem>>, vector<1x16xf32>,
      %get3A_454 = vector.shape_cast %get3A_453 : vector<1x16xf32> to vector<16xf32>
      %get3A_455 = arith.index_cast %scan3A_368 : i32 to index
      %get3A_456 = arith.constant 96 : index
      %get3A_457 = tpu.vector_load %arg15[%get3A_455, %get3A_456] {strides = array<i32>} : memref<128x128xf32, #tpu.memory_space<vmem>>, vector<1x16xf32>,
      %get3A_458 = vector.shape_cast %get3A_457 : vector<1x16xf32> to vector<16xf32>
      %add3A_459 = arith.addf %get3A_454, %get3A_458 : vector<16xf32>
      %swap3A_460 = arith.index_cast %scan3A_368 : i32 to index
      %swap3A_461 = arith.constant 96 : index
      %swap3A_462 = tpu.vector_load %arg14[%swap3A_460, %swap3A_461] {strides = array<i32>} : memref<128x128xf32, #tpu.memory_space<vmem>>, vector<1x16xf32>,
      %swap3A_463 = vector.shape_cast %swap3A_462 : vector<1x16xf32> to vector<16xf32>
      %swap3A_464 = vector.shape_cast %add3A_459 : vector<16xf32> to vector<1x16xf32>
      tpu.vector_store %arg14[%swap3A_460, %swap3A_461], %swap3A_464 {strides = array<i32>} : memref<128x128xf32, #tpu.memory_space<vmem>>, vector<1x16xf32>,
      %get3A_465 = arith.index_cast %scan3A_368 : i32 to index
      %get3A_466 = arith.constant 112 : index
      %get3A_467 = tpu.vector_load %arg14[%get3A_465, %get3A_466] {strides = array<i32>} : memref<128x128xf32, #tpu.memory_space<vmem>>, vector<1x16xf32>,
      %get3A_468 = vector.shape_cast %get3A_467 : vector<1x16xf32> to vector<16xf32>
      %get3A_469 = arith.index_cast %scan3A_368 : i32 to index
      %get3A_470 = arith.constant 112 : index
      %get3A_471 = tpu.vector_load %arg15[%get3A_469, %get3A_470] {strides = array<i32>} : memref<128x128xf32, #tpu.memory_space<vmem>>, vector<1x16xf32>,
      %get3A_472 = vector.shape_cast %get3A_471 : vector<1x16xf32> to vector<16xf32>
      %add3A_473 = arith.addf %get3A_468, %get3A_472 : vector<16xf32>
      %swap3A_474 = arith.index_cast %scan3A_368 : i32 to index
      %swap3A_475 = arith.constant 112 : index
      %swap3A_476 = tpu.vector_load %arg14[%swap3A_474, %swap3A_475] {strides = array<i32>} : memref<128x128xf32, #tpu.memory_space<vmem>>, vector<1x16xf32>,
      %swap3A_477 = vector.shape_cast %swap3A_476 : vector<1x16xf32> to vector<16xf32>
      %swap3A_478 = vector.shape_cast %add3A_473 : vector<16xf32> to vector<1x16xf32>
      tpu.vector_store %arg14[%swap3A_474, %swap3A_475], %swap3A_478 {strides = array<i32>} : memref<128x128xf32, #tpu.memory_space<vmem>>, vector<1x16xf32>,
    }
    %scan3A_251 = arith.constant 128 : i32
    %jit3A_252 = arith.constant 8192 : i32
    %div3A_253 = arith.divsi %add3A_239, %jit3A_252 : i32
    %sign3A_254 = arith.constant 0 : i32
    %sign3A_255 = arith.cmpi sgt, %add3A_239, %sign3A_254 : i32
    %sign3A_256 = arith.extui %sign3A_255 : i1 to i32
    %sign3A_257 = arith.constant 0 : i32
    %sign3A_258 = arith.cmpi slt, %add3A_239, %sign3A_257 : i32
    %sign3A_259 = arith.extui %sign3A_258 : i1 to i32
    %sign3A_260 = arith.subi %sign3A_256, %sign3A_259 : i32
    %sign3A_261 = arith.constant 0 : i32
    %sign3A_262 = arith.cmpi sgt, %jit3A_252, %sign3A_261 : i32
    %sign3A_263 = arith.extui %sign3A_262 : i1 to i32
    %sign3A_264 = arith.constant 0 : i32
    %sign3A_265 = arith.cmpi slt, %jit3A_252, %sign3A_264 : i32
    %sign3A_266 = arith.extui %sign3A_265 : i1 to i32
    %sign3A_267 = arith.subi %sign3A_263, %sign3A_266 : i32
    %ne3A_268 = arith.cmpi ne, %sign3A_260, %sign3A_267 : i32
    %rem3A_269 = arith.remsi %add3A_239, %jit3A_252 : i32
    %ne3A_270 = arith.constant 0 : i32
    %ne3A_271 = arith.cmpi ne, %rem3A_269, %ne3A_270 : i32
    %and3A_272 = arith.andi %ne3A_268, %ne3A_271 : i1
    %sub3A_273 = arith.constant 1 : i32
    %sub3A_274 = arith.subi %div3A_253, %sub3A_273 : i32
    %select_n3A_275 = arith.select %and3A_272, %sub3A_274, %div3A_253 : i32
    %eq3A_276 = arith.cmpi eq, %select_n3A_275, %arg0 : i32
    %convert_element_type3A_277 = arith.extui %eq3A_276 : i1 to i32
    %cond3A_278 = arith.constant 0 : i32
    %cond3A_279 = arith.cmpi ne, %convert_element_type3A_277, %cond3A_278 : i32
    scf.if %cond3A_279 {
      "tpu.region"() ({
        %run_scoped3A = tpu.sem_alloc : memref<!tpu.dma_semaphore, #tpu.memory_space<semaphore_mem>>
        %dma_start3A_368 = arith.constant 0 : i32
        %dma_start3A_369 = tpu.memref_slice %arg5[%add3A_239, %dma_start3A_368] : memref<16384x128xf32, #tpu.memory_space<hbm>> -> memref<128x128xf32, #tpu.memory_space<hbm>>
        %dma_start3A_370 = arith.constant 0 : i32
        %dma_start3A_371 = tpu.memref_slice %arg5[%add3A_239, %dma_start3A_370] : memref<16384x128xf32, #tpu.memory_space<hbm>> -> memref<128x128xf32, #tpu.memory_space<hbm>>
        tpu.enqueue_dma source(%arg14 : memref<128x128xf32, #tpu.memory_space<vmem>>) target(%dma_start3A_371 : memref<128x128xf32, #tpu.memory_space<hbm>>) target_semaphore(%run_scoped3A : memref<!tpu.dma_semaphore, #tpu.memory_space<semaphore_mem>>)
        %dma_wait3A_372 = arith.constant 0 : i32
        %dma_wait3A_373 = tpu.memref_slice %arg5[%add3A_239, %dma_wait3A_372] : memref<16384x128xf32, #tpu.memory_space<hbm>> -> memref<128x128xf32, #tpu.memory_space<hbm>>
        %dma_wait3A_374 = arith.constant 0 : i32
        %dma_wait3A_375 = tpu.memref_slice %arg5[%add3A_239, %dma_wait3A_374] : memref<16384x128xf32, #tpu.memory_space<hbm>> -> memref<128x128xf32, #tpu.memory_space<hbm>>
        tpu.wait_dma2 semaphore(%run_scoped3A : memref<!tpu.dma_semaphore, #tpu.memory_space<semaphore_mem>>) src(%arg14 : memref<128x128xf32, #tpu.memory_space<vmem>>) dst(%dma_wait3A_375 : memref<128x128xf32, #tpu.memory_space<hbm>>)
        tpu.yield
      }) : () -> ()
    } else {
    }
    %mul3A_280 = arith.constant 1024 : i32
    %mul3A_281 = arith.muli %arg1, %mul3A_280 : i32
    %add3A_282 = arith.constant 768 : i32
    %add3A_283 = arith.addi %mul3A_281, %add3A_282 : i32
    %dma_start3A_284 = arith.constant 0 : i32
    %dma_start3A_285 = arith.constant 0 : i32
    %dma_start3A_286 = tpu.memref_slice %arg2[%dma_start3A_284, %dma_start3A_285] : memref<500000x128xf32, #tpu.memory_space<hbm>> -> memref<500000x128xf32, #tpu.memory_space<hbm>>
    tpu.enqueue_indirect_dma source(%dma_start3A_286 : memref<500000x128xf32, #tpu.memory_space<hbm>>) target(%arg14 : memref<128x128xf32, #tpu.memory_space<vmem>>) offsets(%arg12 : memref<128xi32, #tpu.memory_space<vmem>>) semaphore(%arg16 : memref<!tpu.dma_semaphore, #tpu.memory_space<semaphore_mem>>)
    %dma_wait3A_287 = arith.constant 0 : i32
    %dma_wait3A_288 = arith.constant 0 : i32
    %dma_wait3A_289 = tpu.memref_slice %arg2[%dma_wait3A_287, %dma_wait3A_288] : memref<500000x128xf32, #tpu.memory_space<hbm>> -> memref<500000x128xf32, #tpu.memory_space<hbm>>
    tpu.wait_indirect_dma semaphore(%arg16 : memref<!tpu.dma_semaphore, #tpu.memory_space<semaphore_mem>>) src(%dma_wait3A_289 : memref<500000x128xf32, #tpu.memory_space<hbm>>) dst(%arg14 : memref<128x128xf32, #tpu.memory_space<vmem>>)
    "tpu.region"() ({
      %run_scoped3A = tpu.sem_alloc : memref<!tpu.dma_semaphore, #tpu.memory_space<semaphore_mem>>
      %dma_start3A_368 = arith.constant 0 : i32
      %dma_start3A_369 = tpu.memref_slice %arg4[%add3A_283, %dma_start3A_368] : memref<16384x128xf32, #tpu.memory_space<hbm>> -> memref<128x128xf32, #tpu.memory_space<hbm>>
      %dma_start3A_370 = arith.constant 0 : i32
      %dma_start3A_371 = tpu.memref_slice %arg4[%add3A_283, %dma_start3A_370] : memref<16384x128xf32, #tpu.memory_space<hbm>> -> memref<128x128xf32, #tpu.memory_space<hbm>>
      tpu.enqueue_dma source(%dma_start3A_371 : memref<128x128xf32, #tpu.memory_space<hbm>>) target(%arg15 : memref<128x128xf32, #tpu.memory_space<vmem>>) target_semaphore(%run_scoped3A : memref<!tpu.dma_semaphore, #tpu.memory_space<semaphore_mem>>)
      %dma_wait3A_372 = arith.constant 0 : i32
      %dma_wait3A_373 = tpu.memref_slice %arg4[%add3A_283, %dma_wait3A_372] : memref<16384x128xf32, #tpu.memory_space<hbm>> -> memref<128x128xf32, #tpu.memory_space<hbm>>
      %dma_wait3A_374 = arith.constant 0 : i32
      %dma_wait3A_375 = tpu.memref_slice %arg4[%add3A_283, %dma_wait3A_374] : memref<16384x128xf32, #tpu.memory_space<hbm>> -> memref<128x128xf32, #tpu.memory_space<hbm>>
      tpu.wait_dma2 semaphore(%run_scoped3A : memref<!tpu.dma_semaphore, #tpu.memory_space<semaphore_mem>>) src(%dma_wait3A_375 : memref<128x128xf32, #tpu.memory_space<hbm>>) dst(%arg15 : memref<128x128xf32, #tpu.memory_space<vmem>>)
      tpu.yield
    }) : () -> ()
    %scan3A_290 = arith.constant 0 : i32
    %scan3A_291 = arith.constant 0 : i32
    %scan3A_292 = arith.constant 128 : i32
    %scan3A_293 = arith.addi %scan3A_291, %scan3A_292 : i32
    %scan3A_294 = arith.constant 1 : i32
    scf.for %scan3A_368 = %scan3A_291 to %scan3A_293 step %scan3A_294  : i32 {
      %get3A = arith.index_cast %scan3A_368 : i32 to index
      %get3A_369 = arith.constant 0 : index
      %get3A_370 = tpu.vector_load %arg14[%get3A, %get3A_369] {strides = array<i32>} : memref<128x128xf32, #tpu.memory_space<vmem>>, vector<1x16xf32>,
      %get3A_371 = vector.shape_cast %get3A_370 : vector<1x16xf32> to vector<16xf32>
      %get3A_372 = arith.index_cast %scan3A_368 : i32 to index
      %get3A_373 = arith.constant 0 : index
      %get3A_374 = tpu.vector_load %arg15[%get3A_372, %get3A_373] {strides = array<i32>} : memref<128x128xf32, #tpu.memory_space<vmem>>, vector<1x16xf32>,
      %get3A_375 = vector.shape_cast %get3A_374 : vector<1x16xf32> to vector<16xf32>
      %add3A_376 = arith.addf %get3A_371, %get3A_375 : vector<16xf32>
      %swap3A = arith.index_cast %scan3A_368 : i32 to index
      %swap3A_377 = arith.constant 0 : index
      %swap3A_378 = tpu.vector_load %arg14[%swap3A, %swap3A_377] {strides = array<i32>} : memref<128x128xf32, #tpu.memory_space<vmem>>, vector<1x16xf32>,
      %swap3A_379 = vector.shape_cast %swap3A_378 : vector<1x16xf32> to vector<16xf32>
      %swap3A_380 = vector.shape_cast %add3A_376 : vector<16xf32> to vector<1x16xf32>
      tpu.vector_store %arg14[%swap3A, %swap3A_377], %swap3A_380 {strides = array<i32>} : memref<128x128xf32, #tpu.memory_space<vmem>>, vector<1x16xf32>,
      %get3A_381 = arith.index_cast %scan3A_368 : i32 to index
      %get3A_382 = arith.constant 16 : index
      %get3A_383 = tpu.vector_load %arg14[%get3A_381, %get3A_382] {strides = array<i32>} : memref<128x128xf32, #tpu.memory_space<vmem>>, vector<1x16xf32>,
      %get3A_384 = vector.shape_cast %get3A_383 : vector<1x16xf32> to vector<16xf32>
      %get3A_385 = arith.index_cast %scan3A_368 : i32 to index
      %get3A_386 = arith.constant 16 : index
      %get3A_387 = tpu.vector_load %arg15[%get3A_385, %get3A_386] {strides = array<i32>} : memref<128x128xf32, #tpu.memory_space<vmem>>, vector<1x16xf32>,
      %get3A_388 = vector.shape_cast %get3A_387 : vector<1x16xf32> to vector<16xf32>
      %add3A_389 = arith.addf %get3A_384, %get3A_388 : vector<16xf32>
      %swap3A_390 = arith.index_cast %scan3A_368 : i32 to index
      %swap3A_391 = arith.constant 16 : index
      %swap3A_392 = tpu.vector_load %arg14[%swap3A_390, %swap3A_391] {strides = array<i32>} : memref<128x128xf32, #tpu.memory_space<vmem>>, vector<1x16xf32>,
      %swap3A_393 = vector.shape_cast %swap3A_392 : vector<1x16xf32> to vector<16xf32>
      %swap3A_394 = vector.shape_cast %add3A_389 : vector<16xf32> to vector<1x16xf32>
      tpu.vector_store %arg14[%swap3A_390, %swap3A_391], %swap3A_394 {strides = array<i32>} : memref<128x128xf32, #tpu.memory_space<vmem>>, vector<1x16xf32>,
      %get3A_395 = arith.index_cast %scan3A_368 : i32 to index
      %get3A_396 = arith.constant 32 : index
      %get3A_397 = tpu.vector_load %arg14[%get3A_395, %get3A_396] {strides = array<i32>} : memref<128x128xf32, #tpu.memory_space<vmem>>, vector<1x16xf32>,
      %get3A_398 = vector.shape_cast %get3A_397 : vector<1x16xf32> to vector<16xf32>
      %get3A_399 = arith.index_cast %scan3A_368 : i32 to index
      %get3A_400 = arith.constant 32 : index
      %get3A_401 = tpu.vector_load %arg15[%get3A_399, %get3A_400] {strides = array<i32>} : memref<128x128xf32, #tpu.memory_space<vmem>>, vector<1x16xf32>,
      %get3A_402 = vector.shape_cast %get3A_401 : vector<1x16xf32> to vector<16xf32>
      %add3A_403 = arith.addf %get3A_398, %get3A_402 : vector<16xf32>
      %swap3A_404 = arith.index_cast %scan3A_368 : i32 to index
      %swap3A_405 = arith.constant 32 : index
      %swap3A_406 = tpu.vector_load %arg14[%swap3A_404, %swap3A_405] {strides = array<i32>} : memref<128x128xf32, #tpu.memory_space<vmem>>, vector<1x16xf32>,
      %swap3A_407 = vector.shape_cast %swap3A_406 : vector<1x16xf32> to vector<16xf32>
      %swap3A_408 = vector.shape_cast %add3A_403 : vector<16xf32> to vector<1x16xf32>
      tpu.vector_store %arg14[%swap3A_404, %swap3A_405], %swap3A_408 {strides = array<i32>} : memref<128x128xf32, #tpu.memory_space<vmem>>, vector<1x16xf32>,
      %get3A_409 = arith.index_cast %scan3A_368 : i32 to index
      %get3A_410 = arith.constant 48 : index
      %get3A_411 = tpu.vector_load %arg14[%get3A_409, %get3A_410] {strides = array<i32>} : memref<128x128xf32, #tpu.memory_space<vmem>>, vector<1x16xf32>,
      %get3A_412 = vector.shape_cast %get3A_411 : vector<1x16xf32> to vector<16xf32>
      %get3A_413 = arith.index_cast %scan3A_368 : i32 to index
      %get3A_414 = arith.constant 48 : index
      %get3A_415 = tpu.vector_load %arg15[%get3A_413, %get3A_414] {strides = array<i32>} : memref<128x128xf32, #tpu.memory_space<vmem>>, vector<1x16xf32>,
      %get3A_416 = vector.shape_cast %get3A_415 : vector<1x16xf32> to vector<16xf32>
      %add3A_417 = arith.addf %get3A_412, %get3A_416 : vector<16xf32>
      %swap3A_418 = arith.index_cast %scan3A_368 : i32 to index
      %swap3A_419 = arith.constant 48 : index
      %swap3A_420 = tpu.vector_load %arg14[%swap3A_418, %swap3A_419] {strides = array<i32>} : memref<128x128xf32, #tpu.memory_space<vmem>>, vector<1x16xf32>,
      %swap3A_421 = vector.shape_cast %swap3A_420 : vector<1x16xf32> to vector<16xf32>
      %swap3A_422 = vector.shape_cast %add3A_417 : vector<16xf32> to vector<1x16xf32>
      tpu.vector_store %arg14[%swap3A_418, %swap3A_419], %swap3A_422 {strides = array<i32>} : memref<128x128xf32, #tpu.memory_space<vmem>>, vector<1x16xf32>,
      %get3A_423 = arith.index_cast %scan3A_368 : i32 to index
      %get3A_424 = arith.constant 64 : index
      %get3A_425 = tpu.vector_load %arg14[%get3A_423, %get3A_424] {strides = array<i32>} : memref<128x128xf32, #tpu.memory_space<vmem>>, vector<1x16xf32>,
      %get3A_426 = vector.shape_cast %get3A_425 : vector<1x16xf32> to vector<16xf32>
      %get3A_427 = arith.index_cast %scan3A_368 : i32 to index
      %get3A_428 = arith.constant 64 : index
      %get3A_429 = tpu.vector_load %arg15[%get3A_427, %get3A_428] {strides = array<i32>} : memref<128x128xf32, #tpu.memory_space<vmem>>, vector<1x16xf32>,
      %get3A_430 = vector.shape_cast %get3A_429 : vector<1x16xf32> to vector<16xf32>
      %add3A_431 = arith.addf %get3A_426, %get3A_430 : vector<16xf32>
      %swap3A_432 = arith.index_cast %scan3A_368 : i32 to index
      %swap3A_433 = arith.constant 64 : index
      %swap3A_434 = tpu.vector_load %arg14[%swap3A_432, %swap3A_433] {strides = array<i32>} : memref<128x128xf32, #tpu.memory_space<vmem>>, vector<1x16xf32>,
      %swap3A_435 = vector.shape_cast %swap3A_434 : vector<1x16xf32> to vector<16xf32>
      %swap3A_436 = vector.shape_cast %add3A_431 : vector<16xf32> to vector<1x16xf32>
      tpu.vector_store %arg14[%swap3A_432, %swap3A_433], %swap3A_436 {strides = array<i32>} : memref<128x128xf32, #tpu.memory_space<vmem>>, vector<1x16xf32>,
      %get3A_437 = arith.index_cast %scan3A_368 : i32 to index
      %get3A_438 = arith.constant 80 : index
      %get3A_439 = tpu.vector_load %arg14[%get3A_437, %get3A_438] {strides = array<i32>} : memref<128x128xf32, #tpu.memory_space<vmem>>, vector<1x16xf32>,
      %get3A_440 = vector.shape_cast %get3A_439 : vector<1x16xf32> to vector<16xf32>
      %get3A_441 = arith.index_cast %scan3A_368 : i32 to index
      %get3A_442 = arith.constant 80 : index
      %get3A_443 = tpu.vector_load %arg15[%get3A_441, %get3A_442] {strides = array<i32>} : memref<128x128xf32, #tpu.memory_space<vmem>>, vector<1x16xf32>,
      %get3A_444 = vector.shape_cast %get3A_443 : vector<1x16xf32> to vector<16xf32>
      %add3A_445 = arith.addf %get3A_440, %get3A_444 : vector<16xf32>
      %swap3A_446 = arith.index_cast %scan3A_368 : i32 to index
      %swap3A_447 = arith.constant 80 : index
      %swap3A_448 = tpu.vector_load %arg14[%swap3A_446, %swap3A_447] {strides = array<i32>} : memref<128x128xf32, #tpu.memory_space<vmem>>, vector<1x16xf32>,
      %swap3A_449 = vector.shape_cast %swap3A_448 : vector<1x16xf32> to vector<16xf32>
      %swap3A_450 = vector.shape_cast %add3A_445 : vector<16xf32> to vector<1x16xf32>
      tpu.vector_store %arg14[%swap3A_446, %swap3A_447], %swap3A_450 {strides = array<i32>} : memref<128x128xf32, #tpu.memory_space<vmem>>, vector<1x16xf32>,
      %get3A_451 = arith.index_cast %scan3A_368 : i32 to index
      %get3A_452 = arith.constant 96 : index
      %get3A_453 = tpu.vector_load %arg14[%get3A_451, %get3A_452] {strides = array<i32>} : memref<128x128xf32, #tpu.memory_space<vmem>>, vector<1x16xf32>,
      %get3A_454 = vector.shape_cast %get3A_453 : vector<1x16xf32> to vector<16xf32>
      %get3A_455 = arith.index_cast %scan3A_368 : i32 to index
      %get3A_456 = arith.constant 96 : index
      %get3A_457 = tpu.vector_load %arg15[%get3A_455, %get3A_456] {strides = array<i32>} : memref<128x128xf32, #tpu.memory_space<vmem>>, vector<1x16xf32>,
      %get3A_458 = vector.shape_cast %get3A_457 : vector<1x16xf32> to vector<16xf32>
      %add3A_459 = arith.addf %get3A_454, %get3A_458 : vector<16xf32>
      %swap3A_460 = arith.index_cast %scan3A_368 : i32 to index
      %swap3A_461 = arith.constant 96 : index
      %swap3A_462 = tpu.vector_load %arg14[%swap3A_460, %swap3A_461] {strides = array<i32>} : memref<128x128xf32, #tpu.memory_space<vmem>>, vector<1x16xf32>,
      %swap3A_463 = vector.shape_cast %swap3A_462 : vector<1x16xf32> to vector<16xf32>
      %swap3A_464 = vector.shape_cast %add3A_459 : vector<16xf32> to vector<1x16xf32>
      tpu.vector_store %arg14[%swap3A_460, %swap3A_461], %swap3A_464 {strides = array<i32>} : memref<128x128xf32, #tpu.memory_space<vmem>>, vector<1x16xf32>,
      %get3A_465 = arith.index_cast %scan3A_368 : i32 to index
      %get3A_466 = arith.constant 112 : index
      %get3A_467 = tpu.vector_load %arg14[%get3A_465, %get3A_466] {strides = array<i32>} : memref<128x128xf32, #tpu.memory_space<vmem>>, vector<1x16xf32>,
      %get3A_468 = vector.shape_cast %get3A_467 : vector<1x16xf32> to vector<16xf32>
      %get3A_469 = arith.index_cast %scan3A_368 : i32 to index
      %get3A_470 = arith.constant 112 : index
      %get3A_471 = tpu.vector_load %arg15[%get3A_469, %get3A_470] {strides = array<i32>} : memref<128x128xf32, #tpu.memory_space<vmem>>, vector<1x16xf32>,
      %get3A_472 = vector.shape_cast %get3A_471 : vector<1x16xf32> to vector<16xf32>
      %add3A_473 = arith.addf %get3A_468, %get3A_472 : vector<16xf32>
      %swap3A_474 = arith.index_cast %scan3A_368 : i32 to index
      %swap3A_475 = arith.constant 112 : index
      %swap3A_476 = tpu.vector_load %arg14[%swap3A_474, %swap3A_475] {strides = array<i32>} : memref<128x128xf32, #tpu.memory_space<vmem>>, vector<1x16xf32>,
      %swap3A_477 = vector.shape_cast %swap3A_476 : vector<1x16xf32> to vector<16xf32>
      %swap3A_478 = vector.shape_cast %add3A_473 : vector<16xf32> to vector<1x16xf32>
      tpu.vector_store %arg14[%swap3A_474, %swap3A_475], %swap3A_478 {strides = array<i32>} : memref<128x128xf32, #tpu.memory_space<vmem>>, vector<1x16xf32>,
    }
    %scan3A_295 = arith.constant 128 : i32
    %jit3A_296 = arith.constant 8192 : i32
    %div3A_297 = arith.divsi %add3A_283, %jit3A_296 : i32
    %sign3A_298 = arith.constant 0 : i32
    %sign3A_299 = arith.cmpi sgt, %add3A_283, %sign3A_298 : i32
    %sign3A_300 = arith.extui %sign3A_299 : i1 to i32
    %sign3A_301 = arith.constant 0 : i32
    %sign3A_302 = arith.cmpi slt, %add3A_283, %sign3A_301 : i32
    %sign3A_303 = arith.extui %sign3A_302 : i1 to i32
    %sign3A_304 = arith.subi %sign3A_300, %sign3A_303 : i32
    %sign3A_305 = arith.constant 0 : i32
    %sign3A_306 = arith.cmpi sgt, %jit3A_296, %sign3A_305 : i32
    %sign3A_307 = arith.extui %sign3A_306 : i1 to i32
    %sign3A_308 = arith.constant 0 : i32
    %sign3A_309 = arith.cmpi slt, %jit3A_296, %sign3A_308 : i32
    %sign3A_310 = arith.extui %sign3A_309 : i1 to i32
    %sign3A_311 = arith.subi %sign3A_307, %sign3A_310 : i32
    %ne3A_312 = arith.cmpi ne, %sign3A_304, %sign3A_311 : i32
    %rem3A_313 = arith.remsi %add3A_283, %jit3A_296 : i32
    %ne3A_314 = arith.constant 0 : i32
    %ne3A_315 = arith.cmpi ne, %rem3A_313, %ne3A_314 : i32
    %and3A_316 = arith.andi %ne3A_312, %ne3A_315 : i1
    %sub3A_317 = arith.constant 1 : i32
    %sub3A_318 = arith.subi %div3A_297, %sub3A_317 : i32
    %select_n3A_319 = arith.select %and3A_316, %sub3A_318, %div3A_297 : i32
    %eq3A_320 = arith.cmpi eq, %select_n3A_319, %arg0 : i32
    %convert_element_type3A_321 = arith.extui %eq3A_320 : i1 to i32
    %cond3A_322 = arith.constant 0 : i32
    %cond3A_323 = arith.cmpi ne, %convert_element_type3A_321, %cond3A_322 : i32
    scf.if %cond3A_323 {
      "tpu.region"() ({
        %run_scoped3A = tpu.sem_alloc : memref<!tpu.dma_semaphore, #tpu.memory_space<semaphore_mem>>
        %dma_start3A_368 = arith.constant 0 : i32
        %dma_start3A_369 = tpu.memref_slice %arg5[%add3A_283, %dma_start3A_368] : memref<16384x128xf32, #tpu.memory_space<hbm>> -> memref<128x128xf32, #tpu.memory_space<hbm>>
        %dma_start3A_370 = arith.constant 0 : i32
        %dma_start3A_371 = tpu.memref_slice %arg5[%add3A_283, %dma_start3A_370] : memref<16384x128xf32, #tpu.memory_space<hbm>> -> memref<128x128xf32, #tpu.memory_space<hbm>>
        tpu.enqueue_dma source(%arg14 : memref<128x128xf32, #tpu.memory_space<vmem>>) target(%dma_start3A_371 : memref<128x128xf32, #tpu.memory_space<hbm>>) target_semaphore(%run_scoped3A : memref<!tpu.dma_semaphore, #tpu.memory_space<semaphore_mem>>)
        %dma_wait3A_372 = arith.constant 0 : i32
        %dma_wait3A_373 = tpu.memref_slice %arg5[%add3A_283, %dma_wait3A_372] : memref<16384x128xf32, #tpu.memory_space<hbm>> -> memref<128x128xf32, #tpu.memory_space<hbm>>
        %dma_wait3A_374 = arith.constant 0 : i32
        %dma_wait3A_375 = tpu.memref_slice %arg5[%add3A_283, %dma_wait3A_374] : memref<16384x128xf32, #tpu.memory_space<hbm>> -> memref<128x128xf32, #tpu.memory_space<hbm>>
        tpu.wait_dma2 semaphore(%run_scoped3A : memref<!tpu.dma_semaphore, #tpu.memory_space<semaphore_mem>>) src(%arg14 : memref<128x128xf32, #tpu.memory_space<vmem>>) dst(%dma_wait3A_375 : memref<128x128xf32, #tpu.memory_space<hbm>>)
        tpu.yield
      }) : () -> ()
    } else {
    }
    %mul3A_324 = arith.constant 1024 : i32
    %mul3A_325 = arith.muli %arg1, %mul3A_324 : i32
    %add3A_326 = arith.constant 896 : i32
    %add3A_327 = arith.addi %mul3A_325, %add3A_326 : i32
    %dma_start3A_328 = arith.constant 0 : i32
    %dma_start3A_329 = arith.constant 0 : i32
    %dma_start3A_330 = tpu.memref_slice %arg2[%dma_start3A_328, %dma_start3A_329] : memref<500000x128xf32, #tpu.memory_space<hbm>> -> memref<500000x128xf32, #tpu.memory_space<hbm>>
    tpu.enqueue_indirect_dma source(%dma_start3A_330 : memref<500000x128xf32, #tpu.memory_space<hbm>>) target(%arg14 : memref<128x128xf32, #tpu.memory_space<vmem>>) offsets(%arg13 : memref<128xi32, #tpu.memory_space<vmem>>) semaphore(%arg16 : memref<!tpu.dma_semaphore, #tpu.memory_space<semaphore_mem>>)
    %dma_wait3A_331 = arith.constant 0 : i32
    %dma_wait3A_332 = arith.constant 0 : i32
    %dma_wait3A_333 = tpu.memref_slice %arg2[%dma_wait3A_331, %dma_wait3A_332] : memref<500000x128xf32, #tpu.memory_space<hbm>> -> memref<500000x128xf32, #tpu.memory_space<hbm>>
    tpu.wait_indirect_dma semaphore(%arg16 : memref<!tpu.dma_semaphore, #tpu.memory_space<semaphore_mem>>) src(%dma_wait3A_333 : memref<500000x128xf32, #tpu.memory_space<hbm>>) dst(%arg14 : memref<128x128xf32, #tpu.memory_space<vmem>>)
    "tpu.region"() ({
      %run_scoped3A = tpu.sem_alloc : memref<!tpu.dma_semaphore, #tpu.memory_space<semaphore_mem>>
      %dma_start3A_368 = arith.constant 0 : i32
      %dma_start3A_369 = tpu.memref_slice %arg4[%add3A_327, %dma_start3A_368] : memref<16384x128xf32, #tpu.memory_space<hbm>> -> memref<128x128xf32, #tpu.memory_space<hbm>>
      %dma_start3A_370 = arith.constant 0 : i32
      %dma_start3A_371 = tpu.memref_slice %arg4[%add3A_327, %dma_start3A_370] : memref<16384x128xf32, #tpu.memory_space<hbm>> -> memref<128x128xf32, #tpu.memory_space<hbm>>
      tpu.enqueue_dma source(%dma_start3A_371 : memref<128x128xf32, #tpu.memory_space<hbm>>) target(%arg15 : memref<128x128xf32, #tpu.memory_space<vmem>>) target_semaphore(%run_scoped3A : memref<!tpu.dma_semaphore, #tpu.memory_space<semaphore_mem>>)
      %dma_wait3A_372 = arith.constant 0 : i32
      %dma_wait3A_373 = tpu.memref_slice %arg4[%add3A_327, %dma_wait3A_372] : memref<16384x128xf32, #tpu.memory_space<hbm>> -> memref<128x128xf32, #tpu.memory_space<hbm>>
      %dma_wait3A_374 = arith.constant 0 : i32
      %dma_wait3A_375 = tpu.memref_slice %arg4[%add3A_327, %dma_wait3A_374] : memref<16384x128xf32, #tpu.memory_space<hbm>> -> memref<128x128xf32, #tpu.memory_space<hbm>>
      tpu.wait_dma2 semaphore(%run_scoped3A : memref<!tpu.dma_semaphore, #tpu.memory_space<semaphore_mem>>) src(%dma_wait3A_375 : memref<128x128xf32, #tpu.memory_space<hbm>>) dst(%arg15 : memref<128x128xf32, #tpu.memory_space<vmem>>)
      tpu.yield
    }) : () -> ()
    %scan3A_334 = arith.constant 0 : i32
    %scan3A_335 = arith.constant 0 : i32
    %scan3A_336 = arith.constant 128 : i32
    %scan3A_337 = arith.addi %scan3A_335, %scan3A_336 : i32
    %scan3A_338 = arith.constant 1 : i32
    scf.for %scan3A_368 = %scan3A_335 to %scan3A_337 step %scan3A_338  : i32 {
      %get3A = arith.index_cast %scan3A_368 : i32 to index
      %get3A_369 = arith.constant 0 : index
      %get3A_370 = tpu.vector_load %arg14[%get3A, %get3A_369] {strides = array<i32>} : memref<128x128xf32, #tpu.memory_space<vmem>>, vector<1x16xf32>,
      %get3A_371 = vector.shape_cast %get3A_370 : vector<1x16xf32> to vector<16xf32>
      %get3A_372 = arith.index_cast %scan3A_368 : i32 to index
      %get3A_373 = arith.constant 0 : index
      %get3A_374 = tpu.vector_load %arg15[%get3A_372, %get3A_373] {strides = array<i32>} : memref<128x128xf32, #tpu.memory_space<vmem>>, vector<1x16xf32>,
      %get3A_375 = vector.shape_cast %get3A_374 : vector<1x16xf32> to vector<16xf32>
      %add3A_376 = arith.addf %get3A_371, %get3A_375 : vector<16xf32>
      %swap3A = arith.index_cast %scan3A_368 : i32 to index
      %swap3A_377 = arith.constant 0 : index
      %swap3A_378 = tpu.vector_load %arg14[%swap3A, %swap3A_377] {strides = array<i32>} : memref<128x128xf32, #tpu.memory_space<vmem>>, vector<1x16xf32>,
      %swap3A_379 = vector.shape_cast %swap3A_378 : vector<1x16xf32> to vector<16xf32>
      %swap3A_380 = vector.shape_cast %add3A_376 : vector<16xf32> to vector<1x16xf32>
      tpu.vector_store %arg14[%swap3A, %swap3A_377], %swap3A_380 {strides = array<i32>} : memref<128x128xf32, #tpu.memory_space<vmem>>, vector<1x16xf32>,
      %get3A_381 = arith.index_cast %scan3A_368 : i32 to index
      %get3A_382 = arith.constant 16 : index
      %get3A_383 = tpu.vector_load %arg14[%get3A_381, %get3A_382] {strides = array<i32>} : memref<128x128xf32, #tpu.memory_space<vmem>>, vector<1x16xf32>,
      %get3A_384 = vector.shape_cast %get3A_383 : vector<1x16xf32> to vector<16xf32>
      %get3A_385 = arith.index_cast %scan3A_368 : i32 to index
      %get3A_386 = arith.constant 16 : index
      %get3A_387 = tpu.vector_load %arg15[%get3A_385, %get3A_386] {strides = array<i32>} : memref<128x128xf32, #tpu.memory_space<vmem>>, vector<1x16xf32>,
      %get3A_388 = vector.shape_cast %get3A_387 : vector<1x16xf32> to vector<16xf32>
      %add3A_389 = arith.addf %get3A_384, %get3A_388 : vector<16xf32>
      %swap3A_390 = arith.index_cast %scan3A_368 : i32 to index
      %swap3A_391 = arith.constant 16 : index
      %swap3A_392 = tpu.vector_load %arg14[%swap3A_390, %swap3A_391] {strides = array<i32>} : memref<128x128xf32, #tpu.memory_space<vmem>>, vector<1x16xf32>,
      %swap3A_393 = vector.shape_cast %swap3A_392 : vector<1x16xf32> to vector<16xf32>
      %swap3A_394 = vector.shape_cast %add3A_389 : vector<16xf32> to vector<1x16xf32>
      tpu.vector_store %arg14[%swap3A_390, %swap3A_391], %swap3A_394 {strides = array<i32>} : memref<128x128xf32, #tpu.memory_space<vmem>>, vector<1x16xf32>,
      %get3A_395 = arith.index_cast %scan3A_368 : i32 to index
      %get3A_396 = arith.constant 32 : index
      %get3A_397 = tpu.vector_load %arg14[%get3A_395, %get3A_396] {strides = array<i32>} : memref<128x128xf32, #tpu.memory_space<vmem>>, vector<1x16xf32>,
      %get3A_398 = vector.shape_cast %get3A_397 : vector<1x16xf32> to vector<16xf32>
      %get3A_399 = arith.index_cast %scan3A_368 : i32 to index
      %get3A_400 = arith.constant 32 : index
      %get3A_401 = tpu.vector_load %arg15[%get3A_399, %get3A_400] {strides = array<i32>} : memref<128x128xf32, #tpu.memory_space<vmem>>, vector<1x16xf32>,
      %get3A_402 = vector.shape_cast %get3A_401 : vector<1x16xf32> to vector<16xf32>
      %add3A_403 = arith.addf %get3A_398, %get3A_402 : vector<16xf32>
      %swap3A_404 = arith.index_cast %scan3A_368 : i32 to index
      %swap3A_405 = arith.constant 32 : index
      %swap3A_406 = tpu.vector_load %arg14[%swap3A_404, %swap3A_405] {strides = array<i32>} : memref<128x128xf32, #tpu.memory_space<vmem>>, vector<1x16xf32>,
      %swap3A_407 = vector.shape_cast %swap3A_406 : vector<1x16xf32> to vector<16xf32>
      %swap3A_408 = vector.shape_cast %add3A_403 : vector<16xf32> to vector<1x16xf32>
      tpu.vector_store %arg14[%swap3A_404, %swap3A_405], %swap3A_408 {strides = array<i32>} : memref<128x128xf32, #tpu.memory_space<vmem>>, vector<1x16xf32>,
      %get3A_409 = arith.index_cast %scan3A_368 : i32 to index
      %get3A_410 = arith.constant 48 : index
      %get3A_411 = tpu.vector_load %arg14[%get3A_409, %get3A_410] {strides = array<i32>} : memref<128x128xf32, #tpu.memory_space<vmem>>, vector<1x16xf32>,
      %get3A_412 = vector.shape_cast %get3A_411 : vector<1x16xf32> to vector<16xf32>
      %get3A_413 = arith.index_cast %scan3A_368 : i32 to index
      %get3A_414 = arith.constant 48 : index
      %get3A_415 = tpu.vector_load %arg15[%get3A_413, %get3A_414] {strides = array<i32>} : memref<128x128xf32, #tpu.memory_space<vmem>>, vector<1x16xf32>,
      %get3A_416 = vector.shape_cast %get3A_415 : vector<1x16xf32> to vector<16xf32>
      %add3A_417 = arith.addf %get3A_412, %get3A_416 : vector<16xf32>
      %swap3A_418 = arith.index_cast %scan3A_368 : i32 to index
      %swap3A_419 = arith.constant 48 : index
      %swap3A_420 = tpu.vector_load %arg14[%swap3A_418, %swap3A_419] {strides = array<i32>} : memref<128x128xf32, #tpu.memory_space<vmem>>, vector<1x16xf32>,
      %swap3A_421 = vector.shape_cast %swap3A_420 : vector<1x16xf32> to vector<16xf32>
      %swap3A_422 = vector.shape_cast %add3A_417 : vector<16xf32> to vector<1x16xf32>
      tpu.vector_store %arg14[%swap3A_418, %swap3A_419], %swap3A_422 {strides = array<i32>} : memref<128x128xf32, #tpu.memory_space<vmem>>, vector<1x16xf32>,
      %get3A_423 = arith.index_cast %scan3A_368 : i32 to index
      %get3A_424 = arith.constant 64 : index
      %get3A_425 = tpu.vector_load %arg14[%get3A_423, %get3A_424] {strides = array<i32>} : memref<128x128xf32, #tpu.memory_space<vmem>>, vector<1x16xf32>,
      %get3A_426 = vector.shape_cast %get3A_425 : vector<1x16xf32> to vector<16xf32>
      %get3A_427 = arith.index_cast %scan3A_368 : i32 to index
      %get3A_428 = arith.constant 64 : index
      %get3A_429 = tpu.vector_load %arg15[%get3A_427, %get3A_428] {strides = array<i32>} : memref<128x128xf32, #tpu.memory_space<vmem>>, vector<1x16xf32>,
      %get3A_430 = vector.shape_cast %get3A_429 : vector<1x16xf32> to vector<16xf32>
      %add3A_431 = arith.addf %get3A_426, %get3A_430 : vector<16xf32>
      %swap3A_432 = arith.index_cast %scan3A_368 : i32 to index
      %swap3A_433 = arith.constant 64 : index
      %swap3A_434 = tpu.vector_load %arg14[%swap3A_432, %swap3A_433] {strides = array<i32>} : memref<128x128xf32, #tpu.memory_space<vmem>>, vector<1x16xf32>,
      %swap3A_435 = vector.shape_cast %swap3A_434 : vector<1x16xf32> to vector<16xf32>
      %swap3A_436 = vector.shape_cast %add3A_431 : vector<16xf32> to vector<1x16xf32>
      tpu.vector_store %arg14[%swap3A_432, %swap3A_433], %swap3A_436 {strides = array<i32>} : memref<128x128xf32, #tpu.memory_space<vmem>>, vector<1x16xf32>,
      %get3A_437 = arith.index_cast %scan3A_368 : i32 to index
      %get3A_438 = arith.constant 80 : index
      %get3A_439 = tpu.vector_load %arg14[%get3A_437, %get3A_438] {strides = array<i32>} : memref<128x128xf32, #tpu.memory_space<vmem>>, vector<1x16xf32>,
      %get3A_440 = vector.shape_cast %get3A_439 : vector<1x16xf32> to vector<16xf32>
      %get3A_441 = arith.index_cast %scan3A_368 : i32 to index
      %get3A_442 = arith.constant 80 : index
      %get3A_443 = tpu.vector_load %arg15[%get3A_441, %get3A_442] {strides = array<i32>} : memref<128x128xf32, #tpu.memory_space<vmem>>, vector<1x16xf32>,
      %get3A_444 = vector.shape_cast %get3A_443 : vector<1x16xf32> to vector<16xf32>
      %add3A_445 = arith.addf %get3A_440, %get3A_444 : vector<16xf32>
      %swap3A_446 = arith.index_cast %scan3A_368 : i32 to index
      %swap3A_447 = arith.constant 80 : index
      %swap3A_448 = tpu.vector_load %arg14[%swap3A_446, %swap3A_447] {strides = array<i32>} : memref<128x128xf32, #tpu.memory_space<vmem>>, vector<1x16xf32>,
      %swap3A_449 = vector.shape_cast %swap3A_448 : vector<1x16xf32> to vector<16xf32>
      %swap3A_450 = vector.shape_cast %add3A_445 : vector<16xf32> to vector<1x16xf32>
      tpu.vector_store %arg14[%swap3A_446, %swap3A_447], %swap3A_450 {strides = array<i32>} : memref<128x128xf32, #tpu.memory_space<vmem>>, vector<1x16xf32>,
      %get3A_451 = arith.index_cast %scan3A_368 : i32 to index
      %get3A_452 = arith.constant 96 : index
      %get3A_453 = tpu.vector_load %arg14[%get3A_451, %get3A_452] {strides = array<i32>} : memref<128x128xf32, #tpu.memory_space<vmem>>, vector<1x16xf32>,
      %get3A_454 = vector.shape_cast %get3A_453 : vector<1x16xf32> to vector<16xf32>
      %get3A_455 = arith.index_cast %scan3A_368 : i32 to index
      %get3A_456 = arith.constant 96 : index
      %get3A_457 = tpu.vector_load %arg15[%get3A_455, %get3A_456] {strides = array<i32>} : memref<128x128xf32, #tpu.memory_space<vmem>>, vector<1x16xf32>,
      %get3A_458 = vector.shape_cast %get3A_457 : vector<1x16xf32> to vector<16xf32>
      %add3A_459 = arith.addf %get3A_454, %get3A_458 : vector<16xf32>
      %swap3A_460 = arith.index_cast %scan3A_368 : i32 to index
      %swap3A_461 = arith.constant 96 : index
      %swap3A_462 = tpu.vector_load %arg14[%swap3A_460, %swap3A_461] {strides = array<i32>} : memref<128x128xf32, #tpu.memory_space<vmem>>, vector<1x16xf32>,
      %swap3A_463 = vector.shape_cast %swap3A_462 : vector<1x16xf32> to vector<16xf32>
      %swap3A_464 = vector.shape_cast %add3A_459 : vector<16xf32> to vector<1x16xf32>
      tpu.vector_store %arg14[%swap3A_460, %swap3A_461], %swap3A_464 {strides = array<i32>} : memref<128x128xf32, #tpu.memory_space<vmem>>, vector<1x16xf32>,
      %get3A_465 = arith.index_cast %scan3A_368 : i32 to index
      %get3A_466 = arith.constant 112 : index
      %get3A_467 = tpu.vector_load %arg14[%get3A_465, %get3A_466] {strides = array<i32>} : memref<128x128xf32, #tpu.memory_space<vmem>>, vector<1x16xf32>,
      %get3A_468 = vector.shape_cast %get3A_467 : vector<1x16xf32> to vector<16xf32>
      %get3A_469 = arith.index_cast %scan3A_368 : i32 to index
      %get3A_470 = arith.constant 112 : index
      %get3A_471 = tpu.vector_load %arg15[%get3A_469, %get3A_470] {strides = array<i32>} : memref<128x128xf32, #tpu.memory_space<vmem>>, vector<1x16xf32>,
      %get3A_472 = vector.shape_cast %get3A_471 : vector<1x16xf32> to vector<16xf32>
      %add3A_473 = arith.addf %get3A_468, %get3A_472 : vector<16xf32>
      %swap3A_474 = arith.index_cast %scan3A_368 : i32 to index
      %swap3A_475 = arith.constant 112 : index
      %swap3A_476 = tpu.vector_load %arg14[%swap3A_474, %swap3A_475] {strides = array<i32>} : memref<128x128xf32, #tpu.memory_space<vmem>>, vector<1x16xf32>,
      %swap3A_477 = vector.shape_cast %swap3A_476 : vector<1x16xf32> to vector<16xf32>
      %swap3A_478 = vector.shape_cast %add3A_473 : vector<16xf32> to vector<1x16xf32>
      tpu.vector_store %arg14[%swap3A_474, %swap3A_475], %swap3A_478 {strides = array<i32>} : memref<128x128xf32, #tpu.memory_space<vmem>>, vector<1x16xf32>,
    }
    %scan3A_339 = arith.constant 128 : i32
    %jit3A_340 = arith.constant 8192 : i32
    %div3A_341 = arith.divsi %add3A_327, %jit3A_340 : i32
    %sign3A_342 = arith.constant 0 : i32
    %sign3A_343 = arith.cmpi sgt, %add3A_327, %sign3A_342 : i32
    %sign3A_344 = arith.extui %sign3A_343 : i1 to i32
    %sign3A_345 = arith.constant 0 : i32
    %sign3A_346 = arith.cmpi slt, %add3A_327, %sign3A_345 : i32
    %sign3A_347 = arith.extui %sign3A_346 : i1 to i32
    %sign3A_348 = arith.subi %sign3A_344, %sign3A_347 : i32
    %sign3A_349 = arith.constant 0 : i32
    %sign3A_350 = arith.cmpi sgt, %jit3A_340, %sign3A_349 : i32
    %sign3A_351 = arith.extui %sign3A_350 : i1 to i32
    %sign3A_352 = arith.constant 0 : i32
    %sign3A_353 = arith.cmpi slt, %jit3A_340, %sign3A_352 : i32
    %sign3A_354 = arith.extui %sign3A_353 : i1 to i32
    %sign3A_355 = arith.subi %sign3A_351, %sign3A_354 : i32
    %ne3A_356 = arith.cmpi ne, %sign3A_348, %sign3A_355 : i32
    %rem3A_357 = arith.remsi %add3A_327, %jit3A_340 : i32
    %ne3A_358 = arith.constant 0 : i32
    %ne3A_359 = arith.cmpi ne, %rem3A_357, %ne3A_358 : i32
    %and3A_360 = arith.andi %ne3A_356, %ne3A_359 : i1
    %sub3A_361 = arith.constant 1 : i32
    %sub3A_362 = arith.subi %div3A_341, %sub3A_361 : i32
    %select_n3A_363 = arith.select %and3A_360, %sub3A_362, %div3A_341 : i32
    %eq3A_364 = arith.cmpi eq, %select_n3A_363, %arg0 : i32
    %convert_element_type3A_365 = arith.extui %eq3A_364 : i1 to i32
    %cond3A_366 = arith.constant 0 : i32
    %cond3A_367 = arith.cmpi ne, %convert_element_type3A_365, %cond3A_366 : i32
    scf.if %cond3A_367 {
      "tpu.region"() ({
        %run_scoped3A = tpu.sem_alloc : memref<!tpu.dma_semaphore, #tpu.memory_space<semaphore_mem>>
        %dma_start3A_368 = arith.constant 0 : i32
        %dma_start3A_369 = tpu.memref_slice %arg5[%add3A_327, %dma_start3A_368] : memref<16384x128xf32, #tpu.memory_space<hbm>> -> memref<128x128xf32, #tpu.memory_space<hbm>>
        %dma_start3A_370 = arith.constant 0 : i32
        %dma_start3A_371 = tpu.memref_slice %arg5[%add3A_327, %dma_start3A_370] : memref<16384x128xf32, #tpu.memory_space<hbm>> -> memref<128x128xf32, #tpu.memory_space<hbm>>
        tpu.enqueue_dma source(%arg14 : memref<128x128xf32, #tpu.memory_space<vmem>>) target(%dma_start3A_371 : memref<128x128xf32, #tpu.memory_space<hbm>>) target_semaphore(%run_scoped3A : memref<!tpu.dma_semaphore, #tpu.memory_space<semaphore_mem>>)
        %dma_wait3A_372 = arith.constant 0 : i32
        %dma_wait3A_373 = tpu.memref_slice %arg5[%add3A_327, %dma_wait3A_372] : memref<16384x128xf32, #tpu.memory_space<hbm>> -> memref<128x128xf32, #tpu.memory_space<hbm>>
        %dma_wait3A_374 = arith.constant 0 : i32
        %dma_wait3A_375 = tpu.memref_slice %arg5[%add3A_327, %dma_wait3A_374] : memref<16384x128xf32, #tpu.memory_space<hbm>> -> memref<128x128xf32, #tpu.memory_space<hbm>>
        tpu.wait_dma2 semaphore(%run_scoped3A : memref<!tpu.dma_semaphore, #tpu.memory_space<semaphore_mem>>) src(%arg14 : memref<128x128xf32, #tpu.memory_space<vmem>>) dst(%dma_wait3A_375 : memref<128x128xf32, #tpu.memory_space<hbm>>)
        tpu.yield
      }) : () -> ()
    } else {
    }
    return
  }
}

module attributes {stable_mosaic.version = 14 : i64} {
  func.func @_tc_body(%arg0: i32, %arg1: memref<1024x128xf32, #tpu.memory_space<vmem>>, %arg2: memref<128x128xf32, #tpu.memory_space<vmem>>, %arg3: memref<16384x64xf32, #tpu.memory_space<vmem>>, %arg4: memref<1024x64xf32, #tpu.memory_space<vmem>>, %arg5: memref<1024x64xf32, #tpu.memory_space<vmem>>, %arg6: memref<1024x64xf32, #tpu.memory_space<vmem>>) attributes {dimension_semantics = [#tpu.dimension_semantics<arbitrary>], iteration_bounds = array<i64: 16>, scalar_prefetch = 0 : i64, scratch_operands = 0 : i64, tpu.core_type = #tpu.core_type<tc>, window_params = [{transform_indices = @transform_0, window_bounds = array<i64: 1024, 128>}, {pipeline_mode = #tpu.pipeline_mode<synchronous>, transform_indices = @transform_1, window_bounds = array<i64: 128, 128>}, {pipeline_mode = #tpu.pipeline_mode<synchronous>, transform_indices = @transform_2, window_bounds = array<i64: 16384, 64>}, {transform_indices = @transform_3, window_bounds = array<i64: 1024, 64>}, {transform_indices = @transform_4, window_bounds = array<i64: 1024, 64>}, {transform_indices = @transform_5, window_bounds = array<i64: 1024, 64>}]} {
    %get3A = arith.constant 0 : index
    %get3A_0 = arith.constant 0 : index
    %get3A_1 = vector.load %arg1[%get3A, %get3A_0] : memref<1024x128xf32, #tpu.memory_space<vmem>>, vector<1024x128xf32>
    %get3A_2 = arith.constant 0 : index
    %get3A_3 = arith.constant 0 : index
    %get3A_4 = vector.load %arg3[%get3A_2, %get3A_3] : memref<16384x64xf32, #tpu.memory_space<vmem>>, vector<16384x64xf32>
    %convert_element_type3A = arith.truncf %get3A_4 : vector<16384x64xf32> to vector<16384x64xbf16>
    %broadcast_in_dim3A = arith.constant 0.000000e+00 : f32
    %broadcast_in_dim3A_5 = vector.broadcast %broadcast_in_dim3A : f32 to vector<1024x64xf32>
    %get3A_6 = arith.constant 0 : index
    %get3A_7 = arith.constant 0 : index
    %get3A_8 = vector.load %arg2[%get3A_6, %get3A_7] : memref<128x128xf32, #tpu.memory_space<vmem>>, vector<1x128xf32>
    %eq3A = vector.broadcast %get3A_8 : vector<1x128xf32> to vector<1024x128xf32>
    %eq3A_9 = arith.cmpf oeq, %get3A_1, %eq3A : vector<1024x128xf32>
    %convert_element_type3A_10 = arith.extui %eq3A_9 : vector<1024x128xi1> to vector<1024x128xi32>
    %convert_element_type3A_11 = arith.sitofp %convert_element_type3A_10 : vector<1024x128xi32> to vector<1024x128xf32>
    %convert_element_type3A_12 = arith.truncf %convert_element_type3A_11 : vector<1024x128xf32> to vector<1024x128xbf16>
    %slice3A = vector.extract_strided_slice %convert_element_type3A {offsets = [0, 0], sizes = [128, 64], strides = [1, 1]} : vector<16384x64xbf16> to vector<128x64xbf16>
    %dot_general3A = arith.constant dense<0.000000e+00> : vector<1024x64xf32>
    %dot_general3A_13 = tpu.matmul %convert_element_type3A_12, %slice3A, %dot_general3A {dimension_numbers = #tpu.dot_dimension_numbers<[1], [0], [0], [1], [0, 0, 1, 1], [], []>, transpose_lhs_hint = false} : vector<1024x128xbf16>, vector<128x64xbf16>, vector<1024x64xf32> -> vector<1024x64xf32>
    %add3A = arith.addf %broadcast_in_dim3A_5, %dot_general3A_13 : vector<1024x64xf32>
    %get3A_14 = arith.constant 1 : index
    %get3A_15 = arith.constant 0 : index
    %get3A_16 = vector.load %arg2[%get3A_14, %get3A_15] : memref<128x128xf32, #tpu.memory_space<vmem>>, vector<1x128xf32>
    %eq3A_17 = vector.broadcast %get3A_16 : vector<1x128xf32> to vector<1024x128xf32>
    %eq3A_18 = arith.cmpf oeq, %get3A_1, %eq3A_17 : vector<1024x128xf32>
    %convert_element_type3A_19 = arith.extui %eq3A_18 : vector<1024x128xi1> to vector<1024x128xi32>
    %convert_element_type3A_20 = arith.sitofp %convert_element_type3A_19 : vector<1024x128xi32> to vector<1024x128xf32>
    %convert_element_type3A_21 = arith.truncf %convert_element_type3A_20 : vector<1024x128xf32> to vector<1024x128xbf16>
    %slice3A_22 = vector.extract_strided_slice %convert_element_type3A {offsets = [128, 0], sizes = [128, 64], strides = [1, 1]} : vector<16384x64xbf16> to vector<128x64xbf16>
    %dot_general3A_23 = arith.constant dense<0.000000e+00> : vector<1024x64xf32>
    %dot_general3A_24 = tpu.matmul %convert_element_type3A_21, %slice3A_22, %dot_general3A_23 {dimension_numbers = #tpu.dot_dimension_numbers<[1], [0], [0], [1], [0, 0, 1, 1], [], []>, transpose_lhs_hint = false} : vector<1024x128xbf16>, vector<128x64xbf16>, vector<1024x64xf32> -> vector<1024x64xf32>
    %add3A_25 = arith.addf %add3A, %dot_general3A_24 : vector<1024x64xf32>
    %get3A_26 = arith.constant 2 : index
    %get3A_27 = arith.constant 0 : index
    %get3A_28 = vector.load %arg2[%get3A_26, %get3A_27] : memref<128x128xf32, #tpu.memory_space<vmem>>, vector<1x128xf32>
    %eq3A_29 = vector.broadcast %get3A_28 : vector<1x128xf32> to vector<1024x128xf32>
    %eq3A_30 = arith.cmpf oeq, %get3A_1, %eq3A_29 : vector<1024x128xf32>
    %convert_element_type3A_31 = arith.extui %eq3A_30 : vector<1024x128xi1> to vector<1024x128xi32>
    %convert_element_type3A_32 = arith.sitofp %convert_element_type3A_31 : vector<1024x128xi32> to vector<1024x128xf32>
    %convert_element_type3A_33 = arith.truncf %convert_element_type3A_32 : vector<1024x128xf32> to vector<1024x128xbf16>
    %slice3A_34 = vector.extract_strided_slice %convert_element_type3A {offsets = [256, 0], sizes = [128, 64], strides = [1, 1]} : vector<16384x64xbf16> to vector<128x64xbf16>
    %dot_general3A_35 = arith.constant dense<0.000000e+00> : vector<1024x64xf32>
    %dot_general3A_36 = tpu.matmul %convert_element_type3A_33, %slice3A_34, %dot_general3A_35 {dimension_numbers = #tpu.dot_dimension_numbers<[1], [0], [0], [1], [0, 0, 1, 1], [], []>, transpose_lhs_hint = false} : vector<1024x128xbf16>, vector<128x64xbf16>, vector<1024x64xf32> -> vector<1024x64xf32>
    %add3A_37 = arith.addf %add3A_25, %dot_general3A_36 : vector<1024x64xf32>
    %get3A_38 = arith.constant 3 : index
    %get3A_39 = arith.constant 0 : index
    %get3A_40 = vector.load %arg2[%get3A_38, %get3A_39] : memref<128x128xf32, #tpu.memory_space<vmem>>, vector<1x128xf32>
    %eq3A_41 = vector.broadcast %get3A_40 : vector<1x128xf32> to vector<1024x128xf32>
    %eq3A_42 = arith.cmpf oeq, %get3A_1, %eq3A_41 : vector<1024x128xf32>
    %convert_element_type3A_43 = arith.extui %eq3A_42 : vector<1024x128xi1> to vector<1024x128xi32>
    %convert_element_type3A_44 = arith.sitofp %convert_element_type3A_43 : vector<1024x128xi32> to vector<1024x128xf32>
    %convert_element_type3A_45 = arith.truncf %convert_element_type3A_44 : vector<1024x128xf32> to vector<1024x128xbf16>
    %slice3A_46 = vector.extract_strided_slice %convert_element_type3A {offsets = [384, 0], sizes = [128, 64], strides = [1, 1]} : vector<16384x64xbf16> to vector<128x64xbf16>
    %dot_general3A_47 = arith.constant dense<0.000000e+00> : vector<1024x64xf32>
    %dot_general3A_48 = tpu.matmul %convert_element_type3A_45, %slice3A_46, %dot_general3A_47 {dimension_numbers = #tpu.dot_dimension_numbers<[1], [0], [0], [1], [0, 0, 1, 1], [], []>, transpose_lhs_hint = false} : vector<1024x128xbf16>, vector<128x64xbf16>, vector<1024x64xf32> -> vector<1024x64xf32>
    %add3A_49 = arith.addf %add3A_37, %dot_general3A_48 : vector<1024x64xf32>
    %get3A_50 = arith.constant 4 : index
    %get3A_51 = arith.constant 0 : index
    %get3A_52 = vector.load %arg2[%get3A_50, %get3A_51] : memref<128x128xf32, #tpu.memory_space<vmem>>, vector<1x128xf32>
    %eq3A_53 = vector.broadcast %get3A_52 : vector<1x128xf32> to vector<1024x128xf32>
    %eq3A_54 = arith.cmpf oeq, %get3A_1, %eq3A_53 : vector<1024x128xf32>
    %convert_element_type3A_55 = arith.extui %eq3A_54 : vector<1024x128xi1> to vector<1024x128xi32>
    %convert_element_type3A_56 = arith.sitofp %convert_element_type3A_55 : vector<1024x128xi32> to vector<1024x128xf32>
    %convert_element_type3A_57 = arith.truncf %convert_element_type3A_56 : vector<1024x128xf32> to vector<1024x128xbf16>
    %slice3A_58 = vector.extract_strided_slice %convert_element_type3A {offsets = [512, 0], sizes = [128, 64], strides = [1, 1]} : vector<16384x64xbf16> to vector<128x64xbf16>
    %dot_general3A_59 = arith.constant dense<0.000000e+00> : vector<1024x64xf32>
    %dot_general3A_60 = tpu.matmul %convert_element_type3A_57, %slice3A_58, %dot_general3A_59 {dimension_numbers = #tpu.dot_dimension_numbers<[1], [0], [0], [1], [0, 0, 1, 1], [], []>, transpose_lhs_hint = false} : vector<1024x128xbf16>, vector<128x64xbf16>, vector<1024x64xf32> -> vector<1024x64xf32>
    %add3A_61 = arith.addf %add3A_49, %dot_general3A_60 : vector<1024x64xf32>
    %get3A_62 = arith.constant 5 : index
    %get3A_63 = arith.constant 0 : index
    %get3A_64 = vector.load %arg2[%get3A_62, %get3A_63] : memref<128x128xf32, #tpu.memory_space<vmem>>, vector<1x128xf32>
    %eq3A_65 = vector.broadcast %get3A_64 : vector<1x128xf32> to vector<1024x128xf32>
    %eq3A_66 = arith.cmpf oeq, %get3A_1, %eq3A_65 : vector<1024x128xf32>
    %convert_element_type3A_67 = arith.extui %eq3A_66 : vector<1024x128xi1> to vector<1024x128xi32>
    %convert_element_type3A_68 = arith.sitofp %convert_element_type3A_67 : vector<1024x128xi32> to vector<1024x128xf32>
    %convert_element_type3A_69 = arith.truncf %convert_element_type3A_68 : vector<1024x128xf32> to vector<1024x128xbf16>
    %slice3A_70 = vector.extract_strided_slice %convert_element_type3A {offsets = [640, 0], sizes = [128, 64], strides = [1, 1]} : vector<16384x64xbf16> to vector<128x64xbf16>
    %dot_general3A_71 = arith.constant dense<0.000000e+00> : vector<1024x64xf32>
    %dot_general3A_72 = tpu.matmul %convert_element_type3A_69, %slice3A_70, %dot_general3A_71 {dimension_numbers = #tpu.dot_dimension_numbers<[1], [0], [0], [1], [0, 0, 1, 1], [], []>, transpose_lhs_hint = false} : vector<1024x128xbf16>, vector<128x64xbf16>, vector<1024x64xf32> -> vector<1024x64xf32>
    %add3A_73 = arith.addf %add3A_61, %dot_general3A_72 : vector<1024x64xf32>
    %get3A_74 = arith.constant 6 : index
    %get3A_75 = arith.constant 0 : index
    %get3A_76 = vector.load %arg2[%get3A_74, %get3A_75] : memref<128x128xf32, #tpu.memory_space<vmem>>, vector<1x128xf32>
    %eq3A_77 = vector.broadcast %get3A_76 : vector<1x128xf32> to vector<1024x128xf32>
    %eq3A_78 = arith.cmpf oeq, %get3A_1, %eq3A_77 : vector<1024x128xf32>
    %convert_element_type3A_79 = arith.extui %eq3A_78 : vector<1024x128xi1> to vector<1024x128xi32>
    %convert_element_type3A_80 = arith.sitofp %convert_element_type3A_79 : vector<1024x128xi32> to vector<1024x128xf32>
    %convert_element_type3A_81 = arith.truncf %convert_element_type3A_80 : vector<1024x128xf32> to vector<1024x128xbf16>
    %slice3A_82 = vector.extract_strided_slice %convert_element_type3A {offsets = [768, 0], sizes = [128, 64], strides = [1, 1]} : vector<16384x64xbf16> to vector<128x64xbf16>
    %dot_general3A_83 = arith.constant dense<0.000000e+00> : vector<1024x64xf32>
    %dot_general3A_84 = tpu.matmul %convert_element_type3A_81, %slice3A_82, %dot_general3A_83 {dimension_numbers = #tpu.dot_dimension_numbers<[1], [0], [0], [1], [0, 0, 1, 1], [], []>, transpose_lhs_hint = false} : vector<1024x128xbf16>, vector<128x64xbf16>, vector<1024x64xf32> -> vector<1024x64xf32>
    %add3A_85 = arith.addf %add3A_73, %dot_general3A_84 : vector<1024x64xf32>
    %get3A_86 = arith.constant 7 : index
    %get3A_87 = arith.constant 0 : index
    %get3A_88 = vector.load %arg2[%get3A_86, %get3A_87] : memref<128x128xf32, #tpu.memory_space<vmem>>, vector<1x128xf32>
    %eq3A_89 = vector.broadcast %get3A_88 : vector<1x128xf32> to vector<1024x128xf32>
    %eq3A_90 = arith.cmpf oeq, %get3A_1, %eq3A_89 : vector<1024x128xf32>
    %convert_element_type3A_91 = arith.extui %eq3A_90 : vector<1024x128xi1> to vector<1024x128xi32>
    %convert_element_type3A_92 = arith.sitofp %convert_element_type3A_91 : vector<1024x128xi32> to vector<1024x128xf32>
    %convert_element_type3A_93 = arith.truncf %convert_element_type3A_92 : vector<1024x128xf32> to vector<1024x128xbf16>
    %slice3A_94 = vector.extract_strided_slice %convert_element_type3A {offsets = [896, 0], sizes = [128, 64], strides = [1, 1]} : vector<16384x64xbf16> to vector<128x64xbf16>
    %dot_general3A_95 = arith.constant dense<0.000000e+00> : vector<1024x64xf32>
    %dot_general3A_96 = tpu.matmul %convert_element_type3A_93, %slice3A_94, %dot_general3A_95 {dimension_numbers = #tpu.dot_dimension_numbers<[1], [0], [0], [1], [0, 0, 1, 1], [], []>, transpose_lhs_hint = false} : vector<1024x128xbf16>, vector<128x64xbf16>, vector<1024x64xf32> -> vector<1024x64xf32>
    %add3A_97 = arith.addf %add3A_85, %dot_general3A_96 : vector<1024x64xf32>
    %get3A_98 = arith.constant 8 : index
    %get3A_99 = arith.constant 0 : index
    %get3A_100 = vector.load %arg2[%get3A_98, %get3A_99] : memref<128x128xf32, #tpu.memory_space<vmem>>, vector<1x128xf32>
    %eq3A_101 = vector.broadcast %get3A_100 : vector<1x128xf32> to vector<1024x128xf32>
    %eq3A_102 = arith.cmpf oeq, %get3A_1, %eq3A_101 : vector<1024x128xf32>
    %convert_element_type3A_103 = arith.extui %eq3A_102 : vector<1024x128xi1> to vector<1024x128xi32>
    %convert_element_type3A_104 = arith.sitofp %convert_element_type3A_103 : vector<1024x128xi32> to vector<1024x128xf32>
    %convert_element_type3A_105 = arith.truncf %convert_element_type3A_104 : vector<1024x128xf32> to vector<1024x128xbf16>
    %slice3A_106 = vector.extract_strided_slice %convert_element_type3A {offsets = [1024, 0], sizes = [128, 64], strides = [1, 1]} : vector<16384x64xbf16> to vector<128x64xbf16>
    %dot_general3A_107 = arith.constant dense<0.000000e+00> : vector<1024x64xf32>
    %dot_general3A_108 = tpu.matmul %convert_element_type3A_105, %slice3A_106, %dot_general3A_107 {dimension_numbers = #tpu.dot_dimension_numbers<[1], [0], [0], [1], [0, 0, 1, 1], [], []>, transpose_lhs_hint = false} : vector<1024x128xbf16>, vector<128x64xbf16>, vector<1024x64xf32> -> vector<1024x64xf32>
    %add3A_109 = arith.addf %add3A_97, %dot_general3A_108 : vector<1024x64xf32>
    %get3A_110 = arith.constant 9 : index
    %get3A_111 = arith.constant 0 : index
    %get3A_112 = vector.load %arg2[%get3A_110, %get3A_111] : memref<128x128xf32, #tpu.memory_space<vmem>>, vector<1x128xf32>
    %eq3A_113 = vector.broadcast %get3A_112 : vector<1x128xf32> to vector<1024x128xf32>
    %eq3A_114 = arith.cmpf oeq, %get3A_1, %eq3A_113 : vector<1024x128xf32>
    %convert_element_type3A_115 = arith.extui %eq3A_114 : vector<1024x128xi1> to vector<1024x128xi32>
    %convert_element_type3A_116 = arith.sitofp %convert_element_type3A_115 : vector<1024x128xi32> to vector<1024x128xf32>
    %convert_element_type3A_117 = arith.truncf %convert_element_type3A_116 : vector<1024x128xf32> to vector<1024x128xbf16>
    %slice3A_118 = vector.extract_strided_slice %convert_element_type3A {offsets = [1152, 0], sizes = [128, 64], strides = [1, 1]} : vector<16384x64xbf16> to vector<128x64xbf16>
    %dot_general3A_119 = arith.constant dense<0.000000e+00> : vector<1024x64xf32>
    %dot_general3A_120 = tpu.matmul %convert_element_type3A_117, %slice3A_118, %dot_general3A_119 {dimension_numbers = #tpu.dot_dimension_numbers<[1], [0], [0], [1], [0, 0, 1, 1], [], []>, transpose_lhs_hint = false} : vector<1024x128xbf16>, vector<128x64xbf16>, vector<1024x64xf32> -> vector<1024x64xf32>
    %add3A_121 = arith.addf %add3A_109, %dot_general3A_120 : vector<1024x64xf32>
    %get3A_122 = arith.constant 10 : index
    %get3A_123 = arith.constant 0 : index
    %get3A_124 = vector.load %arg2[%get3A_122, %get3A_123] : memref<128x128xf32, #tpu.memory_space<vmem>>, vector<1x128xf32>
    %eq3A_125 = vector.broadcast %get3A_124 : vector<1x128xf32> to vector<1024x128xf32>
    %eq3A_126 = arith.cmpf oeq, %get3A_1, %eq3A_125 : vector<1024x128xf32>
    %convert_element_type3A_127 = arith.extui %eq3A_126 : vector<1024x128xi1> to vector<1024x128xi32>
    %convert_element_type3A_128 = arith.sitofp %convert_element_type3A_127 : vector<1024x128xi32> to vector<1024x128xf32>
    %convert_element_type3A_129 = arith.truncf %convert_element_type3A_128 : vector<1024x128xf32> to vector<1024x128xbf16>
    %slice3A_130 = vector.extract_strided_slice %convert_element_type3A {offsets = [1280, 0], sizes = [128, 64], strides = [1, 1]} : vector<16384x64xbf16> to vector<128x64xbf16>
    %dot_general3A_131 = arith.constant dense<0.000000e+00> : vector<1024x64xf32>
    %dot_general3A_132 = tpu.matmul %convert_element_type3A_129, %slice3A_130, %dot_general3A_131 {dimension_numbers = #tpu.dot_dimension_numbers<[1], [0], [0], [1], [0, 0, 1, 1], [], []>, transpose_lhs_hint = false} : vector<1024x128xbf16>, vector<128x64xbf16>, vector<1024x64xf32> -> vector<1024x64xf32>
    %add3A_133 = arith.addf %add3A_121, %dot_general3A_132 : vector<1024x64xf32>
    %get3A_134 = arith.constant 11 : index
    %get3A_135 = arith.constant 0 : index
    %get3A_136 = vector.load %arg2[%get3A_134, %get3A_135] : memref<128x128xf32, #tpu.memory_space<vmem>>, vector<1x128xf32>
    %eq3A_137 = vector.broadcast %get3A_136 : vector<1x128xf32> to vector<1024x128xf32>
    %eq3A_138 = arith.cmpf oeq, %get3A_1, %eq3A_137 : vector<1024x128xf32>
    %convert_element_type3A_139 = arith.extui %eq3A_138 : vector<1024x128xi1> to vector<1024x128xi32>
    %convert_element_type3A_140 = arith.sitofp %convert_element_type3A_139 : vector<1024x128xi32> to vector<1024x128xf32>
    %convert_element_type3A_141 = arith.truncf %convert_element_type3A_140 : vector<1024x128xf32> to vector<1024x128xbf16>
    %slice3A_142 = vector.extract_strided_slice %convert_element_type3A {offsets = [1408, 0], sizes = [128, 64], strides = [1, 1]} : vector<16384x64xbf16> to vector<128x64xbf16>
    %dot_general3A_143 = arith.constant dense<0.000000e+00> : vector<1024x64xf32>
    %dot_general3A_144 = tpu.matmul %convert_element_type3A_141, %slice3A_142, %dot_general3A_143 {dimension_numbers = #tpu.dot_dimension_numbers<[1], [0], [0], [1], [0, 0, 1, 1], [], []>, transpose_lhs_hint = false} : vector<1024x128xbf16>, vector<128x64xbf16>, vector<1024x64xf32> -> vector<1024x64xf32>
    %add3A_145 = arith.addf %add3A_133, %dot_general3A_144 : vector<1024x64xf32>
    %get3A_146 = arith.constant 12 : index
    %get3A_147 = arith.constant 0 : index
    %get3A_148 = vector.load %arg2[%get3A_146, %get3A_147] : memref<128x128xf32, #tpu.memory_space<vmem>>, vector<1x128xf32>
    %eq3A_149 = vector.broadcast %get3A_148 : vector<1x128xf32> to vector<1024x128xf32>
    %eq3A_150 = arith.cmpf oeq, %get3A_1, %eq3A_149 : vector<1024x128xf32>
    %convert_element_type3A_151 = arith.extui %eq3A_150 : vector<1024x128xi1> to vector<1024x128xi32>
    %convert_element_type3A_152 = arith.sitofp %convert_element_type3A_151 : vector<1024x128xi32> to vector<1024x128xf32>
    %convert_element_type3A_153 = arith.truncf %convert_element_type3A_152 : vector<1024x128xf32> to vector<1024x128xbf16>
    %slice3A_154 = vector.extract_strided_slice %convert_element_type3A {offsets = [1536, 0], sizes = [128, 64], strides = [1, 1]} : vector<16384x64xbf16> to vector<128x64xbf16>
    %dot_general3A_155 = arith.constant dense<0.000000e+00> : vector<1024x64xf32>
    %dot_general3A_156 = tpu.matmul %convert_element_type3A_153, %slice3A_154, %dot_general3A_155 {dimension_numbers = #tpu.dot_dimension_numbers<[1], [0], [0], [1], [0, 0, 1, 1], [], []>, transpose_lhs_hint = false} : vector<1024x128xbf16>, vector<128x64xbf16>, vector<1024x64xf32> -> vector<1024x64xf32>
    %add3A_157 = arith.addf %add3A_145, %dot_general3A_156 : vector<1024x64xf32>
    %get3A_158 = arith.constant 13 : index
    %get3A_159 = arith.constant 0 : index
    %get3A_160 = vector.load %arg2[%get3A_158, %get3A_159] : memref<128x128xf32, #tpu.memory_space<vmem>>, vector<1x128xf32>
    %eq3A_161 = vector.broadcast %get3A_160 : vector<1x128xf32> to vector<1024x128xf32>
    %eq3A_162 = arith.cmpf oeq, %get3A_1, %eq3A_161 : vector<1024x128xf32>
    %convert_element_type3A_163 = arith.extui %eq3A_162 : vector<1024x128xi1> to vector<1024x128xi32>
    %convert_element_type3A_164 = arith.sitofp %convert_element_type3A_163 : vector<1024x128xi32> to vector<1024x128xf32>
    %convert_element_type3A_165 = arith.truncf %convert_element_type3A_164 : vector<1024x128xf32> to vector<1024x128xbf16>
    %slice3A_166 = vector.extract_strided_slice %convert_element_type3A {offsets = [1664, 0], sizes = [128, 64], strides = [1, 1]} : vector<16384x64xbf16> to vector<128x64xbf16>
    %dot_general3A_167 = arith.constant dense<0.000000e+00> : vector<1024x64xf32>
    %dot_general3A_168 = tpu.matmul %convert_element_type3A_165, %slice3A_166, %dot_general3A_167 {dimension_numbers = #tpu.dot_dimension_numbers<[1], [0], [0], [1], [0, 0, 1, 1], [], []>, transpose_lhs_hint = false} : vector<1024x128xbf16>, vector<128x64xbf16>, vector<1024x64xf32> -> vector<1024x64xf32>
    %add3A_169 = arith.addf %add3A_157, %dot_general3A_168 : vector<1024x64xf32>
    %get3A_170 = arith.constant 14 : index
    %get3A_171 = arith.constant 0 : index
    %get3A_172 = vector.load %arg2[%get3A_170, %get3A_171] : memref<128x128xf32, #tpu.memory_space<vmem>>, vector<1x128xf32>
    %eq3A_173 = vector.broadcast %get3A_172 : vector<1x128xf32> to vector<1024x128xf32>
    %eq3A_174 = arith.cmpf oeq, %get3A_1, %eq3A_173 : vector<1024x128xf32>
    %convert_element_type3A_175 = arith.extui %eq3A_174 : vector<1024x128xi1> to vector<1024x128xi32>
    %convert_element_type3A_176 = arith.sitofp %convert_element_type3A_175 : vector<1024x128xi32> to vector<1024x128xf32>
    %convert_element_type3A_177 = arith.truncf %convert_element_type3A_176 : vector<1024x128xf32> to vector<1024x128xbf16>
    %slice3A_178 = vector.extract_strided_slice %convert_element_type3A {offsets = [1792, 0], sizes = [128, 64], strides = [1, 1]} : vector<16384x64xbf16> to vector<128x64xbf16>
    %dot_general3A_179 = arith.constant dense<0.000000e+00> : vector<1024x64xf32>
    %dot_general3A_180 = tpu.matmul %convert_element_type3A_177, %slice3A_178, %dot_general3A_179 {dimension_numbers = #tpu.dot_dimension_numbers<[1], [0], [0], [1], [0, 0, 1, 1], [], []>, transpose_lhs_hint = false} : vector<1024x128xbf16>, vector<128x64xbf16>, vector<1024x64xf32> -> vector<1024x64xf32>
    %add3A_181 = arith.addf %add3A_169, %dot_general3A_180 : vector<1024x64xf32>
    %get3A_182 = arith.constant 15 : index
    %get3A_183 = arith.constant 0 : index
    %get3A_184 = vector.load %arg2[%get3A_182, %get3A_183] : memref<128x128xf32, #tpu.memory_space<vmem>>, vector<1x128xf32>
    %eq3A_185 = vector.broadcast %get3A_184 : vector<1x128xf32> to vector<1024x128xf32>
    %eq3A_186 = arith.cmpf oeq, %get3A_1, %eq3A_185 : vector<1024x128xf32>
    %convert_element_type3A_187 = arith.extui %eq3A_186 : vector<1024x128xi1> to vector<1024x128xi32>
    %convert_element_type3A_188 = arith.sitofp %convert_element_type3A_187 : vector<1024x128xi32> to vector<1024x128xf32>
    %convert_element_type3A_189 = arith.truncf %convert_element_type3A_188 : vector<1024x128xf32> to vector<1024x128xbf16>
    %slice3A_190 = vector.extract_strided_slice %convert_element_type3A {offsets = [1920, 0], sizes = [128, 64], strides = [1, 1]} : vector<16384x64xbf16> to vector<128x64xbf16>
    %dot_general3A_191 = arith.constant dense<0.000000e+00> : vector<1024x64xf32>
    %dot_general3A_192 = tpu.matmul %convert_element_type3A_189, %slice3A_190, %dot_general3A_191 {dimension_numbers = #tpu.dot_dimension_numbers<[1], [0], [0], [1], [0, 0, 1, 1], [], []>, transpose_lhs_hint = false} : vector<1024x128xbf16>, vector<128x64xbf16>, vector<1024x64xf32> -> vector<1024x64xf32>
    %add3A_193 = arith.addf %add3A_181, %dot_general3A_192 : vector<1024x64xf32>
    %get3A_194 = arith.constant 16 : index
    %get3A_195 = arith.constant 0 : index
    %get3A_196 = vector.load %arg2[%get3A_194, %get3A_195] : memref<128x128xf32, #tpu.memory_space<vmem>>, vector<1x128xf32>
    %eq3A_197 = vector.broadcast %get3A_196 : vector<1x128xf32> to vector<1024x128xf32>
    %eq3A_198 = arith.cmpf oeq, %get3A_1, %eq3A_197 : vector<1024x128xf32>
    %convert_element_type3A_199 = arith.extui %eq3A_198 : vector<1024x128xi1> to vector<1024x128xi32>
    %convert_element_type3A_200 = arith.sitofp %convert_element_type3A_199 : vector<1024x128xi32> to vector<1024x128xf32>
    %convert_element_type3A_201 = arith.truncf %convert_element_type3A_200 : vector<1024x128xf32> to vector<1024x128xbf16>
    %slice3A_202 = vector.extract_strided_slice %convert_element_type3A {offsets = [2048, 0], sizes = [128, 64], strides = [1, 1]} : vector<16384x64xbf16> to vector<128x64xbf16>
    %dot_general3A_203 = arith.constant dense<0.000000e+00> : vector<1024x64xf32>
    %dot_general3A_204 = tpu.matmul %convert_element_type3A_201, %slice3A_202, %dot_general3A_203 {dimension_numbers = #tpu.dot_dimension_numbers<[1], [0], [0], [1], [0, 0, 1, 1], [], []>, transpose_lhs_hint = false} : vector<1024x128xbf16>, vector<128x64xbf16>, vector<1024x64xf32> -> vector<1024x64xf32>
    %add3A_205 = arith.addf %add3A_193, %dot_general3A_204 : vector<1024x64xf32>
    %get3A_206 = arith.constant 17 : index
    %get3A_207 = arith.constant 0 : index
    %get3A_208 = vector.load %arg2[%get3A_206, %get3A_207] : memref<128x128xf32, #tpu.memory_space<vmem>>, vector<1x128xf32>
    %eq3A_209 = vector.broadcast %get3A_208 : vector<1x128xf32> to vector<1024x128xf32>
    %eq3A_210 = arith.cmpf oeq, %get3A_1, %eq3A_209 : vector<1024x128xf32>
    %convert_element_type3A_211 = arith.extui %eq3A_210 : vector<1024x128xi1> to vector<1024x128xi32>
    %convert_element_type3A_212 = arith.sitofp %convert_element_type3A_211 : vector<1024x128xi32> to vector<1024x128xf32>
    %convert_element_type3A_213 = arith.truncf %convert_element_type3A_212 : vector<1024x128xf32> to vector<1024x128xbf16>
    %slice3A_214 = vector.extract_strided_slice %convert_element_type3A {offsets = [2176, 0], sizes = [128, 64], strides = [1, 1]} : vector<16384x64xbf16> to vector<128x64xbf16>
    %dot_general3A_215 = arith.constant dense<0.000000e+00> : vector<1024x64xf32>
    %dot_general3A_216 = tpu.matmul %convert_element_type3A_213, %slice3A_214, %dot_general3A_215 {dimension_numbers = #tpu.dot_dimension_numbers<[1], [0], [0], [1], [0, 0, 1, 1], [], []>, transpose_lhs_hint = false} : vector<1024x128xbf16>, vector<128x64xbf16>, vector<1024x64xf32> -> vector<1024x64xf32>
    %add3A_217 = arith.addf %add3A_205, %dot_general3A_216 : vector<1024x64xf32>
    %get3A_218 = arith.constant 18 : index
    %get3A_219 = arith.constant 0 : index
    %get3A_220 = vector.load %arg2[%get3A_218, %get3A_219] : memref<128x128xf32, #tpu.memory_space<vmem>>, vector<1x128xf32>
    %eq3A_221 = vector.broadcast %get3A_220 : vector<1x128xf32> to vector<1024x128xf32>
    %eq3A_222 = arith.cmpf oeq, %get3A_1, %eq3A_221 : vector<1024x128xf32>
    %convert_element_type3A_223 = arith.extui %eq3A_222 : vector<1024x128xi1> to vector<1024x128xi32>
    %convert_element_type3A_224 = arith.sitofp %convert_element_type3A_223 : vector<1024x128xi32> to vector<1024x128xf32>
    %convert_element_type3A_225 = arith.truncf %convert_element_type3A_224 : vector<1024x128xf32> to vector<1024x128xbf16>
    %slice3A_226 = vector.extract_strided_slice %convert_element_type3A {offsets = [2304, 0], sizes = [128, 64], strides = [1, 1]} : vector<16384x64xbf16> to vector<128x64xbf16>
    %dot_general3A_227 = arith.constant dense<0.000000e+00> : vector<1024x64xf32>
    %dot_general3A_228 = tpu.matmul %convert_element_type3A_225, %slice3A_226, %dot_general3A_227 {dimension_numbers = #tpu.dot_dimension_numbers<[1], [0], [0], [1], [0, 0, 1, 1], [], []>, transpose_lhs_hint = false} : vector<1024x128xbf16>, vector<128x64xbf16>, vector<1024x64xf32> -> vector<1024x64xf32>
    %add3A_229 = arith.addf %add3A_217, %dot_general3A_228 : vector<1024x64xf32>
    %get3A_230 = arith.constant 19 : index
    %get3A_231 = arith.constant 0 : index
    %get3A_232 = vector.load %arg2[%get3A_230, %get3A_231] : memref<128x128xf32, #tpu.memory_space<vmem>>, vector<1x128xf32>
    %eq3A_233 = vector.broadcast %get3A_232 : vector<1x128xf32> to vector<1024x128xf32>
    %eq3A_234 = arith.cmpf oeq, %get3A_1, %eq3A_233 : vector<1024x128xf32>
    %convert_element_type3A_235 = arith.extui %eq3A_234 : vector<1024x128xi1> to vector<1024x128xi32>
    %convert_element_type3A_236 = arith.sitofp %convert_element_type3A_235 : vector<1024x128xi32> to vector<1024x128xf32>
    %convert_element_type3A_237 = arith.truncf %convert_element_type3A_236 : vector<1024x128xf32> to vector<1024x128xbf16>
    %slice3A_238 = vector.extract_strided_slice %convert_element_type3A {offsets = [2432, 0], sizes = [128, 64], strides = [1, 1]} : vector<16384x64xbf16> to vector<128x64xbf16>
    %dot_general3A_239 = arith.constant dense<0.000000e+00> : vector<1024x64xf32>
    %dot_general3A_240 = tpu.matmul %convert_element_type3A_237, %slice3A_238, %dot_general3A_239 {dimension_numbers = #tpu.dot_dimension_numbers<[1], [0], [0], [1], [0, 0, 1, 1], [], []>, transpose_lhs_hint = false} : vector<1024x128xbf16>, vector<128x64xbf16>, vector<1024x64xf32> -> vector<1024x64xf32>
    %add3A_241 = arith.addf %add3A_229, %dot_general3A_240 : vector<1024x64xf32>
    %get3A_242 = arith.constant 20 : index
    %get3A_243 = arith.constant 0 : index
    %get3A_244 = vector.load %arg2[%get3A_242, %get3A_243] : memref<128x128xf32, #tpu.memory_space<vmem>>, vector<1x128xf32>
    %eq3A_245 = vector.broadcast %get3A_244 : vector<1x128xf32> to vector<1024x128xf32>
    %eq3A_246 = arith.cmpf oeq, %get3A_1, %eq3A_245 : vector<1024x128xf32>
    %convert_element_type3A_247 = arith.extui %eq3A_246 : vector<1024x128xi1> to vector<1024x128xi32>
    %convert_element_type3A_248 = arith.sitofp %convert_element_type3A_247 : vector<1024x128xi32> to vector<1024x128xf32>
    %convert_element_type3A_249 = arith.truncf %convert_element_type3A_248 : vector<1024x128xf32> to vector<1024x128xbf16>
    %slice3A_250 = vector.extract_strided_slice %convert_element_type3A {offsets = [2560, 0], sizes = [128, 64], strides = [1, 1]} : vector<16384x64xbf16> to vector<128x64xbf16>
    %dot_general3A_251 = arith.constant dense<0.000000e+00> : vector<1024x64xf32>
    %dot_general3A_252 = tpu.matmul %convert_element_type3A_249, %slice3A_250, %dot_general3A_251 {dimension_numbers = #tpu.dot_dimension_numbers<[1], [0], [0], [1], [0, 0, 1, 1], [], []>, transpose_lhs_hint = false} : vector<1024x128xbf16>, vector<128x64xbf16>, vector<1024x64xf32> -> vector<1024x64xf32>
    %add3A_253 = arith.addf %add3A_241, %dot_general3A_252 : vector<1024x64xf32>
    %get3A_254 = arith.constant 21 : index
    %get3A_255 = arith.constant 0 : index
    %get3A_256 = vector.load %arg2[%get3A_254, %get3A_255] : memref<128x128xf32, #tpu.memory_space<vmem>>, vector<1x128xf32>
    %eq3A_257 = vector.broadcast %get3A_256 : vector<1x128xf32> to vector<1024x128xf32>
    %eq3A_258 = arith.cmpf oeq, %get3A_1, %eq3A_257 : vector<1024x128xf32>
    %convert_element_type3A_259 = arith.extui %eq3A_258 : vector<1024x128xi1> to vector<1024x128xi32>
    %convert_element_type3A_260 = arith.sitofp %convert_element_type3A_259 : vector<1024x128xi32> to vector<1024x128xf32>
    %convert_element_type3A_261 = arith.truncf %convert_element_type3A_260 : vector<1024x128xf32> to vector<1024x128xbf16>
    %slice3A_262 = vector.extract_strided_slice %convert_element_type3A {offsets = [2688, 0], sizes = [128, 64], strides = [1, 1]} : vector<16384x64xbf16> to vector<128x64xbf16>
    %dot_general3A_263 = arith.constant dense<0.000000e+00> : vector<1024x64xf32>
    %dot_general3A_264 = tpu.matmul %convert_element_type3A_261, %slice3A_262, %dot_general3A_263 {dimension_numbers = #tpu.dot_dimension_numbers<[1], [0], [0], [1], [0, 0, 1, 1], [], []>, transpose_lhs_hint = false} : vector<1024x128xbf16>, vector<128x64xbf16>, vector<1024x64xf32> -> vector<1024x64xf32>
    %add3A_265 = arith.addf %add3A_253, %dot_general3A_264 : vector<1024x64xf32>
    %get3A_266 = arith.constant 22 : index
    %get3A_267 = arith.constant 0 : index
    %get3A_268 = vector.load %arg2[%get3A_266, %get3A_267] : memref<128x128xf32, #tpu.memory_space<vmem>>, vector<1x128xf32>
    %eq3A_269 = vector.broadcast %get3A_268 : vector<1x128xf32> to vector<1024x128xf32>
    %eq3A_270 = arith.cmpf oeq, %get3A_1, %eq3A_269 : vector<1024x128xf32>
    %convert_element_type3A_271 = arith.extui %eq3A_270 : vector<1024x128xi1> to vector<1024x128xi32>
    %convert_element_type3A_272 = arith.sitofp %convert_element_type3A_271 : vector<1024x128xi32> to vector<1024x128xf32>
    %convert_element_type3A_273 = arith.truncf %convert_element_type3A_272 : vector<1024x128xf32> to vector<1024x128xbf16>
    %slice3A_274 = vector.extract_strided_slice %convert_element_type3A {offsets = [2816, 0], sizes = [128, 64], strides = [1, 1]} : vector<16384x64xbf16> to vector<128x64xbf16>
    %dot_general3A_275 = arith.constant dense<0.000000e+00> : vector<1024x64xf32>
    %dot_general3A_276 = tpu.matmul %convert_element_type3A_273, %slice3A_274, %dot_general3A_275 {dimension_numbers = #tpu.dot_dimension_numbers<[1], [0], [0], [1], [0, 0, 1, 1], [], []>, transpose_lhs_hint = false} : vector<1024x128xbf16>, vector<128x64xbf16>, vector<1024x64xf32> -> vector<1024x64xf32>
    %add3A_277 = arith.addf %add3A_265, %dot_general3A_276 : vector<1024x64xf32>
    %get3A_278 = arith.constant 23 : index
    %get3A_279 = arith.constant 0 : index
    %get3A_280 = vector.load %arg2[%get3A_278, %get3A_279] : memref<128x128xf32, #tpu.memory_space<vmem>>, vector<1x128xf32>
    %eq3A_281 = vector.broadcast %get3A_280 : vector<1x128xf32> to vector<1024x128xf32>
    %eq3A_282 = arith.cmpf oeq, %get3A_1, %eq3A_281 : vector<1024x128xf32>
    %convert_element_type3A_283 = arith.extui %eq3A_282 : vector<1024x128xi1> to vector<1024x128xi32>
    %convert_element_type3A_284 = arith.sitofp %convert_element_type3A_283 : vector<1024x128xi32> to vector<1024x128xf32>
    %convert_element_type3A_285 = arith.truncf %convert_element_type3A_284 : vector<1024x128xf32> to vector<1024x128xbf16>
    %slice3A_286 = vector.extract_strided_slice %convert_element_type3A {offsets = [2944, 0], sizes = [128, 64], strides = [1, 1]} : vector<16384x64xbf16> to vector<128x64xbf16>
    %dot_general3A_287 = arith.constant dense<0.000000e+00> : vector<1024x64xf32>
    %dot_general3A_288 = tpu.matmul %convert_element_type3A_285, %slice3A_286, %dot_general3A_287 {dimension_numbers = #tpu.dot_dimension_numbers<[1], [0], [0], [1], [0, 0, 1, 1], [], []>, transpose_lhs_hint = false} : vector<1024x128xbf16>, vector<128x64xbf16>, vector<1024x64xf32> -> vector<1024x64xf32>
    %add3A_289 = arith.addf %add3A_277, %dot_general3A_288 : vector<1024x64xf32>
    %get3A_290 = arith.constant 24 : index
    %get3A_291 = arith.constant 0 : index
    %get3A_292 = vector.load %arg2[%get3A_290, %get3A_291] : memref<128x128xf32, #tpu.memory_space<vmem>>, vector<1x128xf32>
    %eq3A_293 = vector.broadcast %get3A_292 : vector<1x128xf32> to vector<1024x128xf32>
    %eq3A_294 = arith.cmpf oeq, %get3A_1, %eq3A_293 : vector<1024x128xf32>
    %convert_element_type3A_295 = arith.extui %eq3A_294 : vector<1024x128xi1> to vector<1024x128xi32>
    %convert_element_type3A_296 = arith.sitofp %convert_element_type3A_295 : vector<1024x128xi32> to vector<1024x128xf32>
    %convert_element_type3A_297 = arith.truncf %convert_element_type3A_296 : vector<1024x128xf32> to vector<1024x128xbf16>
    %slice3A_298 = vector.extract_strided_slice %convert_element_type3A {offsets = [3072, 0], sizes = [128, 64], strides = [1, 1]} : vector<16384x64xbf16> to vector<128x64xbf16>
    %dot_general3A_299 = arith.constant dense<0.000000e+00> : vector<1024x64xf32>
    %dot_general3A_300 = tpu.matmul %convert_element_type3A_297, %slice3A_298, %dot_general3A_299 {dimension_numbers = #tpu.dot_dimension_numbers<[1], [0], [0], [1], [0, 0, 1, 1], [], []>, transpose_lhs_hint = false} : vector<1024x128xbf16>, vector<128x64xbf16>, vector<1024x64xf32> -> vector<1024x64xf32>
    %add3A_301 = arith.addf %add3A_289, %dot_general3A_300 : vector<1024x64xf32>
    %get3A_302 = arith.constant 25 : index
    %get3A_303 = arith.constant 0 : index
    %get3A_304 = vector.load %arg2[%get3A_302, %get3A_303] : memref<128x128xf32, #tpu.memory_space<vmem>>, vector<1x128xf32>
    %eq3A_305 = vector.broadcast %get3A_304 : vector<1x128xf32> to vector<1024x128xf32>
    %eq3A_306 = arith.cmpf oeq, %get3A_1, %eq3A_305 : vector<1024x128xf32>
    %convert_element_type3A_307 = arith.extui %eq3A_306 : vector<1024x128xi1> to vector<1024x128xi32>
    %convert_element_type3A_308 = arith.sitofp %convert_element_type3A_307 : vector<1024x128xi32> to vector<1024x128xf32>
    %convert_element_type3A_309 = arith.truncf %convert_element_type3A_308 : vector<1024x128xf32> to vector<1024x128xbf16>
    %slice3A_310 = vector.extract_strided_slice %convert_element_type3A {offsets = [3200, 0], sizes = [128, 64], strides = [1, 1]} : vector<16384x64xbf16> to vector<128x64xbf16>
    %dot_general3A_311 = arith.constant dense<0.000000e+00> : vector<1024x64xf32>
    %dot_general3A_312 = tpu.matmul %convert_element_type3A_309, %slice3A_310, %dot_general3A_311 {dimension_numbers = #tpu.dot_dimension_numbers<[1], [0], [0], [1], [0, 0, 1, 1], [], []>, transpose_lhs_hint = false} : vector<1024x128xbf16>, vector<128x64xbf16>, vector<1024x64xf32> -> vector<1024x64xf32>
    %add3A_313 = arith.addf %add3A_301, %dot_general3A_312 : vector<1024x64xf32>
    %get3A_314 = arith.constant 26 : index
    %get3A_315 = arith.constant 0 : index
    %get3A_316 = vector.load %arg2[%get3A_314, %get3A_315] : memref<128x128xf32, #tpu.memory_space<vmem>>, vector<1x128xf32>
    %eq3A_317 = vector.broadcast %get3A_316 : vector<1x128xf32> to vector<1024x128xf32>
    %eq3A_318 = arith.cmpf oeq, %get3A_1, %eq3A_317 : vector<1024x128xf32>
    %convert_element_type3A_319 = arith.extui %eq3A_318 : vector<1024x128xi1> to vector<1024x128xi32>
    %convert_element_type3A_320 = arith.sitofp %convert_element_type3A_319 : vector<1024x128xi32> to vector<1024x128xf32>
    %convert_element_type3A_321 = arith.truncf %convert_element_type3A_320 : vector<1024x128xf32> to vector<1024x128xbf16>
    %slice3A_322 = vector.extract_strided_slice %convert_element_type3A {offsets = [3328, 0], sizes = [128, 64], strides = [1, 1]} : vector<16384x64xbf16> to vector<128x64xbf16>
    %dot_general3A_323 = arith.constant dense<0.000000e+00> : vector<1024x64xf32>
    %dot_general3A_324 = tpu.matmul %convert_element_type3A_321, %slice3A_322, %dot_general3A_323 {dimension_numbers = #tpu.dot_dimension_numbers<[1], [0], [0], [1], [0, 0, 1, 1], [], []>, transpose_lhs_hint = false} : vector<1024x128xbf16>, vector<128x64xbf16>, vector<1024x64xf32> -> vector<1024x64xf32>
    %add3A_325 = arith.addf %add3A_313, %dot_general3A_324 : vector<1024x64xf32>
    %get3A_326 = arith.constant 27 : index
    %get3A_327 = arith.constant 0 : index
    %get3A_328 = vector.load %arg2[%get3A_326, %get3A_327] : memref<128x128xf32, #tpu.memory_space<vmem>>, vector<1x128xf32>
    %eq3A_329 = vector.broadcast %get3A_328 : vector<1x128xf32> to vector<1024x128xf32>
    %eq3A_330 = arith.cmpf oeq, %get3A_1, %eq3A_329 : vector<1024x128xf32>
    %convert_element_type3A_331 = arith.extui %eq3A_330 : vector<1024x128xi1> to vector<1024x128xi32>
    %convert_element_type3A_332 = arith.sitofp %convert_element_type3A_331 : vector<1024x128xi32> to vector<1024x128xf32>
    %convert_element_type3A_333 = arith.truncf %convert_element_type3A_332 : vector<1024x128xf32> to vector<1024x128xbf16>
    %slice3A_334 = vector.extract_strided_slice %convert_element_type3A {offsets = [3456, 0], sizes = [128, 64], strides = [1, 1]} : vector<16384x64xbf16> to vector<128x64xbf16>
    %dot_general3A_335 = arith.constant dense<0.000000e+00> : vector<1024x64xf32>
    %dot_general3A_336 = tpu.matmul %convert_element_type3A_333, %slice3A_334, %dot_general3A_335 {dimension_numbers = #tpu.dot_dimension_numbers<[1], [0], [0], [1], [0, 0, 1, 1], [], []>, transpose_lhs_hint = false} : vector<1024x128xbf16>, vector<128x64xbf16>, vector<1024x64xf32> -> vector<1024x64xf32>
    %add3A_337 = arith.addf %add3A_325, %dot_general3A_336 : vector<1024x64xf32>
    %get3A_338 = arith.constant 28 : index
    %get3A_339 = arith.constant 0 : index
    %get3A_340 = vector.load %arg2[%get3A_338, %get3A_339] : memref<128x128xf32, #tpu.memory_space<vmem>>, vector<1x128xf32>
    %eq3A_341 = vector.broadcast %get3A_340 : vector<1x128xf32> to vector<1024x128xf32>
    %eq3A_342 = arith.cmpf oeq, %get3A_1, %eq3A_341 : vector<1024x128xf32>
    %convert_element_type3A_343 = arith.extui %eq3A_342 : vector<1024x128xi1> to vector<1024x128xi32>
    %convert_element_type3A_344 = arith.sitofp %convert_element_type3A_343 : vector<1024x128xi32> to vector<1024x128xf32>
    %convert_element_type3A_345 = arith.truncf %convert_element_type3A_344 : vector<1024x128xf32> to vector<1024x128xbf16>
    %slice3A_346 = vector.extract_strided_slice %convert_element_type3A {offsets = [3584, 0], sizes = [128, 64], strides = [1, 1]} : vector<16384x64xbf16> to vector<128x64xbf16>
    %dot_general3A_347 = arith.constant dense<0.000000e+00> : vector<1024x64xf32>
    %dot_general3A_348 = tpu.matmul %convert_element_type3A_345, %slice3A_346, %dot_general3A_347 {dimension_numbers = #tpu.dot_dimension_numbers<[1], [0], [0], [1], [0, 0, 1, 1], [], []>, transpose_lhs_hint = false} : vector<1024x128xbf16>, vector<128x64xbf16>, vector<1024x64xf32> -> vector<1024x64xf32>
    %add3A_349 = arith.addf %add3A_337, %dot_general3A_348 : vector<1024x64xf32>
    %get3A_350 = arith.constant 29 : index
    %get3A_351 = arith.constant 0 : index
    %get3A_352 = vector.load %arg2[%get3A_350, %get3A_351] : memref<128x128xf32, #tpu.memory_space<vmem>>, vector<1x128xf32>
    %eq3A_353 = vector.broadcast %get3A_352 : vector<1x128xf32> to vector<1024x128xf32>
    %eq3A_354 = arith.cmpf oeq, %get3A_1, %eq3A_353 : vector<1024x128xf32>
    %convert_element_type3A_355 = arith.extui %eq3A_354 : vector<1024x128xi1> to vector<1024x128xi32>
    %convert_element_type3A_356 = arith.sitofp %convert_element_type3A_355 : vector<1024x128xi32> to vector<1024x128xf32>
    %convert_element_type3A_357 = arith.truncf %convert_element_type3A_356 : vector<1024x128xf32> to vector<1024x128xbf16>
    %slice3A_358 = vector.extract_strided_slice %convert_element_type3A {offsets = [3712, 0], sizes = [128, 64], strides = [1, 1]} : vector<16384x64xbf16> to vector<128x64xbf16>
    %dot_general3A_359 = arith.constant dense<0.000000e+00> : vector<1024x64xf32>
    %dot_general3A_360 = tpu.matmul %convert_element_type3A_357, %slice3A_358, %dot_general3A_359 {dimension_numbers = #tpu.dot_dimension_numbers<[1], [0], [0], [1], [0, 0, 1, 1], [], []>, transpose_lhs_hint = false} : vector<1024x128xbf16>, vector<128x64xbf16>, vector<1024x64xf32> -> vector<1024x64xf32>
    %add3A_361 = arith.addf %add3A_349, %dot_general3A_360 : vector<1024x64xf32>
    %get3A_362 = arith.constant 30 : index
    %get3A_363 = arith.constant 0 : index
    %get3A_364 = vector.load %arg2[%get3A_362, %get3A_363] : memref<128x128xf32, #tpu.memory_space<vmem>>, vector<1x128xf32>
    %eq3A_365 = vector.broadcast %get3A_364 : vector<1x128xf32> to vector<1024x128xf32>
    %eq3A_366 = arith.cmpf oeq, %get3A_1, %eq3A_365 : vector<1024x128xf32>
    %convert_element_type3A_367 = arith.extui %eq3A_366 : vector<1024x128xi1> to vector<1024x128xi32>
    %convert_element_type3A_368 = arith.sitofp %convert_element_type3A_367 : vector<1024x128xi32> to vector<1024x128xf32>
    %convert_element_type3A_369 = arith.truncf %convert_element_type3A_368 : vector<1024x128xf32> to vector<1024x128xbf16>
    %slice3A_370 = vector.extract_strided_slice %convert_element_type3A {offsets = [3840, 0], sizes = [128, 64], strides = [1, 1]} : vector<16384x64xbf16> to vector<128x64xbf16>
    %dot_general3A_371 = arith.constant dense<0.000000e+00> : vector<1024x64xf32>
    %dot_general3A_372 = tpu.matmul %convert_element_type3A_369, %slice3A_370, %dot_general3A_371 {dimension_numbers = #tpu.dot_dimension_numbers<[1], [0], [0], [1], [0, 0, 1, 1], [], []>, transpose_lhs_hint = false} : vector<1024x128xbf16>, vector<128x64xbf16>, vector<1024x64xf32> -> vector<1024x64xf32>
    %add3A_373 = arith.addf %add3A_361, %dot_general3A_372 : vector<1024x64xf32>
    %get3A_374 = arith.constant 31 : index
    %get3A_375 = arith.constant 0 : index
    %get3A_376 = vector.load %arg2[%get3A_374, %get3A_375] : memref<128x128xf32, #tpu.memory_space<vmem>>, vector<1x128xf32>
    %eq3A_377 = vector.broadcast %get3A_376 : vector<1x128xf32> to vector<1024x128xf32>
    %eq3A_378 = arith.cmpf oeq, %get3A_1, %eq3A_377 : vector<1024x128xf32>
    %convert_element_type3A_379 = arith.extui %eq3A_378 : vector<1024x128xi1> to vector<1024x128xi32>
    %convert_element_type3A_380 = arith.sitofp %convert_element_type3A_379 : vector<1024x128xi32> to vector<1024x128xf32>
    %convert_element_type3A_381 = arith.truncf %convert_element_type3A_380 : vector<1024x128xf32> to vector<1024x128xbf16>
    %slice3A_382 = vector.extract_strided_slice %convert_element_type3A {offsets = [3968, 0], sizes = [128, 64], strides = [1, 1]} : vector<16384x64xbf16> to vector<128x64xbf16>
    %dot_general3A_383 = arith.constant dense<0.000000e+00> : vector<1024x64xf32>
    %dot_general3A_384 = tpu.matmul %convert_element_type3A_381, %slice3A_382, %dot_general3A_383 {dimension_numbers = #tpu.dot_dimension_numbers<[1], [0], [0], [1], [0, 0, 1, 1], [], []>, transpose_lhs_hint = false} : vector<1024x128xbf16>, vector<128x64xbf16>, vector<1024x64xf32> -> vector<1024x64xf32>
    %add3A_385 = arith.addf %add3A_373, %dot_general3A_384 : vector<1024x64xf32>
    %get3A_386 = arith.constant 32 : index
    %get3A_387 = arith.constant 0 : index
    %get3A_388 = vector.load %arg2[%get3A_386, %get3A_387] : memref<128x128xf32, #tpu.memory_space<vmem>>, vector<1x128xf32>
    %eq3A_389 = vector.broadcast %get3A_388 : vector<1x128xf32> to vector<1024x128xf32>
    %eq3A_390 = arith.cmpf oeq, %get3A_1, %eq3A_389 : vector<1024x128xf32>
    %convert_element_type3A_391 = arith.extui %eq3A_390 : vector<1024x128xi1> to vector<1024x128xi32>
    %convert_element_type3A_392 = arith.sitofp %convert_element_type3A_391 : vector<1024x128xi32> to vector<1024x128xf32>
    %convert_element_type3A_393 = arith.truncf %convert_element_type3A_392 : vector<1024x128xf32> to vector<1024x128xbf16>
    %slice3A_394 = vector.extract_strided_slice %convert_element_type3A {offsets = [4096, 0], sizes = [128, 64], strides = [1, 1]} : vector<16384x64xbf16> to vector<128x64xbf16>
    %dot_general3A_395 = arith.constant dense<0.000000e+00> : vector<1024x64xf32>
    %dot_general3A_396 = tpu.matmul %convert_element_type3A_393, %slice3A_394, %dot_general3A_395 {dimension_numbers = #tpu.dot_dimension_numbers<[1], [0], [0], [1], [0, 0, 1, 1], [], []>, transpose_lhs_hint = false} : vector<1024x128xbf16>, vector<128x64xbf16>, vector<1024x64xf32> -> vector<1024x64xf32>
    %add3A_397 = arith.addf %add3A_385, %dot_general3A_396 : vector<1024x64xf32>
    %get3A_398 = arith.constant 33 : index
    %get3A_399 = arith.constant 0 : index
    %get3A_400 = vector.load %arg2[%get3A_398, %get3A_399] : memref<128x128xf32, #tpu.memory_space<vmem>>, vector<1x128xf32>
    %eq3A_401 = vector.broadcast %get3A_400 : vector<1x128xf32> to vector<1024x128xf32>
    %eq3A_402 = arith.cmpf oeq, %get3A_1, %eq3A_401 : vector<1024x128xf32>
    %convert_element_type3A_403 = arith.extui %eq3A_402 : vector<1024x128xi1> to vector<1024x128xi32>
    %convert_element_type3A_404 = arith.sitofp %convert_element_type3A_403 : vector<1024x128xi32> to vector<1024x128xf32>
    %convert_element_type3A_405 = arith.truncf %convert_element_type3A_404 : vector<1024x128xf32> to vector<1024x128xbf16>
    %slice3A_406 = vector.extract_strided_slice %convert_element_type3A {offsets = [4224, 0], sizes = [128, 64], strides = [1, 1]} : vector<16384x64xbf16> to vector<128x64xbf16>
    %dot_general3A_407 = arith.constant dense<0.000000e+00> : vector<1024x64xf32>
    %dot_general3A_408 = tpu.matmul %convert_element_type3A_405, %slice3A_406, %dot_general3A_407 {dimension_numbers = #tpu.dot_dimension_numbers<[1], [0], [0], [1], [0, 0, 1, 1], [], []>, transpose_lhs_hint = false} : vector<1024x128xbf16>, vector<128x64xbf16>, vector<1024x64xf32> -> vector<1024x64xf32>
    %add3A_409 = arith.addf %add3A_397, %dot_general3A_408 : vector<1024x64xf32>
    %get3A_410 = arith.constant 34 : index
    %get3A_411 = arith.constant 0 : index
    %get3A_412 = vector.load %arg2[%get3A_410, %get3A_411] : memref<128x128xf32, #tpu.memory_space<vmem>>, vector<1x128xf32>
    %eq3A_413 = vector.broadcast %get3A_412 : vector<1x128xf32> to vector<1024x128xf32>
    %eq3A_414 = arith.cmpf oeq, %get3A_1, %eq3A_413 : vector<1024x128xf32>
    %convert_element_type3A_415 = arith.extui %eq3A_414 : vector<1024x128xi1> to vector<1024x128xi32>
    %convert_element_type3A_416 = arith.sitofp %convert_element_type3A_415 : vector<1024x128xi32> to vector<1024x128xf32>
    %convert_element_type3A_417 = arith.truncf %convert_element_type3A_416 : vector<1024x128xf32> to vector<1024x128xbf16>
    %slice3A_418 = vector.extract_strided_slice %convert_element_type3A {offsets = [4352, 0], sizes = [128, 64], strides = [1, 1]} : vector<16384x64xbf16> to vector<128x64xbf16>
    %dot_general3A_419 = arith.constant dense<0.000000e+00> : vector<1024x64xf32>
    %dot_general3A_420 = tpu.matmul %convert_element_type3A_417, %slice3A_418, %dot_general3A_419 {dimension_numbers = #tpu.dot_dimension_numbers<[1], [0], [0], [1], [0, 0, 1, 1], [], []>, transpose_lhs_hint = false} : vector<1024x128xbf16>, vector<128x64xbf16>, vector<1024x64xf32> -> vector<1024x64xf32>
    %add3A_421 = arith.addf %add3A_409, %dot_general3A_420 : vector<1024x64xf32>
    %get3A_422 = arith.constant 35 : index
    %get3A_423 = arith.constant 0 : index
    %get3A_424 = vector.load %arg2[%get3A_422, %get3A_423] : memref<128x128xf32, #tpu.memory_space<vmem>>, vector<1x128xf32>
    %eq3A_425 = vector.broadcast %get3A_424 : vector<1x128xf32> to vector<1024x128xf32>
    %eq3A_426 = arith.cmpf oeq, %get3A_1, %eq3A_425 : vector<1024x128xf32>
    %convert_element_type3A_427 = arith.extui %eq3A_426 : vector<1024x128xi1> to vector<1024x128xi32>
    %convert_element_type3A_428 = arith.sitofp %convert_element_type3A_427 : vector<1024x128xi32> to vector<1024x128xf32>
    %convert_element_type3A_429 = arith.truncf %convert_element_type3A_428 : vector<1024x128xf32> to vector<1024x128xbf16>
    %slice3A_430 = vector.extract_strided_slice %convert_element_type3A {offsets = [4480, 0], sizes = [128, 64], strides = [1, 1]} : vector<16384x64xbf16> to vector<128x64xbf16>
    %dot_general3A_431 = arith.constant dense<0.000000e+00> : vector<1024x64xf32>
    %dot_general3A_432 = tpu.matmul %convert_element_type3A_429, %slice3A_430, %dot_general3A_431 {dimension_numbers = #tpu.dot_dimension_numbers<[1], [0], [0], [1], [0, 0, 1, 1], [], []>, transpose_lhs_hint = false} : vector<1024x128xbf16>, vector<128x64xbf16>, vector<1024x64xf32> -> vector<1024x64xf32>
    %add3A_433 = arith.addf %add3A_421, %dot_general3A_432 : vector<1024x64xf32>
    %get3A_434 = arith.constant 36 : index
    %get3A_435 = arith.constant 0 : index
    %get3A_436 = vector.load %arg2[%get3A_434, %get3A_435] : memref<128x128xf32, #tpu.memory_space<vmem>>, vector<1x128xf32>
    %eq3A_437 = vector.broadcast %get3A_436 : vector<1x128xf32> to vector<1024x128xf32>
    %eq3A_438 = arith.cmpf oeq, %get3A_1, %eq3A_437 : vector<1024x128xf32>
    %convert_element_type3A_439 = arith.extui %eq3A_438 : vector<1024x128xi1> to vector<1024x128xi32>
    %convert_element_type3A_440 = arith.sitofp %convert_element_type3A_439 : vector<1024x128xi32> to vector<1024x128xf32>
    %convert_element_type3A_441 = arith.truncf %convert_element_type3A_440 : vector<1024x128xf32> to vector<1024x128xbf16>
    %slice3A_442 = vector.extract_strided_slice %convert_element_type3A {offsets = [4608, 0], sizes = [128, 64], strides = [1, 1]} : vector<16384x64xbf16> to vector<128x64xbf16>
    %dot_general3A_443 = arith.constant dense<0.000000e+00> : vector<1024x64xf32>
    %dot_general3A_444 = tpu.matmul %convert_element_type3A_441, %slice3A_442, %dot_general3A_443 {dimension_numbers = #tpu.dot_dimension_numbers<[1], [0], [0], [1], [0, 0, 1, 1], [], []>, transpose_lhs_hint = false} : vector<1024x128xbf16>, vector<128x64xbf16>, vector<1024x64xf32> -> vector<1024x64xf32>
    %add3A_445 = arith.addf %add3A_433, %dot_general3A_444 : vector<1024x64xf32>
    %get3A_446 = arith.constant 37 : index
    %get3A_447 = arith.constant 0 : index
    %get3A_448 = vector.load %arg2[%get3A_446, %get3A_447] : memref<128x128xf32, #tpu.memory_space<vmem>>, vector<1x128xf32>
    %eq3A_449 = vector.broadcast %get3A_448 : vector<1x128xf32> to vector<1024x128xf32>
    %eq3A_450 = arith.cmpf oeq, %get3A_1, %eq3A_449 : vector<1024x128xf32>
    %convert_element_type3A_451 = arith.extui %eq3A_450 : vector<1024x128xi1> to vector<1024x128xi32>
    %convert_element_type3A_452 = arith.sitofp %convert_element_type3A_451 : vector<1024x128xi32> to vector<1024x128xf32>
    %convert_element_type3A_453 = arith.truncf %convert_element_type3A_452 : vector<1024x128xf32> to vector<1024x128xbf16>
    %slice3A_454 = vector.extract_strided_slice %convert_element_type3A {offsets = [4736, 0], sizes = [128, 64], strides = [1, 1]} : vector<16384x64xbf16> to vector<128x64xbf16>
    %dot_general3A_455 = arith.constant dense<0.000000e+00> : vector<1024x64xf32>
    %dot_general3A_456 = tpu.matmul %convert_element_type3A_453, %slice3A_454, %dot_general3A_455 {dimension_numbers = #tpu.dot_dimension_numbers<[1], [0], [0], [1], [0, 0, 1, 1], [], []>, transpose_lhs_hint = false} : vector<1024x128xbf16>, vector<128x64xbf16>, vector<1024x64xf32> -> vector<1024x64xf32>
    %add3A_457 = arith.addf %add3A_445, %dot_general3A_456 : vector<1024x64xf32>
    %get3A_458 = arith.constant 38 : index
    %get3A_459 = arith.constant 0 : index
    %get3A_460 = vector.load %arg2[%get3A_458, %get3A_459] : memref<128x128xf32, #tpu.memory_space<vmem>>, vector<1x128xf32>
    %eq3A_461 = vector.broadcast %get3A_460 : vector<1x128xf32> to vector<1024x128xf32>
    %eq3A_462 = arith.cmpf oeq, %get3A_1, %eq3A_461 : vector<1024x128xf32>
    %convert_element_type3A_463 = arith.extui %eq3A_462 : vector<1024x128xi1> to vector<1024x128xi32>
    %convert_element_type3A_464 = arith.sitofp %convert_element_type3A_463 : vector<1024x128xi32> to vector<1024x128xf32>
    %convert_element_type3A_465 = arith.truncf %convert_element_type3A_464 : vector<1024x128xf32> to vector<1024x128xbf16>
    %slice3A_466 = vector.extract_strided_slice %convert_element_type3A {offsets = [4864, 0], sizes = [128, 64], strides = [1, 1]} : vector<16384x64xbf16> to vector<128x64xbf16>
    %dot_general3A_467 = arith.constant dense<0.000000e+00> : vector<1024x64xf32>
    %dot_general3A_468 = tpu.matmul %convert_element_type3A_465, %slice3A_466, %dot_general3A_467 {dimension_numbers = #tpu.dot_dimension_numbers<[1], [0], [0], [1], [0, 0, 1, 1], [], []>, transpose_lhs_hint = false} : vector<1024x128xbf16>, vector<128x64xbf16>, vector<1024x64xf32> -> vector<1024x64xf32>
    %add3A_469 = arith.addf %add3A_457, %dot_general3A_468 : vector<1024x64xf32>
    %get3A_470 = arith.constant 39 : index
    %get3A_471 = arith.constant 0 : index
    %get3A_472 = vector.load %arg2[%get3A_470, %get3A_471] : memref<128x128xf32, #tpu.memory_space<vmem>>, vector<1x128xf32>
    %eq3A_473 = vector.broadcast %get3A_472 : vector<1x128xf32> to vector<1024x128xf32>
    %eq3A_474 = arith.cmpf oeq, %get3A_1, %eq3A_473 : vector<1024x128xf32>
    %convert_element_type3A_475 = arith.extui %eq3A_474 : vector<1024x128xi1> to vector<1024x128xi32>
    %convert_element_type3A_476 = arith.sitofp %convert_element_type3A_475 : vector<1024x128xi32> to vector<1024x128xf32>
    %convert_element_type3A_477 = arith.truncf %convert_element_type3A_476 : vector<1024x128xf32> to vector<1024x128xbf16>
    %slice3A_478 = vector.extract_strided_slice %convert_element_type3A {offsets = [4992, 0], sizes = [128, 64], strides = [1, 1]} : vector<16384x64xbf16> to vector<128x64xbf16>
    %dot_general3A_479 = arith.constant dense<0.000000e+00> : vector<1024x64xf32>
    %dot_general3A_480 = tpu.matmul %convert_element_type3A_477, %slice3A_478, %dot_general3A_479 {dimension_numbers = #tpu.dot_dimension_numbers<[1], [0], [0], [1], [0, 0, 1, 1], [], []>, transpose_lhs_hint = false} : vector<1024x128xbf16>, vector<128x64xbf16>, vector<1024x64xf32> -> vector<1024x64xf32>
    %add3A_481 = arith.addf %add3A_469, %dot_general3A_480 : vector<1024x64xf32>
    %get3A_482 = arith.constant 40 : index
    %get3A_483 = arith.constant 0 : index
    %get3A_484 = vector.load %arg2[%get3A_482, %get3A_483] : memref<128x128xf32, #tpu.memory_space<vmem>>, vector<1x128xf32>
    %eq3A_485 = vector.broadcast %get3A_484 : vector<1x128xf32> to vector<1024x128xf32>
    %eq3A_486 = arith.cmpf oeq, %get3A_1, %eq3A_485 : vector<1024x128xf32>
    %convert_element_type3A_487 = arith.extui %eq3A_486 : vector<1024x128xi1> to vector<1024x128xi32>
    %convert_element_type3A_488 = arith.sitofp %convert_element_type3A_487 : vector<1024x128xi32> to vector<1024x128xf32>
    %convert_element_type3A_489 = arith.truncf %convert_element_type3A_488 : vector<1024x128xf32> to vector<1024x128xbf16>
    %slice3A_490 = vector.extract_strided_slice %convert_element_type3A {offsets = [5120, 0], sizes = [128, 64], strides = [1, 1]} : vector<16384x64xbf16> to vector<128x64xbf16>
    %dot_general3A_491 = arith.constant dense<0.000000e+00> : vector<1024x64xf32>
    %dot_general3A_492 = tpu.matmul %convert_element_type3A_489, %slice3A_490, %dot_general3A_491 {dimension_numbers = #tpu.dot_dimension_numbers<[1], [0], [0], [1], [0, 0, 1, 1], [], []>, transpose_lhs_hint = false} : vector<1024x128xbf16>, vector<128x64xbf16>, vector<1024x64xf32> -> vector<1024x64xf32>
    %add3A_493 = arith.addf %add3A_481, %dot_general3A_492 : vector<1024x64xf32>
    %get3A_494 = arith.constant 41 : index
    %get3A_495 = arith.constant 0 : index
    %get3A_496 = vector.load %arg2[%get3A_494, %get3A_495] : memref<128x128xf32, #tpu.memory_space<vmem>>, vector<1x128xf32>
    %eq3A_497 = vector.broadcast %get3A_496 : vector<1x128xf32> to vector<1024x128xf32>
    %eq3A_498 = arith.cmpf oeq, %get3A_1, %eq3A_497 : vector<1024x128xf32>
    %convert_element_type3A_499 = arith.extui %eq3A_498 : vector<1024x128xi1> to vector<1024x128xi32>
    %convert_element_type3A_500 = arith.sitofp %convert_element_type3A_499 : vector<1024x128xi32> to vector<1024x128xf32>
    %convert_element_type3A_501 = arith.truncf %convert_element_type3A_500 : vector<1024x128xf32> to vector<1024x128xbf16>
    %slice3A_502 = vector.extract_strided_slice %convert_element_type3A {offsets = [5248, 0], sizes = [128, 64], strides = [1, 1]} : vector<16384x64xbf16> to vector<128x64xbf16>
    %dot_general3A_503 = arith.constant dense<0.000000e+00> : vector<1024x64xf32>
    %dot_general3A_504 = tpu.matmul %convert_element_type3A_501, %slice3A_502, %dot_general3A_503 {dimension_numbers = #tpu.dot_dimension_numbers<[1], [0], [0], [1], [0, 0, 1, 1], [], []>, transpose_lhs_hint = false} : vector<1024x128xbf16>, vector<128x64xbf16>, vector<1024x64xf32> -> vector<1024x64xf32>
    %add3A_505 = arith.addf %add3A_493, %dot_general3A_504 : vector<1024x64xf32>
    %get3A_506 = arith.constant 42 : index
    %get3A_507 = arith.constant 0 : index
    %get3A_508 = vector.load %arg2[%get3A_506, %get3A_507] : memref<128x128xf32, #tpu.memory_space<vmem>>, vector<1x128xf32>
    %eq3A_509 = vector.broadcast %get3A_508 : vector<1x128xf32> to vector<1024x128xf32>
    %eq3A_510 = arith.cmpf oeq, %get3A_1, %eq3A_509 : vector<1024x128xf32>
    %convert_element_type3A_511 = arith.extui %eq3A_510 : vector<1024x128xi1> to vector<1024x128xi32>
    %convert_element_type3A_512 = arith.sitofp %convert_element_type3A_511 : vector<1024x128xi32> to vector<1024x128xf32>
    %convert_element_type3A_513 = arith.truncf %convert_element_type3A_512 : vector<1024x128xf32> to vector<1024x128xbf16>
    %slice3A_514 = vector.extract_strided_slice %convert_element_type3A {offsets = [5376, 0], sizes = [128, 64], strides = [1, 1]} : vector<16384x64xbf16> to vector<128x64xbf16>
    %dot_general3A_515 = arith.constant dense<0.000000e+00> : vector<1024x64xf32>
    %dot_general3A_516 = tpu.matmul %convert_element_type3A_513, %slice3A_514, %dot_general3A_515 {dimension_numbers = #tpu.dot_dimension_numbers<[1], [0], [0], [1], [0, 0, 1, 1], [], []>, transpose_lhs_hint = false} : vector<1024x128xbf16>, vector<128x64xbf16>, vector<1024x64xf32> -> vector<1024x64xf32>
    %add3A_517 = arith.addf %add3A_505, %dot_general3A_516 : vector<1024x64xf32>
    %get3A_518 = arith.constant 43 : index
    %get3A_519 = arith.constant 0 : index
    %get3A_520 = vector.load %arg2[%get3A_518, %get3A_519] : memref<128x128xf32, #tpu.memory_space<vmem>>, vector<1x128xf32>
    %eq3A_521 = vector.broadcast %get3A_520 : vector<1x128xf32> to vector<1024x128xf32>
    %eq3A_522 = arith.cmpf oeq, %get3A_1, %eq3A_521 : vector<1024x128xf32>
    %convert_element_type3A_523 = arith.extui %eq3A_522 : vector<1024x128xi1> to vector<1024x128xi32>
    %convert_element_type3A_524 = arith.sitofp %convert_element_type3A_523 : vector<1024x128xi32> to vector<1024x128xf32>
    %convert_element_type3A_525 = arith.truncf %convert_element_type3A_524 : vector<1024x128xf32> to vector<1024x128xbf16>
    %slice3A_526 = vector.extract_strided_slice %convert_element_type3A {offsets = [5504, 0], sizes = [128, 64], strides = [1, 1]} : vector<16384x64xbf16> to vector<128x64xbf16>
    %dot_general3A_527 = arith.constant dense<0.000000e+00> : vector<1024x64xf32>
    %dot_general3A_528 = tpu.matmul %convert_element_type3A_525, %slice3A_526, %dot_general3A_527 {dimension_numbers = #tpu.dot_dimension_numbers<[1], [0], [0], [1], [0, 0, 1, 1], [], []>, transpose_lhs_hint = false} : vector<1024x128xbf16>, vector<128x64xbf16>, vector<1024x64xf32> -> vector<1024x64xf32>
    %add3A_529 = arith.addf %add3A_517, %dot_general3A_528 : vector<1024x64xf32>
    %get3A_530 = arith.constant 44 : index
    %get3A_531 = arith.constant 0 : index
    %get3A_532 = vector.load %arg2[%get3A_530, %get3A_531] : memref<128x128xf32, #tpu.memory_space<vmem>>, vector<1x128xf32>
    %eq3A_533 = vector.broadcast %get3A_532 : vector<1x128xf32> to vector<1024x128xf32>
    %eq3A_534 = arith.cmpf oeq, %get3A_1, %eq3A_533 : vector<1024x128xf32>
    %convert_element_type3A_535 = arith.extui %eq3A_534 : vector<1024x128xi1> to vector<1024x128xi32>
    %convert_element_type3A_536 = arith.sitofp %convert_element_type3A_535 : vector<1024x128xi32> to vector<1024x128xf32>
    %convert_element_type3A_537 = arith.truncf %convert_element_type3A_536 : vector<1024x128xf32> to vector<1024x128xbf16>
    %slice3A_538 = vector.extract_strided_slice %convert_element_type3A {offsets = [5632, 0], sizes = [128, 64], strides = [1, 1]} : vector<16384x64xbf16> to vector<128x64xbf16>
    %dot_general3A_539 = arith.constant dense<0.000000e+00> : vector<1024x64xf32>
    %dot_general3A_540 = tpu.matmul %convert_element_type3A_537, %slice3A_538, %dot_general3A_539 {dimension_numbers = #tpu.dot_dimension_numbers<[1], [0], [0], [1], [0, 0, 1, 1], [], []>, transpose_lhs_hint = false} : vector<1024x128xbf16>, vector<128x64xbf16>, vector<1024x64xf32> -> vector<1024x64xf32>
    %add3A_541 = arith.addf %add3A_529, %dot_general3A_540 : vector<1024x64xf32>
    %get3A_542 = arith.constant 45 : index
    %get3A_543 = arith.constant 0 : index
    %get3A_544 = vector.load %arg2[%get3A_542, %get3A_543] : memref<128x128xf32, #tpu.memory_space<vmem>>, vector<1x128xf32>
    %eq3A_545 = vector.broadcast %get3A_544 : vector<1x128xf32> to vector<1024x128xf32>
    %eq3A_546 = arith.cmpf oeq, %get3A_1, %eq3A_545 : vector<1024x128xf32>
    %convert_element_type3A_547 = arith.extui %eq3A_546 : vector<1024x128xi1> to vector<1024x128xi32>
    %convert_element_type3A_548 = arith.sitofp %convert_element_type3A_547 : vector<1024x128xi32> to vector<1024x128xf32>
    %convert_element_type3A_549 = arith.truncf %convert_element_type3A_548 : vector<1024x128xf32> to vector<1024x128xbf16>
    %slice3A_550 = vector.extract_strided_slice %convert_element_type3A {offsets = [5760, 0], sizes = [128, 64], strides = [1, 1]} : vector<16384x64xbf16> to vector<128x64xbf16>
    %dot_general3A_551 = arith.constant dense<0.000000e+00> : vector<1024x64xf32>
    %dot_general3A_552 = tpu.matmul %convert_element_type3A_549, %slice3A_550, %dot_general3A_551 {dimension_numbers = #tpu.dot_dimension_numbers<[1], [0], [0], [1], [0, 0, 1, 1], [], []>, transpose_lhs_hint = false} : vector<1024x128xbf16>, vector<128x64xbf16>, vector<1024x64xf32> -> vector<1024x64xf32>
    %add3A_553 = arith.addf %add3A_541, %dot_general3A_552 : vector<1024x64xf32>
    %get3A_554 = arith.constant 46 : index
    %get3A_555 = arith.constant 0 : index
    %get3A_556 = vector.load %arg2[%get3A_554, %get3A_555] : memref<128x128xf32, #tpu.memory_space<vmem>>, vector<1x128xf32>
    %eq3A_557 = vector.broadcast %get3A_556 : vector<1x128xf32> to vector<1024x128xf32>
    %eq3A_558 = arith.cmpf oeq, %get3A_1, %eq3A_557 : vector<1024x128xf32>
    %convert_element_type3A_559 = arith.extui %eq3A_558 : vector<1024x128xi1> to vector<1024x128xi32>
    %convert_element_type3A_560 = arith.sitofp %convert_element_type3A_559 : vector<1024x128xi32> to vector<1024x128xf32>
    %convert_element_type3A_561 = arith.truncf %convert_element_type3A_560 : vector<1024x128xf32> to vector<1024x128xbf16>
    %slice3A_562 = vector.extract_strided_slice %convert_element_type3A {offsets = [5888, 0], sizes = [128, 64], strides = [1, 1]} : vector<16384x64xbf16> to vector<128x64xbf16>
    %dot_general3A_563 = arith.constant dense<0.000000e+00> : vector<1024x64xf32>
    %dot_general3A_564 = tpu.matmul %convert_element_type3A_561, %slice3A_562, %dot_general3A_563 {dimension_numbers = #tpu.dot_dimension_numbers<[1], [0], [0], [1], [0, 0, 1, 1], [], []>, transpose_lhs_hint = false} : vector<1024x128xbf16>, vector<128x64xbf16>, vector<1024x64xf32> -> vector<1024x64xf32>
    %add3A_565 = arith.addf %add3A_553, %dot_general3A_564 : vector<1024x64xf32>
    %get3A_566 = arith.constant 47 : index
    %get3A_567 = arith.constant 0 : index
    %get3A_568 = vector.load %arg2[%get3A_566, %get3A_567] : memref<128x128xf32, #tpu.memory_space<vmem>>, vector<1x128xf32>
    %eq3A_569 = vector.broadcast %get3A_568 : vector<1x128xf32> to vector<1024x128xf32>
    %eq3A_570 = arith.cmpf oeq, %get3A_1, %eq3A_569 : vector<1024x128xf32>
    %convert_element_type3A_571 = arith.extui %eq3A_570 : vector<1024x128xi1> to vector<1024x128xi32>
    %convert_element_type3A_572 = arith.sitofp %convert_element_type3A_571 : vector<1024x128xi32> to vector<1024x128xf32>
    %convert_element_type3A_573 = arith.truncf %convert_element_type3A_572 : vector<1024x128xf32> to vector<1024x128xbf16>
    %slice3A_574 = vector.extract_strided_slice %convert_element_type3A {offsets = [6016, 0], sizes = [128, 64], strides = [1, 1]} : vector<16384x64xbf16> to vector<128x64xbf16>
    %dot_general3A_575 = arith.constant dense<0.000000e+00> : vector<1024x64xf32>
    %dot_general3A_576 = tpu.matmul %convert_element_type3A_573, %slice3A_574, %dot_general3A_575 {dimension_numbers = #tpu.dot_dimension_numbers<[1], [0], [0], [1], [0, 0, 1, 1], [], []>, transpose_lhs_hint = false} : vector<1024x128xbf16>, vector<128x64xbf16>, vector<1024x64xf32> -> vector<1024x64xf32>
    %add3A_577 = arith.addf %add3A_565, %dot_general3A_576 : vector<1024x64xf32>
    %get3A_578 = arith.constant 48 : index
    %get3A_579 = arith.constant 0 : index
    %get3A_580 = vector.load %arg2[%get3A_578, %get3A_579] : memref<128x128xf32, #tpu.memory_space<vmem>>, vector<1x128xf32>
    %eq3A_581 = vector.broadcast %get3A_580 : vector<1x128xf32> to vector<1024x128xf32>
    %eq3A_582 = arith.cmpf oeq, %get3A_1, %eq3A_581 : vector<1024x128xf32>
    %convert_element_type3A_583 = arith.extui %eq3A_582 : vector<1024x128xi1> to vector<1024x128xi32>
    %convert_element_type3A_584 = arith.sitofp %convert_element_type3A_583 : vector<1024x128xi32> to vector<1024x128xf32>
    %convert_element_type3A_585 = arith.truncf %convert_element_type3A_584 : vector<1024x128xf32> to vector<1024x128xbf16>
    %slice3A_586 = vector.extract_strided_slice %convert_element_type3A {offsets = [6144, 0], sizes = [128, 64], strides = [1, 1]} : vector<16384x64xbf16> to vector<128x64xbf16>
    %dot_general3A_587 = arith.constant dense<0.000000e+00> : vector<1024x64xf32>
    %dot_general3A_588 = tpu.matmul %convert_element_type3A_585, %slice3A_586, %dot_general3A_587 {dimension_numbers = #tpu.dot_dimension_numbers<[1], [0], [0], [1], [0, 0, 1, 1], [], []>, transpose_lhs_hint = false} : vector<1024x128xbf16>, vector<128x64xbf16>, vector<1024x64xf32> -> vector<1024x64xf32>
    %add3A_589 = arith.addf %add3A_577, %dot_general3A_588 : vector<1024x64xf32>
    %get3A_590 = arith.constant 49 : index
    %get3A_591 = arith.constant 0 : index
    %get3A_592 = vector.load %arg2[%get3A_590, %get3A_591] : memref<128x128xf32, #tpu.memory_space<vmem>>, vector<1x128xf32>
    %eq3A_593 = vector.broadcast %get3A_592 : vector<1x128xf32> to vector<1024x128xf32>
    %eq3A_594 = arith.cmpf oeq, %get3A_1, %eq3A_593 : vector<1024x128xf32>
    %convert_element_type3A_595 = arith.extui %eq3A_594 : vector<1024x128xi1> to vector<1024x128xi32>
    %convert_element_type3A_596 = arith.sitofp %convert_element_type3A_595 : vector<1024x128xi32> to vector<1024x128xf32>
    %convert_element_type3A_597 = arith.truncf %convert_element_type3A_596 : vector<1024x128xf32> to vector<1024x128xbf16>
    %slice3A_598 = vector.extract_strided_slice %convert_element_type3A {offsets = [6272, 0], sizes = [128, 64], strides = [1, 1]} : vector<16384x64xbf16> to vector<128x64xbf16>
    %dot_general3A_599 = arith.constant dense<0.000000e+00> : vector<1024x64xf32>
    %dot_general3A_600 = tpu.matmul %convert_element_type3A_597, %slice3A_598, %dot_general3A_599 {dimension_numbers = #tpu.dot_dimension_numbers<[1], [0], [0], [1], [0, 0, 1, 1], [], []>, transpose_lhs_hint = false} : vector<1024x128xbf16>, vector<128x64xbf16>, vector<1024x64xf32> -> vector<1024x64xf32>
    %add3A_601 = arith.addf %add3A_589, %dot_general3A_600 : vector<1024x64xf32>
    %get3A_602 = arith.constant 50 : index
    %get3A_603 = arith.constant 0 : index
    %get3A_604 = vector.load %arg2[%get3A_602, %get3A_603] : memref<128x128xf32, #tpu.memory_space<vmem>>, vector<1x128xf32>
    %eq3A_605 = vector.broadcast %get3A_604 : vector<1x128xf32> to vector<1024x128xf32>
    %eq3A_606 = arith.cmpf oeq, %get3A_1, %eq3A_605 : vector<1024x128xf32>
    %convert_element_type3A_607 = arith.extui %eq3A_606 : vector<1024x128xi1> to vector<1024x128xi32>
    %convert_element_type3A_608 = arith.sitofp %convert_element_type3A_607 : vector<1024x128xi32> to vector<1024x128xf32>
    %convert_element_type3A_609 = arith.truncf %convert_element_type3A_608 : vector<1024x128xf32> to vector<1024x128xbf16>
    %slice3A_610 = vector.extract_strided_slice %convert_element_type3A {offsets = [6400, 0], sizes = [128, 64], strides = [1, 1]} : vector<16384x64xbf16> to vector<128x64xbf16>
    %dot_general3A_611 = arith.constant dense<0.000000e+00> : vector<1024x64xf32>
    %dot_general3A_612 = tpu.matmul %convert_element_type3A_609, %slice3A_610, %dot_general3A_611 {dimension_numbers = #tpu.dot_dimension_numbers<[1], [0], [0], [1], [0, 0, 1, 1], [], []>, transpose_lhs_hint = false} : vector<1024x128xbf16>, vector<128x64xbf16>, vector<1024x64xf32> -> vector<1024x64xf32>
    %add3A_613 = arith.addf %add3A_601, %dot_general3A_612 : vector<1024x64xf32>
    %get3A_614 = arith.constant 51 : index
    %get3A_615 = arith.constant 0 : index
    %get3A_616 = vector.load %arg2[%get3A_614, %get3A_615] : memref<128x128xf32, #tpu.memory_space<vmem>>, vector<1x128xf32>
    %eq3A_617 = vector.broadcast %get3A_616 : vector<1x128xf32> to vector<1024x128xf32>
    %eq3A_618 = arith.cmpf oeq, %get3A_1, %eq3A_617 : vector<1024x128xf32>
    %convert_element_type3A_619 = arith.extui %eq3A_618 : vector<1024x128xi1> to vector<1024x128xi32>
    %convert_element_type3A_620 = arith.sitofp %convert_element_type3A_619 : vector<1024x128xi32> to vector<1024x128xf32>
    %convert_element_type3A_621 = arith.truncf %convert_element_type3A_620 : vector<1024x128xf32> to vector<1024x128xbf16>
    %slice3A_622 = vector.extract_strided_slice %convert_element_type3A {offsets = [6528, 0], sizes = [128, 64], strides = [1, 1]} : vector<16384x64xbf16> to vector<128x64xbf16>
    %dot_general3A_623 = arith.constant dense<0.000000e+00> : vector<1024x64xf32>
    %dot_general3A_624 = tpu.matmul %convert_element_type3A_621, %slice3A_622, %dot_general3A_623 {dimension_numbers = #tpu.dot_dimension_numbers<[1], [0], [0], [1], [0, 0, 1, 1], [], []>, transpose_lhs_hint = false} : vector<1024x128xbf16>, vector<128x64xbf16>, vector<1024x64xf32> -> vector<1024x64xf32>
    %add3A_625 = arith.addf %add3A_613, %dot_general3A_624 : vector<1024x64xf32>
    %get3A_626 = arith.constant 52 : index
    %get3A_627 = arith.constant 0 : index
    %get3A_628 = vector.load %arg2[%get3A_626, %get3A_627] : memref<128x128xf32, #tpu.memory_space<vmem>>, vector<1x128xf32>
    %eq3A_629 = vector.broadcast %get3A_628 : vector<1x128xf32> to vector<1024x128xf32>
    %eq3A_630 = arith.cmpf oeq, %get3A_1, %eq3A_629 : vector<1024x128xf32>
    %convert_element_type3A_631 = arith.extui %eq3A_630 : vector<1024x128xi1> to vector<1024x128xi32>
    %convert_element_type3A_632 = arith.sitofp %convert_element_type3A_631 : vector<1024x128xi32> to vector<1024x128xf32>
    %convert_element_type3A_633 = arith.truncf %convert_element_type3A_632 : vector<1024x128xf32> to vector<1024x128xbf16>
    %slice3A_634 = vector.extract_strided_slice %convert_element_type3A {offsets = [6656, 0], sizes = [128, 64], strides = [1, 1]} : vector<16384x64xbf16> to vector<128x64xbf16>
    %dot_general3A_635 = arith.constant dense<0.000000e+00> : vector<1024x64xf32>
    %dot_general3A_636 = tpu.matmul %convert_element_type3A_633, %slice3A_634, %dot_general3A_635 {dimension_numbers = #tpu.dot_dimension_numbers<[1], [0], [0], [1], [0, 0, 1, 1], [], []>, transpose_lhs_hint = false} : vector<1024x128xbf16>, vector<128x64xbf16>, vector<1024x64xf32> -> vector<1024x64xf32>
    %add3A_637 = arith.addf %add3A_625, %dot_general3A_636 : vector<1024x64xf32>
    %get3A_638 = arith.constant 53 : index
    %get3A_639 = arith.constant 0 : index
    %get3A_640 = vector.load %arg2[%get3A_638, %get3A_639] : memref<128x128xf32, #tpu.memory_space<vmem>>, vector<1x128xf32>
    %eq3A_641 = vector.broadcast %get3A_640 : vector<1x128xf32> to vector<1024x128xf32>
    %eq3A_642 = arith.cmpf oeq, %get3A_1, %eq3A_641 : vector<1024x128xf32>
    %convert_element_type3A_643 = arith.extui %eq3A_642 : vector<1024x128xi1> to vector<1024x128xi32>
    %convert_element_type3A_644 = arith.sitofp %convert_element_type3A_643 : vector<1024x128xi32> to vector<1024x128xf32>
    %convert_element_type3A_645 = arith.truncf %convert_element_type3A_644 : vector<1024x128xf32> to vector<1024x128xbf16>
    %slice3A_646 = vector.extract_strided_slice %convert_element_type3A {offsets = [6784, 0], sizes = [128, 64], strides = [1, 1]} : vector<16384x64xbf16> to vector<128x64xbf16>
    %dot_general3A_647 = arith.constant dense<0.000000e+00> : vector<1024x64xf32>
    %dot_general3A_648 = tpu.matmul %convert_element_type3A_645, %slice3A_646, %dot_general3A_647 {dimension_numbers = #tpu.dot_dimension_numbers<[1], [0], [0], [1], [0, 0, 1, 1], [], []>, transpose_lhs_hint = false} : vector<1024x128xbf16>, vector<128x64xbf16>, vector<1024x64xf32> -> vector<1024x64xf32>
    %add3A_649 = arith.addf %add3A_637, %dot_general3A_648 : vector<1024x64xf32>
    %get3A_650 = arith.constant 54 : index
    %get3A_651 = arith.constant 0 : index
    %get3A_652 = vector.load %arg2[%get3A_650, %get3A_651] : memref<128x128xf32, #tpu.memory_space<vmem>>, vector<1x128xf32>
    %eq3A_653 = vector.broadcast %get3A_652 : vector<1x128xf32> to vector<1024x128xf32>
    %eq3A_654 = arith.cmpf oeq, %get3A_1, %eq3A_653 : vector<1024x128xf32>
    %convert_element_type3A_655 = arith.extui %eq3A_654 : vector<1024x128xi1> to vector<1024x128xi32>
    %convert_element_type3A_656 = arith.sitofp %convert_element_type3A_655 : vector<1024x128xi32> to vector<1024x128xf32>
    %convert_element_type3A_657 = arith.truncf %convert_element_type3A_656 : vector<1024x128xf32> to vector<1024x128xbf16>
    %slice3A_658 = vector.extract_strided_slice %convert_element_type3A {offsets = [6912, 0], sizes = [128, 64], strides = [1, 1]} : vector<16384x64xbf16> to vector<128x64xbf16>
    %dot_general3A_659 = arith.constant dense<0.000000e+00> : vector<1024x64xf32>
    %dot_general3A_660 = tpu.matmul %convert_element_type3A_657, %slice3A_658, %dot_general3A_659 {dimension_numbers = #tpu.dot_dimension_numbers<[1], [0], [0], [1], [0, 0, 1, 1], [], []>, transpose_lhs_hint = false} : vector<1024x128xbf16>, vector<128x64xbf16>, vector<1024x64xf32> -> vector<1024x64xf32>
    %add3A_661 = arith.addf %add3A_649, %dot_general3A_660 : vector<1024x64xf32>
    %get3A_662 = arith.constant 55 : index
    %get3A_663 = arith.constant 0 : index
    %get3A_664 = vector.load %arg2[%get3A_662, %get3A_663] : memref<128x128xf32, #tpu.memory_space<vmem>>, vector<1x128xf32>
    %eq3A_665 = vector.broadcast %get3A_664 : vector<1x128xf32> to vector<1024x128xf32>
    %eq3A_666 = arith.cmpf oeq, %get3A_1, %eq3A_665 : vector<1024x128xf32>
    %convert_element_type3A_667 = arith.extui %eq3A_666 : vector<1024x128xi1> to vector<1024x128xi32>
    %convert_element_type3A_668 = arith.sitofp %convert_element_type3A_667 : vector<1024x128xi32> to vector<1024x128xf32>
    %convert_element_type3A_669 = arith.truncf %convert_element_type3A_668 : vector<1024x128xf32> to vector<1024x128xbf16>
    %slice3A_670 = vector.extract_strided_slice %convert_element_type3A {offsets = [7040, 0], sizes = [128, 64], strides = [1, 1]} : vector<16384x64xbf16> to vector<128x64xbf16>
    %dot_general3A_671 = arith.constant dense<0.000000e+00> : vector<1024x64xf32>
    %dot_general3A_672 = tpu.matmul %convert_element_type3A_669, %slice3A_670, %dot_general3A_671 {dimension_numbers = #tpu.dot_dimension_numbers<[1], [0], [0], [1], [0, 0, 1, 1], [], []>, transpose_lhs_hint = false} : vector<1024x128xbf16>, vector<128x64xbf16>, vector<1024x64xf32> -> vector<1024x64xf32>
    %add3A_673 = arith.addf %add3A_661, %dot_general3A_672 : vector<1024x64xf32>
    %get3A_674 = arith.constant 56 : index
    %get3A_675 = arith.constant 0 : index
    %get3A_676 = vector.load %arg2[%get3A_674, %get3A_675] : memref<128x128xf32, #tpu.memory_space<vmem>>, vector<1x128xf32>
    %eq3A_677 = vector.broadcast %get3A_676 : vector<1x128xf32> to vector<1024x128xf32>
    %eq3A_678 = arith.cmpf oeq, %get3A_1, %eq3A_677 : vector<1024x128xf32>
    %convert_element_type3A_679 = arith.extui %eq3A_678 : vector<1024x128xi1> to vector<1024x128xi32>
    %convert_element_type3A_680 = arith.sitofp %convert_element_type3A_679 : vector<1024x128xi32> to vector<1024x128xf32>
    %convert_element_type3A_681 = arith.truncf %convert_element_type3A_680 : vector<1024x128xf32> to vector<1024x128xbf16>
    %slice3A_682 = vector.extract_strided_slice %convert_element_type3A {offsets = [7168, 0], sizes = [128, 64], strides = [1, 1]} : vector<16384x64xbf16> to vector<128x64xbf16>
    %dot_general3A_683 = arith.constant dense<0.000000e+00> : vector<1024x64xf32>
    %dot_general3A_684 = tpu.matmul %convert_element_type3A_681, %slice3A_682, %dot_general3A_683 {dimension_numbers = #tpu.dot_dimension_numbers<[1], [0], [0], [1], [0, 0, 1, 1], [], []>, transpose_lhs_hint = false} : vector<1024x128xbf16>, vector<128x64xbf16>, vector<1024x64xf32> -> vector<1024x64xf32>
    %add3A_685 = arith.addf %add3A_673, %dot_general3A_684 : vector<1024x64xf32>
    %get3A_686 = arith.constant 57 : index
    %get3A_687 = arith.constant 0 : index
    %get3A_688 = vector.load %arg2[%get3A_686, %get3A_687] : memref<128x128xf32, #tpu.memory_space<vmem>>, vector<1x128xf32>
    %eq3A_689 = vector.broadcast %get3A_688 : vector<1x128xf32> to vector<1024x128xf32>
    %eq3A_690 = arith.cmpf oeq, %get3A_1, %eq3A_689 : vector<1024x128xf32>
    %convert_element_type3A_691 = arith.extui %eq3A_690 : vector<1024x128xi1> to vector<1024x128xi32>
    %convert_element_type3A_692 = arith.sitofp %convert_element_type3A_691 : vector<1024x128xi32> to vector<1024x128xf32>
    %convert_element_type3A_693 = arith.truncf %convert_element_type3A_692 : vector<1024x128xf32> to vector<1024x128xbf16>
    %slice3A_694 = vector.extract_strided_slice %convert_element_type3A {offsets = [7296, 0], sizes = [128, 64], strides = [1, 1]} : vector<16384x64xbf16> to vector<128x64xbf16>
    %dot_general3A_695 = arith.constant dense<0.000000e+00> : vector<1024x64xf32>
    %dot_general3A_696 = tpu.matmul %convert_element_type3A_693, %slice3A_694, %dot_general3A_695 {dimension_numbers = #tpu.dot_dimension_numbers<[1], [0], [0], [1], [0, 0, 1, 1], [], []>, transpose_lhs_hint = false} : vector<1024x128xbf16>, vector<128x64xbf16>, vector<1024x64xf32> -> vector<1024x64xf32>
    %add3A_697 = arith.addf %add3A_685, %dot_general3A_696 : vector<1024x64xf32>
    %get3A_698 = arith.constant 58 : index
    %get3A_699 = arith.constant 0 : index
    %get3A_700 = vector.load %arg2[%get3A_698, %get3A_699] : memref<128x128xf32, #tpu.memory_space<vmem>>, vector<1x128xf32>
    %eq3A_701 = vector.broadcast %get3A_700 : vector<1x128xf32> to vector<1024x128xf32>
    %eq3A_702 = arith.cmpf oeq, %get3A_1, %eq3A_701 : vector<1024x128xf32>
    %convert_element_type3A_703 = arith.extui %eq3A_702 : vector<1024x128xi1> to vector<1024x128xi32>
    %convert_element_type3A_704 = arith.sitofp %convert_element_type3A_703 : vector<1024x128xi32> to vector<1024x128xf32>
    %convert_element_type3A_705 = arith.truncf %convert_element_type3A_704 : vector<1024x128xf32> to vector<1024x128xbf16>
    %slice3A_706 = vector.extract_strided_slice %convert_element_type3A {offsets = [7424, 0], sizes = [128, 64], strides = [1, 1]} : vector<16384x64xbf16> to vector<128x64xbf16>
    %dot_general3A_707 = arith.constant dense<0.000000e+00> : vector<1024x64xf32>
    %dot_general3A_708 = tpu.matmul %convert_element_type3A_705, %slice3A_706, %dot_general3A_707 {dimension_numbers = #tpu.dot_dimension_numbers<[1], [0], [0], [1], [0, 0, 1, 1], [], []>, transpose_lhs_hint = false} : vector<1024x128xbf16>, vector<128x64xbf16>, vector<1024x64xf32> -> vector<1024x64xf32>
    %add3A_709 = arith.addf %add3A_697, %dot_general3A_708 : vector<1024x64xf32>
    %get3A_710 = arith.constant 59 : index
    %get3A_711 = arith.constant 0 : index
    %get3A_712 = vector.load %arg2[%get3A_710, %get3A_711] : memref<128x128xf32, #tpu.memory_space<vmem>>, vector<1x128xf32>
    %eq3A_713 = vector.broadcast %get3A_712 : vector<1x128xf32> to vector<1024x128xf32>
    %eq3A_714 = arith.cmpf oeq, %get3A_1, %eq3A_713 : vector<1024x128xf32>
    %convert_element_type3A_715 = arith.extui %eq3A_714 : vector<1024x128xi1> to vector<1024x128xi32>
    %convert_element_type3A_716 = arith.sitofp %convert_element_type3A_715 : vector<1024x128xi32> to vector<1024x128xf32>
    %convert_element_type3A_717 = arith.truncf %convert_element_type3A_716 : vector<1024x128xf32> to vector<1024x128xbf16>
    %slice3A_718 = vector.extract_strided_slice %convert_element_type3A {offsets = [7552, 0], sizes = [128, 64], strides = [1, 1]} : vector<16384x64xbf16> to vector<128x64xbf16>
    %dot_general3A_719 = arith.constant dense<0.000000e+00> : vector<1024x64xf32>
    %dot_general3A_720 = tpu.matmul %convert_element_type3A_717, %slice3A_718, %dot_general3A_719 {dimension_numbers = #tpu.dot_dimension_numbers<[1], [0], [0], [1], [0, 0, 1, 1], [], []>, transpose_lhs_hint = false} : vector<1024x128xbf16>, vector<128x64xbf16>, vector<1024x64xf32> -> vector<1024x64xf32>
    %add3A_721 = arith.addf %add3A_709, %dot_general3A_720 : vector<1024x64xf32>
    %get3A_722 = arith.constant 60 : index
    %get3A_723 = arith.constant 0 : index
    %get3A_724 = vector.load %arg2[%get3A_722, %get3A_723] : memref<128x128xf32, #tpu.memory_space<vmem>>, vector<1x128xf32>
    %eq3A_725 = vector.broadcast %get3A_724 : vector<1x128xf32> to vector<1024x128xf32>
    %eq3A_726 = arith.cmpf oeq, %get3A_1, %eq3A_725 : vector<1024x128xf32>
    %convert_element_type3A_727 = arith.extui %eq3A_726 : vector<1024x128xi1> to vector<1024x128xi32>
    %convert_element_type3A_728 = arith.sitofp %convert_element_type3A_727 : vector<1024x128xi32> to vector<1024x128xf32>
    %convert_element_type3A_729 = arith.truncf %convert_element_type3A_728 : vector<1024x128xf32> to vector<1024x128xbf16>
    %slice3A_730 = vector.extract_strided_slice %convert_element_type3A {offsets = [7680, 0], sizes = [128, 64], strides = [1, 1]} : vector<16384x64xbf16> to vector<128x64xbf16>
    %dot_general3A_731 = arith.constant dense<0.000000e+00> : vector<1024x64xf32>
    %dot_general3A_732 = tpu.matmul %convert_element_type3A_729, %slice3A_730, %dot_general3A_731 {dimension_numbers = #tpu.dot_dimension_numbers<[1], [0], [0], [1], [0, 0, 1, 1], [], []>, transpose_lhs_hint = false} : vector<1024x128xbf16>, vector<128x64xbf16>, vector<1024x64xf32> -> vector<1024x64xf32>
    %add3A_733 = arith.addf %add3A_721, %dot_general3A_732 : vector<1024x64xf32>
    %get3A_734 = arith.constant 61 : index
    %get3A_735 = arith.constant 0 : index
    %get3A_736 = vector.load %arg2[%get3A_734, %get3A_735] : memref<128x128xf32, #tpu.memory_space<vmem>>, vector<1x128xf32>
    %eq3A_737 = vector.broadcast %get3A_736 : vector<1x128xf32> to vector<1024x128xf32>
    %eq3A_738 = arith.cmpf oeq, %get3A_1, %eq3A_737 : vector<1024x128xf32>
    %convert_element_type3A_739 = arith.extui %eq3A_738 : vector<1024x128xi1> to vector<1024x128xi32>
    %convert_element_type3A_740 = arith.sitofp %convert_element_type3A_739 : vector<1024x128xi32> to vector<1024x128xf32>
    %convert_element_type3A_741 = arith.truncf %convert_element_type3A_740 : vector<1024x128xf32> to vector<1024x128xbf16>
    %slice3A_742 = vector.extract_strided_slice %convert_element_type3A {offsets = [7808, 0], sizes = [128, 64], strides = [1, 1]} : vector<16384x64xbf16> to vector<128x64xbf16>
    %dot_general3A_743 = arith.constant dense<0.000000e+00> : vector<1024x64xf32>
    %dot_general3A_744 = tpu.matmul %convert_element_type3A_741, %slice3A_742, %dot_general3A_743 {dimension_numbers = #tpu.dot_dimension_numbers<[1], [0], [0], [1], [0, 0, 1, 1], [], []>, transpose_lhs_hint = false} : vector<1024x128xbf16>, vector<128x64xbf16>, vector<1024x64xf32> -> vector<1024x64xf32>
    %add3A_745 = arith.addf %add3A_733, %dot_general3A_744 : vector<1024x64xf32>
    %get3A_746 = arith.constant 62 : index
    %get3A_747 = arith.constant 0 : index
    %get3A_748 = vector.load %arg2[%get3A_746, %get3A_747] : memref<128x128xf32, #tpu.memory_space<vmem>>, vector<1x128xf32>
    %eq3A_749 = vector.broadcast %get3A_748 : vector<1x128xf32> to vector<1024x128xf32>
    %eq3A_750 = arith.cmpf oeq, %get3A_1, %eq3A_749 : vector<1024x128xf32>
    %convert_element_type3A_751 = arith.extui %eq3A_750 : vector<1024x128xi1> to vector<1024x128xi32>
    %convert_element_type3A_752 = arith.sitofp %convert_element_type3A_751 : vector<1024x128xi32> to vector<1024x128xf32>
    %convert_element_type3A_753 = arith.truncf %convert_element_type3A_752 : vector<1024x128xf32> to vector<1024x128xbf16>
    %slice3A_754 = vector.extract_strided_slice %convert_element_type3A {offsets = [7936, 0], sizes = [128, 64], strides = [1, 1]} : vector<16384x64xbf16> to vector<128x64xbf16>
    %dot_general3A_755 = arith.constant dense<0.000000e+00> : vector<1024x64xf32>
    %dot_general3A_756 = tpu.matmul %convert_element_type3A_753, %slice3A_754, %dot_general3A_755 {dimension_numbers = #tpu.dot_dimension_numbers<[1], [0], [0], [1], [0, 0, 1, 1], [], []>, transpose_lhs_hint = false} : vector<1024x128xbf16>, vector<128x64xbf16>, vector<1024x64xf32> -> vector<1024x64xf32>
    %add3A_757 = arith.addf %add3A_745, %dot_general3A_756 : vector<1024x64xf32>
    %get3A_758 = arith.constant 63 : index
    %get3A_759 = arith.constant 0 : index
    %get3A_760 = vector.load %arg2[%get3A_758, %get3A_759] : memref<128x128xf32, #tpu.memory_space<vmem>>, vector<1x128xf32>
    %eq3A_761 = vector.broadcast %get3A_760 : vector<1x128xf32> to vector<1024x128xf32>
    %eq3A_762 = arith.cmpf oeq, %get3A_1, %eq3A_761 : vector<1024x128xf32>
    %convert_element_type3A_763 = arith.extui %eq3A_762 : vector<1024x128xi1> to vector<1024x128xi32>
    %convert_element_type3A_764 = arith.sitofp %convert_element_type3A_763 : vector<1024x128xi32> to vector<1024x128xf32>
    %convert_element_type3A_765 = arith.truncf %convert_element_type3A_764 : vector<1024x128xf32> to vector<1024x128xbf16>
    %slice3A_766 = vector.extract_strided_slice %convert_element_type3A {offsets = [8064, 0], sizes = [128, 64], strides = [1, 1]} : vector<16384x64xbf16> to vector<128x64xbf16>
    %dot_general3A_767 = arith.constant dense<0.000000e+00> : vector<1024x64xf32>
    %dot_general3A_768 = tpu.matmul %convert_element_type3A_765, %slice3A_766, %dot_general3A_767 {dimension_numbers = #tpu.dot_dimension_numbers<[1], [0], [0], [1], [0, 0, 1, 1], [], []>, transpose_lhs_hint = false} : vector<1024x128xbf16>, vector<128x64xbf16>, vector<1024x64xf32> -> vector<1024x64xf32>
    %add3A_769 = arith.addf %add3A_757, %dot_general3A_768 : vector<1024x64xf32>
    %get3A_770 = arith.constant 64 : index
    %get3A_771 = arith.constant 0 : index
    %get3A_772 = vector.load %arg2[%get3A_770, %get3A_771] : memref<128x128xf32, #tpu.memory_space<vmem>>, vector<1x128xf32>
    %eq3A_773 = vector.broadcast %get3A_772 : vector<1x128xf32> to vector<1024x128xf32>
    %eq3A_774 = arith.cmpf oeq, %get3A_1, %eq3A_773 : vector<1024x128xf32>
    %convert_element_type3A_775 = arith.extui %eq3A_774 : vector<1024x128xi1> to vector<1024x128xi32>
    %convert_element_type3A_776 = arith.sitofp %convert_element_type3A_775 : vector<1024x128xi32> to vector<1024x128xf32>
    %convert_element_type3A_777 = arith.truncf %convert_element_type3A_776 : vector<1024x128xf32> to vector<1024x128xbf16>
    %slice3A_778 = vector.extract_strided_slice %convert_element_type3A {offsets = [8192, 0], sizes = [128, 64], strides = [1, 1]} : vector<16384x64xbf16> to vector<128x64xbf16>
    %dot_general3A_779 = arith.constant dense<0.000000e+00> : vector<1024x64xf32>
    %dot_general3A_780 = tpu.matmul %convert_element_type3A_777, %slice3A_778, %dot_general3A_779 {dimension_numbers = #tpu.dot_dimension_numbers<[1], [0], [0], [1], [0, 0, 1, 1], [], []>, transpose_lhs_hint = false} : vector<1024x128xbf16>, vector<128x64xbf16>, vector<1024x64xf32> -> vector<1024x64xf32>
    %add3A_781 = arith.addf %add3A_769, %dot_general3A_780 : vector<1024x64xf32>
    %get3A_782 = arith.constant 65 : index
    %get3A_783 = arith.constant 0 : index
    %get3A_784 = vector.load %arg2[%get3A_782, %get3A_783] : memref<128x128xf32, #tpu.memory_space<vmem>>, vector<1x128xf32>
    %eq3A_785 = vector.broadcast %get3A_784 : vector<1x128xf32> to vector<1024x128xf32>
    %eq3A_786 = arith.cmpf oeq, %get3A_1, %eq3A_785 : vector<1024x128xf32>
    %convert_element_type3A_787 = arith.extui %eq3A_786 : vector<1024x128xi1> to vector<1024x128xi32>
    %convert_element_type3A_788 = arith.sitofp %convert_element_type3A_787 : vector<1024x128xi32> to vector<1024x128xf32>
    %convert_element_type3A_789 = arith.truncf %convert_element_type3A_788 : vector<1024x128xf32> to vector<1024x128xbf16>
    %slice3A_790 = vector.extract_strided_slice %convert_element_type3A {offsets = [8320, 0], sizes = [128, 64], strides = [1, 1]} : vector<16384x64xbf16> to vector<128x64xbf16>
    %dot_general3A_791 = arith.constant dense<0.000000e+00> : vector<1024x64xf32>
    %dot_general3A_792 = tpu.matmul %convert_element_type3A_789, %slice3A_790, %dot_general3A_791 {dimension_numbers = #tpu.dot_dimension_numbers<[1], [0], [0], [1], [0, 0, 1, 1], [], []>, transpose_lhs_hint = false} : vector<1024x128xbf16>, vector<128x64xbf16>, vector<1024x64xf32> -> vector<1024x64xf32>
    %add3A_793 = arith.addf %add3A_781, %dot_general3A_792 : vector<1024x64xf32>
    %get3A_794 = arith.constant 66 : index
    %get3A_795 = arith.constant 0 : index
    %get3A_796 = vector.load %arg2[%get3A_794, %get3A_795] : memref<128x128xf32, #tpu.memory_space<vmem>>, vector<1x128xf32>
    %eq3A_797 = vector.broadcast %get3A_796 : vector<1x128xf32> to vector<1024x128xf32>
    %eq3A_798 = arith.cmpf oeq, %get3A_1, %eq3A_797 : vector<1024x128xf32>
    %convert_element_type3A_799 = arith.extui %eq3A_798 : vector<1024x128xi1> to vector<1024x128xi32>
    %convert_element_type3A_800 = arith.sitofp %convert_element_type3A_799 : vector<1024x128xi32> to vector<1024x128xf32>
    %convert_element_type3A_801 = arith.truncf %convert_element_type3A_800 : vector<1024x128xf32> to vector<1024x128xbf16>
    %slice3A_802 = vector.extract_strided_slice %convert_element_type3A {offsets = [8448, 0], sizes = [128, 64], strides = [1, 1]} : vector<16384x64xbf16> to vector<128x64xbf16>
    %dot_general3A_803 = arith.constant dense<0.000000e+00> : vector<1024x64xf32>
    %dot_general3A_804 = tpu.matmul %convert_element_type3A_801, %slice3A_802, %dot_general3A_803 {dimension_numbers = #tpu.dot_dimension_numbers<[1], [0], [0], [1], [0, 0, 1, 1], [], []>, transpose_lhs_hint = false} : vector<1024x128xbf16>, vector<128x64xbf16>, vector<1024x64xf32> -> vector<1024x64xf32>
    %add3A_805 = arith.addf %add3A_793, %dot_general3A_804 : vector<1024x64xf32>
    %get3A_806 = arith.constant 67 : index
    %get3A_807 = arith.constant 0 : index
    %get3A_808 = vector.load %arg2[%get3A_806, %get3A_807] : memref<128x128xf32, #tpu.memory_space<vmem>>, vector<1x128xf32>
    %eq3A_809 = vector.broadcast %get3A_808 : vector<1x128xf32> to vector<1024x128xf32>
    %eq3A_810 = arith.cmpf oeq, %get3A_1, %eq3A_809 : vector<1024x128xf32>
    %convert_element_type3A_811 = arith.extui %eq3A_810 : vector<1024x128xi1> to vector<1024x128xi32>
    %convert_element_type3A_812 = arith.sitofp %convert_element_type3A_811 : vector<1024x128xi32> to vector<1024x128xf32>
    %convert_element_type3A_813 = arith.truncf %convert_element_type3A_812 : vector<1024x128xf32> to vector<1024x128xbf16>
    %slice3A_814 = vector.extract_strided_slice %convert_element_type3A {offsets = [8576, 0], sizes = [128, 64], strides = [1, 1]} : vector<16384x64xbf16> to vector<128x64xbf16>
    %dot_general3A_815 = arith.constant dense<0.000000e+00> : vector<1024x64xf32>
    %dot_general3A_816 = tpu.matmul %convert_element_type3A_813, %slice3A_814, %dot_general3A_815 {dimension_numbers = #tpu.dot_dimension_numbers<[1], [0], [0], [1], [0, 0, 1, 1], [], []>, transpose_lhs_hint = false} : vector<1024x128xbf16>, vector<128x64xbf16>, vector<1024x64xf32> -> vector<1024x64xf32>
    %add3A_817 = arith.addf %add3A_805, %dot_general3A_816 : vector<1024x64xf32>
    %get3A_818 = arith.constant 68 : index
    %get3A_819 = arith.constant 0 : index
    %get3A_820 = vector.load %arg2[%get3A_818, %get3A_819] : memref<128x128xf32, #tpu.memory_space<vmem>>, vector<1x128xf32>
    %eq3A_821 = vector.broadcast %get3A_820 : vector<1x128xf32> to vector<1024x128xf32>
    %eq3A_822 = arith.cmpf oeq, %get3A_1, %eq3A_821 : vector<1024x128xf32>
    %convert_element_type3A_823 = arith.extui %eq3A_822 : vector<1024x128xi1> to vector<1024x128xi32>
    %convert_element_type3A_824 = arith.sitofp %convert_element_type3A_823 : vector<1024x128xi32> to vector<1024x128xf32>
    %convert_element_type3A_825 = arith.truncf %convert_element_type3A_824 : vector<1024x128xf32> to vector<1024x128xbf16>
    %slice3A_826 = vector.extract_strided_slice %convert_element_type3A {offsets = [8704, 0], sizes = [128, 64], strides = [1, 1]} : vector<16384x64xbf16> to vector<128x64xbf16>
    %dot_general3A_827 = arith.constant dense<0.000000e+00> : vector<1024x64xf32>
    %dot_general3A_828 = tpu.matmul %convert_element_type3A_825, %slice3A_826, %dot_general3A_827 {dimension_numbers = #tpu.dot_dimension_numbers<[1], [0], [0], [1], [0, 0, 1, 1], [], []>, transpose_lhs_hint = false} : vector<1024x128xbf16>, vector<128x64xbf16>, vector<1024x64xf32> -> vector<1024x64xf32>
    %add3A_829 = arith.addf %add3A_817, %dot_general3A_828 : vector<1024x64xf32>
    %get3A_830 = arith.constant 69 : index
    %get3A_831 = arith.constant 0 : index
    %get3A_832 = vector.load %arg2[%get3A_830, %get3A_831] : memref<128x128xf32, #tpu.memory_space<vmem>>, vector<1x128xf32>
    %eq3A_833 = vector.broadcast %get3A_832 : vector<1x128xf32> to vector<1024x128xf32>
    %eq3A_834 = arith.cmpf oeq, %get3A_1, %eq3A_833 : vector<1024x128xf32>
    %convert_element_type3A_835 = arith.extui %eq3A_834 : vector<1024x128xi1> to vector<1024x128xi32>
    %convert_element_type3A_836 = arith.sitofp %convert_element_type3A_835 : vector<1024x128xi32> to vector<1024x128xf32>
    %convert_element_type3A_837 = arith.truncf %convert_element_type3A_836 : vector<1024x128xf32> to vector<1024x128xbf16>
    %slice3A_838 = vector.extract_strided_slice %convert_element_type3A {offsets = [8832, 0], sizes = [128, 64], strides = [1, 1]} : vector<16384x64xbf16> to vector<128x64xbf16>
    %dot_general3A_839 = arith.constant dense<0.000000e+00> : vector<1024x64xf32>
    %dot_general3A_840 = tpu.matmul %convert_element_type3A_837, %slice3A_838, %dot_general3A_839 {dimension_numbers = #tpu.dot_dimension_numbers<[1], [0], [0], [1], [0, 0, 1, 1], [], []>, transpose_lhs_hint = false} : vector<1024x128xbf16>, vector<128x64xbf16>, vector<1024x64xf32> -> vector<1024x64xf32>
    %add3A_841 = arith.addf %add3A_829, %dot_general3A_840 : vector<1024x64xf32>
    %get3A_842 = arith.constant 70 : index
    %get3A_843 = arith.constant 0 : index
    %get3A_844 = vector.load %arg2[%get3A_842, %get3A_843] : memref<128x128xf32, #tpu.memory_space<vmem>>, vector<1x128xf32>
    %eq3A_845 = vector.broadcast %get3A_844 : vector<1x128xf32> to vector<1024x128xf32>
    %eq3A_846 = arith.cmpf oeq, %get3A_1, %eq3A_845 : vector<1024x128xf32>
    %convert_element_type3A_847 = arith.extui %eq3A_846 : vector<1024x128xi1> to vector<1024x128xi32>
    %convert_element_type3A_848 = arith.sitofp %convert_element_type3A_847 : vector<1024x128xi32> to vector<1024x128xf32>
    %convert_element_type3A_849 = arith.truncf %convert_element_type3A_848 : vector<1024x128xf32> to vector<1024x128xbf16>
    %slice3A_850 = vector.extract_strided_slice %convert_element_type3A {offsets = [8960, 0], sizes = [128, 64], strides = [1, 1]} : vector<16384x64xbf16> to vector<128x64xbf16>
    %dot_general3A_851 = arith.constant dense<0.000000e+00> : vector<1024x64xf32>
    %dot_general3A_852 = tpu.matmul %convert_element_type3A_849, %slice3A_850, %dot_general3A_851 {dimension_numbers = #tpu.dot_dimension_numbers<[1], [0], [0], [1], [0, 0, 1, 1], [], []>, transpose_lhs_hint = false} : vector<1024x128xbf16>, vector<128x64xbf16>, vector<1024x64xf32> -> vector<1024x64xf32>
    %add3A_853 = arith.addf %add3A_841, %dot_general3A_852 : vector<1024x64xf32>
    %get3A_854 = arith.constant 71 : index
    %get3A_855 = arith.constant 0 : index
    %get3A_856 = vector.load %arg2[%get3A_854, %get3A_855] : memref<128x128xf32, #tpu.memory_space<vmem>>, vector<1x128xf32>
    %eq3A_857 = vector.broadcast %get3A_856 : vector<1x128xf32> to vector<1024x128xf32>
    %eq3A_858 = arith.cmpf oeq, %get3A_1, %eq3A_857 : vector<1024x128xf32>
    %convert_element_type3A_859 = arith.extui %eq3A_858 : vector<1024x128xi1> to vector<1024x128xi32>
    %convert_element_type3A_860 = arith.sitofp %convert_element_type3A_859 : vector<1024x128xi32> to vector<1024x128xf32>
    %convert_element_type3A_861 = arith.truncf %convert_element_type3A_860 : vector<1024x128xf32> to vector<1024x128xbf16>
    %slice3A_862 = vector.extract_strided_slice %convert_element_type3A {offsets = [9088, 0], sizes = [128, 64], strides = [1, 1]} : vector<16384x64xbf16> to vector<128x64xbf16>
    %dot_general3A_863 = arith.constant dense<0.000000e+00> : vector<1024x64xf32>
    %dot_general3A_864 = tpu.matmul %convert_element_type3A_861, %slice3A_862, %dot_general3A_863 {dimension_numbers = #tpu.dot_dimension_numbers<[1], [0], [0], [1], [0, 0, 1, 1], [], []>, transpose_lhs_hint = false} : vector<1024x128xbf16>, vector<128x64xbf16>, vector<1024x64xf32> -> vector<1024x64xf32>
    %add3A_865 = arith.addf %add3A_853, %dot_general3A_864 : vector<1024x64xf32>
    %get3A_866 = arith.constant 72 : index
    %get3A_867 = arith.constant 0 : index
    %get3A_868 = vector.load %arg2[%get3A_866, %get3A_867] : memref<128x128xf32, #tpu.memory_space<vmem>>, vector<1x128xf32>
    %eq3A_869 = vector.broadcast %get3A_868 : vector<1x128xf32> to vector<1024x128xf32>
    %eq3A_870 = arith.cmpf oeq, %get3A_1, %eq3A_869 : vector<1024x128xf32>
    %convert_element_type3A_871 = arith.extui %eq3A_870 : vector<1024x128xi1> to vector<1024x128xi32>
    %convert_element_type3A_872 = arith.sitofp %convert_element_type3A_871 : vector<1024x128xi32> to vector<1024x128xf32>
    %convert_element_type3A_873 = arith.truncf %convert_element_type3A_872 : vector<1024x128xf32> to vector<1024x128xbf16>
    %slice3A_874 = vector.extract_strided_slice %convert_element_type3A {offsets = [9216, 0], sizes = [128, 64], strides = [1, 1]} : vector<16384x64xbf16> to vector<128x64xbf16>
    %dot_general3A_875 = arith.constant dense<0.000000e+00> : vector<1024x64xf32>
    %dot_general3A_876 = tpu.matmul %convert_element_type3A_873, %slice3A_874, %dot_general3A_875 {dimension_numbers = #tpu.dot_dimension_numbers<[1], [0], [0], [1], [0, 0, 1, 1], [], []>, transpose_lhs_hint = false} : vector<1024x128xbf16>, vector<128x64xbf16>, vector<1024x64xf32> -> vector<1024x64xf32>
    %add3A_877 = arith.addf %add3A_865, %dot_general3A_876 : vector<1024x64xf32>
    %get3A_878 = arith.constant 73 : index
    %get3A_879 = arith.constant 0 : index
    %get3A_880 = vector.load %arg2[%get3A_878, %get3A_879] : memref<128x128xf32, #tpu.memory_space<vmem>>, vector<1x128xf32>
    %eq3A_881 = vector.broadcast %get3A_880 : vector<1x128xf32> to vector<1024x128xf32>
    %eq3A_882 = arith.cmpf oeq, %get3A_1, %eq3A_881 : vector<1024x128xf32>
    %convert_element_type3A_883 = arith.extui %eq3A_882 : vector<1024x128xi1> to vector<1024x128xi32>
    %convert_element_type3A_884 = arith.sitofp %convert_element_type3A_883 : vector<1024x128xi32> to vector<1024x128xf32>
    %convert_element_type3A_885 = arith.truncf %convert_element_type3A_884 : vector<1024x128xf32> to vector<1024x128xbf16>
    %slice3A_886 = vector.extract_strided_slice %convert_element_type3A {offsets = [9344, 0], sizes = [128, 64], strides = [1, 1]} : vector<16384x64xbf16> to vector<128x64xbf16>
    %dot_general3A_887 = arith.constant dense<0.000000e+00> : vector<1024x64xf32>
    %dot_general3A_888 = tpu.matmul %convert_element_type3A_885, %slice3A_886, %dot_general3A_887 {dimension_numbers = #tpu.dot_dimension_numbers<[1], [0], [0], [1], [0, 0, 1, 1], [], []>, transpose_lhs_hint = false} : vector<1024x128xbf16>, vector<128x64xbf16>, vector<1024x64xf32> -> vector<1024x64xf32>
    %add3A_889 = arith.addf %add3A_877, %dot_general3A_888 : vector<1024x64xf32>
    %get3A_890 = arith.constant 74 : index
    %get3A_891 = arith.constant 0 : index
    %get3A_892 = vector.load %arg2[%get3A_890, %get3A_891] : memref<128x128xf32, #tpu.memory_space<vmem>>, vector<1x128xf32>
    %eq3A_893 = vector.broadcast %get3A_892 : vector<1x128xf32> to vector<1024x128xf32>
    %eq3A_894 = arith.cmpf oeq, %get3A_1, %eq3A_893 : vector<1024x128xf32>
    %convert_element_type3A_895 = arith.extui %eq3A_894 : vector<1024x128xi1> to vector<1024x128xi32>
    %convert_element_type3A_896 = arith.sitofp %convert_element_type3A_895 : vector<1024x128xi32> to vector<1024x128xf32>
    %convert_element_type3A_897 = arith.truncf %convert_element_type3A_896 : vector<1024x128xf32> to vector<1024x128xbf16>
    %slice3A_898 = vector.extract_strided_slice %convert_element_type3A {offsets = [9472, 0], sizes = [128, 64], strides = [1, 1]} : vector<16384x64xbf16> to vector<128x64xbf16>
    %dot_general3A_899 = arith.constant dense<0.000000e+00> : vector<1024x64xf32>
    %dot_general3A_900 = tpu.matmul %convert_element_type3A_897, %slice3A_898, %dot_general3A_899 {dimension_numbers = #tpu.dot_dimension_numbers<[1], [0], [0], [1], [0, 0, 1, 1], [], []>, transpose_lhs_hint = false} : vector<1024x128xbf16>, vector<128x64xbf16>, vector<1024x64xf32> -> vector<1024x64xf32>
    %add3A_901 = arith.addf %add3A_889, %dot_general3A_900 : vector<1024x64xf32>
    %get3A_902 = arith.constant 75 : index
    %get3A_903 = arith.constant 0 : index
    %get3A_904 = vector.load %arg2[%get3A_902, %get3A_903] : memref<128x128xf32, #tpu.memory_space<vmem>>, vector<1x128xf32>
    %eq3A_905 = vector.broadcast %get3A_904 : vector<1x128xf32> to vector<1024x128xf32>
    %eq3A_906 = arith.cmpf oeq, %get3A_1, %eq3A_905 : vector<1024x128xf32>
    %convert_element_type3A_907 = arith.extui %eq3A_906 : vector<1024x128xi1> to vector<1024x128xi32>
    %convert_element_type3A_908 = arith.sitofp %convert_element_type3A_907 : vector<1024x128xi32> to vector<1024x128xf32>
    %convert_element_type3A_909 = arith.truncf %convert_element_type3A_908 : vector<1024x128xf32> to vector<1024x128xbf16>
    %slice3A_910 = vector.extract_strided_slice %convert_element_type3A {offsets = [9600, 0], sizes = [128, 64], strides = [1, 1]} : vector<16384x64xbf16> to vector<128x64xbf16>
    %dot_general3A_911 = arith.constant dense<0.000000e+00> : vector<1024x64xf32>
    %dot_general3A_912 = tpu.matmul %convert_element_type3A_909, %slice3A_910, %dot_general3A_911 {dimension_numbers = #tpu.dot_dimension_numbers<[1], [0], [0], [1], [0, 0, 1, 1], [], []>, transpose_lhs_hint = false} : vector<1024x128xbf16>, vector<128x64xbf16>, vector<1024x64xf32> -> vector<1024x64xf32>
    %add3A_913 = arith.addf %add3A_901, %dot_general3A_912 : vector<1024x64xf32>
    %get3A_914 = arith.constant 76 : index
    %get3A_915 = arith.constant 0 : index
    %get3A_916 = vector.load %arg2[%get3A_914, %get3A_915] : memref<128x128xf32, #tpu.memory_space<vmem>>, vector<1x128xf32>
    %eq3A_917 = vector.broadcast %get3A_916 : vector<1x128xf32> to vector<1024x128xf32>
    %eq3A_918 = arith.cmpf oeq, %get3A_1, %eq3A_917 : vector<1024x128xf32>
    %convert_element_type3A_919 = arith.extui %eq3A_918 : vector<1024x128xi1> to vector<1024x128xi32>
    %convert_element_type3A_920 = arith.sitofp %convert_element_type3A_919 : vector<1024x128xi32> to vector<1024x128xf32>
    %convert_element_type3A_921 = arith.truncf %convert_element_type3A_920 : vector<1024x128xf32> to vector<1024x128xbf16>
    %slice3A_922 = vector.extract_strided_slice %convert_element_type3A {offsets = [9728, 0], sizes = [128, 64], strides = [1, 1]} : vector<16384x64xbf16> to vector<128x64xbf16>
    %dot_general3A_923 = arith.constant dense<0.000000e+00> : vector<1024x64xf32>
    %dot_general3A_924 = tpu.matmul %convert_element_type3A_921, %slice3A_922, %dot_general3A_923 {dimension_numbers = #tpu.dot_dimension_numbers<[1], [0], [0], [1], [0, 0, 1, 1], [], []>, transpose_lhs_hint = false} : vector<1024x128xbf16>, vector<128x64xbf16>, vector<1024x64xf32> -> vector<1024x64xf32>
    %add3A_925 = arith.addf %add3A_913, %dot_general3A_924 : vector<1024x64xf32>
    %get3A_926 = arith.constant 77 : index
    %get3A_927 = arith.constant 0 : index
    %get3A_928 = vector.load %arg2[%get3A_926, %get3A_927] : memref<128x128xf32, #tpu.memory_space<vmem>>, vector<1x128xf32>
    %eq3A_929 = vector.broadcast %get3A_928 : vector<1x128xf32> to vector<1024x128xf32>
    %eq3A_930 = arith.cmpf oeq, %get3A_1, %eq3A_929 : vector<1024x128xf32>
    %convert_element_type3A_931 = arith.extui %eq3A_930 : vector<1024x128xi1> to vector<1024x128xi32>
    %convert_element_type3A_932 = arith.sitofp %convert_element_type3A_931 : vector<1024x128xi32> to vector<1024x128xf32>
    %convert_element_type3A_933 = arith.truncf %convert_element_type3A_932 : vector<1024x128xf32> to vector<1024x128xbf16>
    %slice3A_934 = vector.extract_strided_slice %convert_element_type3A {offsets = [9856, 0], sizes = [128, 64], strides = [1, 1]} : vector<16384x64xbf16> to vector<128x64xbf16>
    %dot_general3A_935 = arith.constant dense<0.000000e+00> : vector<1024x64xf32>
    %dot_general3A_936 = tpu.matmul %convert_element_type3A_933, %slice3A_934, %dot_general3A_935 {dimension_numbers = #tpu.dot_dimension_numbers<[1], [0], [0], [1], [0, 0, 1, 1], [], []>, transpose_lhs_hint = false} : vector<1024x128xbf16>, vector<128x64xbf16>, vector<1024x64xf32> -> vector<1024x64xf32>
    %add3A_937 = arith.addf %add3A_925, %dot_general3A_936 : vector<1024x64xf32>
    %get3A_938 = arith.constant 78 : index
    %get3A_939 = arith.constant 0 : index
    %get3A_940 = vector.load %arg2[%get3A_938, %get3A_939] : memref<128x128xf32, #tpu.memory_space<vmem>>, vector<1x128xf32>
    %eq3A_941 = vector.broadcast %get3A_940 : vector<1x128xf32> to vector<1024x128xf32>
    %eq3A_942 = arith.cmpf oeq, %get3A_1, %eq3A_941 : vector<1024x128xf32>
    %convert_element_type3A_943 = arith.extui %eq3A_942 : vector<1024x128xi1> to vector<1024x128xi32>
    %convert_element_type3A_944 = arith.sitofp %convert_element_type3A_943 : vector<1024x128xi32> to vector<1024x128xf32>
    %convert_element_type3A_945 = arith.truncf %convert_element_type3A_944 : vector<1024x128xf32> to vector<1024x128xbf16>
    %slice3A_946 = vector.extract_strided_slice %convert_element_type3A {offsets = [9984, 0], sizes = [128, 64], strides = [1, 1]} : vector<16384x64xbf16> to vector<128x64xbf16>
    %dot_general3A_947 = arith.constant dense<0.000000e+00> : vector<1024x64xf32>
    %dot_general3A_948 = tpu.matmul %convert_element_type3A_945, %slice3A_946, %dot_general3A_947 {dimension_numbers = #tpu.dot_dimension_numbers<[1], [0], [0], [1], [0, 0, 1, 1], [], []>, transpose_lhs_hint = false} : vector<1024x128xbf16>, vector<128x64xbf16>, vector<1024x64xf32> -> vector<1024x64xf32>
    %add3A_949 = arith.addf %add3A_937, %dot_general3A_948 : vector<1024x64xf32>
    %get3A_950 = arith.constant 79 : index
    %get3A_951 = arith.constant 0 : index
    %get3A_952 = vector.load %arg2[%get3A_950, %get3A_951] : memref<128x128xf32, #tpu.memory_space<vmem>>, vector<1x128xf32>
    %eq3A_953 = vector.broadcast %get3A_952 : vector<1x128xf32> to vector<1024x128xf32>
    %eq3A_954 = arith.cmpf oeq, %get3A_1, %eq3A_953 : vector<1024x128xf32>
    %convert_element_type3A_955 = arith.extui %eq3A_954 : vector<1024x128xi1> to vector<1024x128xi32>
    %convert_element_type3A_956 = arith.sitofp %convert_element_type3A_955 : vector<1024x128xi32> to vector<1024x128xf32>
    %convert_element_type3A_957 = arith.truncf %convert_element_type3A_956 : vector<1024x128xf32> to vector<1024x128xbf16>
    %slice3A_958 = vector.extract_strided_slice %convert_element_type3A {offsets = [10112, 0], sizes = [128, 64], strides = [1, 1]} : vector<16384x64xbf16> to vector<128x64xbf16>
    %dot_general3A_959 = arith.constant dense<0.000000e+00> : vector<1024x64xf32>
    %dot_general3A_960 = tpu.matmul %convert_element_type3A_957, %slice3A_958, %dot_general3A_959 {dimension_numbers = #tpu.dot_dimension_numbers<[1], [0], [0], [1], [0, 0, 1, 1], [], []>, transpose_lhs_hint = false} : vector<1024x128xbf16>, vector<128x64xbf16>, vector<1024x64xf32> -> vector<1024x64xf32>
    %add3A_961 = arith.addf %add3A_949, %dot_general3A_960 : vector<1024x64xf32>
    %get3A_962 = arith.constant 80 : index
    %get3A_963 = arith.constant 0 : index
    %get3A_964 = vector.load %arg2[%get3A_962, %get3A_963] : memref<128x128xf32, #tpu.memory_space<vmem>>, vector<1x128xf32>
    %eq3A_965 = vector.broadcast %get3A_964 : vector<1x128xf32> to vector<1024x128xf32>
    %eq3A_966 = arith.cmpf oeq, %get3A_1, %eq3A_965 : vector<1024x128xf32>
    %convert_element_type3A_967 = arith.extui %eq3A_966 : vector<1024x128xi1> to vector<1024x128xi32>
    %convert_element_type3A_968 = arith.sitofp %convert_element_type3A_967 : vector<1024x128xi32> to vector<1024x128xf32>
    %convert_element_type3A_969 = arith.truncf %convert_element_type3A_968 : vector<1024x128xf32> to vector<1024x128xbf16>
    %slice3A_970 = vector.extract_strided_slice %convert_element_type3A {offsets = [10240, 0], sizes = [128, 64], strides = [1, 1]} : vector<16384x64xbf16> to vector<128x64xbf16>
    %dot_general3A_971 = arith.constant dense<0.000000e+00> : vector<1024x64xf32>
    %dot_general3A_972 = tpu.matmul %convert_element_type3A_969, %slice3A_970, %dot_general3A_971 {dimension_numbers = #tpu.dot_dimension_numbers<[1], [0], [0], [1], [0, 0, 1, 1], [], []>, transpose_lhs_hint = false} : vector<1024x128xbf16>, vector<128x64xbf16>, vector<1024x64xf32> -> vector<1024x64xf32>
    %add3A_973 = arith.addf %add3A_961, %dot_general3A_972 : vector<1024x64xf32>
    %get3A_974 = arith.constant 81 : index
    %get3A_975 = arith.constant 0 : index
    %get3A_976 = vector.load %arg2[%get3A_974, %get3A_975] : memref<128x128xf32, #tpu.memory_space<vmem>>, vector<1x128xf32>
    %eq3A_977 = vector.broadcast %get3A_976 : vector<1x128xf32> to vector<1024x128xf32>
    %eq3A_978 = arith.cmpf oeq, %get3A_1, %eq3A_977 : vector<1024x128xf32>
    %convert_element_type3A_979 = arith.extui %eq3A_978 : vector<1024x128xi1> to vector<1024x128xi32>
    %convert_element_type3A_980 = arith.sitofp %convert_element_type3A_979 : vector<1024x128xi32> to vector<1024x128xf32>
    %convert_element_type3A_981 = arith.truncf %convert_element_type3A_980 : vector<1024x128xf32> to vector<1024x128xbf16>
    %slice3A_982 = vector.extract_strided_slice %convert_element_type3A {offsets = [10368, 0], sizes = [128, 64], strides = [1, 1]} : vector<16384x64xbf16> to vector<128x64xbf16>
    %dot_general3A_983 = arith.constant dense<0.000000e+00> : vector<1024x64xf32>
    %dot_general3A_984 = tpu.matmul %convert_element_type3A_981, %slice3A_982, %dot_general3A_983 {dimension_numbers = #tpu.dot_dimension_numbers<[1], [0], [0], [1], [0, 0, 1, 1], [], []>, transpose_lhs_hint = false} : vector<1024x128xbf16>, vector<128x64xbf16>, vector<1024x64xf32> -> vector<1024x64xf32>
    %add3A_985 = arith.addf %add3A_973, %dot_general3A_984 : vector<1024x64xf32>
    %get3A_986 = arith.constant 82 : index
    %get3A_987 = arith.constant 0 : index
    %get3A_988 = vector.load %arg2[%get3A_986, %get3A_987] : memref<128x128xf32, #tpu.memory_space<vmem>>, vector<1x128xf32>
    %eq3A_989 = vector.broadcast %get3A_988 : vector<1x128xf32> to vector<1024x128xf32>
    %eq3A_990 = arith.cmpf oeq, %get3A_1, %eq3A_989 : vector<1024x128xf32>
    %convert_element_type3A_991 = arith.extui %eq3A_990 : vector<1024x128xi1> to vector<1024x128xi32>
    %convert_element_type3A_992 = arith.sitofp %convert_element_type3A_991 : vector<1024x128xi32> to vector<1024x128xf32>
    %convert_element_type3A_993 = arith.truncf %convert_element_type3A_992 : vector<1024x128xf32> to vector<1024x128xbf16>
    %slice3A_994 = vector.extract_strided_slice %convert_element_type3A {offsets = [10496, 0], sizes = [128, 64], strides = [1, 1]} : vector<16384x64xbf16> to vector<128x64xbf16>
    %dot_general3A_995 = arith.constant dense<0.000000e+00> : vector<1024x64xf32>
    %dot_general3A_996 = tpu.matmul %convert_element_type3A_993, %slice3A_994, %dot_general3A_995 {dimension_numbers = #tpu.dot_dimension_numbers<[1], [0], [0], [1], [0, 0, 1, 1], [], []>, transpose_lhs_hint = false} : vector<1024x128xbf16>, vector<128x64xbf16>, vector<1024x64xf32> -> vector<1024x64xf32>
    %add3A_997 = arith.addf %add3A_985, %dot_general3A_996 : vector<1024x64xf32>
    %get3A_998 = arith.constant 83 : index
    %get3A_999 = arith.constant 0 : index
    %get3A_1000 = vector.load %arg2[%get3A_998, %get3A_999] : memref<128x128xf32, #tpu.memory_space<vmem>>, vector<1x128xf32>
    %eq3A_1001 = vector.broadcast %get3A_1000 : vector<1x128xf32> to vector<1024x128xf32>
    %eq3A_1002 = arith.cmpf oeq, %get3A_1, %eq3A_1001 : vector<1024x128xf32>
    %convert_element_type3A_1003 = arith.extui %eq3A_1002 : vector<1024x128xi1> to vector<1024x128xi32>
    %convert_element_type3A_1004 = arith.sitofp %convert_element_type3A_1003 : vector<1024x128xi32> to vector<1024x128xf32>
    %convert_element_type3A_1005 = arith.truncf %convert_element_type3A_1004 : vector<1024x128xf32> to vector<1024x128xbf16>
    %slice3A_1006 = vector.extract_strided_slice %convert_element_type3A {offsets = [10624, 0], sizes = [128, 64], strides = [1, 1]} : vector<16384x64xbf16> to vector<128x64xbf16>
    %dot_general3A_1007 = arith.constant dense<0.000000e+00> : vector<1024x64xf32>
    %dot_general3A_1008 = tpu.matmul %convert_element_type3A_1005, %slice3A_1006, %dot_general3A_1007 {dimension_numbers = #tpu.dot_dimension_numbers<[1], [0], [0], [1], [0, 0, 1, 1], [], []>, transpose_lhs_hint = false} : vector<1024x128xbf16>, vector<128x64xbf16>, vector<1024x64xf32> -> vector<1024x64xf32>
    %add3A_1009 = arith.addf %add3A_997, %dot_general3A_1008 : vector<1024x64xf32>
    %get3A_1010 = arith.constant 84 : index
    %get3A_1011 = arith.constant 0 : index
    %get3A_1012 = vector.load %arg2[%get3A_1010, %get3A_1011] : memref<128x128xf32, #tpu.memory_space<vmem>>, vector<1x128xf32>
    %eq3A_1013 = vector.broadcast %get3A_1012 : vector<1x128xf32> to vector<1024x128xf32>
    %eq3A_1014 = arith.cmpf oeq, %get3A_1, %eq3A_1013 : vector<1024x128xf32>
    %convert_element_type3A_1015 = arith.extui %eq3A_1014 : vector<1024x128xi1> to vector<1024x128xi32>
    %convert_element_type3A_1016 = arith.sitofp %convert_element_type3A_1015 : vector<1024x128xi32> to vector<1024x128xf32>
    %convert_element_type3A_1017 = arith.truncf %convert_element_type3A_1016 : vector<1024x128xf32> to vector<1024x128xbf16>
    %slice3A_1018 = vector.extract_strided_slice %convert_element_type3A {offsets = [10752, 0], sizes = [128, 64], strides = [1, 1]} : vector<16384x64xbf16> to vector<128x64xbf16>
    %dot_general3A_1019 = arith.constant dense<0.000000e+00> : vector<1024x64xf32>
    %dot_general3A_1020 = tpu.matmul %convert_element_type3A_1017, %slice3A_1018, %dot_general3A_1019 {dimension_numbers = #tpu.dot_dimension_numbers<[1], [0], [0], [1], [0, 0, 1, 1], [], []>, transpose_lhs_hint = false} : vector<1024x128xbf16>, vector<128x64xbf16>, vector<1024x64xf32> -> vector<1024x64xf32>
    %add3A_1021 = arith.addf %add3A_1009, %dot_general3A_1020 : vector<1024x64xf32>
    %get3A_1022 = arith.constant 85 : index
    %get3A_1023 = arith.constant 0 : index
    %get3A_1024 = vector.load %arg2[%get3A_1022, %get3A_1023] : memref<128x128xf32, #tpu.memory_space<vmem>>, vector<1x128xf32>
    %eq3A_1025 = vector.broadcast %get3A_1024 : vector<1x128xf32> to vector<1024x128xf32>
    %eq3A_1026 = arith.cmpf oeq, %get3A_1, %eq3A_1025 : vector<1024x128xf32>
    %convert_element_type3A_1027 = arith.extui %eq3A_1026 : vector<1024x128xi1> to vector<1024x128xi32>
    %convert_element_type3A_1028 = arith.sitofp %convert_element_type3A_1027 : vector<1024x128xi32> to vector<1024x128xf32>
    %convert_element_type3A_1029 = arith.truncf %convert_element_type3A_1028 : vector<1024x128xf32> to vector<1024x128xbf16>
    %slice3A_1030 = vector.extract_strided_slice %convert_element_type3A {offsets = [10880, 0], sizes = [128, 64], strides = [1, 1]} : vector<16384x64xbf16> to vector<128x64xbf16>
    %dot_general3A_1031 = arith.constant dense<0.000000e+00> : vector<1024x64xf32>
    %dot_general3A_1032 = tpu.matmul %convert_element_type3A_1029, %slice3A_1030, %dot_general3A_1031 {dimension_numbers = #tpu.dot_dimension_numbers<[1], [0], [0], [1], [0, 0, 1, 1], [], []>, transpose_lhs_hint = false} : vector<1024x128xbf16>, vector<128x64xbf16>, vector<1024x64xf32> -> vector<1024x64xf32>
    %add3A_1033 = arith.addf %add3A_1021, %dot_general3A_1032 : vector<1024x64xf32>
    %get3A_1034 = arith.constant 86 : index
    %get3A_1035 = arith.constant 0 : index
    %get3A_1036 = vector.load %arg2[%get3A_1034, %get3A_1035] : memref<128x128xf32, #tpu.memory_space<vmem>>, vector<1x128xf32>
    %eq3A_1037 = vector.broadcast %get3A_1036 : vector<1x128xf32> to vector<1024x128xf32>
    %eq3A_1038 = arith.cmpf oeq, %get3A_1, %eq3A_1037 : vector<1024x128xf32>
    %convert_element_type3A_1039 = arith.extui %eq3A_1038 : vector<1024x128xi1> to vector<1024x128xi32>
    %convert_element_type3A_1040 = arith.sitofp %convert_element_type3A_1039 : vector<1024x128xi32> to vector<1024x128xf32>
    %convert_element_type3A_1041 = arith.truncf %convert_element_type3A_1040 : vector<1024x128xf32> to vector<1024x128xbf16>
    %slice3A_1042 = vector.extract_strided_slice %convert_element_type3A {offsets = [11008, 0], sizes = [128, 64], strides = [1, 1]} : vector<16384x64xbf16> to vector<128x64xbf16>
    %dot_general3A_1043 = arith.constant dense<0.000000e+00> : vector<1024x64xf32>
    %dot_general3A_1044 = tpu.matmul %convert_element_type3A_1041, %slice3A_1042, %dot_general3A_1043 {dimension_numbers = #tpu.dot_dimension_numbers<[1], [0], [0], [1], [0, 0, 1, 1], [], []>, transpose_lhs_hint = false} : vector<1024x128xbf16>, vector<128x64xbf16>, vector<1024x64xf32> -> vector<1024x64xf32>
    %add3A_1045 = arith.addf %add3A_1033, %dot_general3A_1044 : vector<1024x64xf32>
    %get3A_1046 = arith.constant 87 : index
    %get3A_1047 = arith.constant 0 : index
    %get3A_1048 = vector.load %arg2[%get3A_1046, %get3A_1047] : memref<128x128xf32, #tpu.memory_space<vmem>>, vector<1x128xf32>
    %eq3A_1049 = vector.broadcast %get3A_1048 : vector<1x128xf32> to vector<1024x128xf32>
    %eq3A_1050 = arith.cmpf oeq, %get3A_1, %eq3A_1049 : vector<1024x128xf32>
    %convert_element_type3A_1051 = arith.extui %eq3A_1050 : vector<1024x128xi1> to vector<1024x128xi32>
    %convert_element_type3A_1052 = arith.sitofp %convert_element_type3A_1051 : vector<1024x128xi32> to vector<1024x128xf32>
    %convert_element_type3A_1053 = arith.truncf %convert_element_type3A_1052 : vector<1024x128xf32> to vector<1024x128xbf16>
    %slice3A_1054 = vector.extract_strided_slice %convert_element_type3A {offsets = [11136, 0], sizes = [128, 64], strides = [1, 1]} : vector<16384x64xbf16> to vector<128x64xbf16>
    %dot_general3A_1055 = arith.constant dense<0.000000e+00> : vector<1024x64xf32>
    %dot_general3A_1056 = tpu.matmul %convert_element_type3A_1053, %slice3A_1054, %dot_general3A_1055 {dimension_numbers = #tpu.dot_dimension_numbers<[1], [0], [0], [1], [0, 0, 1, 1], [], []>, transpose_lhs_hint = false} : vector<1024x128xbf16>, vector<128x64xbf16>, vector<1024x64xf32> -> vector<1024x64xf32>
    %add3A_1057 = arith.addf %add3A_1045, %dot_general3A_1056 : vector<1024x64xf32>
    %get3A_1058 = arith.constant 88 : index
    %get3A_1059 = arith.constant 0 : index
    %get3A_1060 = vector.load %arg2[%get3A_1058, %get3A_1059] : memref<128x128xf32, #tpu.memory_space<vmem>>, vector<1x128xf32>
    %eq3A_1061 = vector.broadcast %get3A_1060 : vector<1x128xf32> to vector<1024x128xf32>
    %eq3A_1062 = arith.cmpf oeq, %get3A_1, %eq3A_1061 : vector<1024x128xf32>
    %convert_element_type3A_1063 = arith.extui %eq3A_1062 : vector<1024x128xi1> to vector<1024x128xi32>
    %convert_element_type3A_1064 = arith.sitofp %convert_element_type3A_1063 : vector<1024x128xi32> to vector<1024x128xf32>
    %convert_element_type3A_1065 = arith.truncf %convert_element_type3A_1064 : vector<1024x128xf32> to vector<1024x128xbf16>
    %slice3A_1066 = vector.extract_strided_slice %convert_element_type3A {offsets = [11264, 0], sizes = [128, 64], strides = [1, 1]} : vector<16384x64xbf16> to vector<128x64xbf16>
    %dot_general3A_1067 = arith.constant dense<0.000000e+00> : vector<1024x64xf32>
    %dot_general3A_1068 = tpu.matmul %convert_element_type3A_1065, %slice3A_1066, %dot_general3A_1067 {dimension_numbers = #tpu.dot_dimension_numbers<[1], [0], [0], [1], [0, 0, 1, 1], [], []>, transpose_lhs_hint = false} : vector<1024x128xbf16>, vector<128x64xbf16>, vector<1024x64xf32> -> vector<1024x64xf32>
    %add3A_1069 = arith.addf %add3A_1057, %dot_general3A_1068 : vector<1024x64xf32>
    %get3A_1070 = arith.constant 89 : index
    %get3A_1071 = arith.constant 0 : index
    %get3A_1072 = vector.load %arg2[%get3A_1070, %get3A_1071] : memref<128x128xf32, #tpu.memory_space<vmem>>, vector<1x128xf32>
    %eq3A_1073 = vector.broadcast %get3A_1072 : vector<1x128xf32> to vector<1024x128xf32>
    %eq3A_1074 = arith.cmpf oeq, %get3A_1, %eq3A_1073 : vector<1024x128xf32>
    %convert_element_type3A_1075 = arith.extui %eq3A_1074 : vector<1024x128xi1> to vector<1024x128xi32>
    %convert_element_type3A_1076 = arith.sitofp %convert_element_type3A_1075 : vector<1024x128xi32> to vector<1024x128xf32>
    %convert_element_type3A_1077 = arith.truncf %convert_element_type3A_1076 : vector<1024x128xf32> to vector<1024x128xbf16>
    %slice3A_1078 = vector.extract_strided_slice %convert_element_type3A {offsets = [11392, 0], sizes = [128, 64], strides = [1, 1]} : vector<16384x64xbf16> to vector<128x64xbf16>
    %dot_general3A_1079 = arith.constant dense<0.000000e+00> : vector<1024x64xf32>
    %dot_general3A_1080 = tpu.matmul %convert_element_type3A_1077, %slice3A_1078, %dot_general3A_1079 {dimension_numbers = #tpu.dot_dimension_numbers<[1], [0], [0], [1], [0, 0, 1, 1], [], []>, transpose_lhs_hint = false} : vector<1024x128xbf16>, vector<128x64xbf16>, vector<1024x64xf32> -> vector<1024x64xf32>
    %add3A_1081 = arith.addf %add3A_1069, %dot_general3A_1080 : vector<1024x64xf32>
    %get3A_1082 = arith.constant 90 : index
    %get3A_1083 = arith.constant 0 : index
    %get3A_1084 = vector.load %arg2[%get3A_1082, %get3A_1083] : memref<128x128xf32, #tpu.memory_space<vmem>>, vector<1x128xf32>
    %eq3A_1085 = vector.broadcast %get3A_1084 : vector<1x128xf32> to vector<1024x128xf32>
    %eq3A_1086 = arith.cmpf oeq, %get3A_1, %eq3A_1085 : vector<1024x128xf32>
    %convert_element_type3A_1087 = arith.extui %eq3A_1086 : vector<1024x128xi1> to vector<1024x128xi32>
    %convert_element_type3A_1088 = arith.sitofp %convert_element_type3A_1087 : vector<1024x128xi32> to vector<1024x128xf32>
    %convert_element_type3A_1089 = arith.truncf %convert_element_type3A_1088 : vector<1024x128xf32> to vector<1024x128xbf16>
    %slice3A_1090 = vector.extract_strided_slice %convert_element_type3A {offsets = [11520, 0], sizes = [128, 64], strides = [1, 1]} : vector<16384x64xbf16> to vector<128x64xbf16>
    %dot_general3A_1091 = arith.constant dense<0.000000e+00> : vector<1024x64xf32>
    %dot_general3A_1092 = tpu.matmul %convert_element_type3A_1089, %slice3A_1090, %dot_general3A_1091 {dimension_numbers = #tpu.dot_dimension_numbers<[1], [0], [0], [1], [0, 0, 1, 1], [], []>, transpose_lhs_hint = false} : vector<1024x128xbf16>, vector<128x64xbf16>, vector<1024x64xf32> -> vector<1024x64xf32>
    %add3A_1093 = arith.addf %add3A_1081, %dot_general3A_1092 : vector<1024x64xf32>
    %get3A_1094 = arith.constant 91 : index
    %get3A_1095 = arith.constant 0 : index
    %get3A_1096 = vector.load %arg2[%get3A_1094, %get3A_1095] : memref<128x128xf32, #tpu.memory_space<vmem>>, vector<1x128xf32>
    %eq3A_1097 = vector.broadcast %get3A_1096 : vector<1x128xf32> to vector<1024x128xf32>
    %eq3A_1098 = arith.cmpf oeq, %get3A_1, %eq3A_1097 : vector<1024x128xf32>
    %convert_element_type3A_1099 = arith.extui %eq3A_1098 : vector<1024x128xi1> to vector<1024x128xi32>
    %convert_element_type3A_1100 = arith.sitofp %convert_element_type3A_1099 : vector<1024x128xi32> to vector<1024x128xf32>
    %convert_element_type3A_1101 = arith.truncf %convert_element_type3A_1100 : vector<1024x128xf32> to vector<1024x128xbf16>
    %slice3A_1102 = vector.extract_strided_slice %convert_element_type3A {offsets = [11648, 0], sizes = [128, 64], strides = [1, 1]} : vector<16384x64xbf16> to vector<128x64xbf16>
    %dot_general3A_1103 = arith.constant dense<0.000000e+00> : vector<1024x64xf32>
    %dot_general3A_1104 = tpu.matmul %convert_element_type3A_1101, %slice3A_1102, %dot_general3A_1103 {dimension_numbers = #tpu.dot_dimension_numbers<[1], [0], [0], [1], [0, 0, 1, 1], [], []>, transpose_lhs_hint = false} : vector<1024x128xbf16>, vector<128x64xbf16>, vector<1024x64xf32> -> vector<1024x64xf32>
    %add3A_1105 = arith.addf %add3A_1093, %dot_general3A_1104 : vector<1024x64xf32>
    %get3A_1106 = arith.constant 92 : index
    %get3A_1107 = arith.constant 0 : index
    %get3A_1108 = vector.load %arg2[%get3A_1106, %get3A_1107] : memref<128x128xf32, #tpu.memory_space<vmem>>, vector<1x128xf32>
    %eq3A_1109 = vector.broadcast %get3A_1108 : vector<1x128xf32> to vector<1024x128xf32>
    %eq3A_1110 = arith.cmpf oeq, %get3A_1, %eq3A_1109 : vector<1024x128xf32>
    %convert_element_type3A_1111 = arith.extui %eq3A_1110 : vector<1024x128xi1> to vector<1024x128xi32>
    %convert_element_type3A_1112 = arith.sitofp %convert_element_type3A_1111 : vector<1024x128xi32> to vector<1024x128xf32>
    %convert_element_type3A_1113 = arith.truncf %convert_element_type3A_1112 : vector<1024x128xf32> to vector<1024x128xbf16>
    %slice3A_1114 = vector.extract_strided_slice %convert_element_type3A {offsets = [11776, 0], sizes = [128, 64], strides = [1, 1]} : vector<16384x64xbf16> to vector<128x64xbf16>
    %dot_general3A_1115 = arith.constant dense<0.000000e+00> : vector<1024x64xf32>
    %dot_general3A_1116 = tpu.matmul %convert_element_type3A_1113, %slice3A_1114, %dot_general3A_1115 {dimension_numbers = #tpu.dot_dimension_numbers<[1], [0], [0], [1], [0, 0, 1, 1], [], []>, transpose_lhs_hint = false} : vector<1024x128xbf16>, vector<128x64xbf16>, vector<1024x64xf32> -> vector<1024x64xf32>
    %add3A_1117 = arith.addf %add3A_1105, %dot_general3A_1116 : vector<1024x64xf32>
    %get3A_1118 = arith.constant 93 : index
    %get3A_1119 = arith.constant 0 : index
    %get3A_1120 = vector.load %arg2[%get3A_1118, %get3A_1119] : memref<128x128xf32, #tpu.memory_space<vmem>>, vector<1x128xf32>
    %eq3A_1121 = vector.broadcast %get3A_1120 : vector<1x128xf32> to vector<1024x128xf32>
    %eq3A_1122 = arith.cmpf oeq, %get3A_1, %eq3A_1121 : vector<1024x128xf32>
    %convert_element_type3A_1123 = arith.extui %eq3A_1122 : vector<1024x128xi1> to vector<1024x128xi32>
    %convert_element_type3A_1124 = arith.sitofp %convert_element_type3A_1123 : vector<1024x128xi32> to vector<1024x128xf32>
    %convert_element_type3A_1125 = arith.truncf %convert_element_type3A_1124 : vector<1024x128xf32> to vector<1024x128xbf16>
    %slice3A_1126 = vector.extract_strided_slice %convert_element_type3A {offsets = [11904, 0], sizes = [128, 64], strides = [1, 1]} : vector<16384x64xbf16> to vector<128x64xbf16>
    %dot_general3A_1127 = arith.constant dense<0.000000e+00> : vector<1024x64xf32>
    %dot_general3A_1128 = tpu.matmul %convert_element_type3A_1125, %slice3A_1126, %dot_general3A_1127 {dimension_numbers = #tpu.dot_dimension_numbers<[1], [0], [0], [1], [0, 0, 1, 1], [], []>, transpose_lhs_hint = false} : vector<1024x128xbf16>, vector<128x64xbf16>, vector<1024x64xf32> -> vector<1024x64xf32>
    %add3A_1129 = arith.addf %add3A_1117, %dot_general3A_1128 : vector<1024x64xf32>
    %get3A_1130 = arith.constant 94 : index
    %get3A_1131 = arith.constant 0 : index
    %get3A_1132 = vector.load %arg2[%get3A_1130, %get3A_1131] : memref<128x128xf32, #tpu.memory_space<vmem>>, vector<1x128xf32>
    %eq3A_1133 = vector.broadcast %get3A_1132 : vector<1x128xf32> to vector<1024x128xf32>
    %eq3A_1134 = arith.cmpf oeq, %get3A_1, %eq3A_1133 : vector<1024x128xf32>
    %convert_element_type3A_1135 = arith.extui %eq3A_1134 : vector<1024x128xi1> to vector<1024x128xi32>
    %convert_element_type3A_1136 = arith.sitofp %convert_element_type3A_1135 : vector<1024x128xi32> to vector<1024x128xf32>
    %convert_element_type3A_1137 = arith.truncf %convert_element_type3A_1136 : vector<1024x128xf32> to vector<1024x128xbf16>
    %slice3A_1138 = vector.extract_strided_slice %convert_element_type3A {offsets = [12032, 0], sizes = [128, 64], strides = [1, 1]} : vector<16384x64xbf16> to vector<128x64xbf16>
    %dot_general3A_1139 = arith.constant dense<0.000000e+00> : vector<1024x64xf32>
    %dot_general3A_1140 = tpu.matmul %convert_element_type3A_1137, %slice3A_1138, %dot_general3A_1139 {dimension_numbers = #tpu.dot_dimension_numbers<[1], [0], [0], [1], [0, 0, 1, 1], [], []>, transpose_lhs_hint = false} : vector<1024x128xbf16>, vector<128x64xbf16>, vector<1024x64xf32> -> vector<1024x64xf32>
    %add3A_1141 = arith.addf %add3A_1129, %dot_general3A_1140 : vector<1024x64xf32>
    %get3A_1142 = arith.constant 95 : index
    %get3A_1143 = arith.constant 0 : index
    %get3A_1144 = vector.load %arg2[%get3A_1142, %get3A_1143] : memref<128x128xf32, #tpu.memory_space<vmem>>, vector<1x128xf32>
    %eq3A_1145 = vector.broadcast %get3A_1144 : vector<1x128xf32> to vector<1024x128xf32>
    %eq3A_1146 = arith.cmpf oeq, %get3A_1, %eq3A_1145 : vector<1024x128xf32>
    %convert_element_type3A_1147 = arith.extui %eq3A_1146 : vector<1024x128xi1> to vector<1024x128xi32>
    %convert_element_type3A_1148 = arith.sitofp %convert_element_type3A_1147 : vector<1024x128xi32> to vector<1024x128xf32>
    %convert_element_type3A_1149 = arith.truncf %convert_element_type3A_1148 : vector<1024x128xf32> to vector<1024x128xbf16>
    %slice3A_1150 = vector.extract_strided_slice %convert_element_type3A {offsets = [12160, 0], sizes = [128, 64], strides = [1, 1]} : vector<16384x64xbf16> to vector<128x64xbf16>
    %dot_general3A_1151 = arith.constant dense<0.000000e+00> : vector<1024x64xf32>
    %dot_general3A_1152 = tpu.matmul %convert_element_type3A_1149, %slice3A_1150, %dot_general3A_1151 {dimension_numbers = #tpu.dot_dimension_numbers<[1], [0], [0], [1], [0, 0, 1, 1], [], []>, transpose_lhs_hint = false} : vector<1024x128xbf16>, vector<128x64xbf16>, vector<1024x64xf32> -> vector<1024x64xf32>
    %add3A_1153 = arith.addf %add3A_1141, %dot_general3A_1152 : vector<1024x64xf32>
    %get3A_1154 = arith.constant 96 : index
    %get3A_1155 = arith.constant 0 : index
    %get3A_1156 = vector.load %arg2[%get3A_1154, %get3A_1155] : memref<128x128xf32, #tpu.memory_space<vmem>>, vector<1x128xf32>
    %eq3A_1157 = vector.broadcast %get3A_1156 : vector<1x128xf32> to vector<1024x128xf32>
    %eq3A_1158 = arith.cmpf oeq, %get3A_1, %eq3A_1157 : vector<1024x128xf32>
    %convert_element_type3A_1159 = arith.extui %eq3A_1158 : vector<1024x128xi1> to vector<1024x128xi32>
    %convert_element_type3A_1160 = arith.sitofp %convert_element_type3A_1159 : vector<1024x128xi32> to vector<1024x128xf32>
    %convert_element_type3A_1161 = arith.truncf %convert_element_type3A_1160 : vector<1024x128xf32> to vector<1024x128xbf16>
    %slice3A_1162 = vector.extract_strided_slice %convert_element_type3A {offsets = [12288, 0], sizes = [128, 64], strides = [1, 1]} : vector<16384x64xbf16> to vector<128x64xbf16>
    %dot_general3A_1163 = arith.constant dense<0.000000e+00> : vector<1024x64xf32>
    %dot_general3A_1164 = tpu.matmul %convert_element_type3A_1161, %slice3A_1162, %dot_general3A_1163 {dimension_numbers = #tpu.dot_dimension_numbers<[1], [0], [0], [1], [0, 0, 1, 1], [], []>, transpose_lhs_hint = false} : vector<1024x128xbf16>, vector<128x64xbf16>, vector<1024x64xf32> -> vector<1024x64xf32>
    %add3A_1165 = arith.addf %add3A_1153, %dot_general3A_1164 : vector<1024x64xf32>
    %get3A_1166 = arith.constant 97 : index
    %get3A_1167 = arith.constant 0 : index
    %get3A_1168 = vector.load %arg2[%get3A_1166, %get3A_1167] : memref<128x128xf32, #tpu.memory_space<vmem>>, vector<1x128xf32>
    %eq3A_1169 = vector.broadcast %get3A_1168 : vector<1x128xf32> to vector<1024x128xf32>
    %eq3A_1170 = arith.cmpf oeq, %get3A_1, %eq3A_1169 : vector<1024x128xf32>
    %convert_element_type3A_1171 = arith.extui %eq3A_1170 : vector<1024x128xi1> to vector<1024x128xi32>
    %convert_element_type3A_1172 = arith.sitofp %convert_element_type3A_1171 : vector<1024x128xi32> to vector<1024x128xf32>
    %convert_element_type3A_1173 = arith.truncf %convert_element_type3A_1172 : vector<1024x128xf32> to vector<1024x128xbf16>
    %slice3A_1174 = vector.extract_strided_slice %convert_element_type3A {offsets = [12416, 0], sizes = [128, 64], strides = [1, 1]} : vector<16384x64xbf16> to vector<128x64xbf16>
    %dot_general3A_1175 = arith.constant dense<0.000000e+00> : vector<1024x64xf32>
    %dot_general3A_1176 = tpu.matmul %convert_element_type3A_1173, %slice3A_1174, %dot_general3A_1175 {dimension_numbers = #tpu.dot_dimension_numbers<[1], [0], [0], [1], [0, 0, 1, 1], [], []>, transpose_lhs_hint = false} : vector<1024x128xbf16>, vector<128x64xbf16>, vector<1024x64xf32> -> vector<1024x64xf32>
    %add3A_1177 = arith.addf %add3A_1165, %dot_general3A_1176 : vector<1024x64xf32>
    %get3A_1178 = arith.constant 98 : index
    %get3A_1179 = arith.constant 0 : index
    %get3A_1180 = vector.load %arg2[%get3A_1178, %get3A_1179] : memref<128x128xf32, #tpu.memory_space<vmem>>, vector<1x128xf32>
    %eq3A_1181 = vector.broadcast %get3A_1180 : vector<1x128xf32> to vector<1024x128xf32>
    %eq3A_1182 = arith.cmpf oeq, %get3A_1, %eq3A_1181 : vector<1024x128xf32>
    %convert_element_type3A_1183 = arith.extui %eq3A_1182 : vector<1024x128xi1> to vector<1024x128xi32>
    %convert_element_type3A_1184 = arith.sitofp %convert_element_type3A_1183 : vector<1024x128xi32> to vector<1024x128xf32>
    %convert_element_type3A_1185 = arith.truncf %convert_element_type3A_1184 : vector<1024x128xf32> to vector<1024x128xbf16>
    %slice3A_1186 = vector.extract_strided_slice %convert_element_type3A {offsets = [12544, 0], sizes = [128, 64], strides = [1, 1]} : vector<16384x64xbf16> to vector<128x64xbf16>
    %dot_general3A_1187 = arith.constant dense<0.000000e+00> : vector<1024x64xf32>
    %dot_general3A_1188 = tpu.matmul %convert_element_type3A_1185, %slice3A_1186, %dot_general3A_1187 {dimension_numbers = #tpu.dot_dimension_numbers<[1], [0], [0], [1], [0, 0, 1, 1], [], []>, transpose_lhs_hint = false} : vector<1024x128xbf16>, vector<128x64xbf16>, vector<1024x64xf32> -> vector<1024x64xf32>
    %add3A_1189 = arith.addf %add3A_1177, %dot_general3A_1188 : vector<1024x64xf32>
    %get3A_1190 = arith.constant 99 : index
    %get3A_1191 = arith.constant 0 : index
    %get3A_1192 = vector.load %arg2[%get3A_1190, %get3A_1191] : memref<128x128xf32, #tpu.memory_space<vmem>>, vector<1x128xf32>
    %eq3A_1193 = vector.broadcast %get3A_1192 : vector<1x128xf32> to vector<1024x128xf32>
    %eq3A_1194 = arith.cmpf oeq, %get3A_1, %eq3A_1193 : vector<1024x128xf32>
    %convert_element_type3A_1195 = arith.extui %eq3A_1194 : vector<1024x128xi1> to vector<1024x128xi32>
    %convert_element_type3A_1196 = arith.sitofp %convert_element_type3A_1195 : vector<1024x128xi32> to vector<1024x128xf32>
    %convert_element_type3A_1197 = arith.truncf %convert_element_type3A_1196 : vector<1024x128xf32> to vector<1024x128xbf16>
    %slice3A_1198 = vector.extract_strided_slice %convert_element_type3A {offsets = [12672, 0], sizes = [128, 64], strides = [1, 1]} : vector<16384x64xbf16> to vector<128x64xbf16>
    %dot_general3A_1199 = arith.constant dense<0.000000e+00> : vector<1024x64xf32>
    %dot_general3A_1200 = tpu.matmul %convert_element_type3A_1197, %slice3A_1198, %dot_general3A_1199 {dimension_numbers = #tpu.dot_dimension_numbers<[1], [0], [0], [1], [0, 0, 1, 1], [], []>, transpose_lhs_hint = false} : vector<1024x128xbf16>, vector<128x64xbf16>, vector<1024x64xf32> -> vector<1024x64xf32>
    %add3A_1201 = arith.addf %add3A_1189, %dot_general3A_1200 : vector<1024x64xf32>
    %get3A_1202 = arith.constant 100 : index
    %get3A_1203 = arith.constant 0 : index
    %get3A_1204 = vector.load %arg2[%get3A_1202, %get3A_1203] : memref<128x128xf32, #tpu.memory_space<vmem>>, vector<1x128xf32>
    %eq3A_1205 = vector.broadcast %get3A_1204 : vector<1x128xf32> to vector<1024x128xf32>
    %eq3A_1206 = arith.cmpf oeq, %get3A_1, %eq3A_1205 : vector<1024x128xf32>
    %convert_element_type3A_1207 = arith.extui %eq3A_1206 : vector<1024x128xi1> to vector<1024x128xi32>
    %convert_element_type3A_1208 = arith.sitofp %convert_element_type3A_1207 : vector<1024x128xi32> to vector<1024x128xf32>
    %convert_element_type3A_1209 = arith.truncf %convert_element_type3A_1208 : vector<1024x128xf32> to vector<1024x128xbf16>
    %slice3A_1210 = vector.extract_strided_slice %convert_element_type3A {offsets = [12800, 0], sizes = [128, 64], strides = [1, 1]} : vector<16384x64xbf16> to vector<128x64xbf16>
    %dot_general3A_1211 = arith.constant dense<0.000000e+00> : vector<1024x64xf32>
    %dot_general3A_1212 = tpu.matmul %convert_element_type3A_1209, %slice3A_1210, %dot_general3A_1211 {dimension_numbers = #tpu.dot_dimension_numbers<[1], [0], [0], [1], [0, 0, 1, 1], [], []>, transpose_lhs_hint = false} : vector<1024x128xbf16>, vector<128x64xbf16>, vector<1024x64xf32> -> vector<1024x64xf32>
    %add3A_1213 = arith.addf %add3A_1201, %dot_general3A_1212 : vector<1024x64xf32>
    %get3A_1214 = arith.constant 101 : index
    %get3A_1215 = arith.constant 0 : index
    %get3A_1216 = vector.load %arg2[%get3A_1214, %get3A_1215] : memref<128x128xf32, #tpu.memory_space<vmem>>, vector<1x128xf32>
    %eq3A_1217 = vector.broadcast %get3A_1216 : vector<1x128xf32> to vector<1024x128xf32>
    %eq3A_1218 = arith.cmpf oeq, %get3A_1, %eq3A_1217 : vector<1024x128xf32>
    %convert_element_type3A_1219 = arith.extui %eq3A_1218 : vector<1024x128xi1> to vector<1024x128xi32>
    %convert_element_type3A_1220 = arith.sitofp %convert_element_type3A_1219 : vector<1024x128xi32> to vector<1024x128xf32>
    %convert_element_type3A_1221 = arith.truncf %convert_element_type3A_1220 : vector<1024x128xf32> to vector<1024x128xbf16>
    %slice3A_1222 = vector.extract_strided_slice %convert_element_type3A {offsets = [12928, 0], sizes = [128, 64], strides = [1, 1]} : vector<16384x64xbf16> to vector<128x64xbf16>
    %dot_general3A_1223 = arith.constant dense<0.000000e+00> : vector<1024x64xf32>
    %dot_general3A_1224 = tpu.matmul %convert_element_type3A_1221, %slice3A_1222, %dot_general3A_1223 {dimension_numbers = #tpu.dot_dimension_numbers<[1], [0], [0], [1], [0, 0, 1, 1], [], []>, transpose_lhs_hint = false} : vector<1024x128xbf16>, vector<128x64xbf16>, vector<1024x64xf32> -> vector<1024x64xf32>
    %add3A_1225 = arith.addf %add3A_1213, %dot_general3A_1224 : vector<1024x64xf32>
    %get3A_1226 = arith.constant 102 : index
    %get3A_1227 = arith.constant 0 : index
    %get3A_1228 = vector.load %arg2[%get3A_1226, %get3A_1227] : memref<128x128xf32, #tpu.memory_space<vmem>>, vector<1x128xf32>
    %eq3A_1229 = vector.broadcast %get3A_1228 : vector<1x128xf32> to vector<1024x128xf32>
    %eq3A_1230 = arith.cmpf oeq, %get3A_1, %eq3A_1229 : vector<1024x128xf32>
    %convert_element_type3A_1231 = arith.extui %eq3A_1230 : vector<1024x128xi1> to vector<1024x128xi32>
    %convert_element_type3A_1232 = arith.sitofp %convert_element_type3A_1231 : vector<1024x128xi32> to vector<1024x128xf32>
    %convert_element_type3A_1233 = arith.truncf %convert_element_type3A_1232 : vector<1024x128xf32> to vector<1024x128xbf16>
    %slice3A_1234 = vector.extract_strided_slice %convert_element_type3A {offsets = [13056, 0], sizes = [128, 64], strides = [1, 1]} : vector<16384x64xbf16> to vector<128x64xbf16>
    %dot_general3A_1235 = arith.constant dense<0.000000e+00> : vector<1024x64xf32>
    %dot_general3A_1236 = tpu.matmul %convert_element_type3A_1233, %slice3A_1234, %dot_general3A_1235 {dimension_numbers = #tpu.dot_dimension_numbers<[1], [0], [0], [1], [0, 0, 1, 1], [], []>, transpose_lhs_hint = false} : vector<1024x128xbf16>, vector<128x64xbf16>, vector<1024x64xf32> -> vector<1024x64xf32>
    %add3A_1237 = arith.addf %add3A_1225, %dot_general3A_1236 : vector<1024x64xf32>
    %get3A_1238 = arith.constant 103 : index
    %get3A_1239 = arith.constant 0 : index
    %get3A_1240 = vector.load %arg2[%get3A_1238, %get3A_1239] : memref<128x128xf32, #tpu.memory_space<vmem>>, vector<1x128xf32>
    %eq3A_1241 = vector.broadcast %get3A_1240 : vector<1x128xf32> to vector<1024x128xf32>
    %eq3A_1242 = arith.cmpf oeq, %get3A_1, %eq3A_1241 : vector<1024x128xf32>
    %convert_element_type3A_1243 = arith.extui %eq3A_1242 : vector<1024x128xi1> to vector<1024x128xi32>
    %convert_element_type3A_1244 = arith.sitofp %convert_element_type3A_1243 : vector<1024x128xi32> to vector<1024x128xf32>
    %convert_element_type3A_1245 = arith.truncf %convert_element_type3A_1244 : vector<1024x128xf32> to vector<1024x128xbf16>
    %slice3A_1246 = vector.extract_strided_slice %convert_element_type3A {offsets = [13184, 0], sizes = [128, 64], strides = [1, 1]} : vector<16384x64xbf16> to vector<128x64xbf16>
    %dot_general3A_1247 = arith.constant dense<0.000000e+00> : vector<1024x64xf32>
    %dot_general3A_1248 = tpu.matmul %convert_element_type3A_1245, %slice3A_1246, %dot_general3A_1247 {dimension_numbers = #tpu.dot_dimension_numbers<[1], [0], [0], [1], [0, 0, 1, 1], [], []>, transpose_lhs_hint = false} : vector<1024x128xbf16>, vector<128x64xbf16>, vector<1024x64xf32> -> vector<1024x64xf32>
    %add3A_1249 = arith.addf %add3A_1237, %dot_general3A_1248 : vector<1024x64xf32>
    %get3A_1250 = arith.constant 104 : index
    %get3A_1251 = arith.constant 0 : index
    %get3A_1252 = vector.load %arg2[%get3A_1250, %get3A_1251] : memref<128x128xf32, #tpu.memory_space<vmem>>, vector<1x128xf32>
    %eq3A_1253 = vector.broadcast %get3A_1252 : vector<1x128xf32> to vector<1024x128xf32>
    %eq3A_1254 = arith.cmpf oeq, %get3A_1, %eq3A_1253 : vector<1024x128xf32>
    %convert_element_type3A_1255 = arith.extui %eq3A_1254 : vector<1024x128xi1> to vector<1024x128xi32>
    %convert_element_type3A_1256 = arith.sitofp %convert_element_type3A_1255 : vector<1024x128xi32> to vector<1024x128xf32>
    %convert_element_type3A_1257 = arith.truncf %convert_element_type3A_1256 : vector<1024x128xf32> to vector<1024x128xbf16>
    %slice3A_1258 = vector.extract_strided_slice %convert_element_type3A {offsets = [13312, 0], sizes = [128, 64], strides = [1, 1]} : vector<16384x64xbf16> to vector<128x64xbf16>
    %dot_general3A_1259 = arith.constant dense<0.000000e+00> : vector<1024x64xf32>
    %dot_general3A_1260 = tpu.matmul %convert_element_type3A_1257, %slice3A_1258, %dot_general3A_1259 {dimension_numbers = #tpu.dot_dimension_numbers<[1], [0], [0], [1], [0, 0, 1, 1], [], []>, transpose_lhs_hint = false} : vector<1024x128xbf16>, vector<128x64xbf16>, vector<1024x64xf32> -> vector<1024x64xf32>
    %add3A_1261 = arith.addf %add3A_1249, %dot_general3A_1260 : vector<1024x64xf32>
    %get3A_1262 = arith.constant 105 : index
    %get3A_1263 = arith.constant 0 : index
    %get3A_1264 = vector.load %arg2[%get3A_1262, %get3A_1263] : memref<128x128xf32, #tpu.memory_space<vmem>>, vector<1x128xf32>
    %eq3A_1265 = vector.broadcast %get3A_1264 : vector<1x128xf32> to vector<1024x128xf32>
    %eq3A_1266 = arith.cmpf oeq, %get3A_1, %eq3A_1265 : vector<1024x128xf32>
    %convert_element_type3A_1267 = arith.extui %eq3A_1266 : vector<1024x128xi1> to vector<1024x128xi32>
    %convert_element_type3A_1268 = arith.sitofp %convert_element_type3A_1267 : vector<1024x128xi32> to vector<1024x128xf32>
    %convert_element_type3A_1269 = arith.truncf %convert_element_type3A_1268 : vector<1024x128xf32> to vector<1024x128xbf16>
    %slice3A_1270 = vector.extract_strided_slice %convert_element_type3A {offsets = [13440, 0], sizes = [128, 64], strides = [1, 1]} : vector<16384x64xbf16> to vector<128x64xbf16>
    %dot_general3A_1271 = arith.constant dense<0.000000e+00> : vector<1024x64xf32>
    %dot_general3A_1272 = tpu.matmul %convert_element_type3A_1269, %slice3A_1270, %dot_general3A_1271 {dimension_numbers = #tpu.dot_dimension_numbers<[1], [0], [0], [1], [0, 0, 1, 1], [], []>, transpose_lhs_hint = false} : vector<1024x128xbf16>, vector<128x64xbf16>, vector<1024x64xf32> -> vector<1024x64xf32>
    %add3A_1273 = arith.addf %add3A_1261, %dot_general3A_1272 : vector<1024x64xf32>
    %get3A_1274 = arith.constant 106 : index
    %get3A_1275 = arith.constant 0 : index
    %get3A_1276 = vector.load %arg2[%get3A_1274, %get3A_1275] : memref<128x128xf32, #tpu.memory_space<vmem>>, vector<1x128xf32>
    %eq3A_1277 = vector.broadcast %get3A_1276 : vector<1x128xf32> to vector<1024x128xf32>
    %eq3A_1278 = arith.cmpf oeq, %get3A_1, %eq3A_1277 : vector<1024x128xf32>
    %convert_element_type3A_1279 = arith.extui %eq3A_1278 : vector<1024x128xi1> to vector<1024x128xi32>
    %convert_element_type3A_1280 = arith.sitofp %convert_element_type3A_1279 : vector<1024x128xi32> to vector<1024x128xf32>
    %convert_element_type3A_1281 = arith.truncf %convert_element_type3A_1280 : vector<1024x128xf32> to vector<1024x128xbf16>
    %slice3A_1282 = vector.extract_strided_slice %convert_element_type3A {offsets = [13568, 0], sizes = [128, 64], strides = [1, 1]} : vector<16384x64xbf16> to vector<128x64xbf16>
    %dot_general3A_1283 = arith.constant dense<0.000000e+00> : vector<1024x64xf32>
    %dot_general3A_1284 = tpu.matmul %convert_element_type3A_1281, %slice3A_1282, %dot_general3A_1283 {dimension_numbers = #tpu.dot_dimension_numbers<[1], [0], [0], [1], [0, 0, 1, 1], [], []>, transpose_lhs_hint = false} : vector<1024x128xbf16>, vector<128x64xbf16>, vector<1024x64xf32> -> vector<1024x64xf32>
    %add3A_1285 = arith.addf %add3A_1273, %dot_general3A_1284 : vector<1024x64xf32>
    %get3A_1286 = arith.constant 107 : index
    %get3A_1287 = arith.constant 0 : index
    %get3A_1288 = vector.load %arg2[%get3A_1286, %get3A_1287] : memref<128x128xf32, #tpu.memory_space<vmem>>, vector<1x128xf32>
    %eq3A_1289 = vector.broadcast %get3A_1288 : vector<1x128xf32> to vector<1024x128xf32>
    %eq3A_1290 = arith.cmpf oeq, %get3A_1, %eq3A_1289 : vector<1024x128xf32>
    %convert_element_type3A_1291 = arith.extui %eq3A_1290 : vector<1024x128xi1> to vector<1024x128xi32>
    %convert_element_type3A_1292 = arith.sitofp %convert_element_type3A_1291 : vector<1024x128xi32> to vector<1024x128xf32>
    %convert_element_type3A_1293 = arith.truncf %convert_element_type3A_1292 : vector<1024x128xf32> to vector<1024x128xbf16>
    %slice3A_1294 = vector.extract_strided_slice %convert_element_type3A {offsets = [13696, 0], sizes = [128, 64], strides = [1, 1]} : vector<16384x64xbf16> to vector<128x64xbf16>
    %dot_general3A_1295 = arith.constant dense<0.000000e+00> : vector<1024x64xf32>
    %dot_general3A_1296 = tpu.matmul %convert_element_type3A_1293, %slice3A_1294, %dot_general3A_1295 {dimension_numbers = #tpu.dot_dimension_numbers<[1], [0], [0], [1], [0, 0, 1, 1], [], []>, transpose_lhs_hint = false} : vector<1024x128xbf16>, vector<128x64xbf16>, vector<1024x64xf32> -> vector<1024x64xf32>
    %add3A_1297 = arith.addf %add3A_1285, %dot_general3A_1296 : vector<1024x64xf32>
    %get3A_1298 = arith.constant 108 : index
    %get3A_1299 = arith.constant 0 : index
    %get3A_1300 = vector.load %arg2[%get3A_1298, %get3A_1299] : memref<128x128xf32, #tpu.memory_space<vmem>>, vector<1x128xf32>
    %eq3A_1301 = vector.broadcast %get3A_1300 : vector<1x128xf32> to vector<1024x128xf32>
    %eq3A_1302 = arith.cmpf oeq, %get3A_1, %eq3A_1301 : vector<1024x128xf32>
    %convert_element_type3A_1303 = arith.extui %eq3A_1302 : vector<1024x128xi1> to vector<1024x128xi32>
    %convert_element_type3A_1304 = arith.sitofp %convert_element_type3A_1303 : vector<1024x128xi32> to vector<1024x128xf32>
    %convert_element_type3A_1305 = arith.truncf %convert_element_type3A_1304 : vector<1024x128xf32> to vector<1024x128xbf16>
    %slice3A_1306 = vector.extract_strided_slice %convert_element_type3A {offsets = [13824, 0], sizes = [128, 64], strides = [1, 1]} : vector<16384x64xbf16> to vector<128x64xbf16>
    %dot_general3A_1307 = arith.constant dense<0.000000e+00> : vector<1024x64xf32>
    %dot_general3A_1308 = tpu.matmul %convert_element_type3A_1305, %slice3A_1306, %dot_general3A_1307 {dimension_numbers = #tpu.dot_dimension_numbers<[1], [0], [0], [1], [0, 0, 1, 1], [], []>, transpose_lhs_hint = false} : vector<1024x128xbf16>, vector<128x64xbf16>, vector<1024x64xf32> -> vector<1024x64xf32>
    %add3A_1309 = arith.addf %add3A_1297, %dot_general3A_1308 : vector<1024x64xf32>
    %get3A_1310 = arith.constant 109 : index
    %get3A_1311 = arith.constant 0 : index
    %get3A_1312 = vector.load %arg2[%get3A_1310, %get3A_1311] : memref<128x128xf32, #tpu.memory_space<vmem>>, vector<1x128xf32>
    %eq3A_1313 = vector.broadcast %get3A_1312 : vector<1x128xf32> to vector<1024x128xf32>
    %eq3A_1314 = arith.cmpf oeq, %get3A_1, %eq3A_1313 : vector<1024x128xf32>
    %convert_element_type3A_1315 = arith.extui %eq3A_1314 : vector<1024x128xi1> to vector<1024x128xi32>
    %convert_element_type3A_1316 = arith.sitofp %convert_element_type3A_1315 : vector<1024x128xi32> to vector<1024x128xf32>
    %convert_element_type3A_1317 = arith.truncf %convert_element_type3A_1316 : vector<1024x128xf32> to vector<1024x128xbf16>
    %slice3A_1318 = vector.extract_strided_slice %convert_element_type3A {offsets = [13952, 0], sizes = [128, 64], strides = [1, 1]} : vector<16384x64xbf16> to vector<128x64xbf16>
    %dot_general3A_1319 = arith.constant dense<0.000000e+00> : vector<1024x64xf32>
    %dot_general3A_1320 = tpu.matmul %convert_element_type3A_1317, %slice3A_1318, %dot_general3A_1319 {dimension_numbers = #tpu.dot_dimension_numbers<[1], [0], [0], [1], [0, 0, 1, 1], [], []>, transpose_lhs_hint = false} : vector<1024x128xbf16>, vector<128x64xbf16>, vector<1024x64xf32> -> vector<1024x64xf32>
    %add3A_1321 = arith.addf %add3A_1309, %dot_general3A_1320 : vector<1024x64xf32>
    %get3A_1322 = arith.constant 110 : index
    %get3A_1323 = arith.constant 0 : index
    %get3A_1324 = vector.load %arg2[%get3A_1322, %get3A_1323] : memref<128x128xf32, #tpu.memory_space<vmem>>, vector<1x128xf32>
    %eq3A_1325 = vector.broadcast %get3A_1324 : vector<1x128xf32> to vector<1024x128xf32>
    %eq3A_1326 = arith.cmpf oeq, %get3A_1, %eq3A_1325 : vector<1024x128xf32>
    %convert_element_type3A_1327 = arith.extui %eq3A_1326 : vector<1024x128xi1> to vector<1024x128xi32>
    %convert_element_type3A_1328 = arith.sitofp %convert_element_type3A_1327 : vector<1024x128xi32> to vector<1024x128xf32>
    %convert_element_type3A_1329 = arith.truncf %convert_element_type3A_1328 : vector<1024x128xf32> to vector<1024x128xbf16>
    %slice3A_1330 = vector.extract_strided_slice %convert_element_type3A {offsets = [14080, 0], sizes = [128, 64], strides = [1, 1]} : vector<16384x64xbf16> to vector<128x64xbf16>
    %dot_general3A_1331 = arith.constant dense<0.000000e+00> : vector<1024x64xf32>
    %dot_general3A_1332 = tpu.matmul %convert_element_type3A_1329, %slice3A_1330, %dot_general3A_1331 {dimension_numbers = #tpu.dot_dimension_numbers<[1], [0], [0], [1], [0, 0, 1, 1], [], []>, transpose_lhs_hint = false} : vector<1024x128xbf16>, vector<128x64xbf16>, vector<1024x64xf32> -> vector<1024x64xf32>
    %add3A_1333 = arith.addf %add3A_1321, %dot_general3A_1332 : vector<1024x64xf32>
    %get3A_1334 = arith.constant 111 : index
    %get3A_1335 = arith.constant 0 : index
    %get3A_1336 = vector.load %arg2[%get3A_1334, %get3A_1335] : memref<128x128xf32, #tpu.memory_space<vmem>>, vector<1x128xf32>
    %eq3A_1337 = vector.broadcast %get3A_1336 : vector<1x128xf32> to vector<1024x128xf32>
    %eq3A_1338 = arith.cmpf oeq, %get3A_1, %eq3A_1337 : vector<1024x128xf32>
    %convert_element_type3A_1339 = arith.extui %eq3A_1338 : vector<1024x128xi1> to vector<1024x128xi32>
    %convert_element_type3A_1340 = arith.sitofp %convert_element_type3A_1339 : vector<1024x128xi32> to vector<1024x128xf32>
    %convert_element_type3A_1341 = arith.truncf %convert_element_type3A_1340 : vector<1024x128xf32> to vector<1024x128xbf16>
    %slice3A_1342 = vector.extract_strided_slice %convert_element_type3A {offsets = [14208, 0], sizes = [128, 64], strides = [1, 1]} : vector<16384x64xbf16> to vector<128x64xbf16>
    %dot_general3A_1343 = arith.constant dense<0.000000e+00> : vector<1024x64xf32>
    %dot_general3A_1344 = tpu.matmul %convert_element_type3A_1341, %slice3A_1342, %dot_general3A_1343 {dimension_numbers = #tpu.dot_dimension_numbers<[1], [0], [0], [1], [0, 0, 1, 1], [], []>, transpose_lhs_hint = false} : vector<1024x128xbf16>, vector<128x64xbf16>, vector<1024x64xf32> -> vector<1024x64xf32>
    %add3A_1345 = arith.addf %add3A_1333, %dot_general3A_1344 : vector<1024x64xf32>
    %get3A_1346 = arith.constant 112 : index
    %get3A_1347 = arith.constant 0 : index
    %get3A_1348 = vector.load %arg2[%get3A_1346, %get3A_1347] : memref<128x128xf32, #tpu.memory_space<vmem>>, vector<1x128xf32>
    %eq3A_1349 = vector.broadcast %get3A_1348 : vector<1x128xf32> to vector<1024x128xf32>
    %eq3A_1350 = arith.cmpf oeq, %get3A_1, %eq3A_1349 : vector<1024x128xf32>
    %convert_element_type3A_1351 = arith.extui %eq3A_1350 : vector<1024x128xi1> to vector<1024x128xi32>
    %convert_element_type3A_1352 = arith.sitofp %convert_element_type3A_1351 : vector<1024x128xi32> to vector<1024x128xf32>
    %convert_element_type3A_1353 = arith.truncf %convert_element_type3A_1352 : vector<1024x128xf32> to vector<1024x128xbf16>
    %slice3A_1354 = vector.extract_strided_slice %convert_element_type3A {offsets = [14336, 0], sizes = [128, 64], strides = [1, 1]} : vector<16384x64xbf16> to vector<128x64xbf16>
    %dot_general3A_1355 = arith.constant dense<0.000000e+00> : vector<1024x64xf32>
    %dot_general3A_1356 = tpu.matmul %convert_element_type3A_1353, %slice3A_1354, %dot_general3A_1355 {dimension_numbers = #tpu.dot_dimension_numbers<[1], [0], [0], [1], [0, 0, 1, 1], [], []>, transpose_lhs_hint = false} : vector<1024x128xbf16>, vector<128x64xbf16>, vector<1024x64xf32> -> vector<1024x64xf32>
    %add3A_1357 = arith.addf %add3A_1345, %dot_general3A_1356 : vector<1024x64xf32>
    %get3A_1358 = arith.constant 113 : index
    %get3A_1359 = arith.constant 0 : index
    %get3A_1360 = vector.load %arg2[%get3A_1358, %get3A_1359] : memref<128x128xf32, #tpu.memory_space<vmem>>, vector<1x128xf32>
    %eq3A_1361 = vector.broadcast %get3A_1360 : vector<1x128xf32> to vector<1024x128xf32>
    %eq3A_1362 = arith.cmpf oeq, %get3A_1, %eq3A_1361 : vector<1024x128xf32>
    %convert_element_type3A_1363 = arith.extui %eq3A_1362 : vector<1024x128xi1> to vector<1024x128xi32>
    %convert_element_type3A_1364 = arith.sitofp %convert_element_type3A_1363 : vector<1024x128xi32> to vector<1024x128xf32>
    %convert_element_type3A_1365 = arith.truncf %convert_element_type3A_1364 : vector<1024x128xf32> to vector<1024x128xbf16>
    %slice3A_1366 = vector.extract_strided_slice %convert_element_type3A {offsets = [14464, 0], sizes = [128, 64], strides = [1, 1]} : vector<16384x64xbf16> to vector<128x64xbf16>
    %dot_general3A_1367 = arith.constant dense<0.000000e+00> : vector<1024x64xf32>
    %dot_general3A_1368 = tpu.matmul %convert_element_type3A_1365, %slice3A_1366, %dot_general3A_1367 {dimension_numbers = #tpu.dot_dimension_numbers<[1], [0], [0], [1], [0, 0, 1, 1], [], []>, transpose_lhs_hint = false} : vector<1024x128xbf16>, vector<128x64xbf16>, vector<1024x64xf32> -> vector<1024x64xf32>
    %add3A_1369 = arith.addf %add3A_1357, %dot_general3A_1368 : vector<1024x64xf32>
    %get3A_1370 = arith.constant 114 : index
    %get3A_1371 = arith.constant 0 : index
    %get3A_1372 = vector.load %arg2[%get3A_1370, %get3A_1371] : memref<128x128xf32, #tpu.memory_space<vmem>>, vector<1x128xf32>
    %eq3A_1373 = vector.broadcast %get3A_1372 : vector<1x128xf32> to vector<1024x128xf32>
    %eq3A_1374 = arith.cmpf oeq, %get3A_1, %eq3A_1373 : vector<1024x128xf32>
    %convert_element_type3A_1375 = arith.extui %eq3A_1374 : vector<1024x128xi1> to vector<1024x128xi32>
    %convert_element_type3A_1376 = arith.sitofp %convert_element_type3A_1375 : vector<1024x128xi32> to vector<1024x128xf32>
    %convert_element_type3A_1377 = arith.truncf %convert_element_type3A_1376 : vector<1024x128xf32> to vector<1024x128xbf16>
    %slice3A_1378 = vector.extract_strided_slice %convert_element_type3A {offsets = [14592, 0], sizes = [128, 64], strides = [1, 1]} : vector<16384x64xbf16> to vector<128x64xbf16>
    %dot_general3A_1379 = arith.constant dense<0.000000e+00> : vector<1024x64xf32>
    %dot_general3A_1380 = tpu.matmul %convert_element_type3A_1377, %slice3A_1378, %dot_general3A_1379 {dimension_numbers = #tpu.dot_dimension_numbers<[1], [0], [0], [1], [0, 0, 1, 1], [], []>, transpose_lhs_hint = false} : vector<1024x128xbf16>, vector<128x64xbf16>, vector<1024x64xf32> -> vector<1024x64xf32>
    %add3A_1381 = arith.addf %add3A_1369, %dot_general3A_1380 : vector<1024x64xf32>
    %get3A_1382 = arith.constant 115 : index
    %get3A_1383 = arith.constant 0 : index
    %get3A_1384 = vector.load %arg2[%get3A_1382, %get3A_1383] : memref<128x128xf32, #tpu.memory_space<vmem>>, vector<1x128xf32>
    %eq3A_1385 = vector.broadcast %get3A_1384 : vector<1x128xf32> to vector<1024x128xf32>
    %eq3A_1386 = arith.cmpf oeq, %get3A_1, %eq3A_1385 : vector<1024x128xf32>
    %convert_element_type3A_1387 = arith.extui %eq3A_1386 : vector<1024x128xi1> to vector<1024x128xi32>
    %convert_element_type3A_1388 = arith.sitofp %convert_element_type3A_1387 : vector<1024x128xi32> to vector<1024x128xf32>
    %convert_element_type3A_1389 = arith.truncf %convert_element_type3A_1388 : vector<1024x128xf32> to vector<1024x128xbf16>
    %slice3A_1390 = vector.extract_strided_slice %convert_element_type3A {offsets = [14720, 0], sizes = [128, 64], strides = [1, 1]} : vector<16384x64xbf16> to vector<128x64xbf16>
    %dot_general3A_1391 = arith.constant dense<0.000000e+00> : vector<1024x64xf32>
    %dot_general3A_1392 = tpu.matmul %convert_element_type3A_1389, %slice3A_1390, %dot_general3A_1391 {dimension_numbers = #tpu.dot_dimension_numbers<[1], [0], [0], [1], [0, 0, 1, 1], [], []>, transpose_lhs_hint = false} : vector<1024x128xbf16>, vector<128x64xbf16>, vector<1024x64xf32> -> vector<1024x64xf32>
    %add3A_1393 = arith.addf %add3A_1381, %dot_general3A_1392 : vector<1024x64xf32>
    %get3A_1394 = arith.constant 116 : index
    %get3A_1395 = arith.constant 0 : index
    %get3A_1396 = vector.load %arg2[%get3A_1394, %get3A_1395] : memref<128x128xf32, #tpu.memory_space<vmem>>, vector<1x128xf32>
    %eq3A_1397 = vector.broadcast %get3A_1396 : vector<1x128xf32> to vector<1024x128xf32>
    %eq3A_1398 = arith.cmpf oeq, %get3A_1, %eq3A_1397 : vector<1024x128xf32>
    %convert_element_type3A_1399 = arith.extui %eq3A_1398 : vector<1024x128xi1> to vector<1024x128xi32>
    %convert_element_type3A_1400 = arith.sitofp %convert_element_type3A_1399 : vector<1024x128xi32> to vector<1024x128xf32>
    %convert_element_type3A_1401 = arith.truncf %convert_element_type3A_1400 : vector<1024x128xf32> to vector<1024x128xbf16>
    %slice3A_1402 = vector.extract_strided_slice %convert_element_type3A {offsets = [14848, 0], sizes = [128, 64], strides = [1, 1]} : vector<16384x64xbf16> to vector<128x64xbf16>
    %dot_general3A_1403 = arith.constant dense<0.000000e+00> : vector<1024x64xf32>
    %dot_general3A_1404 = tpu.matmul %convert_element_type3A_1401, %slice3A_1402, %dot_general3A_1403 {dimension_numbers = #tpu.dot_dimension_numbers<[1], [0], [0], [1], [0, 0, 1, 1], [], []>, transpose_lhs_hint = false} : vector<1024x128xbf16>, vector<128x64xbf16>, vector<1024x64xf32> -> vector<1024x64xf32>
    %add3A_1405 = arith.addf %add3A_1393, %dot_general3A_1404 : vector<1024x64xf32>
    %get3A_1406 = arith.constant 117 : index
    %get3A_1407 = arith.constant 0 : index
    %get3A_1408 = vector.load %arg2[%get3A_1406, %get3A_1407] : memref<128x128xf32, #tpu.memory_space<vmem>>, vector<1x128xf32>
    %eq3A_1409 = vector.broadcast %get3A_1408 : vector<1x128xf32> to vector<1024x128xf32>
    %eq3A_1410 = arith.cmpf oeq, %get3A_1, %eq3A_1409 : vector<1024x128xf32>
    %convert_element_type3A_1411 = arith.extui %eq3A_1410 : vector<1024x128xi1> to vector<1024x128xi32>
    %convert_element_type3A_1412 = arith.sitofp %convert_element_type3A_1411 : vector<1024x128xi32> to vector<1024x128xf32>
    %convert_element_type3A_1413 = arith.truncf %convert_element_type3A_1412 : vector<1024x128xf32> to vector<1024x128xbf16>
    %slice3A_1414 = vector.extract_strided_slice %convert_element_type3A {offsets = [14976, 0], sizes = [128, 64], strides = [1, 1]} : vector<16384x64xbf16> to vector<128x64xbf16>
    %dot_general3A_1415 = arith.constant dense<0.000000e+00> : vector<1024x64xf32>
    %dot_general3A_1416 = tpu.matmul %convert_element_type3A_1413, %slice3A_1414, %dot_general3A_1415 {dimension_numbers = #tpu.dot_dimension_numbers<[1], [0], [0], [1], [0, 0, 1, 1], [], []>, transpose_lhs_hint = false} : vector<1024x128xbf16>, vector<128x64xbf16>, vector<1024x64xf32> -> vector<1024x64xf32>
    %add3A_1417 = arith.addf %add3A_1405, %dot_general3A_1416 : vector<1024x64xf32>
    %get3A_1418 = arith.constant 118 : index
    %get3A_1419 = arith.constant 0 : index
    %get3A_1420 = vector.load %arg2[%get3A_1418, %get3A_1419] : memref<128x128xf32, #tpu.memory_space<vmem>>, vector<1x128xf32>
    %eq3A_1421 = vector.broadcast %get3A_1420 : vector<1x128xf32> to vector<1024x128xf32>
    %eq3A_1422 = arith.cmpf oeq, %get3A_1, %eq3A_1421 : vector<1024x128xf32>
    %convert_element_type3A_1423 = arith.extui %eq3A_1422 : vector<1024x128xi1> to vector<1024x128xi32>
    %convert_element_type3A_1424 = arith.sitofp %convert_element_type3A_1423 : vector<1024x128xi32> to vector<1024x128xf32>
    %convert_element_type3A_1425 = arith.truncf %convert_element_type3A_1424 : vector<1024x128xf32> to vector<1024x128xbf16>
    %slice3A_1426 = vector.extract_strided_slice %convert_element_type3A {offsets = [15104, 0], sizes = [128, 64], strides = [1, 1]} : vector<16384x64xbf16> to vector<128x64xbf16>
    %dot_general3A_1427 = arith.constant dense<0.000000e+00> : vector<1024x64xf32>
    %dot_general3A_1428 = tpu.matmul %convert_element_type3A_1425, %slice3A_1426, %dot_general3A_1427 {dimension_numbers = #tpu.dot_dimension_numbers<[1], [0], [0], [1], [0, 0, 1, 1], [], []>, transpose_lhs_hint = false} : vector<1024x128xbf16>, vector<128x64xbf16>, vector<1024x64xf32> -> vector<1024x64xf32>
    %add3A_1429 = arith.addf %add3A_1417, %dot_general3A_1428 : vector<1024x64xf32>
    %get3A_1430 = arith.constant 119 : index
    %get3A_1431 = arith.constant 0 : index
    %get3A_1432 = vector.load %arg2[%get3A_1430, %get3A_1431] : memref<128x128xf32, #tpu.memory_space<vmem>>, vector<1x128xf32>
    %eq3A_1433 = vector.broadcast %get3A_1432 : vector<1x128xf32> to vector<1024x128xf32>
    %eq3A_1434 = arith.cmpf oeq, %get3A_1, %eq3A_1433 : vector<1024x128xf32>
    %convert_element_type3A_1435 = arith.extui %eq3A_1434 : vector<1024x128xi1> to vector<1024x128xi32>
    %convert_element_type3A_1436 = arith.sitofp %convert_element_type3A_1435 : vector<1024x128xi32> to vector<1024x128xf32>
    %convert_element_type3A_1437 = arith.truncf %convert_element_type3A_1436 : vector<1024x128xf32> to vector<1024x128xbf16>
    %slice3A_1438 = vector.extract_strided_slice %convert_element_type3A {offsets = [15232, 0], sizes = [128, 64], strides = [1, 1]} : vector<16384x64xbf16> to vector<128x64xbf16>
    %dot_general3A_1439 = arith.constant dense<0.000000e+00> : vector<1024x64xf32>
    %dot_general3A_1440 = tpu.matmul %convert_element_type3A_1437, %slice3A_1438, %dot_general3A_1439 {dimension_numbers = #tpu.dot_dimension_numbers<[1], [0], [0], [1], [0, 0, 1, 1], [], []>, transpose_lhs_hint = false} : vector<1024x128xbf16>, vector<128x64xbf16>, vector<1024x64xf32> -> vector<1024x64xf32>
    %add3A_1441 = arith.addf %add3A_1429, %dot_general3A_1440 : vector<1024x64xf32>
    %get3A_1442 = arith.constant 120 : index
    %get3A_1443 = arith.constant 0 : index
    %get3A_1444 = vector.load %arg2[%get3A_1442, %get3A_1443] : memref<128x128xf32, #tpu.memory_space<vmem>>, vector<1x128xf32>
    %eq3A_1445 = vector.broadcast %get3A_1444 : vector<1x128xf32> to vector<1024x128xf32>
    %eq3A_1446 = arith.cmpf oeq, %get3A_1, %eq3A_1445 : vector<1024x128xf32>
    %convert_element_type3A_1447 = arith.extui %eq3A_1446 : vector<1024x128xi1> to vector<1024x128xi32>
    %convert_element_type3A_1448 = arith.sitofp %convert_element_type3A_1447 : vector<1024x128xi32> to vector<1024x128xf32>
    %convert_element_type3A_1449 = arith.truncf %convert_element_type3A_1448 : vector<1024x128xf32> to vector<1024x128xbf16>
    %slice3A_1450 = vector.extract_strided_slice %convert_element_type3A {offsets = [15360, 0], sizes = [128, 64], strides = [1, 1]} : vector<16384x64xbf16> to vector<128x64xbf16>
    %dot_general3A_1451 = arith.constant dense<0.000000e+00> : vector<1024x64xf32>
    %dot_general3A_1452 = tpu.matmul %convert_element_type3A_1449, %slice3A_1450, %dot_general3A_1451 {dimension_numbers = #tpu.dot_dimension_numbers<[1], [0], [0], [1], [0, 0, 1, 1], [], []>, transpose_lhs_hint = false} : vector<1024x128xbf16>, vector<128x64xbf16>, vector<1024x64xf32> -> vector<1024x64xf32>
    %add3A_1453 = arith.addf %add3A_1441, %dot_general3A_1452 : vector<1024x64xf32>
    %get3A_1454 = arith.constant 121 : index
    %get3A_1455 = arith.constant 0 : index
    %get3A_1456 = vector.load %arg2[%get3A_1454, %get3A_1455] : memref<128x128xf32, #tpu.memory_space<vmem>>, vector<1x128xf32>
    %eq3A_1457 = vector.broadcast %get3A_1456 : vector<1x128xf32> to vector<1024x128xf32>
    %eq3A_1458 = arith.cmpf oeq, %get3A_1, %eq3A_1457 : vector<1024x128xf32>
    %convert_element_type3A_1459 = arith.extui %eq3A_1458 : vector<1024x128xi1> to vector<1024x128xi32>
    %convert_element_type3A_1460 = arith.sitofp %convert_element_type3A_1459 : vector<1024x128xi32> to vector<1024x128xf32>
    %convert_element_type3A_1461 = arith.truncf %convert_element_type3A_1460 : vector<1024x128xf32> to vector<1024x128xbf16>
    %slice3A_1462 = vector.extract_strided_slice %convert_element_type3A {offsets = [15488, 0], sizes = [128, 64], strides = [1, 1]} : vector<16384x64xbf16> to vector<128x64xbf16>
    %dot_general3A_1463 = arith.constant dense<0.000000e+00> : vector<1024x64xf32>
    %dot_general3A_1464 = tpu.matmul %convert_element_type3A_1461, %slice3A_1462, %dot_general3A_1463 {dimension_numbers = #tpu.dot_dimension_numbers<[1], [0], [0], [1], [0, 0, 1, 1], [], []>, transpose_lhs_hint = false} : vector<1024x128xbf16>, vector<128x64xbf16>, vector<1024x64xf32> -> vector<1024x64xf32>
    %add3A_1465 = arith.addf %add3A_1453, %dot_general3A_1464 : vector<1024x64xf32>
    %get3A_1466 = arith.constant 122 : index
    %get3A_1467 = arith.constant 0 : index
    %get3A_1468 = vector.load %arg2[%get3A_1466, %get3A_1467] : memref<128x128xf32, #tpu.memory_space<vmem>>, vector<1x128xf32>
    %eq3A_1469 = vector.broadcast %get3A_1468 : vector<1x128xf32> to vector<1024x128xf32>
    %eq3A_1470 = arith.cmpf oeq, %get3A_1, %eq3A_1469 : vector<1024x128xf32>
    %convert_element_type3A_1471 = arith.extui %eq3A_1470 : vector<1024x128xi1> to vector<1024x128xi32>
    %convert_element_type3A_1472 = arith.sitofp %convert_element_type3A_1471 : vector<1024x128xi32> to vector<1024x128xf32>
    %convert_element_type3A_1473 = arith.truncf %convert_element_type3A_1472 : vector<1024x128xf32> to vector<1024x128xbf16>
    %slice3A_1474 = vector.extract_strided_slice %convert_element_type3A {offsets = [15616, 0], sizes = [128, 64], strides = [1, 1]} : vector<16384x64xbf16> to vector<128x64xbf16>
    %dot_general3A_1475 = arith.constant dense<0.000000e+00> : vector<1024x64xf32>
    %dot_general3A_1476 = tpu.matmul %convert_element_type3A_1473, %slice3A_1474, %dot_general3A_1475 {dimension_numbers = #tpu.dot_dimension_numbers<[1], [0], [0], [1], [0, 0, 1, 1], [], []>, transpose_lhs_hint = false} : vector<1024x128xbf16>, vector<128x64xbf16>, vector<1024x64xf32> -> vector<1024x64xf32>
    %add3A_1477 = arith.addf %add3A_1465, %dot_general3A_1476 : vector<1024x64xf32>
    %get3A_1478 = arith.constant 123 : index
    %get3A_1479 = arith.constant 0 : index
    %get3A_1480 = vector.load %arg2[%get3A_1478, %get3A_1479] : memref<128x128xf32, #tpu.memory_space<vmem>>, vector<1x128xf32>
    %eq3A_1481 = vector.broadcast %get3A_1480 : vector<1x128xf32> to vector<1024x128xf32>
    %eq3A_1482 = arith.cmpf oeq, %get3A_1, %eq3A_1481 : vector<1024x128xf32>
    %convert_element_type3A_1483 = arith.extui %eq3A_1482 : vector<1024x128xi1> to vector<1024x128xi32>
    %convert_element_type3A_1484 = arith.sitofp %convert_element_type3A_1483 : vector<1024x128xi32> to vector<1024x128xf32>
    %convert_element_type3A_1485 = arith.truncf %convert_element_type3A_1484 : vector<1024x128xf32> to vector<1024x128xbf16>
    %slice3A_1486 = vector.extract_strided_slice %convert_element_type3A {offsets = [15744, 0], sizes = [128, 64], strides = [1, 1]} : vector<16384x64xbf16> to vector<128x64xbf16>
    %dot_general3A_1487 = arith.constant dense<0.000000e+00> : vector<1024x64xf32>
    %dot_general3A_1488 = tpu.matmul %convert_element_type3A_1485, %slice3A_1486, %dot_general3A_1487 {dimension_numbers = #tpu.dot_dimension_numbers<[1], [0], [0], [1], [0, 0, 1, 1], [], []>, transpose_lhs_hint = false} : vector<1024x128xbf16>, vector<128x64xbf16>, vector<1024x64xf32> -> vector<1024x64xf32>
    %add3A_1489 = arith.addf %add3A_1477, %dot_general3A_1488 : vector<1024x64xf32>
    %get3A_1490 = arith.constant 124 : index
    %get3A_1491 = arith.constant 0 : index
    %get3A_1492 = vector.load %arg2[%get3A_1490, %get3A_1491] : memref<128x128xf32, #tpu.memory_space<vmem>>, vector<1x128xf32>
    %eq3A_1493 = vector.broadcast %get3A_1492 : vector<1x128xf32> to vector<1024x128xf32>
    %eq3A_1494 = arith.cmpf oeq, %get3A_1, %eq3A_1493 : vector<1024x128xf32>
    %convert_element_type3A_1495 = arith.extui %eq3A_1494 : vector<1024x128xi1> to vector<1024x128xi32>
    %convert_element_type3A_1496 = arith.sitofp %convert_element_type3A_1495 : vector<1024x128xi32> to vector<1024x128xf32>
    %convert_element_type3A_1497 = arith.truncf %convert_element_type3A_1496 : vector<1024x128xf32> to vector<1024x128xbf16>
    %slice3A_1498 = vector.extract_strided_slice %convert_element_type3A {offsets = [15872, 0], sizes = [128, 64], strides = [1, 1]} : vector<16384x64xbf16> to vector<128x64xbf16>
    %dot_general3A_1499 = arith.constant dense<0.000000e+00> : vector<1024x64xf32>
    %dot_general3A_1500 = tpu.matmul %convert_element_type3A_1497, %slice3A_1498, %dot_general3A_1499 {dimension_numbers = #tpu.dot_dimension_numbers<[1], [0], [0], [1], [0, 0, 1, 1], [], []>, transpose_lhs_hint = false} : vector<1024x128xbf16>, vector<128x64xbf16>, vector<1024x64xf32> -> vector<1024x64xf32>
    %add3A_1501 = arith.addf %add3A_1489, %dot_general3A_1500 : vector<1024x64xf32>
    %get3A_1502 = arith.constant 125 : index
    %get3A_1503 = arith.constant 0 : index
    %get3A_1504 = vector.load %arg2[%get3A_1502, %get3A_1503] : memref<128x128xf32, #tpu.memory_space<vmem>>, vector<1x128xf32>
    %eq3A_1505 = vector.broadcast %get3A_1504 : vector<1x128xf32> to vector<1024x128xf32>
    %eq3A_1506 = arith.cmpf oeq, %get3A_1, %eq3A_1505 : vector<1024x128xf32>
    %convert_element_type3A_1507 = arith.extui %eq3A_1506 : vector<1024x128xi1> to vector<1024x128xi32>
    %convert_element_type3A_1508 = arith.sitofp %convert_element_type3A_1507 : vector<1024x128xi32> to vector<1024x128xf32>
    %convert_element_type3A_1509 = arith.truncf %convert_element_type3A_1508 : vector<1024x128xf32> to vector<1024x128xbf16>
    %slice3A_1510 = vector.extract_strided_slice %convert_element_type3A {offsets = [16000, 0], sizes = [128, 64], strides = [1, 1]} : vector<16384x64xbf16> to vector<128x64xbf16>
    %dot_general3A_1511 = arith.constant dense<0.000000e+00> : vector<1024x64xf32>
    %dot_general3A_1512 = tpu.matmul %convert_element_type3A_1509, %slice3A_1510, %dot_general3A_1511 {dimension_numbers = #tpu.dot_dimension_numbers<[1], [0], [0], [1], [0, 0, 1, 1], [], []>, transpose_lhs_hint = false} : vector<1024x128xbf16>, vector<128x64xbf16>, vector<1024x64xf32> -> vector<1024x64xf32>
    %add3A_1513 = arith.addf %add3A_1501, %dot_general3A_1512 : vector<1024x64xf32>
    %get3A_1514 = arith.constant 126 : index
    %get3A_1515 = arith.constant 0 : index
    %get3A_1516 = vector.load %arg2[%get3A_1514, %get3A_1515] : memref<128x128xf32, #tpu.memory_space<vmem>>, vector<1x128xf32>
    %eq3A_1517 = vector.broadcast %get3A_1516 : vector<1x128xf32> to vector<1024x128xf32>
    %eq3A_1518 = arith.cmpf oeq, %get3A_1, %eq3A_1517 : vector<1024x128xf32>
    %convert_element_type3A_1519 = arith.extui %eq3A_1518 : vector<1024x128xi1> to vector<1024x128xi32>
    %convert_element_type3A_1520 = arith.sitofp %convert_element_type3A_1519 : vector<1024x128xi32> to vector<1024x128xf32>
    %convert_element_type3A_1521 = arith.truncf %convert_element_type3A_1520 : vector<1024x128xf32> to vector<1024x128xbf16>
    %slice3A_1522 = vector.extract_strided_slice %convert_element_type3A {offsets = [16128, 0], sizes = [128, 64], strides = [1, 1]} : vector<16384x64xbf16> to vector<128x64xbf16>
    %dot_general3A_1523 = arith.constant dense<0.000000e+00> : vector<1024x64xf32>
    %dot_general3A_1524 = tpu.matmul %convert_element_type3A_1521, %slice3A_1522, %dot_general3A_1523 {dimension_numbers = #tpu.dot_dimension_numbers<[1], [0], [0], [1], [0, 0, 1, 1], [], []>, transpose_lhs_hint = false} : vector<1024x128xbf16>, vector<128x64xbf16>, vector<1024x64xf32> -> vector<1024x64xf32>
    %add3A_1525 = arith.addf %add3A_1513, %dot_general3A_1524 : vector<1024x64xf32>
    %get3A_1526 = arith.constant 127 : index
    %get3A_1527 = arith.constant 0 : index
    %get3A_1528 = vector.load %arg2[%get3A_1526, %get3A_1527] : memref<128x128xf32, #tpu.memory_space<vmem>>, vector<1x128xf32>
    %eq3A_1529 = vector.broadcast %get3A_1528 : vector<1x128xf32> to vector<1024x128xf32>
    %eq3A_1530 = arith.cmpf oeq, %get3A_1, %eq3A_1529 : vector<1024x128xf32>
    %convert_element_type3A_1531 = arith.extui %eq3A_1530 : vector<1024x128xi1> to vector<1024x128xi32>
    %convert_element_type3A_1532 = arith.sitofp %convert_element_type3A_1531 : vector<1024x128xi32> to vector<1024x128xf32>
    %convert_element_type3A_1533 = arith.truncf %convert_element_type3A_1532 : vector<1024x128xf32> to vector<1024x128xbf16>
    %slice3A_1534 = vector.extract_strided_slice %convert_element_type3A {offsets = [16256, 0], sizes = [128, 64], strides = [1, 1]} : vector<16384x64xbf16> to vector<128x64xbf16>
    %dot_general3A_1535 = arith.constant dense<0.000000e+00> : vector<1024x64xf32>
    %dot_general3A_1536 = tpu.matmul %convert_element_type3A_1533, %slice3A_1534, %dot_general3A_1535 {dimension_numbers = #tpu.dot_dimension_numbers<[1], [0], [0], [1], [0, 0, 1, 1], [], []>, transpose_lhs_hint = false} : vector<1024x128xbf16>, vector<128x64xbf16>, vector<1024x64xf32> -> vector<1024x64xf32>
    %add3A_1537 = arith.addf %add3A_1525, %dot_general3A_1536 : vector<1024x64xf32>
    %get3A_1538 = arith.constant 0 : index
    %get3A_1539 = arith.constant 0 : index
    %get3A_1540 = vector.load %arg4[%get3A_1538, %get3A_1539] : memref<1024x64xf32, #tpu.memory_space<vmem>>, vector<1024x64xf32>
    %convert_element_type3A_1541 = arith.truncf %get3A_1540 : vector<1024x64xf32> to vector<1024x64xbf16>
    %convert_element_type3A_1542 = arith.extf %convert_element_type3A_1541 : vector<1024x64xbf16> to vector<1024x64xf32>
    %get3A_1543 = arith.constant 0 : index
    %get3A_1544 = arith.constant 0 : index
    %get3A_1545 = vector.load %arg5[%get3A_1543, %get3A_1544] : memref<1024x64xf32, #tpu.memory_space<vmem>>, vector<1024x64xf32>
    %add3A_1546 = arith.addf %get3A_1545, %add3A_1537 : vector<1024x64xf32>
    %sub3A = arith.subf %add3A_1546, %convert_element_type3A_1542 : vector<1024x64xf32>
    %swap3A = arith.constant 0 : index
    %swap3A_1547 = arith.constant 0 : index
    %swap3A_1548 = vector.load %arg6[%swap3A, %swap3A_1547] : memref<1024x64xf32, #tpu.memory_space<vmem>>, vector<1024x64xf32>
    tpu.vector_store %arg6[%swap3A, %swap3A_1547], %sub3A {strides = array<i32>} : memref<1024x64xf32, #tpu.memory_space<vmem>>, vector<1024x64xf32>,
    return
  }
  func.func @transform_0(%arg0: i32) -> (i32, i32) {
    %c0_i32 = arith.constant 0 : i32
    %c0_i32_0 = arith.constant 0 : i32
    return %arg0, %c0_i32 : i32, i32
  }
  func.func @transform_1(%arg0: i32) -> (i32, i32) {
    %c0_i32 = arith.constant 0 : i32
    %c0_i32_0 = arith.constant 0 : i32
    %c0_i32_1 = arith.constant 0 : i32
    return %c0_i32, %c0_i32_0 : i32, i32
  }
  func.func @transform_2(%arg0: i32) -> (i32, i32) {
    %c0_i32 = arith.constant 0 : i32
    %c0_i32_0 = arith.constant 0 : i32
    %c0_i32_1 = arith.constant 0 : i32
    return %c0_i32, %c0_i32_0 : i32, i32
  }
  func.func @transform_3(%arg0: i32) -> (i32, i32) {
    %c0_i32 = arith.constant 0 : i32
    %c0_i32_0 = arith.constant 0 : i32
    return %arg0, %c0_i32 : i32, i32
  }
  func.func @transform_4(%arg0: i32) -> (i32, i32) {
    %c0_i32 = arith.constant 0 : i32
    %c0_i32_0 = arith.constant 0 : i32
    return %arg0, %c0_i32 : i32, i32
  }
  func.func @transform_5(%arg0: i32) -> (i32, i32) {
    %c0_i32 = arith.constant 0 : i32
    %c0_i32_0 = arith.constant 0 : i32
    return %arg0, %c0_i32 : i32, i32
  }
}

</mosaic_0001>

<sc_bundles>
// kernel: kernel.4.cloned.1.call-start
scs
__scs_entry_jumppad:
0x0: {  	(pc) =	sbr.rel $0x88, $3  }
0x1: {  	(tag) =	ssettag $0x0;
	lr =	simm.s32 $0x1  }
0x2: {  	[smem:$0x3F9E] =	sst lr;
	_ =	strace $0xD0000000  }
0x3: {  	_ = 	snop  }
0x4: {  	_ = 	snop  }
0x5: {  	_ = 	snop  }
0x6: {  	_ = 	snop  }
0x7: {  	_ = 	snop  }
__scs_overlays_trampoline_lowered:
0x8: {  	[smem:$0x3FAD] =	sst s0  }
0x9: {  	[smem:$0x3FAE] =	sst s1  }
0xa: {  	[smem:$0x3FAF] =	sst s2  }
0xb: {  	[smem:$0x3FB0] =	sst s3  }
0xc: {  	[smem:$0x3FB1] =	sst s4  }
0xd: {  	[smem:$0x3FB2] =	sst s5  }
0xe: {  	[smem:$0x3FB3] =	sst s6  }
0xf: {  	[smem:$0x3FB4] =	sst s7  }
0x10: {  	[smem:$0x3FB5] =	sst s8  }
0x11: {  	[smem:$0x3FB6] =	sst s9;
	s0 =	simm.s32 @!p0 $0x0  }
0x12: {  	s1 =	sld [smem:$0x3F9C];
	s0 =	simm.s32 @p0 $0x1  }
0x13: {  	[smem:$0x3FB7] =	sst s0;
	s0 =	simm.s32 @!p1 $0x0  }
0x14: {  	s2 =	sld [smem:$0x3F9B];
	s0 =	simm.s32 @p1 $0x1  }
0x15: {  	[smem:$0x3FB8] =	sst s0;
	s0 =	simm.s32 @!p2 $0x0  }
0x16: {  	s3 =	sld [smem:$0x3FDB];
	s0 =	simm.s32 @p2 $0x1  }
0x17: {  	s4 =	simm.s32 $0x1BF5;
	[smem:$0x3FBA] =	sst s0  }
0x18: {  	s0 =	sld [smem:$0x3F9D];
	_ =	swait.ge [sflag:s4], $0x0  }
0x19: {  	s7 =	sld [smem:$0x3F9E]  }
0x1a: {  	s8 =	sadd.s32 $0xFFFFE003, lr  }
0x1b: {  	s9 =	sadd.s32 $0xFFFFFEF7, lr;
	s5 =	simm.s32 $0xFFFFFFFF;
	p2 =	slt.u32 s8, $0xFFFFF086  }
0x1c: {  	p1 =	slt.u32 s9, $0xF7A;
	s5 =	simm.s32 @!p2 $0x0  }
0x1d: {  	s5 =	simm.s32 @p1 $0x1;
	p0 =	seq.s32 s7, s2  }
0x1e: {  	s7 =	smul.u32 @!p0 $0xF7A, s2;
	p2 =	seq.s32 @!p0 s5, $0x0  }
0x1f: {  	s9 =	smul.u32 $0xF7A, s1;
	s8 =	simm.s32 @!p0 $0x1BF5;
	p2 =	por !p2, p0  }
0x20: {  	[sflag:s8] =	ssyncset.s32 @!p0 $0xFFFFF086;
	s6 =	sadd.s32 @!p0 s3, s7;
	s7 =	simm.s32 @!p0 $0x108  }
0x21: {  	s3 =	sadd.s32 s3, s9;
	s6 =	sadd.s32 @!p0 $0x88, s6;
	s7 =	simm.s32 @p2 $0x1082  }
0x22: {  	[simem:s7], [sflag:s8] =	dma.local @!p0 [hbm:s6], $0xF7A  }
0x23: {  	s9 =	sor.u32 $0xD0000000, s2;
	s6 =	simm.s32 $0x108;
	_ =	swait.ge @!p0 [sflag:s8], $0x0  }
0x24: {  	s3 =	sadd.s32 $0x88, s3;
	s6 =	simm.s32 @!p1 $0x1082;
	[sflag:s4] =	ssyncset.s32 $0xFFFFF086  }
0x25: {  	[simem:s6], [sflag:s4] =	dma.local [hbm:s3], $0xF7A  }
0x26: {  	[smem:$0x3F9E] =	sst s1;
	(tag) =	ssettag s2;
	_ =	strace s9  }
0x27: {  	s1 =	sld [smem:$0x3FAE]  }
0x28: {  	s2 =	sld [smem:$0x3FAF]  }
0x29: {  	s4 =	sld [smem:$0x3FB1]  }
0x2a: {  	p0 =	seq.s32 s5, $0x0;
	s5 =	sld [smem:$0x3FB2]  }
0x2b: {  	s6 =	sld [smem:$0x3FB3]  }
0x2c: {  	s7 =	sld [smem:$0x3FB4]  }
0x2d: {  	s3 =	simm.s32 $0x108;
	s8 =	sld [smem:$0x3FB5]  }
0x2e: {  	s3 =	simm.s32 @!p0 $0x1082;
	s9 =	sld [smem:$0x3FB6]  }
0x2f: {  	lr =	sadd.s32 s0, s3;
	s0 =	sld [smem:$0x3FAD]  }
0x30: {  	s3 =	sld [smem:$0x3FB0]  }
0x31: {  	[smem:$0x3FB9] =	sst s10  }
0x32: {  	s10 =	sld [smem:$0x3FB7];
	_ =	sdelay $0x3  }
0x33: {  	p0 =	seq.s32 s10, $0x1;
	s10 =	sld [smem:$0x3FB9];
	_ =	sdelay $0x3  }
0x34: {  	[smem:$0x3FB9] =	sst s10  }
0x35: {  	s10 =	sld [smem:$0x3FB8];
	_ =	sdelay $0x3  }
0x36: {  	p1 =	seq.s32 s10, $0x1;
	s10 =	sld [smem:$0x3FB9];
	_ =	sdelay $0x3  }
0x37: {  	[smem:$0x3FB9] =	sst s10  }
0x38: {  	s10 =	sld [smem:$0x3FBA]  }
0x39: {  	_ = 	snop;
	(pc) =	sbr.ind lr, $3  }
0x3a: {  	_ = 	snop  }
0x3b: {  	_ = 	snop  }
0x3c: {  	p2 =	seq.s32 s10, $0x1;
	s10 =	sld [smem:$0x3FB9]  }
0x3d: {  	_ =	shalt  }
0x3e: {  	_ =	shalt  }
0x3f: {  	_ =	shalt  }
0x40: {  	_ =	shalt  }
0x41: {  	_ =	shalt  }
0x42: {  	_ =	shalt  }
0x43: {  	_ =	shalt  }
0x44: {  	_ =	shalt  }
0x45: {  	_ =	shalt  }
0x46: {  	_ =	shalt  }
0x47: {  	_ =	shalt  }
0x48: {  	_ =	shalt  }
0x49: {  	_ =	shalt  }
0x4a: {  	_ =	shalt  }
0x4b: {  	_ =	shalt  }
0x4c: {  	_ =	shalt  }
0x4d: {  	_ =	shalt  }
0x4e: {  	_ =	shalt  }
0x4f: {  	_ =	shalt  }
0x50: {  	_ =	shalt  }
0x51: {  	_ =	shalt  }
0x52: {  	_ =	shalt  }
0x53: {  	_ =	shalt  }
0x54: {  	_ =	shalt  }
0x55: {  	_ =	shalt  }
0x56: {  	_ =	shalt  }
0x57: {  	_ =	shalt  }
0x58: {  	_ =	shalt  }
0x59: {  	_ =	shalt  }
0x5a: {  	_ =	shalt  }
0x5b: {  	_ =	shalt  }
0x5c: {  	_ =	shalt  }
0x5d: {  	_ =	shalt  }
0x5e: {  	_ =	shalt  }
0x5f: {  	_ =	shalt  }
0x60: {  	_ =	shalt  }
0x61: {  	_ =	shalt  }
0x62: {  	_ =	shalt  }
0x63: {  	_ =	shalt  }
0x64: {  	_ =	shalt  }
0x65: {  	_ =	shalt  }
0x66: {  	_ =	shalt  }
0x67: {  	_ =	shalt  }
0x68: {  	_ =	shalt  }
0x69: {  	_ =	shalt  }
0x6a: {  	_ =	shalt  }
0x6b: {  	_ =	shalt  }
0x6c: {  	_ =	shalt  }
0x6d: {  	_ =	shalt  }
0x6e: {  	_ =	shalt  }
0x6f: {  	_ =	shalt  }
0x70: {  	_ =	shalt  }
0x71: {  	_ =	shalt  }
0x72: {  	_ =	shalt  }
0x73: {  	_ =	shalt  }
0x74: {  	_ =	shalt  }
0x75: {  	_ =	shalt  }
0x76: {  	_ =	shalt  }
0x77: {  	_ =	shalt  }
0x78: {  	_ =	shalt  }
0x79: {  	_ =	shalt  }
0x7a: {  	_ =	shalt  }
0x7b: {  	_ =	shalt  }
0x7c: {  	_ =	shalt  }
0x7d: {  	_ =	shalt  }
0x7e: {  	_ =	shalt  }
0x7f: {  	_ =	shalt  }
0x80: {  	_ =	shalt  }
0x81: {  	_ =	shalt  }
0x82: {  	_ =	shalt  }
0x83: {  	_ =	shalt  }
0x84: {  	_ =	shalt  }
0x85: {  	_ =	shalt  }
0x86: {  	_ =	shalt  }
0x87: {  	_ =	shalt  }
.Lfunc_end0:
.L_simem_size_0:
called_computation_lowered:
.L_overlay_start_0:
0x88: {  	s2 =	sld [smem:$0x3FD9]  }
0x89: {  	s3 =	sld [smem:$0x3FFE];
	_ =	sdelay $0x1  }
0x8a: {  	s1 =	srdreg.scid  }
0x8b: {  	s0 =	sand.u32 $0x1, s1  }
0x8c: {  	s17 =	sshll.u32 s0, $0xA;
	s2 =	sadd.s32 s3, s2  }
0x8d: {  	s2 =	sadd.s32 s2, s17  }
0x8e: {  	[smem:$0x3FC5] =	sst s2  }
0x8f: {  	_ = 	snop  }
0x90: {  	s2 =	sld [smem:$0x3FD0];
	(tm) =	ssettm $0x1  }
0x91: {  	s18 =	sld [smem:$0x3FFB];
	_ =	sdelay $0x3  }
0x92: {  	_ =	strace s18  }
0x93: {  	s3 =	sld [smem:$0x3FFC];
	_ =	sdelay $0x3  }
0x94: {  	_ =	strace s3  }
0x95: {  	s3 =	sld [smem:$0x3FFD];
	_ =	sdelay $0x3  }
0x96: {  	_ =	strace s3  }
0x97: {  	_ =	strace $0x8FFFFFFF  }
0x98: {  	s19 =	sld [smem:$0x3FDB];
	_ =	sdelay $0x1  }
0x99: {  	s4 =	simm.s32 $_scs_section_size  }
0x9a: {  	s5 =	simm.s32 $_size__tile_overlayer_lowered;
	s6 =	simm.s32 $_tile_overlayer_lowered  }
0x9b: {  	s22 =	simm.s32 $0x1BFF;
	s21 =	sshll.u32 s6, $0x1;
	s3 =	sadd.s32 s4, s19  }
0x9c: {  	s7 =	simm.s32 $0x0;
	s20 =	sshll.u32 s5, $0x1;
	s5 =	sadd.s32 s21, s3  }
0x9d: {  	[timem:s7], [sflag:s22] =	dma.local [hbm:s5], s20  }
0x9e: {  	_ =	swait.ge [sflag:s22], s20  }
0x9f: {  	s4 =	ssub.s32 $0x0, s20;
	[sflag:s22] =	ssyncset.done $0x0  }
0xa0: {  	[sflag:s22] =	ssyncadd.s32 s4;
	_ =	sdelay $0x1  }
0xa1: {  	s23 =	simm.s32 $0x1B8B  }
0xa2: {  	_ =	swait.ge [sflag:s23], $0x1  }
0xa3: {  	[sflag:s23] =	ssyncset.done $0x0  }
0xa4: {  	s25 =	simm.s32 $0x1B8E;
	s24 =	sld [smem:$0x3FFE];
	[sflag:s23] =	ssyncadd.s32 $0xFFFFFFFF  }
0xa5: {  	s26 =	simm.s32 $execute0_lowered;
	[smem:$0x3FD2] =	sst s25  }
0xa6: {  	s5 =	sshll.u32 s26, $0x1;
	_ =	strace $0x80000046;
	[dreg:$0x1] =	wrdreg $0xFFFFFFFF  }
0xa7: {  	s28 =	simm.s32 $_size_execute0_lowered;
	s3 =	sadd.s32 s3, s5;
	[dreg:$0x0] =	wrdreg $0x0  }
0xa8: {  	s5 =	sshll.u32 s28, $0x1;
	[dreg:$0x2] =	wrdreg s3  }
0xa9: {  	[dreg:$0x3] =	wrdreg s5  }
0xaa: {  	[dreg:$0x4] =	wrdreg $0xC0  }
0xab: {  	_ =	task [dreg:s7], $0x5FFFF  }
0xac: {  	[dreg:$0x1] =	wrdreg $0xFFFFFFFF  }
0xad: {  	[dreg:$0x0] =	wrdreg $0x60  }
0xae: {  	[dreg:$0x2] =	wrdreg s24  }
0xaf: {  	[dreg:$0x3] =	wrdreg s2  }
0xb0: {  	[dreg:$0x4] =	wrdreg $0x9  }
0xb1: {  	_ =	task.clear_ibuf [dreg:s7], $0x5FFFF;
	_ =	strace $0x90000046  }
0xb2: {  	s29 =	simm.s32 $0x9;
	_ =	strace $0x80000048  }
0xb3: {  	_ =	swait.ge [sflag:s29], $0x1  }
0xb4: {  	[sflag:s29] =	ssyncadd.s32 $0xFFFFFFFF  }
0xb5: {  	_ =	strace $0x90000048  }
0xb6: {  	_ =	sfence  }
0xb7: {  	s30 =	sld [smem:$0x0];
	_ =	sdelay $0x2  }
0xb8: {  	s31 =	sshll.u32 s1, $0xD;
	s1 =	sshrl.u32 s1, $0x2  }
0xb9: {  	s3 =	sand.u32 $0x4000, s31;
	s1 =	sadd.s32 s1, s30  }
0xba: {  	s0 =	sor.u32 s3, s0;
	s1 =	sshll.u32 s1, $0x11  }
0xbb: {  	s0 =	sor.u32 s1, s0  }
0xbc: {  	s0 =	sadd.s32 $0x8F2B, s0  }
0xbd: {  	[sflag:s0] =	ssyncadd.remote.s32 $0x1  }
0xbe: {  	_ =	sfence.sel $0xFFFF  }
0xbf: {  	[dreg:$0x0] =	wrdreg $0xFFFFFFFF;
	(pc) =	sbr.abs _section_cstart, $3  }
0xc0: {  	[dreg:$0x1] =	wrdreg $0xFFFFFFFF  }
0xc1: {  	_ =	task.clear_ibuf [dreg:s7], $0x2FFFF;
	_ =	strace $0x9FFFFFFF  }
0xc2: {  	(tm) =	ssettm $0x7FFFFFFF  }
0xc3: {  	_ =	shalt  }
tec
execute0_lowered:
.L_overlay_start_1:
0x0: {  	(tag) =	ssettag $0x1  }
0x1: {  	s1 =	rddreg [dreg:$0x0]  }
0x2: {  	s2 =	rddreg [dreg:$0x1];
	s0 =	simm.s32 $0x0;
	s3 =	srdreg.scid  }
0x3: {  	s13 =	stileid.u32;
	s30 =	simm.s32 $0x2;
	s31 =	simm.s32 $0x80  }
0x4: {  	[smem:$0x7FF] =	sst s0;
	s3 =	sand.u32 $0x1, s3;
	s4 =	sadd.s32 $0x42200, s1  }
0x5: {  	s6 =	sadd.s32 $0x82200, s1;
	s8 =	sshll.u32 s13, $0xA;
	s19 =	sshll.u32 s13, $0x7  }
0x6: {  	s12 =	sshll.u32 s13, $0xE;
	s15 =	sshrl.u32 s13, $0x3;
	s28 =	sadd.s32 $0xF84600, s1  }
0x7: {  	s1 =	simm.s32 $0x180;
	s5 =	ssub.s32 $0x2, s3;
	s9 =	sor.u32 $0x80, s8  }
0x8: {  	s10 =	sor.u32 $0x100, s8;
	s11 =	sor.u32 $0x180, s8;
	s18 =	sor.u32 $0x200, s8  }
0x9: {  	s16 =	sadd.s32 s6, s12;
	p0 =	sne.s32 s15, s3;
	s3 =	simm.s32 $0x280  }
0xa: {  	s7 =	sshrl.u32 s5, $0x1;
	s20 =	sshrl.u32 s9, $0x3;
	s21 =	sshrl.u32 s10, $0x3  }
0xb: {  	s22 =	sshrl.u32 s11, $0x3;
	s23 =	sshrl.u32 s18, $0x3;
	s14 =	sshll.u32 s9, $0x4  }
0xc: {  	[dreg:$0xc] =	wrdreg s16;
	s9 =	simm.s32 $0x0;
	s5 =	ssub.s32 s5, s7  }
0xd: {  	s7 =	sadd.s32 s2, s19;
	s17 =	sadd.s32 s4, s14;
	s13 =	sadd.s32 s6, s14  }
0xe: {  	s19 =	sshll.u32 s10, $0x4;
	[dreg:$0x3] =	wrdreg s7;
	s7 =	sadd.s32 s2, s20  }
0xf: {  	s20 =	sor.u32 $0x280, s8;
	[dreg:$0xd] =	wrdreg s17;
	s14 =	sadd.s32 s4, s19  }
0x10: {  	s15 =	sadd.s32 s6, s19;
	s29 =	smax.u32 s5, $0x1;
	s5 =	simm.s32 $0x380  }
0x11: {  	[dreg:$0x4] =	wrdreg s7;
	s7 =	sadd.s32 s2, s21;
	s24 =	sshrl.u32 s20, $0x3  }
0x12: {  	s21 =	sshll.u32 s11, $0x4;
	[dreg:$0x5] =	wrdreg s7;
	s7 =	sadd.s32 s2, s22  }
0x13: {  	s22 =	sor.u32 $0x300, s8;
	s8 =	sor.u32 $0x380, s8;
	s16 =	sadd.s32 s4, s21  }
0x14: {  	s17 =	sadd.s32 s6, s21;
	[dreg:$0x6] =	wrdreg s7;
	s7 =	sadd.s32 s2, s23  }
0x15: {  	s25 =	sshrl.u32 s22, $0x3;
	s26 =	sshrl.u32 s8, $0x3;
	s23 =	sshll.u32 s18, $0x4  }
0x16: {  	[dreg:$0x7] =	wrdreg s7;
	s7 =	sadd.s32 s2, s24;
	s18 =	sadd.s32 s4, s23  }
0x17: {  	s19 =	sadd.s32 s6, s23;
	s24 =	sshll.u32 s20, $0x4;
	[dreg:$0x8] =	wrdreg s7  }
0x18: {  	s7 =	sadd.s32 s2, s25;
	s2 =	sadd.s32 s2, s26;
	s20 =	sadd.s32 s4, s24  }
0x19: {  	s21 =	sadd.s32 s6, s24;
	s25 =	sshll.u32 s22, $0x4;
	s26 =	sshll.u32 s8, $0x4  }
0x1a: {  	s22 =	simm.s32 $0x100;
	s8 =	simm.s32 $0x4400;
	[dreg:$0x9] =	wrdreg s7  }
0x1b: {  	[dreg:$0xa] =	wrdreg s2;
	s7 =	sadd.s32 s4, s12;
	s23 =	sadd.s32 s4, s25  }
0x1c: {  	s24 =	sadd.s32 s6, s25;
	s25 =	sadd.s32 s4, s26;
	s26 =	sadd.s32 s6, s26  }
0x1d: {  	s2 =	simm.s32 $0x200;
	s4 =	simm.s32 $0x300;
	[dreg:$0xb] =	wrdreg s7  }
0x1e: {  	s6 =	simm.s32 $0x400;
	s7 =	simm.s32 $0x1;
	_ =	strace $0x80000047  }
.LBB2_1:
0x1f: {  	s10 =	rddreg [dreg:$0x3]  }
0x20: {  	[tilespmem:s0], [sflag:$0x2] =	stream.linear.gather [hbm4b:s10+s0], $0x80, $0x38;
	[tilespmem:$0x8400] =	vst v63  }
0x21: {  	_ =	swait.ge [sflag:s30], $0x80  }
0x22: {  	[sflag:s30] =	ssyncset.done $0x0  }
0x23: {  	s11 =	rddreg [dreg:$0x4];
	[sflag:s30] =	ssyncadd.s32 $0xFFFFFF80  }
0x24: {  	[tilespmem:s31], [sflag:$0x2] =	stream.linear.gather [hbm4b:s11+s0], $0x80, $0x38;
	[tilespmem:$0x8400] =	vst v63  }
0x25: {  	_ =	swait.ge [sflag:s30], $0x80  }
0x26: {  	[sflag:s30] =	ssyncset.done $0x0  }
0x27: {  	s12 =	rddreg [dreg:$0x5];
	[sflag:s30] =	ssyncadd.s32 $0xFFFFFF80  }
0x28: {  	[tilespmem:s22], [sflag:$0x2] =	stream.linear.gather [hbm4b:s12+s0], $0x80, $0x38;
	[tilespmem:$0x8400] =	vst v63  }
0x29: {  	_ =	swait.ge [sflag:s30], $0x80  }
0x2a: {  	[sflag:s30] =	ssyncset.done $0x0  }
0x2b: {  	s11 =	rddreg [dreg:$0x6];
	[sflag:s30] =	ssyncadd.s32 $0xFFFFFF80  }
0x2c: {  	[tilespmem:s1], [sflag:$0x2] =	stream.linear.gather [hbm4b:s11+s0], $0x80, $0x38;
	[tilespmem:$0x8400] =	vst v63  }
0x2d: {  	_ =	swait.ge [sflag:s30], $0x80  }
0x2e: {  	[sflag:s30] =	ssyncset.done $0x0  }
0x2f: {  	s12 =	rddreg [dreg:$0x7];
	[sflag:s30] =	ssyncadd.s32 $0xFFFFFF80  }
0x30: {  	[tilespmem:s2], [sflag:$0x2] =	stream.linear.gather [hbm4b:s12+s0], $0x80, $0x38;
	[tilespmem:$0x8400] =	vst v63  }
0x31: {  	_ =	swait.ge [sflag:s30], $0x80  }
0x32: {  	[sflag:s30] =	ssyncset.done $0x0  }
0x33: {  	s11 =	rddreg [dreg:$0x8];
	[sflag:s30] =	ssyncadd.s32 $0xFFFFFF80  }
0x34: {  	[tilespmem:s3], [sflag:$0x2] =	stream.linear.gather [hbm4b:s11+s0], $0x80, $0x38;
	[tilespmem:$0x8400] =	vst v63  }
0x35: {  	_ =	swait.ge [sflag:s30], $0x80  }
0x36: {  	[sflag:s30] =	ssyncset.done $0x0  }
0x37: {  	s12 =	rddreg [dreg:$0x9];
	[sflag:s30] =	ssyncadd.s32 $0xFFFFFF80  }
0x38: {  	[tilespmem:s4], [sflag:$0x2] =	stream.linear.gather [hbm4b:s12+s0], $0x80, $0x38;
	[tilespmem:$0x8400] =	vst v63  }
0x39: {  	_ =	swait.ge [sflag:s30], $0x80  }
0x3a: {  	[sflag:s30] =	ssyncset.done $0x0  }
0x3b: {  	s11 =	rddreg [dreg:$0xa];
	[sflag:s30] =	ssyncadd.s32 $0xFFFFFF80  }
0x3c: {  	[tilespmem:s5], [sflag:$0x2] =	stream.linear.gather [hbm4b:s11+s0], $0x80, $0x38;
	[tilespmem:$0x8400] =	vst v63  }
0x3d: {  	_ =	swait.ge [sflag:s30], $0x80  }
0x3e: {  	[sflag:s30] =	ssyncset.done $0x0  }
0x3f: {  	[sflag:s30] =	ssyncadd.s32 $0xFFFFFF80  }
0x40: {  	[tilespmem:s6], [sflag:$0x1] =	stream.indirect.gather [hbm4b:s28+s31], $0x80, s0, s31, $0xb8;
	[tilespmem:$0x8400] =	vst v63  }
0x41: {  	_ =	swait.ge [sflag:s7], $0x4000  }
0x42: {  	[sflag:s7] =	ssyncset.done $0x0  }
0x43: {  	s12 =	rddreg [dreg:$0xb];
	[sflag:s7] =	ssyncadd.s32 $0xFFFFC000  }
0x44: {  	[tilespmem:s8], [sflag:$0x2] =	stream.linear.gather [hbm4b:s12+s0], $0x4000, $0x38;
	[tilespmem:$0x8400] =	vst v63  }
0x45: {  	_ =	swait.ge [sflag:s30], $0x4000  }
0x46: {  	[sflag:s30] =	ssyncset.done $0x0  }
0x47: {  	s10 =	simm.s32 $0x0;
	[sflag:s30] =	ssyncadd.s32 $0xFFFFC000  }
0x48: {  	v7 =	vld [tilespmem:s10+$0x4400]  }
0x49: {  	v11 =	vld [tilespmem:s10+$0x4410]  }
0x4a: {  	v5 =	vld [tilespmem:s10+$0x4420]  }
0x4b: {  	v4 =	vld [tilespmem:s10+$0x4430]  }
0x4c: {  	v3 =	vld [tilespmem:s10+$0x4440]  }
0x4d: {  	v2 =	vld [tilespmem:s10+$0x4450]  }
0x4e: {  	v1 =	vld [tilespmem:s10+$0x4460]  }
0x4f: {  	v0 =	vld [tilespmem:s10+$0x4470]  }
0x50: {  	v12 =	vld [tilespmem:s10+$0x400]  }
0x51: {  	v13 =	vld [tilespmem:s10+$0x410]  }
0x52: {  	v10 =	vld [tilespmem:s10+$0x420]  }
0x53: {  	v9 =	vld [tilespmem:s10+$0x430]  }
0x54: {  	v8 =	vld [tilespmem:s10+$0x440]  }
0x55: {  	v6 =	vld [tilespmem:s10+$0x450];
	v12 =	vadd.f32 v7, v12  }
0x56: {  	s11 =	simm.s32 $0x200;
	v11 =	vadd.f32 v11, v13;
	v7 =	vld [tilespmem:s10+$0x460]  }
.LBB2_2:
0x57: {  	s12 =	sshra.s32 s11, $0x2;
	p1 =	sne.s32 s11, $0xFE00;
	[tilespmem:s10+$0x400] =	vst v12;
	v5 =	vadd.f32 v5, v10;
	v10 =	vld [tilespmem:s10+$0x470]  }
0x58: {  	v12 =	vld [tilespmem:s12+$0x4400];
	[tilespmem:s10+$0x410] =	vst v11;
	v4 =	vadd.f32 v4, v9  }
0x59: {  	v11 =	vld [tilespmem:s12+$0x4410];
	[tilespmem:s10+$0x420] =	vst v5;
	v3 =	vadd.f32 v3, v8  }
0x5a: {  	v5 =	vld [tilespmem:s12+$0x4420];
	[tilespmem:s10+$0x430] =	vst v4;
	v2 =	vadd.f32 v2, v6  }
0x5b: {  	v4 =	vld [tilespmem:s12+$0x4430];
	[tilespmem:s10+$0x440] =	vst v3;
	v1 =	vadd.f32 v1, v7  }
0x5c: {  	v3 =	vld [tilespmem:s12+$0x4440];
	[tilespmem:s10+$0x450] =	vst v2;
	v0 =	vadd.f32 v0, v10  }
0x5d: {  	v2 =	vld [tilespmem:s12+$0x4450];
	[tilespmem:s10+$0x460] =	vst v1  }
0x5e: {  	v1 =	vld [tilespmem:s12+$0x4460];
	[tilespmem:s10+$0x470] =	vst v0;
	s10 =	smov.u32 s12  }
0x5f: {  	v0 =	vld [tilespmem:s10+$0x4470]  }
0x60: {  	v6 =	vld [tilespmem:s10+$0x400]  }
0x61: {  	v7 =	vld [tilespmem:s10+$0x410]  }
.Ltmp0:
0x62: {  	v10 =	vld [tilespmem:s10+$0x420];
	(pc) =	sbr.rel @p1 .LBB2_2-.Ltmp0, $4  }
0x63: {  	v9 =	vld [tilespmem:s10+$0x430]  }
0x64: {  	v8 =	vld [tilespmem:s10+$0x440]  }
0x65: {  	v12 =	vadd.f32 v12, v6;
	v6 =	vld [tilespmem:s10+$0x450]  }
0x66: {  	s11 =	sadd.s32 $0x200, s11;
	v11 =	vadd.f32 v11, v7;
	v7 =	vld [tilespmem:s10+$0x460]  }
0x67: {  	[tilespmem:s10+$0x400] =	vst v12;
	v5 =	vadd.f32 v5, v10;
	v10 =	vld [tilespmem:s10+$0x470]  }
0x68: {  	[tilespmem:s10+$0x410] =	vst v11;
	v4 =	vadd.f32 v4, v9  }
0x69: {  	[tilespmem:s10+$0x420] =	vst v5;
	v3 =	vadd.f32 v3, v8  }
0x6a: {  	[tilespmem:s10+$0x430] =	vst v4;
	v2 =	vadd.f32 v2, v6  }
0x6b: {  	[tilespmem:s10+$0x440] =	vst v3;
	v1 =	vadd.f32 v1, v7  }
0x6c: {  	[tilespmem:s10+$0x450] =	vst v2;
	v0 =	vadd.f32 v0, v10  }
0x6d: {  	[tilespmem:s10+$0x460] =	vst v1  }
0x6e: {  	s11 =	simm.s32 @!p0 $0x400;
	s12 =	rddreg [dreg:$0xc];
	[tilespmem:s10+$0x470] =	vst v0;
	s10 =	simm.s32 @!p0 $0x0  }
0x6f: {  	[hbm4b:s12+s10] =	stream.linear.scatter @!p0 [tilespmem:s11], [sflag:$0x2], $0x4000, $0x38;
	[tilespmem:$0x8400] =	vst v63  }
0x70: {  	s10 =	simm.s32 @!p0 $0x2  }
0x71: {  	_ =	swait.ge @!p0 [sflag:s10], $0x4000  }
0x72: {  	[sflag:s10] =	ssyncset.done @!p0 $0x0  }
0x73: {  	[sflag:s10] =	ssyncadd.s32 @!p0 $0xFFFFC000  }
0x74: {  	[tilespmem:s6], [sflag:$0x1] =	stream.indirect.gather [hbm4b:s28+s31], $0x80, s31, s31, $0xb8;
	[tilespmem:$0x8400] =	vst v63  }
0x75: {  	_ =	swait.ge [sflag:s7], $0x4000  }
0x76: {  	[sflag:s7] =	ssyncset.done $0x0  }
0x77: {  	s11 =	simm.s32 $0x0;
	s12 =	rddreg [dreg:$0xd];
	[sflag:s7] =	ssyncadd.s32 $0xFFFFC000  }
0x78: {  	[tilespmem:s8], [sflag:$0x2] =	stream.linear.gather [hbm4b:s12+s11], $0x4000, $0x38;
	[tilespmem:$0x8400] =	vst v63  }
0x79: {  	_ =	swait.ge [sflag:s30], $0x4000  }
0x7a: {  	[sflag:s30] =	ssyncset.done $0x0  }
0x7b: {  	s10 =	simm.s32 $0x0;
	[sflag:s30] =	ssyncadd.s32 $0xFFFFC000  }
0x7c: {  	v7 =	vld [tilespmem:s10+$0x4400]  }
0x7d: {  	v11 =	vld [tilespmem:s10+$0x4410]  }
0x7e: {  	v5 =	vld [tilespmem:s10+$0x4420]  }
0x7f: {  	v4 =	vld [tilespmem:s10+$0x4430]  }
0x80: {  	v3 =	vld [tilespmem:s10+$0x4440]  }
0x81: {  	v2 =	vld [tilespmem:s10+$0x4450]  }
0x82: {  	v1 =	vld [tilespmem:s10+$0x4460]  }
0x83: {  	v0 =	vld [tilespmem:s10+$0x4470]  }
0x84: {  	v12 =	vld [tilespmem:s10+$0x400]  }
0x85: {  	v13 =	vld [tilespmem:s10+$0x410]  }
0x86: {  	v10 =	vld [tilespmem:s10+$0x420]  }
0x87: {  	v9 =	vld [tilespmem:s10+$0x430]  }
0x88: {  	v8 =	vld [tilespmem:s10+$0x440]  }
0x89: {  	v6 =	vld [tilespmem:s10+$0x450];
	v12 =	vadd.f32 v7, v12  }
0x8a: {  	s11 =	simm.s32 $0x200;
	v11 =	vadd.f32 v11, v13;
	v7 =	vld [tilespmem:s10+$0x460]  }
.LBB2_4:
0x8b: {  	s12 =	sshra.s32 s11, $0x2;
	p1 =	sne.s32 s11, $0xFE00;
	[tilespmem:s10+$0x400] =	vst v12;
	v5 =	vadd.f32 v5, v10;
	v10 =	vld [tilespmem:s10+$0x470]  }
0x8c: {  	v12 =	vld [tilespmem:s12+$0x4400];
	[tilespmem:s10+$0x410] =	vst v11;
	v4 =	vadd.f32 v4, v9  }
0x8d: {  	v11 =	vld [tilespmem:s12+$0x4410];
	[tilespmem:s10+$0x420] =	vst v5;
	v3 =	vadd.f32 v3, v8  }
0x8e: {  	v5 =	vld [tilespmem:s12+$0x4420];
	[tilespmem:s10+$0x430] =	vst v4;
	v2 =	vadd.f32 v2, v6  }
0x8f: {  	v4 =	vld [tilespmem:s12+$0x4430];
	[tilespmem:s10+$0x440] =	vst v3;
	v1 =	vadd.f32 v1, v7  }
0x90: {  	v3 =	vld [tilespmem:s12+$0x4440];
	[tilespmem:s10+$0x450] =	vst v2;
	v0 =	vadd.f32 v0, v10  }
0x91: {  	v2 =	vld [tilespmem:s12+$0x4450];
	[tilespmem:s10+$0x460] =	vst v1  }
0x92: {  	v1 =	vld [tilespmem:s12+$0x4460];
	[tilespmem:s10+$0x470] =	vst v0;
	s10 =	smov.u32 s12  }
0x93: {  	v0 =	vld [tilespmem:s10+$0x4470]  }
0x94: {  	v6 =	vld [tilespmem:s10+$0x400]  }
0x95: {  	v7 =	vld [tilespmem:s10+$0x410]  }
.Ltmp1:
0x96: {  	v10 =	vld [tilespmem:s10+$0x420];
	(pc) =	sbr.rel @p1 .LBB2_4-.Ltmp1, $4  }
0x97: {  	v9 =	vld [tilespmem:s10+$0x430]  }
0x98: {  	v8 =	vld [tilespmem:s10+$0x440]  }
0x99: {  	v12 =	vadd.f32 v12, v6;
	v6 =	vld [tilespmem:s10+$0x450]  }
0x9a: {  	s11 =	sadd.s32 $0x200, s11;
	v11 =	vadd.f32 v11, v7;
	v7 =	vld [tilespmem:s10+$0x460]  }
0x9b: {  	[tilespmem:s10+$0x400] =	vst v12;
	v5 =	vadd.f32 v5, v10;
	v10 =	vld [tilespmem:s10+$0x470]  }
0x9c: {  	[tilespmem:s10+$0x410] =	vst v11;
	v4 =	vadd.f32 v4, v9  }
0x9d: {  	[tilespmem:s10+$0x420] =	vst v5;
	v3 =	vadd.f32 v3, v8  }
0x9e: {  	[tilespmem:s10+$0x430] =	vst v4;
	v2 =	vadd.f32 v2, v6  }
0x9f: {  	[tilespmem:s10+$0x440] =	vst v3;
	v1 =	vadd.f32 v1, v7  }
0xa0: {  	[tilespmem:s10+$0x450] =	vst v2;
	v0 =	vadd.f32 v0, v10  }
0xa1: {  	[tilespmem:s10+$0x460] =	vst v1  }
0xa2: {  	s11 =	simm.s32 @!p0 $0x400;
	[tilespmem:s10+$0x470] =	vst v0;
	s10 =	simm.s32 @!p0 $0x0  }
0xa3: {  	[hbm4b:s13+s10] =	stream.linear.scatter @!p0 [tilespmem:s11], [sflag:$0x2], $0x4000, $0x38;
	[tilespmem:$0x8400] =	vst v63  }
0xa4: {  	s10 =	simm.s32 @!p0 $0x2  }
0xa5: {  	_ =	swait.ge @!p0 [sflag:s10], $0x4000  }
0xa6: {  	[sflag:s10] =	ssyncset.done @!p0 $0x0  }
0xa7: {  	[sflag:s10] =	ssyncadd.s32 @!p0 $0xFFFFC000  }
0xa8: {  	[tilespmem:s6], [sflag:$0x1] =	stream.indirect.gather [hbm4b:s28+s31], $0x80, s22, s31, $0xb8;
	[tilespmem:$0x8400] =	vst v63  }
0xa9: {  	_ =	swait.ge [sflag:s7], $0x4000  }
0xaa: {  	[sflag:s7] =	ssyncset.done $0x0  }
0xab: {  	s12 =	simm.s32 $0x0;
	[sflag:s7] =	ssyncadd.s32 $0xFFFFC000  }
0xac: {  	[tilespmem:s8], [sflag:$0x2] =	stream.linear.gather [hbm4b:s14+s12], $0x4000, $0x38;
	[tilespmem:$0x8400] =	vst v63  }
0xad: {  	_ =	swait.ge [sflag:s30], $0x4000  }
0xae: {  	[sflag:s30] =	ssyncset.done $0x0  }
0xaf: {  	s10 =	simm.s32 $0x0;
	[sflag:s30] =	ssyncadd.s32 $0xFFFFC000  }
0xb0: {  	v7 =	vld [tilespmem:s10+$0x4400]  }
0xb1: {  	v11 =	vld [tilespmem:s10+$0x4410]  }
0xb2: {  	v5 =	vld [tilespmem:s10+$0x4420]  }
0xb3: {  	v4 =	vld [tilespmem:s10+$0x4430]  }
0xb4: {  	v3 =	vld [tilespmem:s10+$0x4440]  }
0xb5: {  	v2 =	vld [tilespmem:s10+$0x4450]  }
0xb6: {  	v1 =	vld [tilespmem:s10+$0x4460]  }
0xb7: {  	v0 =	vld [tilespmem:s10+$0x4470]  }
0xb8: {  	v12 =	vld [tilespmem:s10+$0x400]  }
0xb9: {  	v13 =	vld [tilespmem:s10+$0x410]  }
0xba: {  	v10 =	vld [tilespmem:s10+$0x420]  }
0xbb: {  	v9 =	vld [tilespmem:s10+$0x430]  }
0xbc: {  	v8 =	vld [tilespmem:s10+$0x440]  }
0xbd: {  	v6 =	vld [tilespmem:s10+$0x450];
	v12 =	vadd.f32 v7, v12  }
0xbe: {  	s11 =	simm.s32 $0x200;
	v11 =	vadd.f32 v11, v13;
	v7 =	vld [tilespmem:s10+$0x460]  }
.LBB2_6:
0xbf: {  	s12 =	sshra.s32 s11, $0x2;
	p1 =	sne.s32 s11, $0xFE00;
	[tilespmem:s10+$0x400] =	vst v12;
	v5 =	vadd.f32 v5, v10;
	v10 =	vld [tilespmem:s10+$0x470]  }
0xc0: {  	v12 =	vld [tilespmem:s12+$0x4400];
	[tilespmem:s10+$0x410] =	vst v11;
	v4 =	vadd.f32 v4, v9  }
0xc1: {  	v11 =	vld [tilespmem:s12+$0x4410];
	[tilespmem:s10+$0x420] =	vst v5;
	v3 =	vadd.f32 v3, v8  }
0xc2: {  	v5 =	vld [tilespmem:s12+$0x4420];
	[tilespmem:s10+$0x430] =	vst v4;
	v2 =	vadd.f32 v2, v6  }
0xc3: {  	v4 =	vld [tilespmem:s12+$0x4430];
	[tilespmem:s10+$0x440] =	vst v3;
	v1 =	vadd.f32 v1, v7  }
0xc4: {  	v3 =	vld [tilespmem:s12+$0x4440];
	[tilespmem:s10+$0x450] =	vst v2;
	v0 =	vadd.f32 v0, v10  }
0xc5: {  	v2 =	vld [tilespmem:s12+$0x4450];
	[tilespmem:s10+$0x460] =	vst v1  }
0xc6: {  	v1 =	vld [tilespmem:s12+$0x4460];
	[tilespmem:s10+$0x470] =	vst v0;
	s10 =	smov.u32 s12  }
0xc7: {  	v0 =	vld [tilespmem:s10+$0x4470]  }
0xc8: {  	v6 =	vld [tilespmem:s10+$0x400]  }
0xc9: {  	v7 =	vld [tilespmem:s10+$0x410]  }
.Ltmp2:
0xca: {  	v10 =	vld [tilespmem:s10+$0x420];
	(pc) =	sbr.rel @p1 .LBB2_6-.Ltmp2, $4  }
0xcb: {  	v9 =	vld [tilespmem:s10+$0x430]  }
0xcc: {  	v8 =	vld [tilespmem:s10+$0x440]  }
0xcd: {  	v12 =	vadd.f32 v12, v6;
	v6 =	vld [tilespmem:s10+$0x450]  }
0xce: {  	s11 =	sadd.s32 $0x200, s11;
	v11 =	vadd.f32 v11, v7;
	v7 =	vld [tilespmem:s10+$0x460]  }
0xcf: {  	[tilespmem:s10+$0x400] =	vst v12;
	v5 =	vadd.f32 v5, v10;
	v10 =	vld [tilespmem:s10+$0x470]  }
0xd0: {  	[tilespmem:s10+$0x410] =	vst v11;
	v4 =	vadd.f32 v4, v9  }
0xd1: {  	[tilespmem:s10+$0x420] =	vst v5;
	v3 =	vadd.f32 v3, v8  }
0xd2: {  	[tilespmem:s10+$0x430] =	vst v4;
	v2 =	vadd.f32 v2, v6  }
0xd3: {  	[tilespmem:s10+$0x440] =	vst v3;
	v1 =	vadd.f32 v1, v7  }
0xd4: {  	[tilespmem:s10+$0x450] =	vst v2;
	v0 =	vadd.f32 v0, v10  }
0xd5: {  	[tilespmem:s10+$0x460] =	vst v1  }
0xd6: {  	s11 =	simm.s32 @!p0 $0x400;
	[tilespmem:s10+$0x470] =	vst v0;
	s10 =	simm.s32 @!p0 $0x0  }
0xd7: {  	[hbm4b:s15+s10] =	stream.linear.scatter @!p0 [tilespmem:s11], [sflag:$0x2], $0x4000, $0x38;
	[tilespmem:$0x8400] =	vst v63  }
0xd8: {  	s10 =	simm.s32 @!p0 $0x2  }
0xd9: {  	_ =	swait.ge @!p0 [sflag:s10], $0x4000  }
0xda: {  	[sflag:s10] =	ssyncset.done @!p0 $0x0  }
0xdb: {  	[sflag:s10] =	ssyncadd.s32 @!p0 $0xFFFFC000  }
0xdc: {  	[tilespmem:s6], [sflag:$0x1] =	stream.indirect.gather [hbm4b:s28+s31], $0x80, s1, s31, $0xb8;
	[tilespmem:$0x8400] =	vst v63  }
0xdd: {  	_ =	swait.ge [sflag:s7], $0x4000  }
0xde: {  	[sflag:s7] =	ssyncset.done $0x0  }
0xdf: {  	s12 =	simm.s32 $0x0;
	[sflag:s7] =	ssyncadd.s32 $0xFFFFC000  }
0xe0: {  	[tilespmem:s8], [sflag:$0x2] =	stream.linear.gather [hbm4b:s16+s12], $0x4000, $0x38;
	[tilespmem:$0x8400] =	vst v63  }
0xe1: {  	_ =	swait.ge [sflag:s30], $0x4000  }
0xe2: {  	[sflag:s30] =	ssyncset.done $0x0  }
0xe3: {  	s10 =	simm.s32 $0x0;
	[sflag:s30] =	ssyncadd.s32 $0xFFFFC000  }
0xe4: {  	v7 =	vld [tilespmem:s10+$0x4400]  }
0xe5: {  	v11 =	vld [tilespmem:s10+$0x4410]  }
0xe6: {  	v5 =	vld [tilespmem:s10+$0x4420]  }
0xe7: {  	v4 =	vld [tilespmem:s10+$0x4430]  }
0xe8: {  	v3 =	vld [tilespmem:s10+$0x4440]  }
0xe9: {  	v2 =	vld [tilespmem:s10+$0x4450]  }
0xea: {  	v1 =	vld [tilespmem:s10+$0x4460]  }
0xeb: {  	v0 =	vld [tilespmem:s10+$0x4470]  }
0xec: {  	v12 =	vld [tilespmem:s10+$0x400]  }
0xed: {  	v13 =	vld [tilespmem:s10+$0x410]  }
0xee: {  	v10 =	vld [tilespmem:s10+$0x420]  }
0xef: {  	v9 =	vld [tilespmem:s10+$0x430]  }
0xf0: {  	v8 =	vld [tilespmem:s10+$0x440]  }
0xf1: {  	v6 =	vld [tilespmem:s10+$0x450];
	v12 =	vadd.f32 v7, v12  }
0xf2: {  	s11 =	simm.s32 $0x200;
	v11 =	vadd.f32 v11, v13;
	v7 =	vld [tilespmem:s10+$0x460]  }
.LBB2_8:
0xf3: {  	s12 =	sshra.s32 s11, $0x2;
	p1 =	sne.s32 s11, $0xFE00;
	[tilespmem:s10+$0x400] =	vst v12;
	v5 =	vadd.f32 v5, v10;
	v10 =	vld [tilespmem:s10+$0x470]  }
0xf4: {  	v12 =	vld [tilespmem:s12+$0x4400];
	[tilespmem:s10+$0x410] =	vst v11;
	v4 =	vadd.f32 v4, v9  }
0xf5: {  	v11 =	vld [tilespmem:s12+$0x4410];
	[tilespmem:s10+$0x420] =	vst v5;
	v3 =	vadd.f32 v3, v8  }
0xf6: {  	v5 =	vld [tilespmem:s12+$0x4420];
	[tilespmem:s10+$0x430] =	vst v4;
	v2 =	vadd.f32 v2, v6  }
0xf7: {  	v4 =	vld [tilespmem:s12+$0x4430];
	[tilespmem:s10+$0x440] =	vst v3;
	v1 =	vadd.f32 v1, v7  }
0xf8: {  	v3 =	vld [tilespmem:s12+$0x4440];
	[tilespmem:s10+$0x450] =	vst v2;
	v0 =	vadd.f32 v0, v10  }
0xf9: {  	v2 =	vld [tilespmem:s12+$0x4450];
	[tilespmem:s10+$0x460] =	vst v1  }
0xfa: {  	v1 =	vld [tilespmem:s12+$0x4460];
	[tilespmem:s10+$0x470] =	vst v0;
	s10 =	smov.u32 s12  }
0xfb: {  	v0 =	vld [tilespmem:s10+$0x4470]  }
0xfc: {  	v6 =	vld [tilespmem:s10+$0x400]  }
0xfd: {  	v7 =	vld [tilespmem:s10+$0x410]  }
.Ltmp3:
0xfe: {  	v10 =	vld [tilespmem:s10+$0x420];
	(pc) =	sbr.rel @p1 .LBB2_8-.Ltmp3, $4  }
0xff: {  	v9 =	vld [tilespmem:s10+$0x430]  }
0x100: {  	v8 =	vld [tilespmem:s10+$0x440]  }
0x101: {  	v12 =	vadd.f32 v12, v6;
	v6 =	vld [tilespmem:s10+$0x450]  }
0x102: {  	s11 =	sadd.s32 $0x200, s11;
	v11 =	vadd.f32 v11, v7;
	v7 =	vld [tilespmem:s10+$0x460]  }
0x103: {  	[tilespmem:s10+$0x400] =	vst v12;
	v5 =	vadd.f32 v5, v10;
	v10 =	vld [tilespmem:s10+$0x470]  }
0x104: {  	[tilespmem:s10+$0x410] =	vst v11;
	v4 =	vadd.f32 v4, v9  }
0x105: {  	[tilespmem:s10+$0x420] =	vst v5;
	v3 =	vadd.f32 v3, v8  }
0x106: {  	[tilespmem:s10+$0x430] =	vst v4;
	v2 =	vadd.f32 v2, v6  }
0x107: {  	[tilespmem:s10+$0x440] =	vst v3;
	v1 =	vadd.f32 v1, v7  }
0x108: {  	[tilespmem:s10+$0x450] =	vst v2;
	v0 =	vadd.f32 v0, v10  }
0x109: {  	[tilespmem:s10+$0x460] =	vst v1  }
0x10a: {  	s11 =	simm.s32 @!p0 $0x400;
	[tilespmem:s10+$0x470] =	vst v0;
	s10 =	simm.s32 @!p0 $0x0  }
0x10b: {  	[hbm4b:s17+s10] =	stream.linear.scatter @!p0 [tilespmem:s11], [sflag:$0x2], $0x4000, $0x38;
	[tilespmem:$0x8400] =	vst v63  }
0x10c: {  	s10 =	simm.s32 @!p0 $0x2  }
0x10d: {  	_ =	swait.ge @!p0 [sflag:s10], $0x4000  }
0x10e: {  	[sflag:s10] =	ssyncset.done @!p0 $0x0  }
0x10f: {  	[sflag:s10] =	ssyncadd.s32 @!p0 $0xFFFFC000  }
0x110: {  	[tilespmem:s6], [sflag:$0x1] =	stream.indirect.gather [hbm4b:s28+s31], $0x80, s2, s31, $0xb8;
	[tilespmem:$0x8400] =	vst v63  }
0x111: {  	_ =	swait.ge [sflag:s7], $0x4000  }
0x112: {  	[sflag:s7] =	ssyncset.done $0x0  }
0x113: {  	s12 =	simm.s32 $0x0;
	[sflag:s7] =	ssyncadd.s32 $0xFFFFC000  }
0x114: {  	[tilespmem:s8], [sflag:$0x2] =	stream.linear.gather [hbm4b:s18+s12], $0x4000, $0x38;
	[tilespmem:$0x8400] =	vst v63  }
0x115: {  	_ =	swait.ge [sflag:s30], $0x4000  }
0x116: {  	[sflag:s30] =	ssyncset.done $0x0  }
0x117: {  	s10 =	simm.s32 $0x0;
	[sflag:s30] =	ssyncadd.s32 $0xFFFFC000  }
0x118: {  	v7 =	vld [tilespmem:s10+$0x4400]  }
0x119: {  	v11 =	vld [tilespmem:s10+$0x4410]  }
0x11a: {  	v5 =	vld [tilespmem:s10+$0x4420]  }
0x11b: {  	v4 =	vld [tilespmem:s10+$0x4430]  }
0x11c: {  	v3 =	vld [tilespmem:s10+$0x4440]  }
0x11d: {  	v2 =	vld [tilespmem:s10+$0x4450]  }
0x11e: {  	v1 =	vld [tilespmem:s10+$0x4460]  }
0x11f: {  	v0 =	vld [tilespmem:s10+$0x4470]  }
0x120: {  	v12 =	vld [tilespmem:s10+$0x400]  }
0x121: {  	v13 =	vld [tilespmem:s10+$0x410]  }
0x122: {  	v10 =	vld [tilespmem:s10+$0x420]  }
0x123: {  	v9 =	vld [tilespmem:s10+$0x430]  }
0x124: {  	v8 =	vld [tilespmem:s10+$0x440]  }
0x125: {  	v6 =	vld [tilespmem:s10+$0x450];
	v12 =	vadd.f32 v7, v12  }
0x126: {  	s11 =	simm.s32 $0x200;
	v11 =	vadd.f32 v11, v13;
	v7 =	vld [tilespmem:s10+$0x460]  }
.LBB2_10:
0x127: {  	s12 =	sshra.s32 s11, $0x2;
	p1 =	sne.s32 s11, $0xFE00;
	[tilespmem:s10+$0x400] =	vst v12;
	v5 =	vadd.f32 v5, v10;
	v10 =	vld [tilespmem:s10+$0x470]  }
0x128: {  	v12 =	vld [tilespmem:s12+$0x4400];
	[tilespmem:s10+$0x410] =	vst v11;
	v4 =	vadd.f32 v4, v9  }
0x129: {  	v11 =	vld [tilespmem:s12+$0x4410];
	[tilespmem:s10+$0x420] =	vst v5;
	v3 =	vadd.f32 v3, v8  }
0x12a: {  	v5 =	vld [tilespmem:s12+$0x4420];
	[tilespmem:s10+$0x430] =	vst v4;
	v2 =	vadd.f32 v2, v6  }
0x12b: {  	v4 =	vld [tilespmem:s12+$0x4430];
	[tilespmem:s10+$0x440] =	vst v3;
	v1 =	vadd.f32 v1, v7  }
0x12c: {  	v3 =	vld [tilespmem:s12+$0x4440];
	[tilespmem:s10+$0x450] =	vst v2;
	v0 =	vadd.f32 v0, v10  }
0x12d: {  	v2 =	vld [tilespmem:s12+$0x4450];
	[tilespmem:s10+$0x460] =	vst v1  }
0x12e: {  	v1 =	vld [tilespmem:s12+$0x4460];
	[tilespmem:s10+$0x470] =	vst v0;
	s10 =	smov.u32 s12  }
0x12f: {  	v0 =	vld [tilespmem:s10+$0x4470]  }
0x130: {  	v6 =	vld [tilespmem:s10+$0x400]  }
0x131: {  	v7 =	vld [tilespmem:s10+$0x410]  }
.Ltmp4:
0x132: {  	v10 =	vld [tilespmem:s10+$0x420];
	(pc) =	sbr.rel @p1 .LBB2_10-.Ltmp4, $4  }
0x133: {  	v9 =	vld [tilespmem:s10+$0x430]  }
0x134: {  	v8 =	vld [tilespmem:s10+$0x440]  }
0x135: {  	v12 =	vadd.f32 v12, v6;
	v6 =	vld [tilespmem:s10+$0x450]  }
0x136: {  	s11 =	sadd.s32 $0x200, s11;
	v11 =	vadd.f32 v11, v7;
	v7 =	vld [tilespmem:s10+$0x460]  }
0x137: {  	[tilespmem:s10+$0x400] =	vst v12;
	v5 =	vadd.f32 v5, v10;
	v10 =	vld [tilespmem:s10+$0x470]  }
0x138: {  	[tilespmem:s10+$0x410] =	vst v11;
	v4 =	vadd.f32 v4, v9  }
0x139: {  	[tilespmem:s10+$0x420] =	vst v5;
	v3 =	vadd.f32 v3, v8  }
0x13a: {  	[tilespmem:s10+$0x430] =	vst v4;
	v2 =	vadd.f32 v2, v6  }
0x13b: {  	[tilespmem:s10+$0x440] =	vst v3;
	v1 =	vadd.f32 v1, v7  }
0x13c: {  	[tilespmem:s10+$0x450] =	vst v2;
	v0 =	vadd.f32 v0, v10  }
0x13d: {  	[tilespmem:s10+$0x460] =	vst v1  }
0x13e: {  	s11 =	simm.s32 @!p0 $0x400;
	[tilespmem:s10+$0x470] =	vst v0;
	s10 =	simm.s32 @!p0 $0x0  }
0x13f: {  	[hbm4b:s19+s10] =	stream.linear.scatter @!p0 [tilespmem:s11], [sflag:$0x2], $0x4000, $0x38;
	[tilespmem:$0x8400] =	vst v63  }
0x140: {  	s10 =	simm.s32 @!p0 $0x2  }
0x141: {  	_ =	swait.ge @!p0 [sflag:s10], $0x4000  }
0x142: {  	[sflag:s10] =	ssyncset.done @!p0 $0x0  }
0x143: {  	[sflag:s10] =	ssyncadd.s32 @!p0 $0xFFFFC000  }
0x144: {  	[tilespmem:s6], [sflag:$0x1] =	stream.indirect.gather [hbm4b:s28+s31], $0x80, s3, s31, $0xb8;
	[tilespmem:$0x8400] =	vst v63  }
0x145: {  	_ =	swait.ge [sflag:s7], $0x4000  }
0x146: {  	[sflag:s7] =	ssyncset.done $0x0  }
0x147: {  	s12 =	simm.s32 $0x0;
	[sflag:s7] =	ssyncadd.s32 $0xFFFFC000  }
0x148: {  	[tilespmem:s8], [sflag:$0x2] =	stream.linear.gather [hbm4b:s20+s12], $0x4000, $0x38;
	[tilespmem:$0x8400] =	vst v63  }
0x149: {  	_ =	swait.ge [sflag:s30], $0x4000  }
0x14a: {  	[sflag:s30] =	ssyncset.done $0x0  }
0x14b: {  	s10 =	simm.s32 $0x0;
	[sflag:s30] =	ssyncadd.s32 $0xFFFFC000  }
0x14c: {  	v7 =	vld [tilespmem:s10+$0x4400]  }
0x14d: {  	v11 =	vld [tilespmem:s10+$0x4410]  }
0x14e: {  	v5 =	vld [tilespmem:s10+$0x4420]  }
0x14f: {  	v4 =	vld [tilespmem:s10+$0x4430]  }
0x150: {  	v3 =	vld [tilespmem:s10+$0x4440]  }
0x151: {  	v2 =	vld [tilespmem:s10+$0x4450]  }
0x152: {  	v1 =	vld [tilespmem:s10+$0x4460]  }
0x153: {  	v0 =	vld [tilespmem:s10+$0x4470]  }
0x154: {  	v12 =	vld [tilespmem:s10+$0x400]  }
0x155: {  	v13 =	vld [tilespmem:s10+$0x410]  }
0x156: {  	v10 =	vld [tilespmem:s10+$0x420]  }
0x157: {  	v9 =	vld [tilespmem:s10+$0x430]  }
0x158: {  	v8 =	vld [tilespmem:s10+$0x440]  }
0x159: {  	v6 =	vld [tilespmem:s10+$0x450];
	v12 =	vadd.f32 v7, v12  }
0x15a: {  	s11 =	simm.s32 $0x200;
	v11 =	vadd.f32 v11, v13;
	v7 =	vld [tilespmem:s10+$0x460]  }
.LBB2_12:
0x15b: {  	s12 =	sshra.s32 s11, $0x2;
	p1 =	sne.s32 s11, $0xFE00;
	[tilespmem:s10+$0x400] =	vst v12;
	v5 =	vadd.f32 v5, v10;
	v10 =	vld [tilespmem:s10+$0x470]  }
0x15c: {  	v12 =	vld [tilespmem:s12+$0x4400];
	[tilespmem:s10+$0x410] =	vst v11;
	v4 =	vadd.f32 v4, v9  }
0x15d: {  	v11 =	vld [tilespmem:s12+$0x4410];
	[tilespmem:s10+$0x420] =	vst v5;
	v3 =	vadd.f32 v3, v8  }
0x15e: {  	v5 =	vld [tilespmem:s12+$0x4420];
	[tilespmem:s10+$0x430] =	vst v4;
	v2 =	vadd.f32 v2, v6  }
0x15f: {  	v4 =	vld [tilespmem:s12+$0x4430];
	[tilespmem:s10+$0x440] =	vst v3;
	v1 =	vadd.f32 v1, v7  }
0x160: {  	v3 =	vld [tilespmem:s12+$0x4440];
	[tilespmem:s10+$0x450] =	vst v2;
	v0 =	vadd.f32 v0, v10  }
0x161: {  	v2 =	vld [tilespmem:s12+$0x4450];
	[tilespmem:s10+$0x460] =	vst v1  }
0x162: {  	v1 =	vld [tilespmem:s12+$0x4460];
	[tilespmem:s10+$0x470] =	vst v0;
	s10 =	smov.u32 s12  }
0x163: {  	v0 =	vld [tilespmem:s10+$0x4470]  }
0x164: {  	v6 =	vld [tilespmem:s10+$0x400]  }
0x165: {  	v7 =	vld [tilespmem:s10+$0x410]  }
.Ltmp5:
0x166: {  	v10 =	vld [tilespmem:s10+$0x420];
	(pc) =	sbr.rel @p1 .LBB2_12-.Ltmp5, $4  }
0x167: {  	v9 =	vld [tilespmem:s10+$0x430]  }
0x168: {  	v8 =	vld [tilespmem:s10+$0x440]  }
0x169: {  	v12 =	vadd.f32 v12, v6;
	v6 =	vld [tilespmem:s10+$0x450]  }
0x16a: {  	s11 =	sadd.s32 $0x200, s11;
	v11 =	vadd.f32 v11, v7;
	v7 =	vld [tilespmem:s10+$0x460]  }
0x16b: {  	[tilespmem:s10+$0x400] =	vst v12;
	v5 =	vadd.f32 v5, v10;
	v10 =	vld [tilespmem:s10+$0x470]  }
0x16c: {  	[tilespmem:s10+$0x410] =	vst v11;
	v4 =	vadd.f32 v4, v9  }
0x16d: {  	[tilespmem:s10+$0x420] =	vst v5;
	v3 =	vadd.f32 v3, v8  }
0x16e: {  	[tilespmem:s10+$0x430] =	vst v4;
	v2 =	vadd.f32 v2, v6  }
0x16f: {  	[tilespmem:s10+$0x440] =	vst v3;
	v1 =	vadd.f32 v1, v7  }
0x170: {  	[tilespmem:s10+$0x450] =	vst v2;
	v0 =	vadd.f32 v0, v10  }
0x171: {  	[tilespmem:s10+$0x460] =	vst v1  }
0x172: {  	s11 =	simm.s32 @!p0 $0x400;
	[tilespmem:s10+$0x470] =	vst v0;
	s10 =	simm.s32 @!p0 $0x0  }
0x173: {  	[hbm4b:s21+s10] =	stream.linear.scatter @!p0 [tilespmem:s11], [sflag:$0x2], $0x4000, $0x38;
	[tilespmem:$0x8400] =	vst v63  }
0x174: {  	s10 =	simm.s32 @!p0 $0x2  }
0x175: {  	_ =	swait.ge @!p0 [sflag:s10], $0x4000  }
0x176: {  	[sflag:s10] =	ssyncset.done @!p0 $0x0  }
0x177: {  	[sflag:s10] =	ssyncadd.s32 @!p0 $0xFFFFC000  }
0x178: {  	[tilespmem:s6], [sflag:$0x1] =	stream.indirect.gather [hbm4b:s28+s31], $0x80, s4, s31, $0xb8;
	[tilespmem:$0x8400] =	vst v63  }
0x179: {  	_ =	swait.ge [sflag:s7], $0x4000  }
0x17a: {  	[sflag:s7] =	ssyncset.done $0x0  }
0x17b: {  	s12 =	simm.s32 $0x0;
	[sflag:s7] =	ssyncadd.s32 $0xFFFFC000  }
0x17c: {  	[tilespmem:s8], [sflag:$0x2] =	stream.linear.gather [hbm4b:s23+s12], $0x4000, $0x38;
	[tilespmem:$0x8400] =	vst v63  }
0x17d: {  	_ =	swait.ge [sflag:s30], $0x4000  }
0x17e: {  	[sflag:s30] =	ssyncset.done $0x0  }
0x17f: {  	s10 =	simm.s32 $0x0;
	[sflag:s30] =	ssyncadd.s32 $0xFFFFC000  }
0x180: {  	v7 =	vld [tilespmem:s10+$0x4400]  }
0x181: {  	v11 =	vld [tilespmem:s10+$0x4410]  }
0x182: {  	v5 =	vld [tilespmem:s10+$0x4420]  }
0x183: {  	v4 =	vld [tilespmem:s10+$0x4430]  }
0x184: {  	v3 =	vld [tilespmem:s10+$0x4440]  }
0x185: {  	v2 =	vld [tilespmem:s10+$0x4450]  }
0x186: {  	v1 =	vld [tilespmem:s10+$0x4460]  }
0x187: {  	v0 =	vld [tilespmem:s10+$0x4470]  }
0x188: {  	v12 =	vld [tilespmem:s10+$0x400]  }
0x189: {  	v13 =	vld [tilespmem:s10+$0x410]  }
0x18a: {  	v10 =	vld [tilespmem:s10+$0x420]  }
0x18b: {  	v9 =	vld [tilespmem:s10+$0x430]  }
0x18c: {  	v8 =	vld [tilespmem:s10+$0x440]  }
0x18d: {  	v6 =	vld [tilespmem:s10+$0x450];
	v12 =	vadd.f32 v7, v12  }
0x18e: {  	s11 =	simm.s32 $0x200;
	v11 =	vadd.f32 v11, v13;
	v7 =	vld [tilespmem:s10+$0x460]  }
.LBB2_14:
0x18f: {  	s12 =	sshra.s32 s11, $0x2;
	p1 =	sne.s32 s11, $0xFE00;
	[tilespmem:s10+$0x400] =	vst v12;
	v5 =	vadd.f32 v5, v10;
	v10 =	vld [tilespmem:s10+$0x470]  }
0x190: {  	v12 =	vld [tilespmem:s12+$0x4400];
	[tilespmem:s10+$0x410] =	vst v11;
	v4 =	vadd.f32 v4, v9  }
0x191: {  	v11 =	vld [tilespmem:s12+$0x4410];
	[tilespmem:s10+$0x420] =	vst v5;
	v3 =	vadd.f32 v3, v8  }
0x192: {  	v5 =	vld [tilespmem:s12+$0x4420];
	[tilespmem:s10+$0x430] =	vst v4;
	v2 =	vadd.f32 v2, v6  }
0x193: {  	v4 =	vld [tilespmem:s12+$0x4430];
	[tilespmem:s10+$0x440] =	vst v3;
	v1 =	vadd.f32 v1, v7  }
0x194: {  	v3 =	vld [tilespmem:s12+$0x4440];
	[tilespmem:s10+$0x450] =	vst v2;
	v0 =	vadd.f32 v0, v10  }
0x195: {  	v2 =	vld [tilespmem:s12+$0x4450];
	[tilespmem:s10+$0x460] =	vst v1  }
0x196: {  	v1 =	vld [tilespmem:s12+$0x4460];
	[tilespmem:s10+$0x470] =	vst v0;
	s10 =	smov.u32 s12  }
0x197: {  	v0 =	vld [tilespmem:s10+$0x4470]  }
0x198: {  	v6 =	vld [tilespmem:s10+$0x400]  }
0x199: {  	v7 =	vld [tilespmem:s10+$0x410]  }
.Ltmp6:
0x19a: {  	v10 =	vld [tilespmem:s10+$0x420];
	(pc) =	sbr.rel @p1 .LBB2_14-.Ltmp6, $4  }
0x19b: {  	v9 =	vld [tilespmem:s10+$0x430]  }
0x19c: {  	v8 =	vld [tilespmem:s10+$0x440]  }
0x19d: {  	v12 =	vadd.f32 v12, v6;
	v6 =	vld [tilespmem:s10+$0x450]  }
0x19e: {  	s11 =	sadd.s32 $0x200, s11;
	v11 =	vadd.f32 v11, v7;
	v7 =	vld [tilespmem:s10+$0x460]  }
0x19f: {  	[tilespmem:s10+$0x400] =	vst v12;
	v5 =	vadd.f32 v5, v10;
	v10 =	vld [tilespmem:s10+$0x470]  }
0x1a0: {  	[tilespmem:s10+$0x410] =	vst v11;
	v4 =	vadd.f32 v4, v9  }
0x1a1: {  	[tilespmem:s10+$0x420] =	vst v5;
	v3 =	vadd.f32 v3, v8  }
0x1a2: {  	[tilespmem:s10+$0x430] =	vst v4;
	v2 =	vadd.f32 v2, v6  }
0x1a3: {  	[tilespmem:s10+$0x440] =	vst v3;
	v1 =	vadd.f32 v1, v7  }
0x1a4: {  	[tilespmem:s10+$0x450] =	vst v2;
	v0 =	vadd.f32 v0, v10  }
0x1a5: {  	[tilespmem:s10+$0x460] =	vst v1  }
0x1a6: {  	s11 =	simm.s32 @!p0 $0x400;
	[tilespmem:s10+$0x470] =	vst v0;
	s10 =	simm.s32 @!p0 $0x0  }
0x1a7: {  	[hbm4b:s24+s10] =	stream.linear.scatter @!p0 [tilespmem:s11], [sflag:$0x2], $0x4000, $0x38;
	[tilespmem:$0x8400] =	vst v63  }
0x1a8: {  	s10 =	simm.s32 @!p0 $0x2  }
0x1a9: {  	_ =	swait.ge @!p0 [sflag:s10], $0x4000  }
0x1aa: {  	[sflag:s10] =	ssyncset.done @!p0 $0x0  }
0x1ab: {  	[sflag:s10] =	ssyncadd.s32 @!p0 $0xFFFFC000  }
0x1ac: {  	[tilespmem:s6], [sflag:$0x1] =	stream.indirect.gather [hbm4b:s28+s31], $0x80, s5, s31, $0xb8;
	[tilespmem:$0x8400] =	vst v63  }
0x1ad: {  	_ =	swait.ge [sflag:s7], $0x4000  }
0x1ae: {  	[sflag:s7] =	ssyncset.done $0x0  }
0x1af: {  	s12 =	simm.s32 $0x0;
	[sflag:s7] =	ssyncadd.s32 $0xFFFFC000  }
0x1b0: {  	[tilespmem:s8], [sflag:$0x2] =	stream.linear.gather [hbm4b:s25+s12], $0x4000, $0x38;
	[tilespmem:$0x8400] =	vst v63  }
0x1b1: {  	_ =	swait.ge [sflag:s30], $0x4000  }
0x1b2: {  	[sflag:s30] =	ssyncset.done $0x0  }
0x1b3: {  	s10 =	simm.s32 $0x0;
	[sflag:s30] =	ssyncadd.s32 $0xFFFFC000  }
0x1b4: {  	v7 =	vld [tilespmem:s10+$0x4400]  }
0x1b5: {  	v11 =	vld [tilespmem:s10+$0x4410]  }
0x1b6: {  	v5 =	vld [tilespmem:s10+$0x4420]  }
0x1b7: {  	v4 =	vld [tilespmem:s10+$0x4430]  }
0x1b8: {  	v3 =	vld [tilespmem:s10+$0x4440]  }
0x1b9: {  	v2 =	vld [tilespmem:s10+$0x4450]  }
0x1ba: {  	v1 =	vld [tilespmem:s10+$0x4460]  }
0x1bb: {  	v0 =	vld [tilespmem:s10+$0x4470]  }
0x1bc: {  	v12 =	vld [tilespmem:s10+$0x400]  }
0x1bd: {  	v13 =	vld [tilespmem:s10+$0x410]  }
0x1be: {  	v10 =	vld [tilespmem:s10+$0x420]  }
0x1bf: {  	v9 =	vld [tilespmem:s10+$0x430]  }
0x1c0: {  	v8 =	vld [tilespmem:s10+$0x440]  }
0x1c1: {  	v6 =	vld [tilespmem:s10+$0x450];
	v12 =	vadd.f32 v7, v12  }
0x1c2: {  	s11 =	simm.s32 $0x200;
	v11 =	vadd.f32 v11, v13;
	v7 =	vld [tilespmem:s10+$0x460]  }
.LBB2_16:
0x1c3: {  	s12 =	sshra.s32 s11, $0x2;
	p1 =	sne.s32 s11, $0xFE00;
	[tilespmem:s10+$0x400] =	vst v12;
	v5 =	vadd.f32 v5, v10;
	v10 =	vld [tilespmem:s10+$0x470]  }
0x1c4: {  	v12 =	vld [tilespmem:s12+$0x4400];
	[tilespmem:s10+$0x410] =	vst v11;
	v4 =	vadd.f32 v4, v9  }
0x1c5: {  	v11 =	vld [tilespmem:s12+$0x4410];
	[tilespmem:s10+$0x420] =	vst v5;
	v3 =	vadd.f32 v3, v8  }
0x1c6: {  	v5 =	vld [tilespmem:s12+$0x4420];
	[tilespmem:s10+$0x430] =	vst v4;
	v2 =	vadd.f32 v2, v6  }
0x1c7: {  	v4 =	vld [tilespmem:s12+$0x4430];
	[tilespmem:s10+$0x440] =	vst v3;
	v1 =	vadd.f32 v1, v7  }
0x1c8: {  	v3 =	vld [tilespmem:s12+$0x4440];
	[tilespmem:s10+$0x450] =	vst v2;
	v0 =	vadd.f32 v0, v10  }
0x1c9: {  	v2 =	vld [tilespmem:s12+$0x4450];
	[tilespmem:s10+$0x460] =	vst v1  }
0x1ca: {  	v1 =	vld [tilespmem:s12+$0x4460];
	[tilespmem:s10+$0x470] =	vst v0;
	s10 =	smov.u32 s12  }
0x1cb: {  	v0 =	vld [tilespmem:s10+$0x4470]  }
0x1cc: {  	v6 =	vld [tilespmem:s10+$0x400]  }
0x1cd: {  	v7 =	vld [tilespmem:s10+$0x410]  }
.Ltmp7:
0x1ce: {  	v10 =	vld [tilespmem:s10+$0x420];
	(pc) =	sbr.rel @p1 .LBB2_16-.Ltmp7, $4  }
0x1cf: {  	v9 =	vld [tilespmem:s10+$0x430]  }
0x1d0: {  	v8 =	vld [tilespmem:s10+$0x440]  }
0x1d1: {  	v12 =	vadd.f32 v12, v6;
	v6 =	vld [tilespmem:s10+$0x450]  }
0x1d2: {  	s11 =	sadd.s32 $0x200, s11;
	v11 =	vadd.f32 v11, v7;
	v7 =	vld [tilespmem:s10+$0x460]  }
0x1d3: {  	[tilespmem:s10+$0x400] =	vst v12;
	v5 =	vadd.f32 v5, v10;
	v63 =	vld [tilespmem:s10+$0x470]  }
0x1d4: {  	[tilespmem:s10+$0x410] =	vst v11;
	v4 =	vadd.f32 v4, v9  }
0x1d5: {  	[tilespmem:s10+$0x420] =	vst v5;
	v3 =	vadd.f32 v3, v8  }
0x1d6: {  	[tilespmem:s10+$0x430] =	vst v4;
	v2 =	vadd.f32 v2, v6  }
0x1d7: {  	[tilespmem:s10+$0x440] =	vst v3;
	v1 =	vadd.f32 v1, v7  }
0x1d8: {  	[tilespmem:s10+$0x450] =	vst v2;
	v0 =	vadd.f32 v0, v63  }
0x1d9: {  	s9 =	sadd.s32 $0x1, s9;
	[tilespmem:s10+$0x460] =	vst v1  }
0x1da: {  	s11 =	simm.s32 @!p0 $0x400;
	p1 =	sne.s32 s9, s29;
	[tilespmem:s10+$0x470] =	vst v0;
	s10 =	simm.s32 @!p0 $0x0  }
0x1db: {  	[hbm4b:s26+s10] =	stream.linear.scatter @!p0 [tilespmem:s11], [sflag:$0x2], $0x4000, $0x38;
	[tilespmem:$0x8400] =	vst v63  }
.Ltmp8:
0x1dc: {  	_ = 	snop;
	(pc) =	sbr.rel @p1 .LBB2_1-.Ltmp8, $4  }
0x1dd: {  	s10 =	simm.s32 @!p0 $0x2  }
0x1de: {  	_ =	swait.ge @!p0 [sflag:s10], $0x4000  }
0x1df: {  	[sflag:s10] =	ssyncset.done @!p0 $0x0  }
0x1e0: {  	[sflag:s10] =	ssyncadd.s32 @!p0 $0xFFFFC000  }
0x1e1: {  	_ =	sfence.sel $0x180000  }
0x1e2: {  	[bflag:$0x0] =	sbarrier.arrive $0xFFFF  }
0x1e3: {  	_ =	strace $0x90000047  }
0x1e4: {  	s0 =	stileid.u32;
	[bflag:$0x2] =	sbarrier.arrive $0xFFFF  }
0x1e5: {  	p0 =	sne.s32 s0, $0x0;
	s0 =	rddreg [dreg:$0x2]  }
0x1e6: {  	s0 =	sadd.s32 @!p0 $0x100000, s0  }
0x1e7: {  	[sflag:s0] =	ssyncadd.tile.s32 @!p0 $0x1;
	_ =	shalt  }
.Lfunc_end2:
_tile_overlayer_lowered:
.L_overlay_start_2:
0x1e8: {  	(tag) =	ssettag $0x2  }
0x1e9: {  	s0 =	rddreg [dreg:$0x0];
	s2 =	stileid.u32  }
0x1ea: {  	s1 =	rddreg [dreg:$0x1];
	p0 =	sne.s32 s2, $0x0  }
0x1eb: {  	s3 =	rddreg [dreg:$0x2];
	[bflag:$0x3] =	sbarrier.arrive $0xFFFF;
	s2 =	simm.s32 @!p0 $0x1C02  }
0x1ec: {  	[timem:s3], [sflag:s2] =	dma.local @!p0 [hbm:s0], s1  }
0x1ed: {  	s0 =	simm.s32 @!p0 $0x2  }
0x1ee: {  	_ =	swait.ge @!p0 [sflag:s0], s1  }
0x1ef: {  	s1 =	ssub.s32 @!p0 $0x0, s1;
	[sflag:s0] =	ssyncset.done @!p0 $0x0  }
0x1f0: {  	[sflag:s0] =	ssyncadd.s32 @!p0 s1  }
0x1f1: {  	[bflag:$0x3] =	sbarrier.arrive $0xFFFF  }
0x1f2: {  	_ =	shalt  }

</sc_bundles>
